<compile_context>
chip_gen: v7x
topology: tpu7x:2x2x1
jax: 0.10.2.dev20260603
libtpu: 0.0.44.dev20260713+nightly
codegen_flags: <defaults>
</compile_context>

<pallas_src>
import jax
import jax.numpy as jnp
from jax import lax
from jax.experimental import pallas as pl
from jax.experimental.pallas import tpu as pltpu
from jax.experimental.pallas import tpu_sc as plsc

L, N, E = 4, 10000, 320000
IN_C, HID, STATE = 128, 256, 16

NC, NS, NL = 2, 16, 16
NW = NC * NS
HC = IN_C // NC
CHUNK = 128
NBUF = 8
EPW = ((E + NS * NBUF * CHUNK - 1) // (NS * NBUF * CHUNK)) * (NBUF * CHUNK)
NCHUNK = EPW // CHUNK
NRING = NCHUNK // NBUF
LOOKAHEAD = NBUF // 2
EPAD = EPW * NS
NPAD = ((N + NS * 8 - 1) // (NS * 8)) * (NS * 8)
ROWS = NPAD // NS
NDEG = CHUNK // NL


def _sc_agg_body(xcols, srcq, dstq, zagg, zdeg,
                 agg_out, deg_out,
                 src_v, dst_v, *rest):
    bufs = rest[:NBUF]
    deg_v = rest[NBUF]
    agg_sh = rest[NBUF + 1]
    semg = rest[NBUF + 2:2 * NBUF + 2]
    sems = rest[2 * NBUF + 2:3 * NBUF + 2]
    cid = lax.axis_index("c")
    sid = lax.axis_index("s")
    ones16 = jnp.ones((NL,), jnp.float32)

    def gather(j, buf, sem):
        pltpu.async_copy(xcols.at[src_v.at[j]], buf, sem)

    def gather_wait(j, buf, sem):
        pltpu.make_async_copy(xcols.at[src_v.at[j]], buf, sem).wait()

    def scatter(j, buf, sem):
        pltpu.async_copy(buf, agg_sh.at[dst_v.at[j]], sem, add=True)

    def scatter_wait(j, buf, sem):
        pltpu.make_async_copy(buf, agg_sh.at[dst_v.at[j]], sem).wait()

    def count_deg(j):
        for k in range(NDEG):
            idx = dst_v[j, pl.ds(k * NL, NL)]
            plsc.addupdate_scatter(deg_v, [idx], ones16)

    for l in range(L):
        pltpu.sync_copy(zagg.at[pl.ds(sid * ROWS, ROWS)],
                        agg_sh.at[pl.ds(sid * ROWS, ROWS)])
        pltpu.sync_copy(zdeg, deg_v)
        plsc.subcore_barrier()

        pltpu.sync_copy(srcq.at[cid, l, sid], src_v)
        pltpu.sync_copy(dstq.at[l, sid], dst_v)

        for b in range(LOOKAHEAD):
            gather(b, bufs[b], semg[b])

        def ring_body(q, carry):
            for b in range(NBUF):
                j = NBUF * q + b
                gather_wait(j, bufs[b], semg[b])
                scatter(j, bufs[b], sems[b])

                @pl.when(cid == 0)
                def _():
                    count_deg(j)
                bp = (b - LOOKAHEAD) % NBUF
                if b < LOOKAHEAD:
                    @pl.when(q > 0)
                    def _():
                        scatter_wait(j - LOOKAHEAD, bufs[bp], sems[bp])
                    gather(j + LOOKAHEAD, bufs[bp], semg[bp])
                else:
                    scatter_wait(j - LOOKAHEAD, bufs[bp], sems[bp])

                    @pl.when(q < NRING - 1)
                    def _():
                        gather(j + LOOKAHEAD, bufs[bp], semg[bp])
            return carry

        lax.fori_loop(0, NRING, ring_body, 0)
        for j in range(NCHUNK - LOOKAHEAD, NCHUNK):
            scatter_wait(j, bufs[j % NBUF], sems[j % NBUF])
        plsc.subcore_barrier()

        pltpu.sync_copy(agg_sh.at[pl.ds(sid * ROWS, ROWS)],
                        agg_out.at[l, cid, pl.ds(sid * ROWS, ROWS)])
        pltpu.sync_copy(deg_v, deg_out.at[l, cid, sid])
        plsc.subcore_barrier()


def _sc_agg_call(xcols, srcq, dstq):
    zagg = jnp.zeros((NPAD, HC), jnp.bfloat16)
    zdeg = jnp.zeros((NPAD,), jnp.float32)
    return pl.kernel(
        _sc_agg_body,
        out_type=(
            jax.ShapeDtypeStruct((L, NC, NPAD, HC), jnp.bfloat16),
            jax.ShapeDtypeStruct((L, NC, NS, NPAD), jnp.float32),
        ),
        mesh=plsc.VectorSubcoreMesh(core_axis_name="c", subcore_axis_name="s"),
        compiler_params=pltpu.CompilerParams(use_tc_tiling_on_sc=False,
                                             needs_layout_passes=False),
        scratch_types=(
            [pltpu.VMEM((NCHUNK, CHUNK), jnp.int32),
             pltpu.VMEM((NCHUNK, CHUNK), jnp.int32)]
            + [pltpu.VMEM((CHUNK, HC), jnp.bfloat16)] * NBUF
            + [pltpu.VMEM((NPAD,), jnp.float32),
               pltpu.VMEM_SHARED((NPAD, HC), jnp.bfloat16)]
            + [pltpu.SemaphoreType.DMA] * (2 * NBUF)
        ),
    )(xcols, srcq, dstq, zagg, zdeg)


NB = 1000


def _tc_dense_body(x_ref, agg_ref, deg_ref, wsr_ref, wn_ref, bdiff_ref,
                   wm1_ref, wm2_ref, bmix_ref, wdt_ref, bdt_ref, a_ref,
                   b_ref, c_ref, dv_ref, bres_ref, out_ref):
    s_a = jax.nn.softplus(a_ref[...])
    z_prev = None
    u_prev = None
    for l in range(L):
        x = x_ref[l]
        agg = jnp.concatenate([agg_ref[l, 0], agg_ref[l, 1]],
                              axis=-1).astype(jnp.float32)
        deg = jnp.sum(deg_ref[l], axis=1, keepdims=True)
        aggn = agg / jnp.maximum(deg, 1.0)
        xsr = jnp.dot(x, wsr_ref[...], preferred_element_type=jnp.float32)
        z = (xsr[:, :HID]
             + jnp.dot(aggn, wn_ref[...], preferred_element_type=jnp.float32)
             + bdiff_ref[...])
        if l == 0:
            h = z
        else:
            gate = jax.nn.sigmoid(
                jnp.dot(z, wm1_ref[...], preferred_element_type=jnp.float32)
                + jnp.dot(z_prev, wm2_ref[...], preferred_element_type=jnp.float32)
                + bmix_ref[...])
            h = gate * z + (1.0 - gate) * z_prev
        dt = jax.nn.softplus(
            jnp.sum(h * wdt_ref[...], axis=1, keepdims=True) + bdt_ref[...])
        decay = jnp.exp(-dt * s_a)
        h_b = jnp.dot(h, b_ref[...], preferred_element_type=jnp.float32)
        if l == 0:
            u = h_b * dt
        else:
            u = u_prev * decay + h_b * dt
        y = (jnp.dot(u, c_ref[...], preferred_element_type=jnp.float32)
             + h * dv_ref[...])
        y_hat = y + xsr[:, HID:] + bres_ref[...]
        out_ref[l] = y_hat * jax.nn.sigmoid(y_hat)
        z_prev = z
        u_prev = u


def _tc_dense_call(x_seq, agg, deg, w_sr, w_neigh, b_diff, wm1, wm2, b_mix,
                   wdt_row, b_dt, a_diag, b_mat, c_mat, dv, b_res):
    grid = (N // NB,)
    full = lambda shape: pl.BlockSpec(shape, lambda i: (0,) * len(shape))
    return pl.pallas_call(
        _tc_dense_body,
        grid=grid,
        in_specs=[
            pl.BlockSpec((L, NB, IN_C), lambda i: (0, i, 0)),
            pl.BlockSpec((L, NC, NB, HC), lambda i: (0, 0, i, 0)),
            pl.BlockSpec((L, NB, NC * NS), lambda i: (0, i, 0)),
            full((IN_C, 2 * HID)),
            full((IN_C, HID)),
            full((1, HID)),
            full((HID, HID)),
            full((HID, HID)),
            full((1, HID)),
            full((1, HID)),
            full((1, 1)),
            full((1, STATE)),
            full((HID, STATE)),
            full((STATE, HID)),
            full((1, HID)),
            full((1, HID)),
        ],
        out_specs=pl.BlockSpec((L, NB, HID), lambda i: (0, i, 0)),
        out_shape=jax.ShapeDtypeStruct((L, N, HID), jnp.float32),
    )(x_seq, agg, deg, w_sr, w_neigh, b_diff, wm1, wm2, b_mix, wdt_row,
      b_dt, a_diag, b_mat, c_mat, dv, b_res)


def kernel(x_seq, edge_index_seq, W_self, W_neigh, b_diff, W_mix, b_mix,
           W_dt, b_dt, A_diag, B, C, Dv, W_res, b_res):
    ei = edge_index_seq.astype(jnp.int32)
    src = ei[:, 0, :]
    dst = ei[:, 1, :]
    pad = EPAD - E
    src_p = jnp.pad(src, ((0, 0), (0, pad)))
    dst_p = jnp.pad(dst, ((0, 0), (0, pad)), constant_values=N)
    xcols = (x_seq.astype(jnp.bfloat16).reshape(L * N, NC, HC)
             .transpose(1, 0, 2).reshape(NC * L * N, HC))
    lofs = (jnp.arange(L, dtype=jnp.int32) * N)[None, :, None]
    cofs = (jnp.arange(NC, dtype=jnp.int32) * (L * N))[:, None, None]
    src_abs = src_p[None] + lofs + cofs
    srcq = src_abs.reshape(NC, L, NS, NCHUNK, CHUNK)
    dstq = dst_p.reshape(L, NS, NCHUNK, CHUNK)

    agg, deg = _sc_agg_call(xcols, srcq, dstq)
    deg = deg.reshape(L, NW, NPAD).transpose(0, 2, 1)

    w_sr = jnp.concatenate([W_self, W_res], axis=1)
    wm1 = W_mix[:HID]
    wm2 = W_mix[HID:]
    out = _tc_dense_call(
        x_seq, agg, deg, w_sr, W_neigh, b_diff.reshape(1, HID), wm1, wm2,
        b_mix.reshape(1, HID), W_dt.reshape(1, HID), b_dt.reshape(1, 1),
        A_diag.reshape(1, STATE), B, C, Dv.reshape(1, HID),
        b_res.reshape(1, HID))
    return out

# --- scband reference (transcript-rebuilt; emitter-appended) ---
"""Pipeline reference for scband-ltgssmblock-76132590289375 (READ-ONLY COPY).

The authoritative reference and input builder live on the scoring server;
editing this copy changes nothing except your own understanding.
"""

import jax, jax.numpy as jnp
import numpy as np

L, N, E = 4, 10000, 320000
IN_C, HID, STATE = 128, 256, 16

def setup_inputs(seed: int = 0) -> dict:
    key = jax.random.key(seed)
    ks = jax.random.split(key, 16)
    x_seq = jax.random.normal(ks[0], (L, N, IN_C), dtype=jnp.float32)
    edge_index_seq = jax.random.randint(ks[1], (L, 2, E), 0, N, dtype=jnp.int64)
    s = lambda fan_in: 1.0 / np.sqrt(fan_in)
    W_self = jax.random.normal(ks[2], (IN_C, HID), dtype=jnp.float32) * s(IN_C)
    W_neigh = jax.random.normal(ks[3], (IN_C, HID), dtype=jnp.float32) * s(IN_C)
    b_diff = jnp.zeros((HID,), dtype=jnp.float32)
    W_mix = jax.random.normal(ks[4], (2 * HID, HID), dtype=jnp.float32) * s(2 * HID)
    b_mix = jnp.zeros((HID,), dtype=jnp.float32)
    W_dt = jax.random.normal(ks[5], (HID, 1), dtype=jnp.float32) * s(HID)
    b_dt = jnp.zeros((1,), dtype=jnp.float32)
    A_diag = jax.random.uniform(ks[6], (STATE,), dtype=jnp.float32, minval=0.1, maxval=1.0)
    B = jax.random.normal(ks[7], (HID, STATE), dtype=jnp.float32) * s(HID)
    C = jax.random.normal(ks[8], (STATE, HID), dtype=jnp.float32) * s(STATE)
    Dv = jax.random.normal(ks[9], (HID,), dtype=jnp.float32) * 0.1
    W_res = jax.random.normal(ks[10], (IN_C, HID), dtype=jnp.float32) * s(IN_C)
    b_res = jnp.zeros((HID,), dtype=jnp.float32)
    return {"x_seq": x_seq, "edge_index_seq": edge_index_seq, "W_self": W_self,
            "W_neigh": W_neigh, "b_diff": b_diff, "W_mix": W_mix, "b_mix": b_mix,
            "W_dt": W_dt, "b_dt": b_dt, "A_diag": A_diag, "B": B, "C": C, "Dv": Dv,
            "W_res": W_res, "b_res": b_res}

def _sage_diffusion(x, edge_index, W_self, W_neigh, b_diff):
    src = edge_index[0]
    dst = edge_index[1]
    msg = jnp.take(x, src, axis=0)
    agg = jax.ops.segment_sum(msg, dst, num_segments=N)
    deg = jax.ops.segment_sum(jnp.ones((E,), dtype=x.dtype), dst, num_segments=N)
    agg = agg / jnp.clip(deg, 1.0, None)[:, None]
    return x @ W_self + agg @ W_neigh + b_diff

def _temporal_mixing(z_l, z_prev, W_mix, b_mix):
    if z_prev is None:
        return z_l
    gate = jax.nn.sigmoid(jnp.concatenate([z_l, z_prev], axis=-1) @ W_mix + b_mix)
    return gate * z_l + (1.0 - gate) * z_prev

def _adaptive_ssm(h, u_prev, W_dt, b_dt, A_diag, B, C, Dv):
    if u_prev is None:
        u_prev = jnp.zeros((h.shape[0], STATE), dtype=h.dtype)
    dt = jax.nn.softplus(h @ W_dt + b_dt)  # (N, 1)
    decay = jnp.exp(-dt * jax.nn.softplus(A_diag))  # (N, STATE)
    u_l = u_prev * decay + (h @ B) * dt
    y_l = u_l @ C + h * Dv
    return y_l, u_l

def reference(x_seq, edge_index_seq, W_self, W_neigh, b_diff, W_mix, b_mix,
              W_dt, b_dt, A_diag, B, C, Dv, W_res, b_res):
    out_seq = []
    z_prev = None
    u_prev = None
    for l in range(L):
        x_l = x_seq[l]
        ei_l = edge_index_seq[l]
        z_l = _sage_diffusion(x_l, ei_l, W_self, W_neigh, b_diff)
        h_l = _temporal_mixing(z_l, z_prev, W_mix, b_mix)
        y_l, u_l = _adaptive_ssm(h_l, u_prev, W_dt, b_dt, A_diag, B, C, Dv)
        y_hat_l = y_l + x_l @ W_res + b_res
        out_l = jax.nn.silu(y_hat_l)  # dropout p=0.0 -> identity
        out_seq.append(out_l)
        z_prev = z_l
        u_prev = u_l
    return jnp.stack(out_seq, axis=0)  # (L, N, HID)

if __name__ == "__main__":
    import jax
    _d = setup_inputs()
    print(jax.jit(kernel)(*tuple(_d.values())))

</pallas_src>

<mosaic_0001>
#map = affine_map<(d0, d1) -> (0, 0)>
#map1 = affine_map<(d0, d1) -> (0, 0, 0, 0, 0)>
#map2 = affine_map<(d0, d1) -> (0, 0, 0, 0)>
#map3 = affine_map<(d0, d1) -> (0)>
module attributes {stable_mosaic.version = 14 : i64} {
  func.func @_sc_agg_body(%arg0: i32, %arg1: i32, %arg2: memref<80000x64xbf16, #tpu.memory_space<hbm>>, %arg3: memref<2x4x16x160x128xi32, #tpu.memory_space<hbm>>, %arg4: memref<4x16x160x128xi32, #tpu.memory_space<hbm>>, %arg5: memref<10112x64xbf16, #tpu.memory_space<hbm>>, %arg6: memref<10112xf32, #tpu.memory_space<hbm>>, %arg7: memref<4x2x10112x64xbf16, #tpu.memory_space<hbm>>, %arg8: memref<4x2x16x10112xf32, #tpu.memory_space<hbm>>, %arg9: memref<160x128xi32, #tpu.memory_space<vmem>>, %arg10: memref<160x128xi32, #tpu.memory_space<vmem>>, %arg11: memref<128x64xbf16, #tpu.memory_space<vmem>>, %arg12: memref<128x64xbf16, #tpu.memory_space<vmem>>, %arg13: memref<128x64xbf16, #tpu.memory_space<vmem>>, %arg14: memref<128x64xbf16, #tpu.memory_space<vmem>>, %arg15: memref<128x64xbf16, #tpu.memory_space<vmem>>, %arg16: memref<128x64xbf16, #tpu.memory_space<vmem>>, %arg17: memref<128x64xbf16, #tpu.memory_space<vmem>>, %arg18: memref<128x64xbf16, #tpu.memory_space<vmem>>, %arg19: memref<10112xf32, #tpu.memory_space<vmem>>, %arg20: memref<10112x64xbf16, #tpu.memory_space<vmem_shared>>, %arg21: memref<!tpu.dma_semaphore, #tpu.memory_space<semaphore_mem>>, %arg22: memref<!tpu.dma_semaphore, #tpu.memory_space<semaphore_mem>>, %arg23: memref<!tpu.dma_semaphore, #tpu.memory_space<semaphore_mem>>, %arg24: memref<!tpu.dma_semaphore, #tpu.memory_space<semaphore_mem>>, %arg25: memref<!tpu.dma_semaphore, #tpu.memory_space<semaphore_mem>>, %arg26: memref<!tpu.dma_semaphore, #tpu.memory_space<semaphore_mem>>, %arg27: memref<!tpu.dma_semaphore, #tpu.memory_space<semaphore_mem>>, %arg28: memref<!tpu.dma_semaphore, #tpu.memory_space<semaphore_mem>>, %arg29: memref<!tpu.dma_semaphore, #tpu.memory_space<semaphore_mem>>, %arg30: memref<!tpu.dma_semaphore, #tpu.memory_space<semaphore_mem>>, %arg31: memref<!tpu.dma_semaphore, #tpu.memory_space<semaphore_mem>>, %arg32: memref<!tpu.dma_semaphore, #tpu.memory_space<semaphore_mem>>, %arg33: memref<!tpu.dma_semaphore, #tpu.memory_space<semaphore_mem>>, %arg34: memref<!tpu.dma_semaphore, #tpu.memory_space<semaphore_mem>>, %arg35: memref<!tpu.dma_semaphore, #tpu.memory_space<semaphore_mem>>, %arg36: memref<!tpu.dma_semaphore, #tpu.memory_space<semaphore_mem>>) attributes {dimension_semantics = [#tpu.dimension_semantics<core_parallel>, #tpu.dimension_semantics<subcore_parallel>], iteration_bounds = array<i64: 2, 16>, scalar_prefetch = 0 : i64, scratch_operands = 28 : i64, tpu.core_type = #tpu.core_type<sc_vector_subcore>, window_params = [{transform_indices = #map}, {transform_indices = #map1}, {transform_indices = #map2}, {transform_indices = #map}, {transform_indices = #map3}, {transform_indices = #map2}, {transform_indices = #map2}]} {
    %broadcast_in_dim3A = arith.constant 1.000000e+00 : f32
    %broadcast_in_dim3A_0 = vector.broadcast %broadcast_in_dim3A : f32 to vector<16xf32>
    %mul3A = arith.constant 632 : i32
    %mul3A_1 = arith.muli %arg1, %mul3A : i32
    %mul3A_2 = arith.constant 632 : i32
    %mul3A_3 = arith.muli %arg1, %mul3A_2 : i32
    "tpu.region"() ({
      %run_scoped3A_303 = tpu.sem_alloc : memref<!tpu.dma_semaphore, #tpu.memory_space<semaphore_mem>>
      %dma_start3A_304 = arith.constant 0 : i32
      %dma_start3A_305 = tpu.memref_slice %arg20[%mul3A_3, %dma_start3A_304] : memref<10112x64xbf16, #tpu.memory_space<vmem_shared>> -> memref<632x64xbf16, #tpu.memory_space<vmem_shared>>
      %dma_start3A_306 = arith.constant 0 : i32
      %dma_start3A_307 = tpu.memref_slice %arg5[%mul3A_1, %dma_start3A_306] : memref<10112x64xbf16, #tpu.memory_space<hbm>> -> memref<632x64xbf16, #tpu.memory_space<hbm>>
      tpu.enqueue_dma source(%dma_start3A_307 : memref<632x64xbf16, #tpu.memory_space<hbm>>) target(%dma_start3A_305 : memref<632x64xbf16, #tpu.memory_space<vmem_shared>>) target_semaphore(%run_scoped3A_303 : memref<!tpu.dma_semaphore, #tpu.memory_space<semaphore_mem>>)
      %dma_wait3A_308 = arith.constant 0 : i32
      %dma_wait3A_309 = tpu.memref_slice %arg20[%mul3A_3, %dma_wait3A_308] : memref<10112x64xbf16, #tpu.memory_space<vmem_shared>> -> memref<632x64xbf16, #tpu.memory_space<vmem_shared>>
      %dma_wait3A_310 = arith.constant 0 : i32
      %dma_wait3A_311 = tpu.memref_slice %arg5[%mul3A_1, %dma_wait3A_310] : memref<10112x64xbf16, #tpu.memory_space<hbm>> -> memref<632x64xbf16, #tpu.memory_space<hbm>>
      tpu.wait_dma2 semaphore(%run_scoped3A_303 : memref<!tpu.dma_semaphore, #tpu.memory_space<semaphore_mem>>) src(%dma_wait3A_311 : memref<632x64xbf16, #tpu.memory_space<hbm>>) dst(%dma_wait3A_309 : memref<632x64xbf16, #tpu.memory_space<vmem_shared>>)
      tpu.yield
    }) : () -> ()
    "tpu.region"() ({
      %run_scoped3A_303 = tpu.sem_alloc : memref<!tpu.dma_semaphore, #tpu.memory_space<semaphore_mem>>
      tpu.enqueue_dma source(%arg6 : memref<10112xf32, #tpu.memory_space<hbm>>) target(%arg19 : memref<10112xf32, #tpu.memory_space<vmem>>) target_semaphore(%run_scoped3A_303 : memref<!tpu.dma_semaphore, #tpu.memory_space<semaphore_mem>>)
      tpu.wait_dma2 semaphore(%run_scoped3A_303 : memref<!tpu.dma_semaphore, #tpu.memory_space<semaphore_mem>>) src(%arg6 : memref<10112xf32, #tpu.memory_space<hbm>>) dst(%arg19 : memref<10112xf32, #tpu.memory_space<vmem>>)
      tpu.yield
    }) : () -> ()
    %barrier3A = arith.constant 0 : index
    tpu.barrier barrier_id(%barrier3A)
    %run_scoped3A = arith.constant 0 : i32
    "tpu.region"() ({
      %run_scoped3A_303 = tpu.sem_alloc : memref<!tpu.dma_semaphore, #tpu.memory_space<semaphore_mem>>
      %dma_start3A_304 = arith.constant 0 : i32
      %dma_start3A_305 = arith.constant 0 : i32
      %dma_start3A_306 = tpu.memref_slice %arg3[%arg0, %run_scoped3A, %arg1, %dma_start3A_304, %dma_start3A_305] : memref<2x4x16x160x128xi32, #tpu.memory_space<hbm>> -> memref<1x1x1x160x128xi32, #tpu.memory_space<hbm>>
      %dma_start3A_307 = tpu.memref_squeeze %dma_start3A_306 : memref<1x1x1x160x128xi32, #tpu.memory_space<hbm>> -> memref<160x128xi32, #tpu.memory_space<hbm>>
      %dma_start3A_308 = arith.constant 0 : i32
      %dma_start3A_309 = arith.constant 0 : i32
      %dma_start3A_310 = tpu.memref_slice %arg3[%arg0, %run_scoped3A, %arg1, %dma_start3A_308, %dma_start3A_309] : memref<2x4x16x160x128xi32, #tpu.memory_space<hbm>> -> memref<1x1x1x160x128xi32, #tpu.memory_space<hbm>>
      %dma_start3A_311 = tpu.memref_squeeze %dma_start3A_310 : memref<1x1x1x160x128xi32, #tpu.memory_space<hbm>> -> memref<160x128xi32, #tpu.memory_space<hbm>>
      tpu.enqueue_dma source(%dma_start3A_311 : memref<160x128xi32, #tpu.memory_space<hbm>>) target(%arg9 : memref<160x128xi32, #tpu.memory_space<vmem>>) target_semaphore(%run_scoped3A_303 : memref<!tpu.dma_semaphore, #tpu.memory_space<semaphore_mem>>)
      %dma_wait3A_312 = arith.constant 0 : i32
      %dma_wait3A_313 = arith.constant 0 : i32
      %dma_wait3A_314 = tpu.memref_slice %arg3[%arg0, %run_scoped3A, %arg1, %dma_wait3A_312, %dma_wait3A_313] : memref<2x4x16x160x128xi32, #tpu.memory_space<hbm>> -> memref<1x1x1x160x128xi32, #tpu.memory_space<hbm>>
      %dma_wait3A_315 = tpu.memref_squeeze %dma_wait3A_314 : memref<1x1x1x160x128xi32, #tpu.memory_space<hbm>> -> memref<160x128xi32, #tpu.memory_space<hbm>>
      %dma_wait3A_316 = arith.constant 0 : i32
      %dma_wait3A_317 = arith.constant 0 : i32
      %dma_wait3A_318 = tpu.memref_slice %arg3[%arg0, %run_scoped3A, %arg1, %dma_wait3A_316, %dma_wait3A_317] : memref<2x4x16x160x128xi32, #tpu.memory_space<hbm>> -> memref<1x1x1x160x128xi32, #tpu.memory_space<hbm>>
      %dma_wait3A_319 = tpu.memref_squeeze %dma_wait3A_318 : memref<1x1x1x160x128xi32, #tpu.memory_space<hbm>> -> memref<160x128xi32, #tpu.memory_space<hbm>>
      tpu.wait_dma2 semaphore(%run_scoped3A_303 : memref<!tpu.dma_semaphore, #tpu.memory_space<semaphore_mem>>) src(%dma_wait3A_319 : memref<160x128xi32, #tpu.memory_space<hbm>>) dst(%arg9 : memref<160x128xi32, #tpu.memory_space<vmem>>)
      tpu.yield
    }) : () -> ()
    %run_scoped3A_4 = arith.constant 0 : i32
    "tpu.region"() ({
      %run_scoped3A_303 = tpu.sem_alloc : memref<!tpu.dma_semaphore, #tpu.memory_space<semaphore_mem>>
      %dma_start3A_304 = arith.constant 0 : i32
      %dma_start3A_305 = arith.constant 0 : i32
      %dma_start3A_306 = tpu.memref_slice %arg4[%run_scoped3A_4, %arg1, %dma_start3A_304, %dma_start3A_305] : memref<4x16x160x128xi32, #tpu.memory_space<hbm>> -> memref<1x1x160x128xi32, #tpu.memory_space<hbm>>
      %dma_start3A_307 = tpu.memref_squeeze %dma_start3A_306 : memref<1x1x160x128xi32, #tpu.memory_space<hbm>> -> memref<160x128xi32, #tpu.memory_space<hbm>>
      %dma_start3A_308 = arith.constant 0 : i32
      %dma_start3A_309 = arith.constant 0 : i32
      %dma_start3A_310 = tpu.memref_slice %arg4[%run_scoped3A_4, %arg1, %dma_start3A_308, %dma_start3A_309] : memref<4x16x160x128xi32, #tpu.memory_space<hbm>> -> memref<1x1x160x128xi32, #tpu.memory_space<hbm>>
      %dma_start3A_311 = tpu.memref_squeeze %dma_start3A_310 : memref<1x1x160x128xi32, #tpu.memory_space<hbm>> -> memref<160x128xi32, #tpu.memory_space<hbm>>
      tpu.enqueue_dma source(%dma_start3A_311 : memref<160x128xi32, #tpu.memory_space<hbm>>) target(%arg10 : memref<160x128xi32, #tpu.memory_space<vmem>>) target_semaphore(%run_scoped3A_303 : memref<!tpu.dma_semaphore, #tpu.memory_space<semaphore_mem>>)
      %dma_wait3A_312 = arith.constant 0 : i32
      %dma_wait3A_313 = arith.constant 0 : i32
      %dma_wait3A_314 = tpu.memref_slice %arg4[%run_scoped3A_4, %arg1, %dma_wait3A_312, %dma_wait3A_313] : memref<4x16x160x128xi32, #tpu.memory_space<hbm>> -> memref<1x1x160x128xi32, #tpu.memory_space<hbm>>
      %dma_wait3A_315 = tpu.memref_squeeze %dma_wait3A_314 : memref<1x1x160x128xi32, #tpu.memory_space<hbm>> -> memref<160x128xi32, #tpu.memory_space<hbm>>
      %dma_wait3A_316 = arith.constant 0 : i32
      %dma_wait3A_317 = arith.constant 0 : i32
      %dma_wait3A_318 = tpu.memref_slice %arg4[%run_scoped3A_4, %arg1, %dma_wait3A_316, %dma_wait3A_317] : memref<4x16x160x128xi32, #tpu.memory_space<hbm>> -> memref<1x1x160x128xi32, #tpu.memory_space<hbm>>
      %dma_wait3A_319 = tpu.memref_squeeze %dma_wait3A_318 : memref<1x1x160x128xi32, #tpu.memory_space<hbm>> -> memref<160x128xi32, #tpu.memory_space<hbm>>
      tpu.wait_dma2 semaphore(%run_scoped3A_303 : memref<!tpu.dma_semaphore, #tpu.memory_space<semaphore_mem>>) src(%dma_wait3A_319 : memref<160x128xi32, #tpu.memory_space<hbm>>) dst(%arg10 : memref<160x128xi32, #tpu.memory_space<vmem>>)
      tpu.yield
    }) : () -> ()
    %dma_start3A = arith.constant 0 : i32
    %dma_start3A_5 = arith.constant 0 : i32
    %dma_start3A_6 = tpu.memref_slice %arg9[%dma_start3A, %dma_start3A_5] : memref<160x128xi32, #tpu.memory_space<vmem>> -> memref<1x128xi32, #tpu.memory_space<vmem>>
    %dma_start3A_7 = tpu.memref_squeeze %dma_start3A_6 : memref<1x128xi32, #tpu.memory_space<vmem>> -> memref<128xi32, #tpu.memory_space<vmem>>
    %dma_start3A_8 = arith.constant 0 : i32
    %dma_start3A_9 = arith.constant 0 : i32
    %dma_start3A_10 = tpu.memref_slice %arg2[%dma_start3A_8, %dma_start3A_9] : memref<80000x64xbf16, #tpu.memory_space<hbm>> -> memref<80000x64xbf16, #tpu.memory_space<hbm>>
    tpu.enqueue_indirect_dma source(%dma_start3A_10 : memref<80000x64xbf16, #tpu.memory_space<hbm>>) target(%arg11 : memref<128x64xbf16, #tpu.memory_space<vmem>>) offsets(%dma_start3A_7 : memref<128xi32, #tpu.memory_space<vmem>>) semaphore(%arg21 : memref<!tpu.dma_semaphore, #tpu.memory_space<semaphore_mem>>)
    %dma_start3A_11 = arith.constant 1 : i32
    %dma_start3A_12 = arith.constant 0 : i32
    %dma_start3A_13 = tpu.memref_slice %arg9[%dma_start3A_11, %dma_start3A_12] : memref<160x128xi32, #tpu.memory_space<vmem>> -> memref<1x128xi32, #tpu.memory_space<vmem>>
    %dma_start3A_14 = tpu.memref_squeeze %dma_start3A_13 : memref<1x128xi32, #tpu.memory_space<vmem>> -> memref<128xi32, #tpu.memory_space<vmem>>
    %dma_start3A_15 = arith.constant 0 : i32
    %dma_start3A_16 = arith.constant 0 : i32
    %dma_start3A_17 = tpu.memref_slice %arg2[%dma_start3A_15, %dma_start3A_16] : memref<80000x64xbf16, #tpu.memory_space<hbm>> -> memref<80000x64xbf16, #tpu.memory_space<hbm>>
    tpu.enqueue_indirect_dma source(%dma_start3A_17 : memref<80000x64xbf16, #tpu.memory_space<hbm>>) target(%arg12 : memref<128x64xbf16, #tpu.memory_space<vmem>>) offsets(%dma_start3A_14 : memref<128xi32, #tpu.memory_space<vmem>>) semaphore(%arg22 : memref<!tpu.dma_semaphore, #tpu.memory_space<semaphore_mem>>)
    %dma_start3A_18 = arith.constant 2 : i32
    %dma_start3A_19 = arith.constant 0 : i32
    %dma_start3A_20 = tpu.memref_slice %arg9[%dma_start3A_18, %dma_start3A_19] : memref<160x128xi32, #tpu.memory_space<vmem>> -> memref<1x128xi32, #tpu.memory_space<vmem>>
    %dma_start3A_21 = tpu.memref_squeeze %dma_start3A_20 : memref<1x128xi32, #tpu.memory_space<vmem>> -> memref<128xi32, #tpu.memory_space<vmem>>
    %dma_start3A_22 = arith.constant 0 : i32
    %dma_start3A_23 = arith.constant 0 : i32
    %dma_start3A_24 = tpu.memref_slice %arg2[%dma_start3A_22, %dma_start3A_23] : memref<80000x64xbf16, #tpu.memory_space<hbm>> -> memref<80000x64xbf16, #tpu.memory_space<hbm>>
    tpu.enqueue_indirect_dma source(%dma_start3A_24 : memref<80000x64xbf16, #tpu.memory_space<hbm>>) target(%arg13 : memref<128x64xbf16, #tpu.memory_space<vmem>>) offsets(%dma_start3A_21 : memref<128xi32, #tpu.memory_space<vmem>>) semaphore(%arg23 : memref<!tpu.dma_semaphore, #tpu.memory_space<semaphore_mem>>)
    %dma_start3A_25 = arith.constant 3 : i32
    %dma_start3A_26 = arith.constant 0 : i32
    %dma_start3A_27 = tpu.memref_slice %arg9[%dma_start3A_25, %dma_start3A_26] : memref<160x128xi32, #tpu.memory_space<vmem>> -> memref<1x128xi32, #tpu.memory_space<vmem>>
    %dma_start3A_28 = tpu.memref_squeeze %dma_start3A_27 : memref<1x128xi32, #tpu.memory_space<vmem>> -> memref<128xi32, #tpu.memory_space<vmem>>
    %dma_start3A_29 = arith.constant 0 : i32
    %dma_start3A_30 = arith.constant 0 : i32
    %dma_start3A_31 = tpu.memref_slice %arg2[%dma_start3A_29, %dma_start3A_30] : memref<80000x64xbf16, #tpu.memory_space<hbm>> -> memref<80000x64xbf16, #tpu.memory_space<hbm>>
    tpu.enqueue_indirect_dma source(%dma_start3A_31 : memref<80000x64xbf16, #tpu.memory_space<hbm>>) target(%arg14 : memref<128x64xbf16, #tpu.memory_space<vmem>>) offsets(%dma_start3A_28 : memref<128xi32, #tpu.memory_space<vmem>>) semaphore(%arg24 : memref<!tpu.dma_semaphore, #tpu.memory_space<semaphore_mem>>)
    %scan3A = arith.constant 0 : i32
    %scan3A_32 = arith.constant 0 : i32
    %scan3A_33 = arith.constant 20 : i32
    %scan3A_34 = arith.addi %scan3A_32, %scan3A_33 : i32
    %scan3A_35 = arith.constant 1 : i32
    scf.for %scan3A_303 = %scan3A_32 to %scan3A_34 step %scan3A_35  : i32 {
      %mul3A_304 = arith.constant 8 : i32
      %mul3A_305 = arith.muli %mul3A_304, %scan3A_303 : i32
      %add3A = arith.constant 0 : i32
      %add3A_306 = arith.addi %mul3A_305, %add3A : i32
      %dma_wait3A_307 = arith.constant 0 : i32
      %dma_wait3A_308 = tpu.memref_slice %arg9[%add3A_306, %dma_wait3A_307] : memref<160x128xi32, #tpu.memory_space<vmem>> -> memref<1x128xi32, #tpu.memory_space<vmem>>
      %dma_wait3A_309 = tpu.memref_squeeze %dma_wait3A_308 : memref<1x128xi32, #tpu.memory_space<vmem>> -> memref<128xi32, #tpu.memory_space<vmem>>
      %dma_wait3A_310 = arith.constant 0 : i32
      %dma_wait3A_311 = arith.constant 0 : i32
      %dma_wait3A_312 = tpu.memref_slice %arg2[%dma_wait3A_310, %dma_wait3A_311] : memref<80000x64xbf16, #tpu.memory_space<hbm>> -> memref<80000x64xbf16, #tpu.memory_space<hbm>>
      tpu.wait_indirect_dma semaphore(%arg21 : memref<!tpu.dma_semaphore, #tpu.memory_space<semaphore_mem>>) src(%dma_wait3A_312 : memref<80000x64xbf16, #tpu.memory_space<hbm>>) dst(%arg11 : memref<128x64xbf16, #tpu.memory_space<vmem>>)
      %dma_start3A_313 = arith.constant 0 : i32
      %dma_start3A_314 = tpu.memref_slice %arg10[%add3A_306, %dma_start3A_313] : memref<160x128xi32, #tpu.memory_space<vmem>> -> memref<1x128xi32, #tpu.memory_space<vmem>>
      %dma_start3A_315 = tpu.memref_squeeze %dma_start3A_314 : memref<1x128xi32, #tpu.memory_space<vmem>> -> memref<128xi32, #tpu.memory_space<vmem>>
      %dma_start3A_316 = arith.constant 0 : i32
      %dma_start3A_317 = arith.constant 0 : i32
      %dma_start3A_318 = tpu.memref_slice %arg20[%dma_start3A_316, %dma_start3A_317] : memref<10112x64xbf16, #tpu.memory_space<vmem_shared>> -> memref<10112x64xbf16, #tpu.memory_space<vmem_shared>>
      tpu.enqueue_indirect_dma source(%arg11 : memref<128x64xbf16, #tpu.memory_space<vmem>>) target(%dma_start3A_318 : memref<10112x64xbf16, #tpu.memory_space<vmem_shared>>) offsets(%dma_start3A_315 : memref<128xi32, #tpu.memory_space<vmem>>) semaphore(%arg29 : memref<!tpu.dma_semaphore, #tpu.memory_space<semaphore_mem>>) {add = true}
      %eq3A = arith.constant 0 : i32
      %eq3A_319 = arith.cmpi eq, %arg0, %eq3A : i32
      %convert_element_type3A = arith.extui %eq3A_319 : i1 to i32
      %cond3A = arith.constant 0 : i32
      %cond3A_320 = arith.cmpi ne, %convert_element_type3A, %cond3A : i32
      scf.if %cond3A_320 {
        %get3A = arith.index_cast %add3A_306 : i32 to index
        %get3A_569 = arith.constant 0 : index
        %get3A_570 = tpu.vector_load %arg10[%get3A, %get3A_569] {strides = array<i32>} : memref<160x128xi32, #tpu.memory_space<vmem>>, vector<16xi32>,
        tpu.vector_store_idx %arg19[%get3A_570], %broadcast_in_dim3A_0 {add = true} : memref<10112xf32, #tpu.memory_space<vmem>>[vector<16xi32>], vector<16xf32>,
        %get3A_571 = arith.index_cast %add3A_306 : i32 to index
        %get3A_572 = arith.constant 16 : index
        %get3A_573 = tpu.vector_load %arg10[%get3A_571, %get3A_572] {strides = array<i32>} : memref<160x128xi32, #tpu.memory_space<vmem>>, vector<16xi32>,
        tpu.vector_store_idx %arg19[%get3A_573], %broadcast_in_dim3A_0 {add = true} : memref<10112xf32, #tpu.memory_space<vmem>>[vector<16xi32>], vector<16xf32>,
        %get3A_574 = arith.index_cast %add3A_306 : i32 to index
        %get3A_575 = arith.constant 32 : index
        %get3A_576 = tpu.vector_load %arg10[%get3A_574, %get3A_575] {strides = array<i32>} : memref<160x128xi32, #tpu.memory_space<vmem>>, vector<16xi32>,
        tpu.vector_store_idx %arg19[%get3A_576], %broadcast_in_dim3A_0 {add = true} : memref<10112xf32, #tpu.memory_space<vmem>>[vector<16xi32>], vector<16xf32>,
        %get3A_577 = arith.index_cast %add3A_306 : i32 to index
        %get3A_578 = arith.constant 48 : index
        %get3A_579 = tpu.vector_load %arg10[%get3A_577, %get3A_578] {strides = array<i32>} : memref<160x128xi32, #tpu.memory_space<vmem>>, vector<16xi32>,
        tpu.vector_store_idx %arg19[%get3A_579], %broadcast_in_dim3A_0 {add = true} : memref<10112xf32, #tpu.memory_space<vmem>>[vector<16xi32>], vector<16xf32>,
        %get3A_580 = arith.index_cast %add3A_306 : i32 to index
        %get3A_581 = arith.constant 64 : index
        %get3A_582 = tpu.vector_load %arg10[%get3A_580, %get3A_581] {strides = array<i32>} : memref<160x128xi32, #tpu.memory_space<vmem>>, vector<16xi32>,
        tpu.vector_store_idx %arg19[%get3A_582], %broadcast_in_dim3A_0 {add = true} : memref<10112xf32, #tpu.memory_space<vmem>>[vector<16xi32>], vector<16xf32>,
        %get3A_583 = arith.index_cast %add3A_306 : i32 to index
        %get3A_584 = arith.constant 80 : index
        %get3A_585 = tpu.vector_load %arg10[%get3A_583, %get3A_584] {strides = array<i32>} : memref<160x128xi32, #tpu.memory_space<vmem>>, vector<16xi32>,
        tpu.vector_store_idx %arg19[%get3A_585], %broadcast_in_dim3A_0 {add = true} : memref<10112xf32, #tpu.memory_space<vmem>>[vector<16xi32>], vector<16xf32>,
        %get3A_586 = arith.index_cast %add3A_306 : i32 to index
        %get3A_587 = arith.constant 96 : index
        %get3A_588 = tpu.vector_load %arg10[%get3A_586, %get3A_587] {strides = array<i32>} : memref<160x128xi32, #tpu.memory_space<vmem>>, vector<16xi32>,
        tpu.vector_store_idx %arg19[%get3A_588], %broadcast_in_dim3A_0 {add = true} : memref<10112xf32, #tpu.memory_space<vmem>>[vector<16xi32>], vector<16xf32>,
        %get3A_589 = arith.index_cast %add3A_306 : i32 to index
        %get3A_590 = arith.constant 112 : index
        %get3A_591 = tpu.vector_load %arg10[%get3A_589, %get3A_590] {strides = array<i32>} : memref<160x128xi32, #tpu.memory_space<vmem>>, vector<16xi32>,
        tpu.vector_store_idx %arg19[%get3A_591], %broadcast_in_dim3A_0 {add = true} : memref<10112xf32, #tpu.memory_space<vmem>>[vector<16xi32>], vector<16xf32>,
      } else {
      }
      %gt3A = arith.constant 0 : i32
      %gt3A_321 = arith.cmpi sgt, %scan3A_303, %gt3A : i32
      %convert_element_type3A_322 = arith.extui %gt3A_321 : i1 to i32
      %cond3A_323 = arith.constant 0 : i32
      %cond3A_324 = arith.cmpi ne, %convert_element_type3A_322, %cond3A_323 : i32
      scf.if %cond3A_324 {
        %sub3A_569 = arith.constant 4 : i32
        %sub3A_570 = arith.subi %add3A_306, %sub3A_569 : i32
        %dma_wait3A_571 = arith.constant 0 : i32
        %dma_wait3A_572 = tpu.memref_slice %arg10[%sub3A_570, %dma_wait3A_571] : memref<160x128xi32, #tpu.memory_space<vmem>> -> memref<1x128xi32, #tpu.memory_space<vmem>>
        %dma_wait3A_573 = tpu.memref_squeeze %dma_wait3A_572 : memref<1x128xi32, #tpu.memory_space<vmem>> -> memref<128xi32, #tpu.memory_space<vmem>>
        %dma_wait3A_574 = arith.constant 0 : i32
        %dma_wait3A_575 = arith.constant 0 : i32
        %dma_wait3A_576 = tpu.memref_slice %arg20[%dma_wait3A_574, %dma_wait3A_575] : memref<10112x64xbf16, #tpu.memory_space<vmem_shared>> -> memref<10112x64xbf16, #tpu.memory_space<vmem_shared>>
        tpu.wait_indirect_dma semaphore(%arg33 : memref<!tpu.dma_semaphore, #tpu.memory_space<semaphore_mem>>) src(%arg15 : memref<128x64xbf16, #tpu.memory_space<vmem>>) dst(%dma_wait3A_576 : memref<10112x64xbf16, #tpu.memory_space<vmem_shared>>)
      } else {
      }
      %add3A_325 = arith.constant 4 : i32
      %add3A_326 = arith.addi %add3A_306, %add3A_325 : i32
      %dma_start3A_327 = arith.constant 0 : i32
      %dma_start3A_328 = tpu.memref_slice %arg9[%add3A_326, %dma_start3A_327] : memref<160x128xi32, #tpu.memory_space<vmem>> -> memref<1x128xi32, #tpu.memory_space<vmem>>
      %dma_start3A_329 = tpu.memref_squeeze %dma_start3A_328 : memref<1x128xi32, #tpu.memory_space<vmem>> -> memref<128xi32, #tpu.memory_space<vmem>>
      %dma_start3A_330 = arith.constant 0 : i32
      %dma_start3A_331 = arith.constant 0 : i32
      %dma_start3A_332 = tpu.memref_slice %arg2[%dma_start3A_330, %dma_start3A_331] : memref<80000x64xbf16, #tpu.memory_space<hbm>> -> memref<80000x64xbf16, #tpu.memory_space<hbm>>
      tpu.enqueue_indirect_dma source(%dma_start3A_332 : memref<80000x64xbf16, #tpu.memory_space<hbm>>) target(%arg15 : memref<128x64xbf16, #tpu.memory_space<vmem>>) offsets(%dma_start3A_329 : memref<128xi32, #tpu.memory_space<vmem>>) semaphore(%arg25 : memref<!tpu.dma_semaphore, #tpu.memory_space<semaphore_mem>>)
      %mul3A_333 = arith.constant 8 : i32
      %mul3A_334 = arith.muli %mul3A_333, %scan3A_303 : i32
      %add3A_335 = arith.constant 1 : i32
      %add3A_336 = arith.addi %mul3A_334, %add3A_335 : i32
      %dma_wait3A_337 = arith.constant 0 : i32
      %dma_wait3A_338 = tpu.memref_slice %arg9[%add3A_336, %dma_wait3A_337] : memref<160x128xi32, #tpu.memory_space<vmem>> -> memref<1x128xi32, #tpu.memory_space<vmem>>
      %dma_wait3A_339 = tpu.memref_squeeze %dma_wait3A_338 : memref<1x128xi32, #tpu.memory_space<vmem>> -> memref<128xi32, #tpu.memory_space<vmem>>
      %dma_wait3A_340 = arith.constant 0 : i32
      %dma_wait3A_341 = arith.constant 0 : i32
      %dma_wait3A_342 = tpu.memref_slice %arg2[%dma_wait3A_340, %dma_wait3A_341] : memref<80000x64xbf16, #tpu.memory_space<hbm>> -> memref<80000x64xbf16, #tpu.memory_space<hbm>>
      tpu.wait_indirect_dma semaphore(%arg22 : memref<!tpu.dma_semaphore, #tpu.memory_space<semaphore_mem>>) src(%dma_wait3A_342 : memref<80000x64xbf16, #tpu.memory_space<hbm>>) dst(%arg12 : memref<128x64xbf16, #tpu.memory_space<vmem>>)
      %dma_start3A_343 = arith.constant 0 : i32
      %dma_start3A_344 = tpu.memref_slice %arg10[%add3A_336, %dma_start3A_343] : memref<160x128xi32, #tpu.memory_space<vmem>> -> memref<1x128xi32, #tpu.memory_space<vmem>>
      %dma_start3A_345 = tpu.memref_squeeze %dma_start3A_344 : memref<1x128xi32, #tpu.memory_space<vmem>> -> memref<128xi32, #tpu.memory_space<vmem>>
      %dma_start3A_346 = arith.constant 0 : i32
      %dma_start3A_347 = arith.constant 0 : i32
      %dma_start3A_348 = tpu.memref_slice %arg20[%dma_start3A_346, %dma_start3A_347] : memref<10112x64xbf16, #tpu.memory_space<vmem_shared>> -> memref<10112x64xbf16, #tpu.memory_space<vmem_shared>>
      tpu.enqueue_indirect_dma source(%arg12 : memref<128x64xbf16, #tpu.memory_space<vmem>>) target(%dma_start3A_348 : memref<10112x64xbf16, #tpu.memory_space<vmem_shared>>) offsets(%dma_start3A_345 : memref<128xi32, #tpu.memory_space<vmem>>) semaphore(%arg30 : memref<!tpu.dma_semaphore, #tpu.memory_space<semaphore_mem>>) {add = true}
      %eq3A_349 = arith.constant 0 : i32
      %eq3A_350 = arith.cmpi eq, %arg0, %eq3A_349 : i32
      %convert_element_type3A_351 = arith.extui %eq3A_350 : i1 to i32
      %cond3A_352 = arith.constant 0 : i32
      %cond3A_353 = arith.cmpi ne, %convert_element_type3A_351, %cond3A_352 : i32
      scf.if %cond3A_353 {
        %get3A = arith.index_cast %add3A_336 : i32 to index
        %get3A_569 = arith.constant 0 : index
        %get3A_570 = tpu.vector_load %arg10[%get3A, %get3A_569] {strides = array<i32>} : memref<160x128xi32, #tpu.memory_space<vmem>>, vector<16xi32>,
        tpu.vector_store_idx %arg19[%get3A_570], %broadcast_in_dim3A_0 {add = true} : memref<10112xf32, #tpu.memory_space<vmem>>[vector<16xi32>], vector<16xf32>,
        %get3A_571 = arith.index_cast %add3A_336 : i32 to index
        %get3A_572 = arith.constant 16 : index
        %get3A_573 = tpu.vector_load %arg10[%get3A_571, %get3A_572] {strides = array<i32>} : memref<160x128xi32, #tpu.memory_space<vmem>>, vector<16xi32>,
        tpu.vector_store_idx %arg19[%get3A_573], %broadcast_in_dim3A_0 {add = true} : memref<10112xf32, #tpu.memory_space<vmem>>[vector<16xi32>], vector<16xf32>,
        %get3A_574 = arith.index_cast %add3A_336 : i32 to index
        %get3A_575 = arith.constant 32 : index
        %get3A_576 = tpu.vector_load %arg10[%get3A_574, %get3A_575] {strides = array<i32>} : memref<160x128xi32, #tpu.memory_space<vmem>>, vector<16xi32>,
        tpu.vector_store_idx %arg19[%get3A_576], %broadcast_in_dim3A_0 {add = true} : memref<10112xf32, #tpu.memory_space<vmem>>[vector<16xi32>], vector<16xf32>,
        %get3A_577 = arith.index_cast %add3A_336 : i32 to index
        %get3A_578 = arith.constant 48 : index
        %get3A_579 = tpu.vector_load %arg10[%get3A_577, %get3A_578] {strides = array<i32>} : memref<160x128xi32, #tpu.memory_space<vmem>>, vector<16xi32>,
        tpu.vector_store_idx %arg19[%get3A_579], %broadcast_in_dim3A_0 {add = true} : memref<10112xf32, #tpu.memory_space<vmem>>[vector<16xi32>], vector<16xf32>,
        %get3A_580 = arith.index_cast %add3A_336 : i32 to index
        %get3A_581 = arith.constant 64 : index
        %get3A_582 = tpu.vector_load %arg10[%get3A_580, %get3A_581] {strides = array<i32>} : memref<160x128xi32, #tpu.memory_space<vmem>>, vector<16xi32>,
        tpu.vector_store_idx %arg19[%get3A_582], %broadcast_in_dim3A_0 {add = true} : memref<10112xf32, #tpu.memory_space<vmem>>[vector<16xi32>], vector<16xf32>,
        %get3A_583 = arith.index_cast %add3A_336 : i32 to index
        %get3A_584 = arith.constant 80 : index
        %get3A_585 = tpu.vector_load %arg10[%get3A_583, %get3A_584] {strides = array<i32>} : memref<160x128xi32, #tpu.memory_space<vmem>>, vector<16xi32>,
        tpu.vector_store_idx %arg19[%get3A_585], %broadcast_in_dim3A_0 {add = true} : memref<10112xf32, #tpu.memory_space<vmem>>[vector<16xi32>], vector<16xf32>,
        %get3A_586 = arith.index_cast %add3A_336 : i32 to index
        %get3A_587 = arith.constant 96 : index
        %get3A_588 = tpu.vector_load %arg10[%get3A_586, %get3A_587] {strides = array<i32>} : memref<160x128xi32, #tpu.memory_space<vmem>>, vector<16xi32>,
        tpu.vector_store_idx %arg19[%get3A_588], %broadcast_in_dim3A_0 {add = true} : memref<10112xf32, #tpu.memory_space<vmem>>[vector<16xi32>], vector<16xf32>,
        %get3A_589 = arith.index_cast %add3A_336 : i32 to index
        %get3A_590 = arith.constant 112 : index
        %get3A_591 = tpu.vector_load %arg10[%get3A_589, %get3A_590] {strides = array<i32>} : memref<160x128xi32, #tpu.memory_space<vmem>>, vector<16xi32>,
        tpu.vector_store_idx %arg19[%get3A_591], %broadcast_in_dim3A_0 {add = true} : memref<10112xf32, #tpu.memory_space<vmem>>[vector<16xi32>], vector<16xf32>,
      } else {
      }
      %gt3A_354 = arith.constant 0 : i32
      %gt3A_355 = arith.cmpi sgt, %scan3A_303, %gt3A_354 : i32
      %convert_element_type3A_356 = arith.extui %gt3A_355 : i1 to i32
      %cond3A_357 = arith.constant 0 : i32
      %cond3A_358 = arith.cmpi ne, %convert_element_type3A_356, %cond3A_357 : i32
      scf.if %cond3A_358 {
        %sub3A_569 = arith.constant 4 : i32
        %sub3A_570 = arith.subi %add3A_336, %sub3A_569 : i32
        %dma_wait3A_571 = arith.constant 0 : i32
        %dma_wait3A_572 = tpu.memref_slice %arg10[%sub3A_570, %dma_wait3A_571] : memref<160x128xi32, #tpu.memory_space<vmem>> -> memref<1x128xi32, #tpu.memory_space<vmem>>
        %dma_wait3A_573 = tpu.memref_squeeze %dma_wait3A_572 : memref<1x128xi32, #tpu.memory_space<vmem>> -> memref<128xi32, #tpu.memory_space<vmem>>
        %dma_wait3A_574 = arith.constant 0 : i32
        %dma_wait3A_575 = arith.constant 0 : i32
        %dma_wait3A_576 = tpu.memref_slice %arg20[%dma_wait3A_574, %dma_wait3A_575] : memref<10112x64xbf16, #tpu.memory_space<vmem_shared>> -> memref<10112x64xbf16, #tpu.memory_space<vmem_shared>>
        tpu.wait_indirect_dma semaphore(%arg34 : memref<!tpu.dma_semaphore, #tpu.memory_space<semaphore_mem>>) src(%arg16 : memref<128x64xbf16, #tpu.memory_space<vmem>>) dst(%dma_wait3A_576 : memref<10112x64xbf16, #tpu.memory_space<vmem_shared>>)
      } else {
      }
      %add3A_359 = arith.constant 4 : i32
      %add3A_360 = arith.addi %add3A_336, %add3A_359 : i32
      %dma_start3A_361 = arith.constant 0 : i32
      %dma_start3A_362 = tpu.memref_slice %arg9[%add3A_360, %dma_start3A_361] : memref<160x128xi32, #tpu.memory_space<vmem>> -> memref<1x128xi32, #tpu.memory_space<vmem>>
      %dma_start3A_363 = tpu.memref_squeeze %dma_start3A_362 : memref<1x128xi32, #tpu.memory_space<vmem>> -> memref<128xi32, #tpu.memory_space<vmem>>
      %dma_start3A_364 = arith.constant 0 : i32
      %dma_start3A_365 = arith.constant 0 : i32
      %dma_start3A_366 = tpu.memref_slice %arg2[%dma_start3A_364, %dma_start3A_365] : memref<80000x64xbf16, #tpu.memory_space<hbm>> -> memref<80000x64xbf16, #tpu.memory_space<hbm>>
      tpu.enqueue_indirect_dma source(%dma_start3A_366 : memref<80000x64xbf16, #tpu.memory_space<hbm>>) target(%arg16 : memref<128x64xbf16, #tpu.memory_space<vmem>>) offsets(%dma_start3A_363 : memref<128xi32, #tpu.memory_space<vmem>>) semaphore(%arg26 : memref<!tpu.dma_semaphore, #tpu.memory_space<semaphore_mem>>)
      %mul3A_367 = arith.constant 8 : i32
      %mul3A_368 = arith.muli %mul3A_367, %scan3A_303 : i32
      %add3A_369 = arith.constant 2 : i32
      %add3A_370 = arith.addi %mul3A_368, %add3A_369 : i32
      %dma_wait3A_371 = arith.constant 0 : i32
      %dma_wait3A_372 = tpu.memref_slice %arg9[%add3A_370, %dma_wait3A_371] : memref<160x128xi32, #tpu.memory_space<vmem>> -> memref<1x128xi32, #tpu.memory_space<vmem>>
      %dma_wait3A_373 = tpu.memref_squeeze %dma_wait3A_372 : memref<1x128xi32, #tpu.memory_space<vmem>> -> memref<128xi32, #tpu.memory_space<vmem>>
      %dma_wait3A_374 = arith.constant 0 : i32
      %dma_wait3A_375 = arith.constant 0 : i32
      %dma_wait3A_376 = tpu.memref_slice %arg2[%dma_wait3A_374, %dma_wait3A_375] : memref<80000x64xbf16, #tpu.memory_space<hbm>> -> memref<80000x64xbf16, #tpu.memory_space<hbm>>
      tpu.wait_indirect_dma semaphore(%arg23 : memref<!tpu.dma_semaphore, #tpu.memory_space<semaphore_mem>>) src(%dma_wait3A_376 : memref<80000x64xbf16, #tpu.memory_space<hbm>>) dst(%arg13 : memref<128x64xbf16, #tpu.memory_space<vmem>>)
      %dma_start3A_377 = arith.constant 0 : i32
      %dma_start3A_378 = tpu.memref_slice %arg10[%add3A_370, %dma_start3A_377] : memref<160x128xi32, #tpu.memory_space<vmem>> -> memref<1x128xi32, #tpu.memory_space<vmem>>
      %dma_start3A_379 = tpu.memref_squeeze %dma_start3A_378 : memref<1x128xi32, #tpu.memory_space<vmem>> -> memref<128xi32, #tpu.memory_space<vmem>>
      %dma_start3A_380 = arith.constant 0 : i32
      %dma_start3A_381 = arith.constant 0 : i32
      %dma_start3A_382 = tpu.memref_slice %arg20[%dma_start3A_380, %dma_start3A_381] : memref<10112x64xbf16, #tpu.memory_space<vmem_shared>> -> memref<10112x64xbf16, #tpu.memory_space<vmem_shared>>
      tpu.enqueue_indirect_dma source(%arg13 : memref<128x64xbf16, #tpu.memory_space<vmem>>) target(%dma_start3A_382 : memref<10112x64xbf16, #tpu.memory_space<vmem_shared>>) offsets(%dma_start3A_379 : memref<128xi32, #tpu.memory_space<vmem>>) semaphore(%arg31 : memref<!tpu.dma_semaphore, #tpu.memory_space<semaphore_mem>>) {add = true}
      %eq3A_383 = arith.constant 0 : i32
      %eq3A_384 = arith.cmpi eq, %arg0, %eq3A_383 : i32
      %convert_element_type3A_385 = arith.extui %eq3A_384 : i1 to i32
      %cond3A_386 = arith.constant 0 : i32
      %cond3A_387 = arith.cmpi ne, %convert_element_type3A_385, %cond3A_386 : i32
      scf.if %cond3A_387 {
        %get3A = arith.index_cast %add3A_370 : i32 to index
        %get3A_569 = arith.constant 0 : index
        %get3A_570 = tpu.vector_load %arg10[%get3A, %get3A_569] {strides = array<i32>} : memref<160x128xi32, #tpu.memory_space<vmem>>, vector<16xi32>,
        tpu.vector_store_idx %arg19[%get3A_570], %broadcast_in_dim3A_0 {add = true} : memref<10112xf32, #tpu.memory_space<vmem>>[vector<16xi32>], vector<16xf32>,
        %get3A_571 = arith.index_cast %add3A_370 : i32 to index
        %get3A_572 = arith.constant 16 : index
        %get3A_573 = tpu.vector_load %arg10[%get3A_571, %get3A_572] {strides = array<i32>} : memref<160x128xi32, #tpu.memory_space<vmem>>, vector<16xi32>,
        tpu.vector_store_idx %arg19[%get3A_573], %broadcast_in_dim3A_0 {add = true} : memref<10112xf32, #tpu.memory_space<vmem>>[vector<16xi32>], vector<16xf32>,
        %get3A_574 = arith.index_cast %add3A_370 : i32 to index
        %get3A_575 = arith.constant 32 : index
        %get3A_576 = tpu.vector_load %arg10[%get3A_574, %get3A_575] {strides = array<i32>} : memref<160x128xi32, #tpu.memory_space<vmem>>, vector<16xi32>,
        tpu.vector_store_idx %arg19[%get3A_576], %broadcast_in_dim3A_0 {add = true} : memref<10112xf32, #tpu.memory_space<vmem>>[vector<16xi32>], vector<16xf32>,
        %get3A_577 = arith.index_cast %add3A_370 : i32 to index
        %get3A_578 = arith.constant 48 : index
        %get3A_579 = tpu.vector_load %arg10[%get3A_577, %get3A_578] {strides = array<i32>} : memref<160x128xi32, #tpu.memory_space<vmem>>, vector<16xi32>,
        tpu.vector_store_idx %arg19[%get3A_579], %broadcast_in_dim3A_0 {add = true} : memref<10112xf32, #tpu.memory_space<vmem>>[vector<16xi32>], vector<16xf32>,
        %get3A_580 = arith.index_cast %add3A_370 : i32 to index
        %get3A_581 = arith.constant 64 : index
        %get3A_582 = tpu.vector_load %arg10[%get3A_580, %get3A_581] {strides = array<i32>} : memref<160x128xi32, #tpu.memory_space<vmem>>, vector<16xi32>,
        tpu.vector_store_idx %arg19[%get3A_582], %broadcast_in_dim3A_0 {add = true} : memref<10112xf32, #tpu.memory_space<vmem>>[vector<16xi32>], vector<16xf32>,
        %get3A_583 = arith.index_cast %add3A_370 : i32 to index
        %get3A_584 = arith.constant 80 : index
        %get3A_585 = tpu.vector_load %arg10[%get3A_583, %get3A_584] {strides = array<i32>} : memref<160x128xi32, #tpu.memory_space<vmem>>, vector<16xi32>,
        tpu.vector_store_idx %arg19[%get3A_585], %broadcast_in_dim3A_0 {add = true} : memref<10112xf32, #tpu.memory_space<vmem>>[vector<16xi32>], vector<16xf32>,
        %get3A_586 = arith.index_cast %add3A_370 : i32 to index
        %get3A_587 = arith.constant 96 : index
        %get3A_588 = tpu.vector_load %arg10[%get3A_586, %get3A_587] {strides = array<i32>} : memref<160x128xi32, #tpu.memory_space<vmem>>, vector<16xi32>,
        tpu.vector_store_idx %arg19[%get3A_588], %broadcast_in_dim3A_0 {add = true} : memref<10112xf32, #tpu.memory_space<vmem>>[vector<16xi32>], vector<16xf32>,
        %get3A_589 = arith.index_cast %add3A_370 : i32 to index
        %get3A_590 = arith.constant 112 : index
        %get3A_591 = tpu.vector_load %arg10[%get3A_589, %get3A_590] {strides = array<i32>} : memref<160x128xi32, #tpu.memory_space<vmem>>, vector<16xi32>,
        tpu.vector_store_idx %arg19[%get3A_591], %broadcast_in_dim3A_0 {add = true} : memref<10112xf32, #tpu.memory_space<vmem>>[vector<16xi32>], vector<16xf32>,
      } else {
      }
      %gt3A_388 = arith.constant 0 : i32
      %gt3A_389 = arith.cmpi sgt, %scan3A_303, %gt3A_388 : i32
      %convert_element_type3A_390 = arith.extui %gt3A_389 : i1 to i32
      %cond3A_391 = arith.constant 0 : i32
      %cond3A_392 = arith.cmpi ne, %convert_element_type3A_390, %cond3A_391 : i32
      scf.if %cond3A_392 {
        %sub3A_569 = arith.constant 4 : i32
        %sub3A_570 = arith.subi %add3A_370, %sub3A_569 : i32
        %dma_wait3A_571 = arith.constant 0 : i32
        %dma_wait3A_572 = tpu.memref_slice %arg10[%sub3A_570, %dma_wait3A_571] : memref<160x128xi32, #tpu.memory_space<vmem>> -> memref<1x128xi32, #tpu.memory_space<vmem>>
        %dma_wait3A_573 = tpu.memref_squeeze %dma_wait3A_572 : memref<1x128xi32, #tpu.memory_space<vmem>> -> memref<128xi32, #tpu.memory_space<vmem>>
        %dma_wait3A_574 = arith.constant 0 : i32
        %dma_wait3A_575 = arith.constant 0 : i32
        %dma_wait3A_576 = tpu.memref_slice %arg20[%dma_wait3A_574, %dma_wait3A_575] : memref<10112x64xbf16, #tpu.memory_space<vmem_shared>> -> memref<10112x64xbf16, #tpu.memory_space<vmem_shared>>
        tpu.wait_indirect_dma semaphore(%arg35 : memref<!tpu.dma_semaphore, #tpu.memory_space<semaphore_mem>>) src(%arg17 : memref<128x64xbf16, #tpu.memory_space<vmem>>) dst(%dma_wait3A_576 : memref<10112x64xbf16, #tpu.memory_space<vmem_shared>>)
      } else {
      }
      %add3A_393 = arith.constant 4 : i32
      %add3A_394 = arith.addi %add3A_370, %add3A_393 : i32
      %dma_start3A_395 = arith.constant 0 : i32
      %dma_start3A_396 = tpu.memref_slice %arg9[%add3A_394, %dma_start3A_395] : memref<160x128xi32, #tpu.memory_space<vmem>> -> memref<1x128xi32, #tpu.memory_space<vmem>>
      %dma_start3A_397 = tpu.memref_squeeze %dma_start3A_396 : memref<1x128xi32, #tpu.memory_space<vmem>> -> memref<128xi32, #tpu.memory_space<vmem>>
      %dma_start3A_398 = arith.constant 0 : i32
      %dma_start3A_399 = arith.constant 0 : i32
      %dma_start3A_400 = tpu.memref_slice %arg2[%dma_start3A_398, %dma_start3A_399] : memref<80000x64xbf16, #tpu.memory_space<hbm>> -> memref<80000x64xbf16, #tpu.memory_space<hbm>>
      tpu.enqueue_indirect_dma source(%dma_start3A_400 : memref<80000x64xbf16, #tpu.memory_space<hbm>>) target(%arg17 : memref<128x64xbf16, #tpu.memory_space<vmem>>) offsets(%dma_start3A_397 : memref<128xi32, #tpu.memory_space<vmem>>) semaphore(%arg27 : memref<!tpu.dma_semaphore, #tpu.memory_space<semaphore_mem>>)
      %mul3A_401 = arith.constant 8 : i32
      %mul3A_402 = arith.muli %mul3A_401, %scan3A_303 : i32
      %add3A_403 = arith.constant 3 : i32
      %add3A_404 = arith.addi %mul3A_402, %add3A_403 : i32
      %dma_wait3A_405 = arith.constant 0 : i32
      %dma_wait3A_406 = tpu.memref_slice %arg9[%add3A_404, %dma_wait3A_405] : memref<160x128xi32, #tpu.memory_space<vmem>> -> memref<1x128xi32, #tpu.memory_space<vmem>>
      %dma_wait3A_407 = tpu.memref_squeeze %dma_wait3A_406 : memref<1x128xi32, #tpu.memory_space<vmem>> -> memref<128xi32, #tpu.memory_space<vmem>>
      %dma_wait3A_408 = arith.constant 0 : i32
      %dma_wait3A_409 = arith.constant 0 : i32
      %dma_wait3A_410 = tpu.memref_slice %arg2[%dma_wait3A_408, %dma_wait3A_409] : memref<80000x64xbf16, #tpu.memory_space<hbm>> -> memref<80000x64xbf16, #tpu.memory_space<hbm>>
      tpu.wait_indirect_dma semaphore(%arg24 : memref<!tpu.dma_semaphore, #tpu.memory_space<semaphore_mem>>) src(%dma_wait3A_410 : memref<80000x64xbf16, #tpu.memory_space<hbm>>) dst(%arg14 : memref<128x64xbf16, #tpu.memory_space<vmem>>)
      %dma_start3A_411 = arith.constant 0 : i32
      %dma_start3A_412 = tpu.memref_slice %arg10[%add3A_404, %dma_start3A_411] : memref<160x128xi32, #tpu.memory_space<vmem>> -> memref<1x128xi32, #tpu.memory_space<vmem>>
      %dma_start3A_413 = tpu.memref_squeeze %dma_start3A_412 : memref<1x128xi32, #tpu.memory_space<vmem>> -> memref<128xi32, #tpu.memory_space<vmem>>
      %dma_start3A_414 = arith.constant 0 : i32
      %dma_start3A_415 = arith.constant 0 : i32
      %dma_start3A_416 = tpu.memref_slice %arg20[%dma_start3A_414, %dma_start3A_415] : memref<10112x64xbf16, #tpu.memory_space<vmem_shared>> -> memref<10112x64xbf16, #tpu.memory_space<vmem_shared>>
      tpu.enqueue_indirect_dma source(%arg14 : memref<128x64xbf16, #tpu.memory_space<vmem>>) target(%dma_start3A_416 : memref<10112x64xbf16, #tpu.memory_space<vmem_shared>>) offsets(%dma_start3A_413 : memref<128xi32, #tpu.memory_space<vmem>>) semaphore(%arg32 : memref<!tpu.dma_semaphore, #tpu.memory_space<semaphore_mem>>) {add = true}
      %eq3A_417 = arith.constant 0 : i32
      %eq3A_418 = arith.cmpi eq, %arg0, %eq3A_417 : i32
      %convert_element_type3A_419 = arith.extui %eq3A_418 : i1 to i32
      %cond3A_420 = arith.constant 0 : i32
      %cond3A_421 = arith.cmpi ne, %convert_element_type3A_419, %cond3A_420 : i32
      scf.if %cond3A_421 {
        %get3A = arith.index_cast %add3A_404 : i32 to index
        %get3A_569 = arith.constant 0 : index
        %get3A_570 = tpu.vector_load %arg10[%get3A, %get3A_569] {strides = array<i32>} : memref<160x128xi32, #tpu.memory_space<vmem>>, vector<16xi32>,
        tpu.vector_store_idx %arg19[%get3A_570], %broadcast_in_dim3A_0 {add = true} : memref<10112xf32, #tpu.memory_space<vmem>>[vector<16xi32>], vector<16xf32>,
        %get3A_571 = arith.index_cast %add3A_404 : i32 to index
        %get3A_572 = arith.constant 16 : index
        %get3A_573 = tpu.vector_load %arg10[%get3A_571, %get3A_572] {strides = array<i32>} : memref<160x128xi32, #tpu.memory_space<vmem>>, vector<16xi32>,
        tpu.vector_store_idx %arg19[%get3A_573], %broadcast_in_dim3A_0 {add = true} : memref<10112xf32, #tpu.memory_space<vmem>>[vector<16xi32>], vector<16xf32>,
        %get3A_574 = arith.index_cast %add3A_404 : i32 to index
        %get3A_575 = arith.constant 32 : index
        %get3A_576 = tpu.vector_load %arg10[%get3A_574, %get3A_575] {strides = array<i32>} : memref<160x128xi32, #tpu.memory_space<vmem>>, vector<16xi32>,
        tpu.vector_store_idx %arg19[%get3A_576], %broadcast_in_dim3A_0 {add = true} : memref<10112xf32, #tpu.memory_space<vmem>>[vector<16xi32>], vector<16xf32>,
        %get3A_577 = arith.index_cast %add3A_404 : i32 to index
        %get3A_578 = arith.constant 48 : index
        %get3A_579 = tpu.vector_load %arg10[%get3A_577, %get3A_578] {strides = array<i32>} : memref<160x128xi32, #tpu.memory_space<vmem>>, vector<16xi32>,
        tpu.vector_store_idx %arg19[%get3A_579], %broadcast_in_dim3A_0 {add = true} : memref<10112xf32, #tpu.memory_space<vmem>>[vector<16xi32>], vector<16xf32>,
        %get3A_580 = arith.index_cast %add3A_404 : i32 to index
        %get3A_581 = arith.constant 64 : index
        %get3A_582 = tpu.vector_load %arg10[%get3A_580, %get3A_581] {strides = array<i32>} : memref<160x128xi32, #tpu.memory_space<vmem>>, vector<16xi32>,
        tpu.vector_store_idx %arg19[%get3A_582], %broadcast_in_dim3A_0 {add = true} : memref<10112xf32, #tpu.memory_space<vmem>>[vector<16xi32>], vector<16xf32>,
        %get3A_583 = arith.index_cast %add3A_404 : i32 to index
        %get3A_584 = arith.constant 80 : index
        %get3A_585 = tpu.vector_load %arg10[%get3A_583, %get3A_584] {strides = array<i32>} : memref<160x128xi32, #tpu.memory_space<vmem>>, vector<16xi32>,
        tpu.vector_store_idx %arg19[%get3A_585], %broadcast_in_dim3A_0 {add = true} : memref<10112xf32, #tpu.memory_space<vmem>>[vector<16xi32>], vector<16xf32>,
        %get3A_586 = arith.index_cast %add3A_404 : i32 to index
        %get3A_587 = arith.constant 96 : index
        %get3A_588 = tpu.vector_load %arg10[%get3A_586, %get3A_587] {strides = array<i32>} : memref<160x128xi32, #tpu.memory_space<vmem>>, vector<16xi32>,
        tpu.vector_store_idx %arg19[%get3A_588], %broadcast_in_dim3A_0 {add = true} : memref<10112xf32, #tpu.memory_space<vmem>>[vector<16xi32>], vector<16xf32>,
        %get3A_589 = arith.index_cast %add3A_404 : i32 to index
        %get3A_590 = arith.constant 112 : index
        %get3A_591 = tpu.vector_load %arg10[%get3A_589, %get3A_590] {strides = array<i32>} : memref<160x128xi32, #tpu.memory_space<vmem>>, vector<16xi32>,
        tpu.vector_store_idx %arg19[%get3A_591], %broadcast_in_dim3A_0 {add = true} : memref<10112xf32, #tpu.memory_space<vmem>>[vector<16xi32>], vector<16xf32>,
      } else {
      }
      %gt3A_422 = arith.constant 0 : i32
      %gt3A_423 = arith.cmpi sgt, %scan3A_303, %gt3A_422 : i32
      %convert_element_type3A_424 = arith.extui %gt3A_423 : i1 to i32
      %cond3A_425 = arith.constant 0 : i32
      %cond3A_426 = arith.cmpi ne, %convert_element_type3A_424, %cond3A_425 : i32
      scf.if %cond3A_426 {
        %sub3A_569 = arith.constant 4 : i32
        %sub3A_570 = arith.subi %add3A_404, %sub3A_569 : i32
        %dma_wait3A_571 = arith.constant 0 : i32
        %dma_wait3A_572 = tpu.memref_slice %arg10[%sub3A_570, %dma_wait3A_571] : memref<160x128xi32, #tpu.memory_space<vmem>> -> memref<1x128xi32, #tpu.memory_space<vmem>>
        %dma_wait3A_573 = tpu.memref_squeeze %dma_wait3A_572 : memref<1x128xi32, #tpu.memory_space<vmem>> -> memref<128xi32, #tpu.memory_space<vmem>>
        %dma_wait3A_574 = arith.constant 0 : i32
        %dma_wait3A_575 = arith.constant 0 : i32
        %dma_wait3A_576 = tpu.memref_slice %arg20[%dma_wait3A_574, %dma_wait3A_575] : memref<10112x64xbf16, #tpu.memory_space<vmem_shared>> -> memref<10112x64xbf16, #tpu.memory_space<vmem_shared>>
        tpu.wait_indirect_dma semaphore(%arg36 : memref<!tpu.dma_semaphore, #tpu.memory_space<semaphore_mem>>) src(%arg18 : memref<128x64xbf16, #tpu.memory_space<vmem>>) dst(%dma_wait3A_576 : memref<10112x64xbf16, #tpu.memory_space<vmem_shared>>)
      } else {
      }
      %add3A_427 = arith.constant 4 : i32
      %add3A_428 = arith.addi %add3A_404, %add3A_427 : i32
      %dma_start3A_429 = arith.constant 0 : i32
      %dma_start3A_430 = tpu.memref_slice %arg9[%add3A_428, %dma_start3A_429] : memref<160x128xi32, #tpu.memory_space<vmem>> -> memref<1x128xi32, #tpu.memory_space<vmem>>
      %dma_start3A_431 = tpu.memref_squeeze %dma_start3A_430 : memref<1x128xi32, #tpu.memory_space<vmem>> -> memref<128xi32, #tpu.memory_space<vmem>>
      %dma_start3A_432 = arith.constant 0 : i32
      %dma_start3A_433 = arith.constant 0 : i32
      %dma_start3A_434 = tpu.memref_slice %arg2[%dma_start3A_432, %dma_start3A_433] : memref<80000x64xbf16, #tpu.memory_space<hbm>> -> memref<80000x64xbf16, #tpu.memory_space<hbm>>
      tpu.enqueue_indirect_dma source(%dma_start3A_434 : memref<80000x64xbf16, #tpu.memory_space<hbm>>) target(%arg18 : memref<128x64xbf16, #tpu.memory_space<vmem>>) offsets(%dma_start3A_431 : memref<128xi32, #tpu.memory_space<vmem>>) semaphore(%arg28 : memref<!tpu.dma_semaphore, #tpu.memory_space<semaphore_mem>>)
      %mul3A_435 = arith.constant 8 : i32
      %mul3A_436 = arith.muli %mul3A_435, %scan3A_303 : i32
      %add3A_437 = arith.constant 4 : i32
      %add3A_438 = arith.addi %mul3A_436, %add3A_437 : i32
      %dma_wait3A_439 = arith.constant 0 : i32
      %dma_wait3A_440 = tpu.memref_slice %arg9[%add3A_438, %dma_wait3A_439] : memref<160x128xi32, #tpu.memory_space<vmem>> -> memref<1x128xi32, #tpu.memory_space<vmem>>
      %dma_wait3A_441 = tpu.memref_squeeze %dma_wait3A_440 : memref<1x128xi32, #tpu.memory_space<vmem>> -> memref<128xi32, #tpu.memory_space<vmem>>
      %dma_wait3A_442 = arith.constant 0 : i32
      %dma_wait3A_443 = arith.constant 0 : i32
      %dma_wait3A_444 = tpu.memref_slice %arg2[%dma_wait3A_442, %dma_wait3A_443] : memref<80000x64xbf16, #tpu.memory_space<hbm>> -> memref<80000x64xbf16, #tpu.memory_space<hbm>>
      tpu.wait_indirect_dma semaphore(%arg25 : memref<!tpu.dma_semaphore, #tpu.memory_space<semaphore_mem>>) src(%dma_wait3A_444 : memref<80000x64xbf16, #tpu.memory_space<hbm>>) dst(%arg15 : memref<128x64xbf16, #tpu.memory_space<vmem>>)
      %dma_start3A_445 = arith.constant 0 : i32
      %dma_start3A_446 = tpu.memref_slice %arg10[%add3A_438, %dma_start3A_445] : memref<160x128xi32, #tpu.memory_space<vmem>> -> memref<1x128xi32, #tpu.memory_space<vmem>>
      %dma_start3A_447 = tpu.memref_squeeze %dma_start3A_446 : memref<1x128xi32, #tpu.memory_space<vmem>> -> memref<128xi32, #tpu.memory_space<vmem>>
      %dma_start3A_448 = arith.constant 0 : i32
      %dma_start3A_449 = arith.constant 0 : i32
      %dma_start3A_450 = tpu.memref_slice %arg20[%dma_start3A_448, %dma_start3A_449] : memref<10112x64xbf16, #tpu.memory_space<vmem_shared>> -> memref<10112x64xbf16, #tpu.memory_space<vmem_shared>>
      tpu.enqueue_indirect_dma source(%arg15 : memref<128x64xbf16, #tpu.memory_space<vmem>>) target(%dma_start3A_450 : memref<10112x64xbf16, #tpu.memory_space<vmem_shared>>) offsets(%dma_start3A_447 : memref<128xi32, #tpu.memory_space<vmem>>) semaphore(%arg33 : memref<!tpu.dma_semaphore, #tpu.memory_space<semaphore_mem>>) {add = true}
      %eq3A_451 = arith.constant 0 : i32
      %eq3A_452 = arith.cmpi eq, %arg0, %eq3A_451 : i32
      %convert_element_type3A_453 = arith.extui %eq3A_452 : i1 to i32
      %cond3A_454 = arith.constant 0 : i32
      %cond3A_455 = arith.cmpi ne, %convert_element_type3A_453, %cond3A_454 : i32
      scf.if %cond3A_455 {
        %get3A = arith.index_cast %add3A_438 : i32 to index
        %get3A_569 = arith.constant 0 : index
        %get3A_570 = tpu.vector_load %arg10[%get3A, %get3A_569] {strides = array<i32>} : memref<160x128xi32, #tpu.memory_space<vmem>>, vector<16xi32>,
        tpu.vector_store_idx %arg19[%get3A_570], %broadcast_in_dim3A_0 {add = true} : memref<10112xf32, #tpu.memory_space<vmem>>[vector<16xi32>], vector<16xf32>,
        %get3A_571 = arith.index_cast %add3A_438 : i32 to index
        %get3A_572 = arith.constant 16 : index
        %get3A_573 = tpu.vector_load %arg10[%get3A_571, %get3A_572] {strides = array<i32>} : memref<160x128xi32, #tpu.memory_space<vmem>>, vector<16xi32>,
        tpu.vector_store_idx %arg19[%get3A_573], %broadcast_in_dim3A_0 {add = true} : memref<10112xf32, #tpu.memory_space<vmem>>[vector<16xi32>], vector<16xf32>,
        %get3A_574 = arith.index_cast %add3A_438 : i32 to index
        %get3A_575 = arith.constant 32 : index
        %get3A_576 = tpu.vector_load %arg10[%get3A_574, %get3A_575] {strides = array<i32>} : memref<160x128xi32, #tpu.memory_space<vmem>>, vector<16xi32>,
        tpu.vector_store_idx %arg19[%get3A_576], %broadcast_in_dim3A_0 {add = true} : memref<10112xf32, #tpu.memory_space<vmem>>[vector<16xi32>], vector<16xf32>,
        %get3A_577 = arith.index_cast %add3A_438 : i32 to index
        %get3A_578 = arith.constant 48 : index
        %get3A_579 = tpu.vector_load %arg10[%get3A_577, %get3A_578] {strides = array<i32>} : memref<160x128xi32, #tpu.memory_space<vmem>>, vector<16xi32>,
        tpu.vector_store_idx %arg19[%get3A_579], %broadcast_in_dim3A_0 {add = true} : memref<10112xf32, #tpu.memory_space<vmem>>[vector<16xi32>], vector<16xf32>,
        %get3A_580 = arith.index_cast %add3A_438 : i32 to index
        %get3A_581 = arith.constant 64 : index
        %get3A_582 = tpu.vector_load %arg10[%get3A_580, %get3A_581] {strides = array<i32>} : memref<160x128xi32, #tpu.memory_space<vmem>>, vector<16xi32>,
        tpu.vector_store_idx %arg19[%get3A_582], %broadcast_in_dim3A_0 {add = true} : memref<10112xf32, #tpu.memory_space<vmem>>[vector<16xi32>], vector<16xf32>,
        %get3A_583 = arith.index_cast %add3A_438 : i32 to index
        %get3A_584 = arith.constant 80 : index
        %get3A_585 = tpu.vector_load %arg10[%get3A_583, %get3A_584] {strides = array<i32>} : memref<160x128xi32, #tpu.memory_space<vmem>>, vector<16xi32>,
        tpu.vector_store_idx %arg19[%get3A_585], %broadcast_in_dim3A_0 {add = true} : memref<10112xf32, #tpu.memory_space<vmem>>[vector<16xi32>], vector<16xf32>,
        %get3A_586 = arith.index_cast %add3A_438 : i32 to index
        %get3A_587 = arith.constant 96 : index
        %get3A_588 = tpu.vector_load %arg10[%get3A_586, %get3A_587] {strides = array<i32>} : memref<160x128xi32, #tpu.memory_space<vmem>>, vector<16xi32>,
        tpu.vector_store_idx %arg19[%get3A_588], %broadcast_in_dim3A_0 {add = true} : memref<10112xf32, #tpu.memory_space<vmem>>[vector<16xi32>], vector<16xf32>,
        %get3A_589 = arith.index_cast %add3A_438 : i32 to index
        %get3A_590 = arith.constant 112 : index
        %get3A_591 = tpu.vector_load %arg10[%get3A_589, %get3A_590] {strides = array<i32>} : memref<160x128xi32, #tpu.memory_space<vmem>>, vector<16xi32>,
        tpu.vector_store_idx %arg19[%get3A_591], %broadcast_in_dim3A_0 {add = true} : memref<10112xf32, #tpu.memory_space<vmem>>[vector<16xi32>], vector<16xf32>,
      } else {
      }
      %sub3A = arith.constant 4 : i32
      %sub3A_456 = arith.subi %add3A_438, %sub3A : i32
      %dma_wait3A_457 = arith.constant 0 : i32
      %dma_wait3A_458 = tpu.memref_slice %arg10[%sub3A_456, %dma_wait3A_457] : memref<160x128xi32, #tpu.memory_space<vmem>> -> memref<1x128xi32, #tpu.memory_space<vmem>>
      %dma_wait3A_459 = tpu.memref_squeeze %dma_wait3A_458 : memref<1x128xi32, #tpu.memory_space<vmem>> -> memref<128xi32, #tpu.memory_space<vmem>>
      %dma_wait3A_460 = arith.constant 0 : i32
      %dma_wait3A_461 = arith.constant 0 : i32
      %dma_wait3A_462 = tpu.memref_slice %arg20[%dma_wait3A_460, %dma_wait3A_461] : memref<10112x64xbf16, #tpu.memory_space<vmem_shared>> -> memref<10112x64xbf16, #tpu.memory_space<vmem_shared>>
      tpu.wait_indirect_dma semaphore(%arg29 : memref<!tpu.dma_semaphore, #tpu.memory_space<semaphore_mem>>) src(%arg11 : memref<128x64xbf16, #tpu.memory_space<vmem>>) dst(%dma_wait3A_462 : memref<10112x64xbf16, #tpu.memory_space<vmem_shared>>)
      %lt3A = arith.constant 19 : i32
      %lt3A_463 = arith.cmpi slt, %scan3A_303, %lt3A : i32
      %convert_element_type3A_464 = arith.extui %lt3A_463 : i1 to i32
      %cond3A_465 = arith.constant 0 : i32
      %cond3A_466 = arith.cmpi ne, %convert_element_type3A_464, %cond3A_465 : i32
      scf.if %cond3A_466 {
        %add3A_569 = arith.constant 4 : i32
        %add3A_570 = arith.addi %add3A_438, %add3A_569 : i32
        %dma_start3A_571 = arith.constant 0 : i32
        %dma_start3A_572 = tpu.memref_slice %arg9[%add3A_570, %dma_start3A_571] : memref<160x128xi32, #tpu.memory_space<vmem>> -> memref<1x128xi32, #tpu.memory_space<vmem>>
        %dma_start3A_573 = tpu.memref_squeeze %dma_start3A_572 : memref<1x128xi32, #tpu.memory_space<vmem>> -> memref<128xi32, #tpu.memory_space<vmem>>
        %dma_start3A_574 = arith.constant 0 : i32
        %dma_start3A_575 = arith.constant 0 : i32
        %dma_start3A_576 = tpu.memref_slice %arg2[%dma_start3A_574, %dma_start3A_575] : memref<80000x64xbf16, #tpu.memory_space<hbm>> -> memref<80000x64xbf16, #tpu.memory_space<hbm>>
        tpu.enqueue_indirect_dma source(%dma_start3A_576 : memref<80000x64xbf16, #tpu.memory_space<hbm>>) target(%arg11 : memref<128x64xbf16, #tpu.memory_space<vmem>>) offsets(%dma_start3A_573 : memref<128xi32, #tpu.memory_space<vmem>>) semaphore(%arg21 : memref<!tpu.dma_semaphore, #tpu.memory_space<semaphore_mem>>)
      } else {
      }
      %mul3A_467 = arith.constant 8 : i32
      %mul3A_468 = arith.muli %mul3A_467, %scan3A_303 : i32
      %add3A_469 = arith.constant 5 : i32
      %add3A_470 = arith.addi %mul3A_468, %add3A_469 : i32
      %dma_wait3A_471 = arith.constant 0 : i32
      %dma_wait3A_472 = tpu.memref_slice %arg9[%add3A_470, %dma_wait3A_471] : memref<160x128xi32, #tpu.memory_space<vmem>> -> memref<1x128xi32, #tpu.memory_space<vmem>>
      %dma_wait3A_473 = tpu.memref_squeeze %dma_wait3A_472 : memref<1x128xi32, #tpu.memory_space<vmem>> -> memref<128xi32, #tpu.memory_space<vmem>>
      %dma_wait3A_474 = arith.constant 0 : i32
      %dma_wait3A_475 = arith.constant 0 : i32
      %dma_wait3A_476 = tpu.memref_slice %arg2[%dma_wait3A_474, %dma_wait3A_475] : memref<80000x64xbf16, #tpu.memory_space<hbm>> -> memref<80000x64xbf16, #tpu.memory_space<hbm>>
      tpu.wait_indirect_dma semaphore(%arg26 : memref<!tpu.dma_semaphore, #tpu.memory_space<semaphore_mem>>) src(%dma_wait3A_476 : memref<80000x64xbf16, #tpu.memory_space<hbm>>) dst(%arg16 : memref<128x64xbf16, #tpu.memory_space<vmem>>)
      %dma_start3A_477 = arith.constant 0 : i32
      %dma_start3A_478 = tpu.memref_slice %arg10[%add3A_470, %dma_start3A_477] : memref<160x128xi32, #tpu.memory_space<vmem>> -> memref<1x128xi32, #tpu.memory_space<vmem>>
      %dma_start3A_479 = tpu.memref_squeeze %dma_start3A_478 : memref<1x128xi32, #tpu.memory_space<vmem>> -> memref<128xi32, #tpu.memory_space<vmem>>
      %dma_start3A_480 = arith.constant 0 : i32
      %dma_start3A_481 = arith.constant 0 : i32
      %dma_start3A_482 = tpu.memref_slice %arg20[%dma_start3A_480, %dma_start3A_481] : memref<10112x64xbf16, #tpu.memory_space<vmem_shared>> -> memref<10112x64xbf16, #tpu.memory_space<vmem_shared>>
      tpu.enqueue_indirect_dma source(%arg16 : memref<128x64xbf16, #tpu.memory_space<vmem>>) target(%dma_start3A_482 : memref<10112x64xbf16, #tpu.memory_space<vmem_shared>>) offsets(%dma_start3A_479 : memref<128xi32, #tpu.memory_space<vmem>>) semaphore(%arg34 : memref<!tpu.dma_semaphore, #tpu.memory_space<semaphore_mem>>) {add = true}
      %eq3A_483 = arith.constant 0 : i32
      %eq3A_484 = arith.cmpi eq, %arg0, %eq3A_483 : i32
      %convert_element_type3A_485 = arith.extui %eq3A_484 : i1 to i32
      %cond3A_486 = arith.constant 0 : i32
      %cond3A_487 = arith.cmpi ne, %convert_element_type3A_485, %cond3A_486 : i32
      scf.if %cond3A_487 {
        %get3A = arith.index_cast %add3A_470 : i32 to index
        %get3A_569 = arith.constant 0 : index
        %get3A_570 = tpu.vector_load %arg10[%get3A, %get3A_569] {strides = array<i32>} : memref<160x128xi32, #tpu.memory_space<vmem>>, vector<16xi32>,
        tpu.vector_store_idx %arg19[%get3A_570], %broadcast_in_dim3A_0 {add = true} : memref<10112xf32, #tpu.memory_space<vmem>>[vector<16xi32>], vector<16xf32>,
        %get3A_571 = arith.index_cast %add3A_470 : i32 to index
        %get3A_572 = arith.constant 16 : index
        %get3A_573 = tpu.vector_load %arg10[%get3A_571, %get3A_572] {strides = array<i32>} : memref<160x128xi32, #tpu.memory_space<vmem>>, vector<16xi32>,
        tpu.vector_store_idx %arg19[%get3A_573], %broadcast_in_dim3A_0 {add = true} : memref<10112xf32, #tpu.memory_space<vmem>>[vector<16xi32>], vector<16xf32>,
        %get3A_574 = arith.index_cast %add3A_470 : i32 to index
        %get3A_575 = arith.constant 32 : index
        %get3A_576 = tpu.vector_load %arg10[%get3A_574, %get3A_575] {strides = array<i32>} : memref<160x128xi32, #tpu.memory_space<vmem>>, vector<16xi32>,
        tpu.vector_store_idx %arg19[%get3A_576], %broadcast_in_dim3A_0 {add = true} : memref<10112xf32, #tpu.memory_space<vmem>>[vector<16xi32>], vector<16xf32>,
        %get3A_577 = arith.index_cast %add3A_470 : i32 to index
        %get3A_578 = arith.constant 48 : index
        %get3A_579 = tpu.vector_load %arg10[%get3A_577, %get3A_578] {strides = array<i32>} : memref<160x128xi32, #tpu.memory_space<vmem>>, vector<16xi32>,
        tpu.vector_store_idx %arg19[%get3A_579], %broadcast_in_dim3A_0 {add = true} : memref<10112xf32, #tpu.memory_space<vmem>>[vector<16xi32>], vector<16xf32>,
        %get3A_580 = arith.index_cast %add3A_470 : i32 to index
        %get3A_581 = arith.constant 64 : index
        %get3A_582 = tpu.vector_load %arg10[%get3A_580, %get3A_581] {strides = array<i32>} : memref<160x128xi32, #tpu.memory_space<vmem>>, vector<16xi32>,
        tpu.vector_store_idx %arg19[%get3A_582], %broadcast_in_dim3A_0 {add = true} : memref<10112xf32, #tpu.memory_space<vmem>>[vector<16xi32>], vector<16xf32>,
        %get3A_583 = arith.index_cast %add3A_470 : i32 to index
        %get3A_584 = arith.constant 80 : index
        %get3A_585 = tpu.vector_load %arg10[%get3A_583, %get3A_584] {strides = array<i32>} : memref<160x128xi32, #tpu.memory_space<vmem>>, vector<16xi32>,
        tpu.vector_store_idx %arg19[%get3A_585], %broadcast_in_dim3A_0 {add = true} : memref<10112xf32, #tpu.memory_space<vmem>>[vector<16xi32>], vector<16xf32>,
        %get3A_586 = arith.index_cast %add3A_470 : i32 to index
        %get3A_587 = arith.constant 96 : index
        %get3A_588 = tpu.vector_load %arg10[%get3A_586, %get3A_587] {strides = array<i32>} : memref<160x128xi32, #tpu.memory_space<vmem>>, vector<16xi32>,
        tpu.vector_store_idx %arg19[%get3A_588], %broadcast_in_dim3A_0 {add = true} : memref<10112xf32, #tpu.memory_space<vmem>>[vector<16xi32>], vector<16xf32>,
        %get3A_589 = arith.index_cast %add3A_470 : i32 to index
        %get3A_590 = arith.constant 112 : index
        %get3A_591 = tpu.vector_load %arg10[%get3A_589, %get3A_590] {strides = array<i32>} : memref<160x128xi32, #tpu.memory_space<vmem>>, vector<16xi32>,
        tpu.vector_store_idx %arg19[%get3A_591], %broadcast_in_dim3A_0 {add = true} : memref<10112xf32, #tpu.memory_space<vmem>>[vector<16xi32>], vector<16xf32>,
      } else {
      }
      %sub3A_488 = arith.constant 4 : i32
      %sub3A_489 = arith.subi %add3A_470, %sub3A_488 : i32
      %dma_wait3A_490 = arith.constant 0 : i32
      %dma_wait3A_491 = tpu.memref_slice %arg10[%sub3A_489, %dma_wait3A_490] : memref<160x128xi32, #tpu.memory_space<vmem>> -> memref<1x128xi32, #tpu.memory_space<vmem>>
      %dma_wait3A_492 = tpu.memref_squeeze %dma_wait3A_491 : memref<1x128xi32, #tpu.memory_space<vmem>> -> memref<128xi32, #tpu.memory_space<vmem>>
      %dma_wait3A_493 = arith.constant 0 : i32
      %dma_wait3A_494 = arith.constant 0 : i32
      %dma_wait3A_495 = tpu.memref_slice %arg20[%dma_wait3A_493, %dma_wait3A_494] : memref<10112x64xbf16, #tpu.memory_space<vmem_shared>> -> memref<10112x64xbf16, #tpu.memory_space<vmem_shared>>
      tpu.wait_indirect_dma semaphore(%arg30 : memref<!tpu.dma_semaphore, #tpu.memory_space<semaphore_mem>>) src(%arg12 : memref<128x64xbf16, #tpu.memory_space<vmem>>) dst(%dma_wait3A_495 : memref<10112x64xbf16, #tpu.memory_space<vmem_shared>>)
      %lt3A_496 = arith.constant 19 : i32
      %lt3A_497 = arith.cmpi slt, %scan3A_303, %lt3A_496 : i32
      %convert_element_type3A_498 = arith.extui %lt3A_497 : i1 to i32
      %cond3A_499 = arith.constant 0 : i32
      %cond3A_500 = arith.cmpi ne, %convert_element_type3A_498, %cond3A_499 : i32
      scf.if %cond3A_500 {
        %add3A_569 = arith.constant 4 : i32
        %add3A_570 = arith.addi %add3A_470, %add3A_569 : i32
        %dma_start3A_571 = arith.constant 0 : i32
        %dma_start3A_572 = tpu.memref_slice %arg9[%add3A_570, %dma_start3A_571] : memref<160x128xi32, #tpu.memory_space<vmem>> -> memref<1x128xi32, #tpu.memory_space<vmem>>
        %dma_start3A_573 = tpu.memref_squeeze %dma_start3A_572 : memref<1x128xi32, #tpu.memory_space<vmem>> -> memref<128xi32, #tpu.memory_space<vmem>>
        %dma_start3A_574 = arith.constant 0 : i32
        %dma_start3A_575 = arith.constant 0 : i32
        %dma_start3A_576 = tpu.memref_slice %arg2[%dma_start3A_574, %dma_start3A_575] : memref<80000x64xbf16, #tpu.memory_space<hbm>> -> memref<80000x64xbf16, #tpu.memory_space<hbm>>
        tpu.enqueue_indirect_dma source(%dma_start3A_576 : memref<80000x64xbf16, #tpu.memory_space<hbm>>) target(%arg12 : memref<128x64xbf16, #tpu.memory_space<vmem>>) offsets(%dma_start3A_573 : memref<128xi32, #tpu.memory_space<vmem>>) semaphore(%arg22 : memref<!tpu.dma_semaphore, #tpu.memory_space<semaphore_mem>>)
      } else {
      }
      %mul3A_501 = arith.constant 8 : i32
      %mul3A_502 = arith.muli %mul3A_501, %scan3A_303 : i32
      %add3A_503 = arith.constant 6 : i32
      %add3A_504 = arith.addi %mul3A_502, %add3A_503 : i32
      %dma_wait3A_505 = arith.constant 0 : i32
      %dma_wait3A_506 = tpu.memref_slice %arg9[%add3A_504, %dma_wait3A_505] : memref<160x128xi32, #tpu.memory_space<vmem>> -> memref<1x128xi32, #tpu.memory_space<vmem>>
      %dma_wait3A_507 = tpu.memref_squeeze %dma_wait3A_506 : memref<1x128xi32, #tpu.memory_space<vmem>> -> memref<128xi32, #tpu.memory_space<vmem>>
      %dma_wait3A_508 = arith.constant 0 : i32
      %dma_wait3A_509 = arith.constant 0 : i32
      %dma_wait3A_510 = tpu.memref_slice %arg2[%dma_wait3A_508, %dma_wait3A_509] : memref<80000x64xbf16, #tpu.memory_space<hbm>> -> memref<80000x64xbf16, #tpu.memory_space<hbm>>
      tpu.wait_indirect_dma semaphore(%arg27 : memref<!tpu.dma_semaphore, #tpu.memory_space<semaphore_mem>>) src(%dma_wait3A_510 : memref<80000x64xbf16, #tpu.memory_space<hbm>>) dst(%arg17 : memref<128x64xbf16, #tpu.memory_space<vmem>>)
      %dma_start3A_511 = arith.constant 0 : i32
      %dma_start3A_512 = tpu.memref_slice %arg10[%add3A_504, %dma_start3A_511] : memref<160x128xi32, #tpu.memory_space<vmem>> -> memref<1x128xi32, #tpu.memory_space<vmem>>
      %dma_start3A_513 = tpu.memref_squeeze %dma_start3A_512 : memref<1x128xi32, #tpu.memory_space<vmem>> -> memref<128xi32, #tpu.memory_space<vmem>>
      %dma_start3A_514 = arith.constant 0 : i32
      %dma_start3A_515 = arith.constant 0 : i32
      %dma_start3A_516 = tpu.memref_slice %arg20[%dma_start3A_514, %dma_start3A_515] : memref<10112x64xbf16, #tpu.memory_space<vmem_shared>> -> memref<10112x64xbf16, #tpu.memory_space<vmem_shared>>
      tpu.enqueue_indirect_dma source(%arg17 : memref<128x64xbf16, #tpu.memory_space<vmem>>) target(%dma_start3A_516 : memref<10112x64xbf16, #tpu.memory_space<vmem_shared>>) offsets(%dma_start3A_513 : memref<128xi32, #tpu.memory_space<vmem>>) semaphore(%arg35 : memref<!tpu.dma_semaphore, #tpu.memory_space<semaphore_mem>>) {add = true}
      %eq3A_517 = arith.constant 0 : i32
      %eq3A_518 = arith.cmpi eq, %arg0, %eq3A_517 : i32
      %convert_element_type3A_519 = arith.extui %eq3A_518 : i1 to i32
      %cond3A_520 = arith.constant 0 : i32
      %cond3A_521 = arith.cmpi ne, %convert_element_type3A_519, %cond3A_520 : i32
      scf.if %cond3A_521 {
        %get3A = arith.index_cast %add3A_504 : i32 to index
        %get3A_569 = arith.constant 0 : index
        %get3A_570 = tpu.vector_load %arg10[%get3A, %get3A_569] {strides = array<i32>} : memref<160x128xi32, #tpu.memory_space<vmem>>, vector<16xi32>,
        tpu.vector_store_idx %arg19[%get3A_570], %broadcast_in_dim3A_0 {add = true} : memref<10112xf32, #tpu.memory_space<vmem>>[vector<16xi32>], vector<16xf32>,
        %get3A_571 = arith.index_cast %add3A_504 : i32 to index
        %get3A_572 = arith.constant 16 : index
        %get3A_573 = tpu.vector_load %arg10[%get3A_571, %get3A_572] {strides = array<i32>} : memref<160x128xi32, #tpu.memory_space<vmem>>, vector<16xi32>,
        tpu.vector_store_idx %arg19[%get3A_573], %broadcast_in_dim3A_0 {add = true} : memref<10112xf32, #tpu.memory_space<vmem>>[vector<16xi32>], vector<16xf32>,
        %get3A_574 = arith.index_cast %add3A_504 : i32 to index
        %get3A_575 = arith.constant 32 : index
        %get3A_576 = tpu.vector_load %arg10[%get3A_574, %get3A_575] {strides = array<i32>} : memref<160x128xi32, #tpu.memory_space<vmem>>, vector<16xi32>,
        tpu.vector_store_idx %arg19[%get3A_576], %broadcast_in_dim3A_0 {add = true} : memref<10112xf32, #tpu.memory_space<vmem>>[vector<16xi32>], vector<16xf32>,
        %get3A_577 = arith.index_cast %add3A_504 : i32 to index
        %get3A_578 = arith.constant 48 : index
        %get3A_579 = tpu.vector_load %arg10[%get3A_577, %get3A_578] {strides = array<i32>} : memref<160x128xi32, #tpu.memory_space<vmem>>, vector<16xi32>,
        tpu.vector_store_idx %arg19[%get3A_579], %broadcast_in_dim3A_0 {add = true} : memref<10112xf32, #tpu.memory_space<vmem>>[vector<16xi32>], vector<16xf32>,
        %get3A_580 = arith.index_cast %add3A_504 : i32 to index
        %get3A_581 = arith.constant 64 : index
        %get3A_582 = tpu.vector_load %arg10[%get3A_580, %get3A_581] {strides = array<i32>} : memref<160x128xi32, #tpu.memory_space<vmem>>, vector<16xi32>,
        tpu.vector_store_idx %arg19[%get3A_582], %broadcast_in_dim3A_0 {add = true} : memref<10112xf32, #tpu.memory_space<vmem>>[vector<16xi32>], vector<16xf32>,
        %get3A_583 = arith.index_cast %add3A_504 : i32 to index
        %get3A_584 = arith.constant 80 : index
        %get3A_585 = tpu.vector_load %arg10[%get3A_583, %get3A_584] {strides = array<i32>} : memref<160x128xi32, #tpu.memory_space<vmem>>, vector<16xi32>,
        tpu.vector_store_idx %arg19[%get3A_585], %broadcast_in_dim3A_0 {add = true} : memref<10112xf32, #tpu.memory_space<vmem>>[vector<16xi32>], vector<16xf32>,
        %get3A_586 = arith.index_cast %add3A_504 : i32 to index
        %get3A_587 = arith.constant 96 : index
        %get3A_588 = tpu.vector_load %arg10[%get3A_586, %get3A_587] {strides = array<i32>} : memref<160x128xi32, #tpu.memory_space<vmem>>, vector<16xi32>,
        tpu.vector_store_idx %arg19[%get3A_588], %broadcast_in_dim3A_0 {add = true} : memref<10112xf32, #tpu.memory_space<vmem>>[vector<16xi32>], vector<16xf32>,
        %get3A_589 = arith.index_cast %add3A_504 : i32 to index
        %get3A_590 = arith.constant 112 : index
        %get3A_591 = tpu.vector_load %arg10[%get3A_589, %get3A_590] {strides = array<i32>} : memref<160x128xi32, #tpu.memory_space<vmem>>, vector<16xi32>,
        tpu.vector_store_idx %arg19[%get3A_591], %broadcast_in_dim3A_0 {add = true} : memref<10112xf32, #tpu.memory_space<vmem>>[vector<16xi32>], vector<16xf32>,
      } else {
      }
      %sub3A_522 = arith.constant 4 : i32
      %sub3A_523 = arith.subi %add3A_504, %sub3A_522 : i32
      %dma_wait3A_524 = arith.constant 0 : i32
      %dma_wait3A_525 = tpu.memref_slice %arg10[%sub3A_523, %dma_wait3A_524] : memref<160x128xi32, #tpu.memory_space<vmem>> -> memref<1x128xi32, #tpu.memory_space<vmem>>
      %dma_wait3A_526 = tpu.memref_squeeze %dma_wait3A_525 : memref<1x128xi32, #tpu.memory_space<vmem>> -> memref<128xi32, #tpu.memory_space<vmem>>
      %dma_wait3A_527 = arith.constant 0 : i32
      %dma_wait3A_528 = arith.constant 0 : i32
      %dma_wait3A_529 = tpu.memref_slice %arg20[%dma_wait3A_527, %dma_wait3A_528] : memref<10112x64xbf16, #tpu.memory_space<vmem_shared>> -> memref<10112x64xbf16, #tpu.memory_space<vmem_shared>>
      tpu.wait_indirect_dma semaphore(%arg31 : memref<!tpu.dma_semaphore, #tpu.memory_space<semaphore_mem>>) src(%arg13 : memref<128x64xbf16, #tpu.memory_space<vmem>>) dst(%dma_wait3A_529 : memref<10112x64xbf16, #tpu.memory_space<vmem_shared>>)
      %lt3A_530 = arith.constant 19 : i32
      %lt3A_531 = arith.cmpi slt, %scan3A_303, %lt3A_530 : i32
      %convert_element_type3A_532 = arith.extui %lt3A_531 : i1 to i32
      %cond3A_533 = arith.constant 0 : i32
      %cond3A_534 = arith.cmpi ne, %convert_element_type3A_532, %cond3A_533 : i32
      scf.if %cond3A_534 {
        %add3A_569 = arith.constant 4 : i32
        %add3A_570 = arith.addi %add3A_504, %add3A_569 : i32
        %dma_start3A_571 = arith.constant 0 : i32
        %dma_start3A_572 = tpu.memref_slice %arg9[%add3A_570, %dma_start3A_571] : memref<160x128xi32, #tpu.memory_space<vmem>> -> memref<1x128xi32, #tpu.memory_space<vmem>>
        %dma_start3A_573 = tpu.memref_squeeze %dma_start3A_572 : memref<1x128xi32, #tpu.memory_space<vmem>> -> memref<128xi32, #tpu.memory_space<vmem>>
        %dma_start3A_574 = arith.constant 0 : i32
        %dma_start3A_575 = arith.constant 0 : i32
        %dma_start3A_576 = tpu.memref_slice %arg2[%dma_start3A_574, %dma_start3A_575] : memref<80000x64xbf16, #tpu.memory_space<hbm>> -> memref<80000x64xbf16, #tpu.memory_space<hbm>>
        tpu.enqueue_indirect_dma source(%dma_start3A_576 : memref<80000x64xbf16, #tpu.memory_space<hbm>>) target(%arg13 : memref<128x64xbf16, #tpu.memory_space<vmem>>) offsets(%dma_start3A_573 : memref<128xi32, #tpu.memory_space<vmem>>) semaphore(%arg23 : memref<!tpu.dma_semaphore, #tpu.memory_space<semaphore_mem>>)
      } else {
      }
      %mul3A_535 = arith.constant 8 : i32
      %mul3A_536 = arith.muli %mul3A_535, %scan3A_303 : i32
      %add3A_537 = arith.constant 7 : i32
      %add3A_538 = arith.addi %mul3A_536, %add3A_537 : i32
      %dma_wait3A_539 = arith.constant 0 : i32
      %dma_wait3A_540 = tpu.memref_slice %arg9[%add3A_538, %dma_wait3A_539] : memref<160x128xi32, #tpu.memory_space<vmem>> -> memref<1x128xi32, #tpu.memory_space<vmem>>
      %dma_wait3A_541 = tpu.memref_squeeze %dma_wait3A_540 : memref<1x128xi32, #tpu.memory_space<vmem>> -> memref<128xi32, #tpu.memory_space<vmem>>
      %dma_wait3A_542 = arith.constant 0 : i32
      %dma_wait3A_543 = arith.constant 0 : i32
      %dma_wait3A_544 = tpu.memref_slice %arg2[%dma_wait3A_542, %dma_wait3A_543] : memref<80000x64xbf16, #tpu.memory_space<hbm>> -> memref<80000x64xbf16, #tpu.memory_space<hbm>>
      tpu.wait_indirect_dma semaphore(%arg28 : memref<!tpu.dma_semaphore, #tpu.memory_space<semaphore_mem>>) src(%dma_wait3A_544 : memref<80000x64xbf16, #tpu.memory_space<hbm>>) dst(%arg18 : memref<128x64xbf16, #tpu.memory_space<vmem>>)
      %dma_start3A_545 = arith.constant 0 : i32
      %dma_start3A_546 = tpu.memref_slice %arg10[%add3A_538, %dma_start3A_545] : memref<160x128xi32, #tpu.memory_space<vmem>> -> memref<1x128xi32, #tpu.memory_space<vmem>>
      %dma_start3A_547 = tpu.memref_squeeze %dma_start3A_546 : memref<1x128xi32, #tpu.memory_space<vmem>> -> memref<128xi32, #tpu.memory_space<vmem>>
      %dma_start3A_548 = arith.constant 0 : i32
      %dma_start3A_549 = arith.constant 0 : i32
      %dma_start3A_550 = tpu.memref_slice %arg20[%dma_start3A_548, %dma_start3A_549] : memref<10112x64xbf16, #tpu.memory_space<vmem_shared>> -> memref<10112x64xbf16, #tpu.memory_space<vmem_shared>>
      tpu.enqueue_indirect_dma source(%arg18 : memref<128x64xbf16, #tpu.memory_space<vmem>>) target(%dma_start3A_550 : memref<10112x64xbf16, #tpu.memory_space<vmem_shared>>) offsets(%dma_start3A_547 : memref<128xi32, #tpu.memory_space<vmem>>) semaphore(%arg36 : memref<!tpu.dma_semaphore, #tpu.memory_space<semaphore_mem>>) {add = true}
      %eq3A_551 = arith.constant 0 : i32
      %eq3A_552 = arith.cmpi eq, %arg0, %eq3A_551 : i32
      %convert_element_type3A_553 = arith.extui %eq3A_552 : i1 to i32
      %cond3A_554 = arith.constant 0 : i32
      %cond3A_555 = arith.cmpi ne, %convert_element_type3A_553, %cond3A_554 : i32
      scf.if %cond3A_555 {
        %get3A = arith.index_cast %add3A_538 : i32 to index
        %get3A_569 = arith.constant 0 : index
        %get3A_570 = tpu.vector_load %arg10[%get3A, %get3A_569] {strides = array<i32>} : memref<160x128xi32, #tpu.memory_space<vmem>>, vector<16xi32>,
        tpu.vector_store_idx %arg19[%get3A_570], %broadcast_in_dim3A_0 {add = true} : memref<10112xf32, #tpu.memory_space<vmem>>[vector<16xi32>], vector<16xf32>,
        %get3A_571 = arith.index_cast %add3A_538 : i32 to index
        %get3A_572 = arith.constant 16 : index
        %get3A_573 = tpu.vector_load %arg10[%get3A_571, %get3A_572] {strides = array<i32>} : memref<160x128xi32, #tpu.memory_space<vmem>>, vector<16xi32>,
        tpu.vector_store_idx %arg19[%get3A_573], %broadcast_in_dim3A_0 {add = true} : memref<10112xf32, #tpu.memory_space<vmem>>[vector<16xi32>], vector<16xf32>,
        %get3A_574 = arith.index_cast %add3A_538 : i32 to index
        %get3A_575 = arith.constant 32 : index
        %get3A_576 = tpu.vector_load %arg10[%get3A_574, %get3A_575] {strides = array<i32>} : memref<160x128xi32, #tpu.memory_space<vmem>>, vector<16xi32>,
        tpu.vector_store_idx %arg19[%get3A_576], %broadcast_in_dim3A_0 {add = true} : memref<10112xf32, #tpu.memory_space<vmem>>[vector<16xi32>], vector<16xf32>,
        %get3A_577 = arith.index_cast %add3A_538 : i32 to index
        %get3A_578 = arith.constant 48 : index
        %get3A_579 = tpu.vector_load %arg10[%get3A_577, %get3A_578] {strides = array<i32>} : memref<160x128xi32, #tpu.memory_space<vmem>>, vector<16xi32>,
        tpu.vector_store_idx %arg19[%get3A_579], %broadcast_in_dim3A_0 {add = true} : memref<10112xf32, #tpu.memory_space<vmem>>[vector<16xi32>], vector<16xf32>,
        %get3A_580 = arith.index_cast %add3A_538 : i32 to index
        %get3A_581 = arith.constant 64 : index
        %get3A_582 = tpu.vector_load %arg10[%get3A_580, %get3A_581] {strides = array<i32>} : memref<160x128xi32, #tpu.memory_space<vmem>>, vector<16xi32>,
        tpu.vector_store_idx %arg19[%get3A_582], %broadcast_in_dim3A_0 {add = true} : memref<10112xf32, #tpu.memory_space<vmem>>[vector<16xi32>], vector<16xf32>,
        %get3A_583 = arith.index_cast %add3A_538 : i32 to index
        %get3A_584 = arith.constant 80 : index
        %get3A_585 = tpu.vector_load %arg10[%get3A_583, %get3A_584] {strides = array<i32>} : memref<160x128xi32, #tpu.memory_space<vmem>>, vector<16xi32>,
        tpu.vector_store_idx %arg19[%get3A_585], %broadcast_in_dim3A_0 {add = true} : memref<10112xf32, #tpu.memory_space<vmem>>[vector<16xi32>], vector<16xf32>,
        %get3A_586 = arith.index_cast %add3A_538 : i32 to index
        %get3A_587 = arith.constant 96 : index
        %get3A_588 = tpu.vector_load %arg10[%get3A_586, %get3A_587] {strides = array<i32>} : memref<160x128xi32, #tpu.memory_space<vmem>>, vector<16xi32>,
        tpu.vector_store_idx %arg19[%get3A_588], %broadcast_in_dim3A_0 {add = true} : memref<10112xf32, #tpu.memory_space<vmem>>[vector<16xi32>], vector<16xf32>,
        %get3A_589 = arith.index_cast %add3A_538 : i32 to index
        %get3A_590 = arith.constant 112 : index
        %get3A_591 = tpu.vector_load %arg10[%get3A_589, %get3A_590] {strides = array<i32>} : memref<160x128xi32, #tpu.memory_space<vmem>>, vector<16xi32>,
        tpu.vector_store_idx %arg19[%get3A_591], %broadcast_in_dim3A_0 {add = true} : memref<10112xf32, #tpu.memory_space<vmem>>[vector<16xi32>], vector<16xf32>,
      } else {
      }
      %sub3A_556 = arith.constant 4 : i32
      %sub3A_557 = arith.subi %add3A_538, %sub3A_556 : i32
      %dma_wait3A_558 = arith.constant 0 : i32
      %dma_wait3A_559 = tpu.memref_slice %arg10[%sub3A_557, %dma_wait3A_558] : memref<160x128xi32, #tpu.memory_space<vmem>> -> memref<1x128xi32, #tpu.memory_space<vmem>>
      %dma_wait3A_560 = tpu.memref_squeeze %dma_wait3A_559 : memref<1x128xi32, #tpu.memory_space<vmem>> -> memref<128xi32, #tpu.memory_space<vmem>>
      %dma_wait3A_561 = arith.constant 0 : i32
      %dma_wait3A_562 = arith.constant 0 : i32
      %dma_wait3A_563 = tpu.memref_slice %arg20[%dma_wait3A_561, %dma_wait3A_562] : memref<10112x64xbf16, #tpu.memory_space<vmem_shared>> -> memref<10112x64xbf16, #tpu.memory_space<vmem_shared>>
      tpu.wait_indirect_dma semaphore(%arg32 : memref<!tpu.dma_semaphore, #tpu.memory_space<semaphore_mem>>) src(%arg14 : memref<128x64xbf16, #tpu.memory_space<vmem>>) dst(%dma_wait3A_563 : memref<10112x64xbf16, #tpu.memory_space<vmem_shared>>)
      %lt3A_564 = arith.constant 19 : i32
      %lt3A_565 = arith.cmpi slt, %scan3A_303, %lt3A_564 : i32
      %convert_element_type3A_566 = arith.extui %lt3A_565 : i1 to i32
      %cond3A_567 = arith.constant 0 : i32
      %cond3A_568 = arith.cmpi ne, %convert_element_type3A_566, %cond3A_567 : i32
      scf.if %cond3A_568 {
        %add3A_569 = arith.constant 4 : i32
        %add3A_570 = arith.addi %add3A_538, %add3A_569 : i32
        %dma_start3A_571 = arith.constant 0 : i32
        %dma_start3A_572 = tpu.memref_slice %arg9[%add3A_570, %dma_start3A_571] : memref<160x128xi32, #tpu.memory_space<vmem>> -> memref<1x128xi32, #tpu.memory_space<vmem>>
        %dma_start3A_573 = tpu.memref_squeeze %dma_start3A_572 : memref<1x128xi32, #tpu.memory_space<vmem>> -> memref<128xi32, #tpu.memory_space<vmem>>
        %dma_start3A_574 = arith.constant 0 : i32
        %dma_start3A_575 = arith.constant 0 : i32
        %dma_start3A_576 = tpu.memref_slice %arg2[%dma_start3A_574, %dma_start3A_575] : memref<80000x64xbf16, #tpu.memory_space<hbm>> -> memref<80000x64xbf16, #tpu.memory_space<hbm>>
        tpu.enqueue_indirect_dma source(%dma_start3A_576 : memref<80000x64xbf16, #tpu.memory_space<hbm>>) target(%arg14 : memref<128x64xbf16, #tpu.memory_space<vmem>>) offsets(%dma_start3A_573 : memref<128xi32, #tpu.memory_space<vmem>>) semaphore(%arg24 : memref<!tpu.dma_semaphore, #tpu.memory_space<semaphore_mem>>)
      } else {
      }
    }
    %scan3A_36 = arith.constant 20 : i32
    %dma_wait3A = arith.constant 156 : i32
    %dma_wait3A_37 = arith.constant 0 : i32
    %dma_wait3A_38 = tpu.memref_slice %arg10[%dma_wait3A, %dma_wait3A_37] : memref<160x128xi32, #tpu.memory_space<vmem>> -> memref<1x128xi32, #tpu.memory_space<vmem>>
    %dma_wait3A_39 = tpu.memref_squeeze %dma_wait3A_38 : memref<1x128xi32, #tpu.memory_space<vmem>> -> memref<128xi32, #tpu.memory_space<vmem>>
    %dma_wait3A_40 = arith.constant 0 : i32
    %dma_wait3A_41 = arith.constant 0 : i32
    %dma_wait3A_42 = tpu.memref_slice %arg20[%dma_wait3A_40, %dma_wait3A_41] : memref<10112x64xbf16, #tpu.memory_space<vmem_shared>> -> memref<10112x64xbf16, #tpu.memory_space<vmem_shared>>
    tpu.wait_indirect_dma semaphore(%arg33 : memref<!tpu.dma_semaphore, #tpu.memory_space<semaphore_mem>>) src(%arg15 : memref<128x64xbf16, #tpu.memory_space<vmem>>) dst(%dma_wait3A_42 : memref<10112x64xbf16, #tpu.memory_space<vmem_shared>>)
    %dma_wait3A_43 = arith.constant 157 : i32
    %dma_wait3A_44 = arith.constant 0 : i32
    %dma_wait3A_45 = tpu.memref_slice %arg10[%dma_wait3A_43, %dma_wait3A_44] : memref<160x128xi32, #tpu.memory_space<vmem>> -> memref<1x128xi32, #tpu.memory_space<vmem>>
    %dma_wait3A_46 = tpu.memref_squeeze %dma_wait3A_45 : memref<1x128xi32, #tpu.memory_space<vmem>> -> memref<128xi32, #tpu.memory_space<vmem>>
    %dma_wait3A_47 = arith.constant 0 : i32
    %dma_wait3A_48 = arith.constant 0 : i32
    %dma_wait3A_49 = tpu.memref_slice %arg20[%dma_wait3A_47, %dma_wait3A_48] : memref<10112x64xbf16, #tpu.memory_space<vmem_shared>> -> memref<10112x64xbf16, #tpu.memory_space<vmem_shared>>
    tpu.wait_indirect_dma semaphore(%arg34 : memref<!tpu.dma_semaphore, #tpu.memory_space<semaphore_mem>>) src(%arg16 : memref<128x64xbf16, #tpu.memory_space<vmem>>) dst(%dma_wait3A_49 : memref<10112x64xbf16, #tpu.memory_space<vmem_shared>>)
    %dma_wait3A_50 = arith.constant 158 : i32
    %dma_wait3A_51 = arith.constant 0 : i32
    %dma_wait3A_52 = tpu.memref_slice %arg10[%dma_wait3A_50, %dma_wait3A_51] : memref<160x128xi32, #tpu.memory_space<vmem>> -> memref<1x128xi32, #tpu.memory_space<vmem>>
    %dma_wait3A_53 = tpu.memref_squeeze %dma_wait3A_52 : memref<1x128xi32, #tpu.memory_space<vmem>> -> memref<128xi32, #tpu.memory_space<vmem>>
    %dma_wait3A_54 = arith.constant 0 : i32
    %dma_wait3A_55 = arith.constant 0 : i32
    %dma_wait3A_56 = tpu.memref_slice %arg20[%dma_wait3A_54, %dma_wait3A_55] : memref<10112x64xbf16, #tpu.memory_space<vmem_shared>> -> memref<10112x64xbf16, #tpu.memory_space<vmem_shared>>
    tpu.wait_indirect_dma semaphore(%arg35 : memref<!tpu.dma_semaphore, #tpu.memory_space<semaphore_mem>>) src(%arg17 : memref<128x64xbf16, #tpu.memory_space<vmem>>) dst(%dma_wait3A_56 : memref<10112x64xbf16, #tpu.memory_space<vmem_shared>>)
    %dma_wait3A_57 = arith.constant 159 : i32
    %dma_wait3A_58 = arith.constant 0 : i32
    %dma_wait3A_59 = tpu.memref_slice %arg10[%dma_wait3A_57, %dma_wait3A_58] : memref<160x128xi32, #tpu.memory_space<vmem>> -> memref<1x128xi32, #tpu.memory_space<vmem>>
    %dma_wait3A_60 = tpu.memref_squeeze %dma_wait3A_59 : memref<1x128xi32, #tpu.memory_space<vmem>> -> memref<128xi32, #tpu.memory_space<vmem>>
    %dma_wait3A_61 = arith.constant 0 : i32
    %dma_wait3A_62 = arith.constant 0 : i32
    %dma_wait3A_63 = tpu.memref_slice %arg20[%dma_wait3A_61, %dma_wait3A_62] : memref<10112x64xbf16, #tpu.memory_space<vmem_shared>> -> memref<10112x64xbf16, #tpu.memory_space<vmem_shared>>
    tpu.wait_indirect_dma semaphore(%arg36 : memref<!tpu.dma_semaphore, #tpu.memory_space<semaphore_mem>>) src(%arg18 : memref<128x64xbf16, #tpu.memory_space<vmem>>) dst(%dma_wait3A_63 : memref<10112x64xbf16, #tpu.memory_space<vmem_shared>>)
    %barrier3A_64 = arith.constant 0 : index
    tpu.barrier barrier_id(%barrier3A_64)
    %mul3A_65 = arith.constant 632 : i32
    %mul3A_66 = arith.muli %arg1, %mul3A_65 : i32
    %mul3A_67 = arith.constant 632 : i32
    %mul3A_68 = arith.muli %arg1, %mul3A_67 : i32
    %run_scoped3A_69 = arith.constant 0 : i32
    "tpu.region"() ({
      %run_scoped3A_303 = tpu.sem_alloc : memref<!tpu.dma_semaphore, #tpu.memory_space<semaphore_mem>>
      %dma_start3A_304 = arith.constant 0 : i32
      %dma_start3A_305 = tpu.memref_slice %arg7[%run_scoped3A_69, %arg0, %mul3A_68, %dma_start3A_304] : memref<4x2x10112x64xbf16, #tpu.memory_space<hbm>> -> memref<1x1x632x64xbf16, #tpu.memory_space<hbm>>
      %dma_start3A_306 = tpu.memref_squeeze %dma_start3A_305 : memref<1x1x632x64xbf16, #tpu.memory_space<hbm>> -> memref<632x64xbf16, #tpu.memory_space<hbm>>
      %dma_start3A_307 = arith.constant 0 : i32
      %dma_start3A_308 = tpu.memref_slice %arg20[%mul3A_66, %dma_start3A_307] : memref<10112x64xbf16, #tpu.memory_space<vmem_shared>> -> memref<632x64xbf16, #tpu.memory_space<vmem_shared>>
      tpu.enqueue_dma source(%dma_start3A_308 : memref<632x64xbf16, #tpu.memory_space<vmem_shared>>) target(%dma_start3A_306 : memref<632x64xbf16, #tpu.memory_space<hbm>>) target_semaphore(%run_scoped3A_303 : memref<!tpu.dma_semaphore, #tpu.memory_space<semaphore_mem>>)
      %dma_wait3A_309 = arith.constant 0 : i32
      %dma_wait3A_310 = tpu.memref_slice %arg7[%run_scoped3A_69, %arg0, %mul3A_68, %dma_wait3A_309] : memref<4x2x10112x64xbf16, #tpu.memory_space<hbm>> -> memref<1x1x632x64xbf16, #tpu.memory_space<hbm>>
      %dma_wait3A_311 = tpu.memref_squeeze %dma_wait3A_310 : memref<1x1x632x64xbf16, #tpu.memory_space<hbm>> -> memref<632x64xbf16, #tpu.memory_space<hbm>>
      %dma_wait3A_312 = arith.constant 0 : i32
      %dma_wait3A_313 = tpu.memref_slice %arg20[%mul3A_66, %dma_wait3A_312] : memref<10112x64xbf16, #tpu.memory_space<vmem_shared>> -> memref<632x64xbf16, #tpu.memory_space<vmem_shared>>
      tpu.wait_dma2 semaphore(%run_scoped3A_303 : memref<!tpu.dma_semaphore, #tpu.memory_space<semaphore_mem>>) src(%dma_wait3A_313 : memref<632x64xbf16, #tpu.memory_space<vmem_shared>>) dst(%dma_wait3A_311 : memref<632x64xbf16, #tpu.memory_space<hbm>>)
      tpu.yield
    }) : () -> ()
    %run_scoped3A_70 = arith.constant 0 : i32
    "tpu.region"() ({
      %run_scoped3A_303 = tpu.sem_alloc : memref<!tpu.dma_semaphore, #tpu.memory_space<semaphore_mem>>
      %dma_start3A_304 = arith.constant 0 : i32
      %dma_start3A_305 = tpu.memref_slice %arg8[%run_scoped3A_70, %arg0, %arg1, %dma_start3A_304] : memref<4x2x16x10112xf32, #tpu.memory_space<hbm>> -> memref<1x1x1x10112xf32, #tpu.memory_space<hbm>>
      %dma_start3A_306 = tpu.memref_squeeze %dma_start3A_305 : memref<1x1x1x10112xf32, #tpu.memory_space<hbm>> -> memref<10112xf32, #tpu.memory_space<hbm>>
      %dma_start3A_307 = arith.constant 0 : i32
      %dma_start3A_308 = tpu.memref_slice %arg8[%run_scoped3A_70, %arg0, %arg1, %dma_start3A_307] : memref<4x2x16x10112xf32, #tpu.memory_space<hbm>> -> memref<1x1x1x10112xf32, #tpu.memory_space<hbm>>
      %dma_start3A_309 = tpu.memref_squeeze %dma_start3A_308 : memref<1x1x1x10112xf32, #tpu.memory_space<hbm>> -> memref<10112xf32, #tpu.memory_space<hbm>>
      tpu.enqueue_dma source(%arg19 : memref<10112xf32, #tpu.memory_space<vmem>>) target(%dma_start3A_309 : memref<10112xf32, #tpu.memory_space<hbm>>) target_semaphore(%run_scoped3A_303 : memref<!tpu.dma_semaphore, #tpu.memory_space<semaphore_mem>>)
      %dma_wait3A_310 = arith.constant 0 : i32
      %dma_wait3A_311 = tpu.memref_slice %arg8[%run_scoped3A_70, %arg0, %arg1, %dma_wait3A_310] : memref<4x2x16x10112xf32, #tpu.memory_space<hbm>> -> memref<1x1x1x10112xf32, #tpu.memory_space<hbm>>
      %dma_wait3A_312 = tpu.memref_squeeze %dma_wait3A_311 : memref<1x1x1x10112xf32, #tpu.memory_space<hbm>> -> memref<10112xf32, #tpu.memory_space<hbm>>
      %dma_wait3A_313 = arith.constant 0 : i32
      %dma_wait3A_314 = tpu.memref_slice %arg8[%run_scoped3A_70, %arg0, %arg1, %dma_wait3A_313] : memref<4x2x16x10112xf32, #tpu.memory_space<hbm>> -> memref<1x1x1x10112xf32, #tpu.memory_space<hbm>>
      %dma_wait3A_315 = tpu.memref_squeeze %dma_wait3A_314 : memref<1x1x1x10112xf32, #tpu.memory_space<hbm>> -> memref<10112xf32, #tpu.memory_space<hbm>>
      tpu.wait_dma2 semaphore(%run_scoped3A_303 : memref<!tpu.dma_semaphore, #tpu.memory_space<semaphore_mem>>) src(%arg19 : memref<10112xf32, #tpu.memory_space<vmem>>) dst(%dma_wait3A_315 : memref<10112xf32, #tpu.memory_space<hbm>>)
      tpu.yield
    }) : () -> ()
    %barrier3A_71 = arith.constant 0 : index
    tpu.barrier barrier_id(%barrier3A_71)
    %mul3A_72 = arith.constant 632 : i32
    %mul3A_73 = arith.muli %arg1, %mul3A_72 : i32
    %mul3A_74 = arith.constant 632 : i32
    %mul3A_75 = arith.muli %arg1, %mul3A_74 : i32
    "tpu.region"() ({
      %run_scoped3A_303 = tpu.sem_alloc : memref<!tpu.dma_semaphore, #tpu.memory_space<semaphore_mem>>
      %dma_start3A_304 = arith.constant 0 : i32
      %dma_start3A_305 = tpu.memref_slice %arg20[%mul3A_75, %dma_start3A_304] : memref<10112x64xbf16, #tpu.memory_space<vmem_shared>> -> memref<632x64xbf16, #tpu.memory_space<vmem_shared>>
      %dma_start3A_306 = arith.constant 0 : i32
      %dma_start3A_307 = tpu.memref_slice %arg5[%mul3A_73, %dma_start3A_306] : memref<10112x64xbf16, #tpu.memory_space<hbm>> -> memref<632x64xbf16, #tpu.memory_space<hbm>>
      tpu.enqueue_dma source(%dma_start3A_307 : memref<632x64xbf16, #tpu.memory_space<hbm>>) target(%dma_start3A_305 : memref<632x64xbf16, #tpu.memory_space<vmem_shared>>) target_semaphore(%run_scoped3A_303 : memref<!tpu.dma_semaphore, #tpu.memory_space<semaphore_mem>>)
      %dma_wait3A_308 = arith.constant 0 : i32
      %dma_wait3A_309 = tpu.memref_slice %arg20[%mul3A_75, %dma_wait3A_308] : memref<10112x64xbf16, #tpu.memory_space<vmem_shared>> -> memref<632x64xbf16, #tpu.memory_space<vmem_shared>>
      %dma_wait3A_310 = arith.constant 0 : i32
      %dma_wait3A_311 = tpu.memref_slice %arg5[%mul3A_73, %dma_wait3A_310] : memref<10112x64xbf16, #tpu.memory_space<hbm>> -> memref<632x64xbf16, #tpu.memory_space<hbm>>
      tpu.wait_dma2 semaphore(%run_scoped3A_303 : memref<!tpu.dma_semaphore, #tpu.memory_space<semaphore_mem>>) src(%dma_wait3A_311 : memref<632x64xbf16, #tpu.memory_space<hbm>>) dst(%dma_wait3A_309 : memref<632x64xbf16, #tpu.memory_space<vmem_shared>>)
      tpu.yield
    }) : () -> ()
    "tpu.region"() ({
      %run_scoped3A_303 = tpu.sem_alloc : memref<!tpu.dma_semaphore, #tpu.memory_space<semaphore_mem>>
      tpu.enqueue_dma source(%arg6 : memref<10112xf32, #tpu.memory_space<hbm>>) target(%arg19 : memref<10112xf32, #tpu.memory_space<vmem>>) target_semaphore(%run_scoped3A_303 : memref<!tpu.dma_semaphore, #tpu.memory_space<semaphore_mem>>)
      tpu.wait_dma2 semaphore(%run_scoped3A_303 : memref<!tpu.dma_semaphore, #tpu.memory_space<semaphore_mem>>) src(%arg6 : memref<10112xf32, #tpu.memory_space<hbm>>) dst(%arg19 : memref<10112xf32, #tpu.memory_space<vmem>>)
      tpu.yield
    }) : () -> ()
    %barrier3A_76 = arith.constant 0 : index
    tpu.barrier barrier_id(%barrier3A_76)
    %run_scoped3A_77 = arith.constant 1 : i32
    "tpu.region"() ({
      %run_scoped3A_303 = tpu.sem_alloc : memref<!tpu.dma_semaphore, #tpu.memory_space<semaphore_mem>>
      %dma_start3A_304 = arith.constant 0 : i32
      %dma_start3A_305 = arith.constant 0 : i32
      %dma_start3A_306 = tpu.memref_slice %arg3[%arg0, %run_scoped3A_77, %arg1, %dma_start3A_304, %dma_start3A_305] : memref<2x4x16x160x128xi32, #tpu.memory_space<hbm>> -> memref<1x1x1x160x128xi32, #tpu.memory_space<hbm>>
      %dma_start3A_307 = tpu.memref_squeeze %dma_start3A_306 : memref<1x1x1x160x128xi32, #tpu.memory_space<hbm>> -> memref<160x128xi32, #tpu.memory_space<hbm>>
      %dma_start3A_308 = arith.constant 0 : i32
      %dma_start3A_309 = arith.constant 0 : i32
      %dma_start3A_310 = tpu.memref_slice %arg3[%arg0, %run_scoped3A_77, %arg1, %dma_start3A_308, %dma_start3A_309] : memref<2x4x16x160x128xi32, #tpu.memory_space<hbm>> -> memref<1x1x1x160x128xi32, #tpu.memory_space<hbm>>
      %dma_start3A_311 = tpu.memref_squeeze %dma_start3A_310 : memref<1x1x1x160x128xi32, #tpu.memory_space<hbm>> -> memref<160x128xi32, #tpu.memory_space<hbm>>
      tpu.enqueue_dma source(%dma_start3A_311 : memref<160x128xi32, #tpu.memory_space<hbm>>) target(%arg9 : memref<160x128xi32, #tpu.memory_space<vmem>>) target_semaphore(%run_scoped3A_303 : memref<!tpu.dma_semaphore, #tpu.memory_space<semaphore_mem>>)
      %dma_wait3A_312 = arith.constant 0 : i32
      %dma_wait3A_313 = arith.constant 0 : i32
      %dma_wait3A_314 = tpu.memref_slice %arg3[%arg0, %run_scoped3A_77, %arg1, %dma_wait3A_312, %dma_wait3A_313] : memref<2x4x16x160x128xi32, #tpu.memory_space<hbm>> -> memref<1x1x1x160x128xi32, #tpu.memory_space<hbm>>
      %dma_wait3A_315 = tpu.memref_squeeze %dma_wait3A_314 : memref<1x1x1x160x128xi32, #tpu.memory_space<hbm>> -> memref<160x128xi32, #tpu.memory_space<hbm>>
      %dma_wait3A_316 = arith.constant 0 : i32
      %dma_wait3A_317 = arith.constant 0 : i32
      %dma_wait3A_318 = tpu.memref_slice %arg3[%arg0, %run_scoped3A_77, %arg1, %dma_wait3A_316, %dma_wait3A_317] : memref<2x4x16x160x128xi32, #tpu.memory_space<hbm>> -> memref<1x1x1x160x128xi32, #tpu.memory_space<hbm>>
      %dma_wait3A_319 = tpu.memref_squeeze %dma_wait3A_318 : memref<1x1x1x160x128xi32, #tpu.memory_space<hbm>> -> memref<160x128xi32, #tpu.memory_space<hbm>>
      tpu.wait_dma2 semaphore(%run_scoped3A_303 : memref<!tpu.dma_semaphore, #tpu.memory_space<semaphore_mem>>) src(%dma_wait3A_319 : memref<160x128xi32, #tpu.memory_space<hbm>>) dst(%arg9 : memref<160x128xi32, #tpu.memory_space<vmem>>)
      tpu.yield
    }) : () -> ()
    %run_scoped3A_78 = arith.constant 1 : i32
    "tpu.region"() ({
      %run_scoped3A_303 = tpu.sem_alloc : memref<!tpu.dma_semaphore, #tpu.memory_space<semaphore_mem>>
      %dma_start3A_304 = arith.constant 0 : i32
      %dma_start3A_305 = arith.constant 0 : i32
      %dma_start3A_306 = tpu.memref_slice %arg4[%run_scoped3A_78, %arg1, %dma_start3A_304, %dma_start3A_305] : memref<4x16x160x128xi32, #tpu.memory_space<hbm>> -> memref<1x1x160x128xi32, #tpu.memory_space<hbm>>
      %dma_start3A_307 = tpu.memref_squeeze %dma_start3A_306 : memref<1x1x160x128xi32, #tpu.memory_space<hbm>> -> memref<160x128xi32, #tpu.memory_space<hbm>>
      %dma_start3A_308 = arith.constant 0 : i32
      %dma_start3A_309 = arith.constant 0 : i32
      %dma_start3A_310 = tpu.memref_slice %arg4[%run_scoped3A_78, %arg1, %dma_start3A_308, %dma_start3A_309] : memref<4x16x160x128xi32, #tpu.memory_space<hbm>> -> memref<1x1x160x128xi32, #tpu.memory_space<hbm>>
      %dma_start3A_311 = tpu.memref_squeeze %dma_start3A_310 : memref<1x1x160x128xi32, #tpu.memory_space<hbm>> -> memref<160x128xi32, #tpu.memory_space<hbm>>
      tpu.enqueue_dma source(%dma_start3A_311 : memref<160x128xi32, #tpu.memory_space<hbm>>) target(%arg10 : memref<160x128xi32, #tpu.memory_space<vmem>>) target_semaphore(%run_scoped3A_303 : memref<!tpu.dma_semaphore, #tpu.memory_space<semaphore_mem>>)
      %dma_wait3A_312 = arith.constant 0 : i32
      %dma_wait3A_313 = arith.constant 0 : i32
      %dma_wait3A_314 = tpu.memref_slice %arg4[%run_scoped3A_78, %arg1, %dma_wait3A_312, %dma_wait3A_313] : memref<4x16x160x128xi32, #tpu.memory_space<hbm>> -> memref<1x1x160x128xi32, #tpu.memory_space<hbm>>
      %dma_wait3A_315 = tpu.memref_squeeze %dma_wait3A_314 : memref<1x1x160x128xi32, #tpu.memory_space<hbm>> -> memref<160x128xi32, #tpu.memory_space<hbm>>
      %dma_wait3A_316 = arith.constant 0 : i32
      %dma_wait3A_317 = arith.constant 0 : i32
      %dma_wait3A_318 = tpu.memref_slice %arg4[%run_scoped3A_78, %arg1, %dma_wait3A_316, %dma_wait3A_317] : memref<4x16x160x128xi32, #tpu.memory_space<hbm>> -> memref<1x1x160x128xi32, #tpu.memory_space<hbm>>
      %dma_wait3A_319 = tpu.memref_squeeze %dma_wait3A_318 : memref<1x1x160x128xi32, #tpu.memory_space<hbm>> -> memref<160x128xi32, #tpu.memory_space<hbm>>
      tpu.wait_dma2 semaphore(%run_scoped3A_303 : memref<!tpu.dma_semaphore, #tpu.memory_space<semaphore_mem>>) src(%dma_wait3A_319 : memref<160x128xi32, #tpu.memory_space<hbm>>) dst(%arg10 : memref<160x128xi32, #tpu.memory_space<vmem>>)
      tpu.yield
    }) : () -> ()
    %dma_start3A_79 = arith.constant 0 : i32
    %dma_start3A_80 = arith.constant 0 : i32
    %dma_start3A_81 = tpu.memref_slice %arg9[%dma_start3A_79, %dma_start3A_80] : memref<160x128xi32, #tpu.memory_space<vmem>> -> memref<1x128xi32, #tpu.memory_space<vmem>>
    %dma_start3A_82 = tpu.memref_squeeze %dma_start3A_81 : memref<1x128xi32, #tpu.memory_space<vmem>> -> memref<128xi32, #tpu.memory_space<vmem>>
    %dma_start3A_83 = arith.constant 0 : i32
    %dma_start3A_84 = arith.constant 0 : i32
    %dma_start3A_85 = tpu.memref_slice %arg2[%dma_start3A_83, %dma_start3A_84] : memref<80000x64xbf16, #tpu.memory_space<hbm>> -> memref<80000x64xbf16, #tpu.memory_space<hbm>>
    tpu.enqueue_indirect_dma source(%dma_start3A_85 : memref<80000x64xbf16, #tpu.memory_space<hbm>>) target(%arg11 : memref<128x64xbf16, #tpu.memory_space<vmem>>) offsets(%dma_start3A_82 : memref<128xi32, #tpu.memory_space<vmem>>) semaphore(%arg21 : memref<!tpu.dma_semaphore, #tpu.memory_space<semaphore_mem>>)
    %dma_start3A_86 = arith.constant 1 : i32
    %dma_start3A_87 = arith.constant 0 : i32
    %dma_start3A_88 = tpu.memref_slice %arg9[%dma_start3A_86, %dma_start3A_87] : memref<160x128xi32, #tpu.memory_space<vmem>> -> memref<1x128xi32, #tpu.memory_space<vmem>>
    %dma_start3A_89 = tpu.memref_squeeze %dma_start3A_88 : memref<1x128xi32, #tpu.memory_space<vmem>> -> memref<128xi32, #tpu.memory_space<vmem>>
    %dma_start3A_90 = arith.constant 0 : i32
    %dma_start3A_91 = arith.constant 0 : i32
    %dma_start3A_92 = tpu.memref_slice %arg2[%dma_start3A_90, %dma_start3A_91] : memref<80000x64xbf16, #tpu.memory_space<hbm>> -> memref<80000x64xbf16, #tpu.memory_space<hbm>>
    tpu.enqueue_indirect_dma source(%dma_start3A_92 : memref<80000x64xbf16, #tpu.memory_space<hbm>>) target(%arg12 : memref<128x64xbf16, #tpu.memory_space<vmem>>) offsets(%dma_start3A_89 : memref<128xi32, #tpu.memory_space<vmem>>) semaphore(%arg22 : memref<!tpu.dma_semaphore, #tpu.memory_space<semaphore_mem>>)
    %dma_start3A_93 = arith.constant 2 : i32
    %dma_start3A_94 = arith.constant 0 : i32
    %dma_start3A_95 = tpu.memref_slice %arg9[%dma_start3A_93, %dma_start3A_94] : memref<160x128xi32, #tpu.memory_space<vmem>> -> memref<1x128xi32, #tpu.memory_space<vmem>>
    %dma_start3A_96 = tpu.memref_squeeze %dma_start3A_95 : memref<1x128xi32, #tpu.memory_space<vmem>> -> memref<128xi32, #tpu.memory_space<vmem>>
    %dma_start3A_97 = arith.constant 0 : i32
    %dma_start3A_98 = arith.constant 0 : i32
    %dma_start3A_99 = tpu.memref_slice %arg2[%dma_start3A_97, %dma_start3A_98] : memref<80000x64xbf16, #tpu.memory_space<hbm>> -> memref<80000x64xbf16, #tpu.memory_space<hbm>>
    tpu.enqueue_indirect_dma source(%dma_start3A_99 : memref<80000x64xbf16, #tpu.memory_space<hbm>>) target(%arg13 : memref<128x64xbf16, #tpu.memory_space<vmem>>) offsets(%dma_start3A_96 : memref<128xi32, #tpu.memory_space<vmem>>) semaphore(%arg23 : memref<!tpu.dma_semaphore, #tpu.memory_space<semaphore_mem>>)
    %dma_start3A_100 = arith.constant 3 : i32
    %dma_start3A_101 = arith.constant 0 : i32
    %dma_start3A_102 = tpu.memref_slice %arg9[%dma_start3A_100, %dma_start3A_101] : memref<160x128xi32, #tpu.memory_space<vmem>> -> memref<1x128xi32, #tpu.memory_space<vmem>>
    %dma_start3A_103 = tpu.memref_squeeze %dma_start3A_102 : memref<1x128xi32, #tpu.memory_space<vmem>> -> memref<128xi32, #tpu.memory_space<vmem>>
    %dma_start3A_104 = arith.constant 0 : i32
    %dma_start3A_105 = arith.constant 0 : i32
    %dma_start3A_106 = tpu.memref_slice %arg2[%dma_start3A_104, %dma_start3A_105] : memref<80000x64xbf16, #tpu.memory_space<hbm>> -> memref<80000x64xbf16, #tpu.memory_space<hbm>>
    tpu.enqueue_indirect_dma source(%dma_start3A_106 : memref<80000x64xbf16, #tpu.memory_space<hbm>>) target(%arg14 : memref<128x64xbf16, #tpu.memory_space<vmem>>) offsets(%dma_start3A_103 : memref<128xi32, #tpu.memory_space<vmem>>) semaphore(%arg24 : memref<!tpu.dma_semaphore, #tpu.memory_space<semaphore_mem>>)
    %scan3A_107 = arith.constant 0 : i32
    %scan3A_108 = arith.constant 0 : i32
    %scan3A_109 = arith.constant 20 : i32
    %scan3A_110 = arith.addi %scan3A_108, %scan3A_109 : i32
    %scan3A_111 = arith.constant 1 : i32
    scf.for %scan3A_303 = %scan3A_108 to %scan3A_110 step %scan3A_111  : i32 {
      %mul3A_304 = arith.constant 8 : i32
      %mul3A_305 = arith.muli %mul3A_304, %scan3A_303 : i32
      %add3A = arith.constant 0 : i32
      %add3A_306 = arith.addi %mul3A_305, %add3A : i32
      %dma_wait3A_307 = arith.constant 0 : i32
      %dma_wait3A_308 = tpu.memref_slice %arg9[%add3A_306, %dma_wait3A_307] : memref<160x128xi32, #tpu.memory_space<vmem>> -> memref<1x128xi32, #tpu.memory_space<vmem>>
      %dma_wait3A_309 = tpu.memref_squeeze %dma_wait3A_308 : memref<1x128xi32, #tpu.memory_space<vmem>> -> memref<128xi32, #tpu.memory_space<vmem>>
      %dma_wait3A_310 = arith.constant 0 : i32
      %dma_wait3A_311 = arith.constant 0 : i32
      %dma_wait3A_312 = tpu.memref_slice %arg2[%dma_wait3A_310, %dma_wait3A_311] : memref<80000x64xbf16, #tpu.memory_space<hbm>> -> memref<80000x64xbf16, #tpu.memory_space<hbm>>
      tpu.wait_indirect_dma semaphore(%arg21 : memref<!tpu.dma_semaphore, #tpu.memory_space<semaphore_mem>>) src(%dma_wait3A_312 : memref<80000x64xbf16, #tpu.memory_space<hbm>>) dst(%arg11 : memref<128x64xbf16, #tpu.memory_space<vmem>>)
      %dma_start3A_313 = arith.constant 0 : i32
      %dma_start3A_314 = tpu.memref_slice %arg10[%add3A_306, %dma_start3A_313] : memref<160x128xi32, #tpu.memory_space<vmem>> -> memref<1x128xi32, #tpu.memory_space<vmem>>
      %dma_start3A_315 = tpu.memref_squeeze %dma_start3A_314 : memref<1x128xi32, #tpu.memory_space<vmem>> -> memref<128xi32, #tpu.memory_space<vmem>>
      %dma_start3A_316 = arith.constant 0 : i32
      %dma_start3A_317 = arith.constant 0 : i32
      %dma_start3A_318 = tpu.memref_slice %arg20[%dma_start3A_316, %dma_start3A_317] : memref<10112x64xbf16, #tpu.memory_space<vmem_shared>> -> memref<10112x64xbf16, #tpu.memory_space<vmem_shared>>
      tpu.enqueue_indirect_dma source(%arg11 : memref<128x64xbf16, #tpu.memory_space<vmem>>) target(%dma_start3A_318 : memref<10112x64xbf16, #tpu.memory_space<vmem_shared>>) offsets(%dma_start3A_315 : memref<128xi32, #tpu.memory_space<vmem>>) semaphore(%arg29 : memref<!tpu.dma_semaphore, #tpu.memory_space<semaphore_mem>>) {add = true}
      %eq3A = arith.constant 0 : i32
      %eq3A_319 = arith.cmpi eq, %arg0, %eq3A : i32
      %convert_element_type3A = arith.extui %eq3A_319 : i1 to i32
      %cond3A = arith.constant 0 : i32
      %cond3A_320 = arith.cmpi ne, %convert_element_type3A, %cond3A : i32
      scf.if %cond3A_320 {
        %get3A = arith.index_cast %add3A_306 : i32 to index
        %get3A_569 = arith.constant 0 : index
        %get3A_570 = tpu.vector_load %arg10[%get3A, %get3A_569] {strides = array<i32>} : memref<160x128xi32, #tpu.memory_space<vmem>>, vector<16xi32>,
        tpu.vector_store_idx %arg19[%get3A_570], %broadcast_in_dim3A_0 {add = true} : memref<10112xf32, #tpu.memory_space<vmem>>[vector<16xi32>], vector<16xf32>,
        %get3A_571 = arith.index_cast %add3A_306 : i32 to index
        %get3A_572 = arith.constant 16 : index
        %get3A_573 = tpu.vector_load %arg10[%get3A_571, %get3A_572] {strides = array<i32>} : memref<160x128xi32, #tpu.memory_space<vmem>>, vector<16xi32>,
        tpu.vector_store_idx %arg19[%get3A_573], %broadcast_in_dim3A_0 {add = true} : memref<10112xf32, #tpu.memory_space<vmem>>[vector<16xi32>], vector<16xf32>,
        %get3A_574 = arith.index_cast %add3A_306 : i32 to index
        %get3A_575 = arith.constant 32 : index
        %get3A_576 = tpu.vector_load %arg10[%get3A_574, %get3A_575] {strides = array<i32>} : memref<160x128xi32, #tpu.memory_space<vmem>>, vector<16xi32>,
        tpu.vector_store_idx %arg19[%get3A_576], %broadcast_in_dim3A_0 {add = true} : memref<10112xf32, #tpu.memory_space<vmem>>[vector<16xi32>], vector<16xf32>,
        %get3A_577 = arith.index_cast %add3A_306 : i32 to index
        %get3A_578 = arith.constant 48 : index
        %get3A_579 = tpu.vector_load %arg10[%get3A_577, %get3A_578] {strides = array<i32>} : memref<160x128xi32, #tpu.memory_space<vmem>>, vector<16xi32>,
        tpu.vector_store_idx %arg19[%get3A_579], %broadcast_in_dim3A_0 {add = true} : memref<10112xf32, #tpu.memory_space<vmem>>[vector<16xi32>], vector<16xf32>,
        %get3A_580 = arith.index_cast %add3A_306 : i32 to index
        %get3A_581 = arith.constant 64 : index
        %get3A_582 = tpu.vector_load %arg10[%get3A_580, %get3A_581] {strides = array<i32>} : memref<160x128xi32, #tpu.memory_space<vmem>>, vector<16xi32>,
        tpu.vector_store_idx %arg19[%get3A_582], %broadcast_in_dim3A_0 {add = true} : memref<10112xf32, #tpu.memory_space<vmem>>[vector<16xi32>], vector<16xf32>,
        %get3A_583 = arith.index_cast %add3A_306 : i32 to index
        %get3A_584 = arith.constant 80 : index
        %get3A_585 = tpu.vector_load %arg10[%get3A_583, %get3A_584] {strides = array<i32>} : memref<160x128xi32, #tpu.memory_space<vmem>>, vector<16xi32>,
        tpu.vector_store_idx %arg19[%get3A_585], %broadcast_in_dim3A_0 {add = true} : memref<10112xf32, #tpu.memory_space<vmem>>[vector<16xi32>], vector<16xf32>,
        %get3A_586 = arith.index_cast %add3A_306 : i32 to index
        %get3A_587 = arith.constant 96 : index
        %get3A_588 = tpu.vector_load %arg10[%get3A_586, %get3A_587] {strides = array<i32>} : memref<160x128xi32, #tpu.memory_space<vmem>>, vector<16xi32>,
        tpu.vector_store_idx %arg19[%get3A_588], %broadcast_in_dim3A_0 {add = true} : memref<10112xf32, #tpu.memory_space<vmem>>[vector<16xi32>], vector<16xf32>,
        %get3A_589 = arith.index_cast %add3A_306 : i32 to index
        %get3A_590 = arith.constant 112 : index
        %get3A_591 = tpu.vector_load %arg10[%get3A_589, %get3A_590] {strides = array<i32>} : memref<160x128xi32, #tpu.memory_space<vmem>>, vector<16xi32>,
        tpu.vector_store_idx %arg19[%get3A_591], %broadcast_in_dim3A_0 {add = true} : memref<10112xf32, #tpu.memory_space<vmem>>[vector<16xi32>], vector<16xf32>,
      } else {
      }
      %gt3A = arith.constant 0 : i32
      %gt3A_321 = arith.cmpi sgt, %scan3A_303, %gt3A : i32
      %convert_element_type3A_322 = arith.extui %gt3A_321 : i1 to i32
      %cond3A_323 = arith.constant 0 : i32
      %cond3A_324 = arith.cmpi ne, %convert_element_type3A_322, %cond3A_323 : i32
      scf.if %cond3A_324 {
        %sub3A_569 = arith.constant 4 : i32
        %sub3A_570 = arith.subi %add3A_306, %sub3A_569 : i32
        %dma_wait3A_571 = arith.constant 0 : i32
        %dma_wait3A_572 = tpu.memref_slice %arg10[%sub3A_570, %dma_wait3A_571] : memref<160x128xi32, #tpu.memory_space<vmem>> -> memref<1x128xi32, #tpu.memory_space<vmem>>
        %dma_wait3A_573 = tpu.memref_squeeze %dma_wait3A_572 : memref<1x128xi32, #tpu.memory_space<vmem>> -> memref<128xi32, #tpu.memory_space<vmem>>
        %dma_wait3A_574 = arith.constant 0 : i32
        %dma_wait3A_575 = arith.constant 0 : i32
        %dma_wait3A_576 = tpu.memref_slice %arg20[%dma_wait3A_574, %dma_wait3A_575] : memref<10112x64xbf16, #tpu.memory_space<vmem_shared>> -> memref<10112x64xbf16, #tpu.memory_space<vmem_shared>>
        tpu.wait_indirect_dma semaphore(%arg33 : memref<!tpu.dma_semaphore, #tpu.memory_space<semaphore_mem>>) src(%arg15 : memref<128x64xbf16, #tpu.memory_space<vmem>>) dst(%dma_wait3A_576 : memref<10112x64xbf16, #tpu.memory_space<vmem_shared>>)
      } else {
      }
      %add3A_325 = arith.constant 4 : i32
      %add3A_326 = arith.addi %add3A_306, %add3A_325 : i32
      %dma_start3A_327 = arith.constant 0 : i32
      %dma_start3A_328 = tpu.memref_slice %arg9[%add3A_326, %dma_start3A_327] : memref<160x128xi32, #tpu.memory_space<vmem>> -> memref<1x128xi32, #tpu.memory_space<vmem>>
      %dma_start3A_329 = tpu.memref_squeeze %dma_start3A_328 : memref<1x128xi32, #tpu.memory_space<vmem>> -> memref<128xi32, #tpu.memory_space<vmem>>
      %dma_start3A_330 = arith.constant 0 : i32
      %dma_start3A_331 = arith.constant 0 : i32
      %dma_start3A_332 = tpu.memref_slice %arg2[%dma_start3A_330, %dma_start3A_331] : memref<80000x64xbf16, #tpu.memory_space<hbm>> -> memref<80000x64xbf16, #tpu.memory_space<hbm>>
      tpu.enqueue_indirect_dma source(%dma_start3A_332 : memref<80000x64xbf16, #tpu.memory_space<hbm>>) target(%arg15 : memref<128x64xbf16, #tpu.memory_space<vmem>>) offsets(%dma_start3A_329 : memref<128xi32, #tpu.memory_space<vmem>>) semaphore(%arg25 : memref<!tpu.dma_semaphore, #tpu.memory_space<semaphore_mem>>)
      %mul3A_333 = arith.constant 8 : i32
      %mul3A_334 = arith.muli %mul3A_333, %scan3A_303 : i32
      %add3A_335 = arith.constant 1 : i32
      %add3A_336 = arith.addi %mul3A_334, %add3A_335 : i32
      %dma_wait3A_337 = arith.constant 0 : i32
      %dma_wait3A_338 = tpu.memref_slice %arg9[%add3A_336, %dma_wait3A_337] : memref<160x128xi32, #tpu.memory_space<vmem>> -> memref<1x128xi32, #tpu.memory_space<vmem>>
      %dma_wait3A_339 = tpu.memref_squeeze %dma_wait3A_338 : memref<1x128xi32, #tpu.memory_space<vmem>> -> memref<128xi32, #tpu.memory_space<vmem>>
      %dma_wait3A_340 = arith.constant 0 : i32
      %dma_wait3A_341 = arith.constant 0 : i32
      %dma_wait3A_342 = tpu.memref_slice %arg2[%dma_wait3A_340, %dma_wait3A_341] : memref<80000x64xbf16, #tpu.memory_space<hbm>> -> memref<80000x64xbf16, #tpu.memory_space<hbm>>
      tpu.wait_indirect_dma semaphore(%arg22 : memref<!tpu.dma_semaphore, #tpu.memory_space<semaphore_mem>>) src(%dma_wait3A_342 : memref<80000x64xbf16, #tpu.memory_space<hbm>>) dst(%arg12 : memref<128x64xbf16, #tpu.memory_space<vmem>>)
      %dma_start3A_343 = arith.constant 0 : i32
      %dma_start3A_344 = tpu.memref_slice %arg10[%add3A_336, %dma_start3A_343] : memref<160x128xi32, #tpu.memory_space<vmem>> -> memref<1x128xi32, #tpu.memory_space<vmem>>
      %dma_start3A_345 = tpu.memref_squeeze %dma_start3A_344 : memref<1x128xi32, #tpu.memory_space<vmem>> -> memref<128xi32, #tpu.memory_space<vmem>>
      %dma_start3A_346 = arith.constant 0 : i32
      %dma_start3A_347 = arith.constant 0 : i32
      %dma_start3A_348 = tpu.memref_slice %arg20[%dma_start3A_346, %dma_start3A_347] : memref<10112x64xbf16, #tpu.memory_space<vmem_shared>> -> memref<10112x64xbf16, #tpu.memory_space<vmem_shared>>
      tpu.enqueue_indirect_dma source(%arg12 : memref<128x64xbf16, #tpu.memory_space<vmem>>) target(%dma_start3A_348 : memref<10112x64xbf16, #tpu.memory_space<vmem_shared>>) offsets(%dma_start3A_345 : memref<128xi32, #tpu.memory_space<vmem>>) semaphore(%arg30 : memref<!tpu.dma_semaphore, #tpu.memory_space<semaphore_mem>>) {add = true}
      %eq3A_349 = arith.constant 0 : i32
      %eq3A_350 = arith.cmpi eq, %arg0, %eq3A_349 : i32
      %convert_element_type3A_351 = arith.extui %eq3A_350 : i1 to i32
      %cond3A_352 = arith.constant 0 : i32
      %cond3A_353 = arith.cmpi ne, %convert_element_type3A_351, %cond3A_352 : i32
      scf.if %cond3A_353 {
        %get3A = arith.index_cast %add3A_336 : i32 to index
        %get3A_569 = arith.constant 0 : index
        %get3A_570 = tpu.vector_load %arg10[%get3A, %get3A_569] {strides = array<i32>} : memref<160x128xi32, #tpu.memory_space<vmem>>, vector<16xi32>,
        tpu.vector_store_idx %arg19[%get3A_570], %broadcast_in_dim3A_0 {add = true} : memref<10112xf32, #tpu.memory_space<vmem>>[vector<16xi32>], vector<16xf32>,
        %get3A_571 = arith.index_cast %add3A_336 : i32 to index
        %get3A_572 = arith.constant 16 : index
        %get3A_573 = tpu.vector_load %arg10[%get3A_571, %get3A_572] {strides = array<i32>} : memref<160x128xi32, #tpu.memory_space<vmem>>, vector<16xi32>,
        tpu.vector_store_idx %arg19[%get3A_573], %broadcast_in_dim3A_0 {add = true} : memref<10112xf32, #tpu.memory_space<vmem>>[vector<16xi32>], vector<16xf32>,
        %get3A_574 = arith.index_cast %add3A_336 : i32 to index
        %get3A_575 = arith.constant 32 : index
        %get3A_576 = tpu.vector_load %arg10[%get3A_574, %get3A_575] {strides = array<i32>} : memref<160x128xi32, #tpu.memory_space<vmem>>, vector<16xi32>,
        tpu.vector_store_idx %arg19[%get3A_576], %broadcast_in_dim3A_0 {add = true} : memref<10112xf32, #tpu.memory_space<vmem>>[vector<16xi32>], vector<16xf32>,
        %get3A_577 = arith.index_cast %add3A_336 : i32 to index
        %get3A_578 = arith.constant 48 : index
        %get3A_579 = tpu.vector_load %arg10[%get3A_577, %get3A_578] {strides = array<i32>} : memref<160x128xi32, #tpu.memory_space<vmem>>, vector<16xi32>,
        tpu.vector_store_idx %arg19[%get3A_579], %broadcast_in_dim3A_0 {add = true} : memref<10112xf32, #tpu.memory_space<vmem>>[vector<16xi32>], vector<16xf32>,
        %get3A_580 = arith.index_cast %add3A_336 : i32 to index
        %get3A_581 = arith.constant 64 : index
        %get3A_582 = tpu.vector_load %arg10[%get3A_580, %get3A_581] {strides = array<i32>} : memref<160x128xi32, #tpu.memory_space<vmem>>, vector<16xi32>,
        tpu.vector_store_idx %arg19[%get3A_582], %broadcast_in_dim3A_0 {add = true} : memref<10112xf32, #tpu.memory_space<vmem>>[vector<16xi32>], vector<16xf32>,
        %get3A_583 = arith.index_cast %add3A_336 : i32 to index
        %get3A_584 = arith.constant 80 : index
        %get3A_585 = tpu.vector_load %arg10[%get3A_583, %get3A_584] {strides = array<i32>} : memref<160x128xi32, #tpu.memory_space<vmem>>, vector<16xi32>,
        tpu.vector_store_idx %arg19[%get3A_585], %broadcast_in_dim3A_0 {add = true} : memref<10112xf32, #tpu.memory_space<vmem>>[vector<16xi32>], vector<16xf32>,
        %get3A_586 = arith.index_cast %add3A_336 : i32 to index
        %get3A_587 = arith.constant 96 : index
        %get3A_588 = tpu.vector_load %arg10[%get3A_586, %get3A_587] {strides = array<i32>} : memref<160x128xi32, #tpu.memory_space<vmem>>, vector<16xi32>,
        tpu.vector_store_idx %arg19[%get3A_588], %broadcast_in_dim3A_0 {add = true} : memref<10112xf32, #tpu.memory_space<vmem>>[vector<16xi32>], vector<16xf32>,
        %get3A_589 = arith.index_cast %add3A_336 : i32 to index
        %get3A_590 = arith.constant 112 : index
        %get3A_591 = tpu.vector_load %arg10[%get3A_589, %get3A_590] {strides = array<i32>} : memref<160x128xi32, #tpu.memory_space<vmem>>, vector<16xi32>,
        tpu.vector_store_idx %arg19[%get3A_591], %broadcast_in_dim3A_0 {add = true} : memref<10112xf32, #tpu.memory_space<vmem>>[vector<16xi32>], vector<16xf32>,
      } else {
      }
      %gt3A_354 = arith.constant 0 : i32
      %gt3A_355 = arith.cmpi sgt, %scan3A_303, %gt3A_354 : i32
      %convert_element_type3A_356 = arith.extui %gt3A_355 : i1 to i32
      %cond3A_357 = arith.constant 0 : i32
      %cond3A_358 = arith.cmpi ne, %convert_element_type3A_356, %cond3A_357 : i32
      scf.if %cond3A_358 {
        %sub3A_569 = arith.constant 4 : i32
        %sub3A_570 = arith.subi %add3A_336, %sub3A_569 : i32
        %dma_wait3A_571 = arith.constant 0 : i32
        %dma_wait3A_572 = tpu.memref_slice %arg10[%sub3A_570, %dma_wait3A_571] : memref<160x128xi32, #tpu.memory_space<vmem>> -> memref<1x128xi32, #tpu.memory_space<vmem>>
        %dma_wait3A_573 = tpu.memref_squeeze %dma_wait3A_572 : memref<1x128xi32, #tpu.memory_space<vmem>> -> memref<128xi32, #tpu.memory_space<vmem>>
        %dma_wait3A_574 = arith.constant 0 : i32
        %dma_wait3A_575 = arith.constant 0 : i32
        %dma_wait3A_576 = tpu.memref_slice %arg20[%dma_wait3A_574, %dma_wait3A_575] : memref<10112x64xbf16, #tpu.memory_space<vmem_shared>> -> memref<10112x64xbf16, #tpu.memory_space<vmem_shared>>
        tpu.wait_indirect_dma semaphore(%arg34 : memref<!tpu.dma_semaphore, #tpu.memory_space<semaphore_mem>>) src(%arg16 : memref<128x64xbf16, #tpu.memory_space<vmem>>) dst(%dma_wait3A_576 : memref<10112x64xbf16, #tpu.memory_space<vmem_shared>>)
      } else {
      }
      %add3A_359 = arith.constant 4 : i32
      %add3A_360 = arith.addi %add3A_336, %add3A_359 : i32
      %dma_start3A_361 = arith.constant 0 : i32
      %dma_start3A_362 = tpu.memref_slice %arg9[%add3A_360, %dma_start3A_361] : memref<160x128xi32, #tpu.memory_space<vmem>> -> memref<1x128xi32, #tpu.memory_space<vmem>>
      %dma_start3A_363 = tpu.memref_squeeze %dma_start3A_362 : memref<1x128xi32, #tpu.memory_space<vmem>> -> memref<128xi32, #tpu.memory_space<vmem>>
      %dma_start3A_364 = arith.constant 0 : i32
      %dma_start3A_365 = arith.constant 0 : i32
      %dma_start3A_366 = tpu.memref_slice %arg2[%dma_start3A_364, %dma_start3A_365] : memref<80000x64xbf16, #tpu.memory_space<hbm>> -> memref<80000x64xbf16, #tpu.memory_space<hbm>>
      tpu.enqueue_indirect_dma source(%dma_start3A_366 : memref<80000x64xbf16, #tpu.memory_space<hbm>>) target(%arg16 : memref<128x64xbf16, #tpu.memory_space<vmem>>) offsets(%dma_start3A_363 : memref<128xi32, #tpu.memory_space<vmem>>) semaphore(%arg26 : memref<!tpu.dma_semaphore, #tpu.memory_space<semaphore_mem>>)
      %mul3A_367 = arith.constant 8 : i32
      %mul3A_368 = arith.muli %mul3A_367, %scan3A_303 : i32
      %add3A_369 = arith.constant 2 : i32
      %add3A_370 = arith.addi %mul3A_368, %add3A_369 : i32
      %dma_wait3A_371 = arith.constant 0 : i32
      %dma_wait3A_372 = tpu.memref_slice %arg9[%add3A_370, %dma_wait3A_371] : memref<160x128xi32, #tpu.memory_space<vmem>> -> memref<1x128xi32, #tpu.memory_space<vmem>>
      %dma_wait3A_373 = tpu.memref_squeeze %dma_wait3A_372 : memref<1x128xi32, #tpu.memory_space<vmem>> -> memref<128xi32, #tpu.memory_space<vmem>>
      %dma_wait3A_374 = arith.constant 0 : i32
      %dma_wait3A_375 = arith.constant 0 : i32
      %dma_wait3A_376 = tpu.memref_slice %arg2[%dma_wait3A_374, %dma_wait3A_375] : memref<80000x64xbf16, #tpu.memory_space<hbm>> -> memref<80000x64xbf16, #tpu.memory_space<hbm>>
      tpu.wait_indirect_dma semaphore(%arg23 : memref<!tpu.dma_semaphore, #tpu.memory_space<semaphore_mem>>) src(%dma_wait3A_376 : memref<80000x64xbf16, #tpu.memory_space<hbm>>) dst(%arg13 : memref<128x64xbf16, #tpu.memory_space<vmem>>)
      %dma_start3A_377 = arith.constant 0 : i32
      %dma_start3A_378 = tpu.memref_slice %arg10[%add3A_370, %dma_start3A_377] : memref<160x128xi32, #tpu.memory_space<vmem>> -> memref<1x128xi32, #tpu.memory_space<vmem>>
      %dma_start3A_379 = tpu.memref_squeeze %dma_start3A_378 : memref<1x128xi32, #tpu.memory_space<vmem>> -> memref<128xi32, #tpu.memory_space<vmem>>
      %dma_start3A_380 = arith.constant 0 : i32
      %dma_start3A_381 = arith.constant 0 : i32
      %dma_start3A_382 = tpu.memref_slice %arg20[%dma_start3A_380, %dma_start3A_381] : memref<10112x64xbf16, #tpu.memory_space<vmem_shared>> -> memref<10112x64xbf16, #tpu.memory_space<vmem_shared>>
      tpu.enqueue_indirect_dma source(%arg13 : memref<128x64xbf16, #tpu.memory_space<vmem>>) target(%dma_start3A_382 : memref<10112x64xbf16, #tpu.memory_space<vmem_shared>>) offsets(%dma_start3A_379 : memref<128xi32, #tpu.memory_space<vmem>>) semaphore(%arg31 : memref<!tpu.dma_semaphore, #tpu.memory_space<semaphore_mem>>) {add = true}
      %eq3A_383 = arith.constant 0 : i32
      %eq3A_384 = arith.cmpi eq, %arg0, %eq3A_383 : i32
      %convert_element_type3A_385 = arith.extui %eq3A_384 : i1 to i32
      %cond3A_386 = arith.constant 0 : i32
      %cond3A_387 = arith.cmpi ne, %convert_element_type3A_385, %cond3A_386 : i32
      scf.if %cond3A_387 {
        %get3A = arith.index_cast %add3A_370 : i32 to index
        %get3A_569 = arith.constant 0 : index
        %get3A_570 = tpu.vector_load %arg10[%get3A, %get3A_569] {strides = array<i32>} : memref<160x128xi32, #tpu.memory_space<vmem>>, vector<16xi32>,
        tpu.vector_store_idx %arg19[%get3A_570], %broadcast_in_dim3A_0 {add = true} : memref<10112xf32, #tpu.memory_space<vmem>>[vector<16xi32>], vector<16xf32>,
        %get3A_571 = arith.index_cast %add3A_370 : i32 to index
        %get3A_572 = arith.constant 16 : index
        %get3A_573 = tpu.vector_load %arg10[%get3A_571, %get3A_572] {strides = array<i32>} : memref<160x128xi32, #tpu.memory_space<vmem>>, vector<16xi32>,
        tpu.vector_store_idx %arg19[%get3A_573], %broadcast_in_dim3A_0 {add = true} : memref<10112xf32, #tpu.memory_space<vmem>>[vector<16xi32>], vector<16xf32>,
        %get3A_574 = arith.index_cast %add3A_370 : i32 to index
        %get3A_575 = arith.constant 32 : index
        %get3A_576 = tpu.vector_load %arg10[%get3A_574, %get3A_575] {strides = array<i32>} : memref<160x128xi32, #tpu.memory_space<vmem>>, vector<16xi32>,
        tpu.vector_store_idx %arg19[%get3A_576], %broadcast_in_dim3A_0 {add = true} : memref<10112xf32, #tpu.memory_space<vmem>>[vector<16xi32>], vector<16xf32>,
        %get3A_577 = arith.index_cast %add3A_370 : i32 to index
        %get3A_578 = arith.constant 48 : index
        %get3A_579 = tpu.vector_load %arg10[%get3A_577, %get3A_578] {strides = array<i32>} : memref<160x128xi32, #tpu.memory_space<vmem>>, vector<16xi32>,
        tpu.vector_store_idx %arg19[%get3A_579], %broadcast_in_dim3A_0 {add = true} : memref<10112xf32, #tpu.memory_space<vmem>>[vector<16xi32>], vector<16xf32>,
        %get3A_580 = arith.index_cast %add3A_370 : i32 to index
        %get3A_581 = arith.constant 64 : index
        %get3A_582 = tpu.vector_load %arg10[%get3A_580, %get3A_581] {strides = array<i32>} : memref<160x128xi32, #tpu.memory_space<vmem>>, vector<16xi32>,
        tpu.vector_store_idx %arg19[%get3A_582], %broadcast_in_dim3A_0 {add = true} : memref<10112xf32, #tpu.memory_space<vmem>>[vector<16xi32>], vector<16xf32>,
        %get3A_583 = arith.index_cast %add3A_370 : i32 to index
        %get3A_584 = arith.constant 80 : index
        %get3A_585 = tpu.vector_load %arg10[%get3A_583, %get3A_584] {strides = array<i32>} : memref<160x128xi32, #tpu.memory_space<vmem>>, vector<16xi32>,
        tpu.vector_store_idx %arg19[%get3A_585], %broadcast_in_dim3A_0 {add = true} : memref<10112xf32, #tpu.memory_space<vmem>>[vector<16xi32>], vector<16xf32>,
        %get3A_586 = arith.index_cast %add3A_370 : i32 to index
        %get3A_587 = arith.constant 96 : index
        %get3A_588 = tpu.vector_load %arg10[%get3A_586, %get3A_587] {strides = array<i32>} : memref<160x128xi32, #tpu.memory_space<vmem>>, vector<16xi32>,
        tpu.vector_store_idx %arg19[%get3A_588], %broadcast_in_dim3A_0 {add = true} : memref<10112xf32, #tpu.memory_space<vmem>>[vector<16xi32>], vector<16xf32>,
        %get3A_589 = arith.index_cast %add3A_370 : i32 to index
        %get3A_590 = arith.constant 112 : index
        %get3A_591 = tpu.vector_load %arg10[%get3A_589, %get3A_590] {strides = array<i32>} : memref<160x128xi32, #tpu.memory_space<vmem>>, vector<16xi32>,
        tpu.vector_store_idx %arg19[%get3A_591], %broadcast_in_dim3A_0 {add = true} : memref<10112xf32, #tpu.memory_space<vmem>>[vector<16xi32>], vector<16xf32>,
      } else {
      }
      %gt3A_388 = arith.constant 0 : i32
      %gt3A_389 = arith.cmpi sgt, %scan3A_303, %gt3A_388 : i32
      %convert_element_type3A_390 = arith.extui %gt3A_389 : i1 to i32
      %cond3A_391 = arith.constant 0 : i32
      %cond3A_392 = arith.cmpi ne, %convert_element_type3A_390, %cond3A_391 : i32
      scf.if %cond3A_392 {
        %sub3A_569 = arith.constant 4 : i32
        %sub3A_570 = arith.subi %add3A_370, %sub3A_569 : i32
        %dma_wait3A_571 = arith.constant 0 : i32
        %dma_wait3A_572 = tpu.memref_slice %arg10[%sub3A_570, %dma_wait3A_571] : memref<160x128xi32, #tpu.memory_space<vmem>> -> memref<1x128xi32, #tpu.memory_space<vmem>>
        %dma_wait3A_573 = tpu.memref_squeeze %dma_wait3A_572 : memref<1x128xi32, #tpu.memory_space<vmem>> -> memref<128xi32, #tpu.memory_space<vmem>>
        %dma_wait3A_574 = arith.constant 0 : i32
        %dma_wait3A_575 = arith.constant 0 : i32
        %dma_wait3A_576 = tpu.memref_slice %arg20[%dma_wait3A_574, %dma_wait3A_575] : memref<10112x64xbf16, #tpu.memory_space<vmem_shared>> -> memref<10112x64xbf16, #tpu.memory_space<vmem_shared>>
        tpu.wait_indirect_dma semaphore(%arg35 : memref<!tpu.dma_semaphore, #tpu.memory_space<semaphore_mem>>) src(%arg17 : memref<128x64xbf16, #tpu.memory_space<vmem>>) dst(%dma_wait3A_576 : memref<10112x64xbf16, #tpu.memory_space<vmem_shared>>)
      } else {
      }
      %add3A_393 = arith.constant 4 : i32
      %add3A_394 = arith.addi %add3A_370, %add3A_393 : i32
      %dma_start3A_395 = arith.constant 0 : i32
      %dma_start3A_396 = tpu.memref_slice %arg9[%add3A_394, %dma_start3A_395] : memref<160x128xi32, #tpu.memory_space<vmem>> -> memref<1x128xi32, #tpu.memory_space<vmem>>
      %dma_start3A_397 = tpu.memref_squeeze %dma_start3A_396 : memref<1x128xi32, #tpu.memory_space<vmem>> -> memref<128xi32, #tpu.memory_space<vmem>>
      %dma_start3A_398 = arith.constant 0 : i32
      %dma_start3A_399 = arith.constant 0 : i32
      %dma_start3A_400 = tpu.memref_slice %arg2[%dma_start3A_398, %dma_start3A_399] : memref<80000x64xbf16, #tpu.memory_space<hbm>> -> memref<80000x64xbf16, #tpu.memory_space<hbm>>
      tpu.enqueue_indirect_dma source(%dma_start3A_400 : memref<80000x64xbf16, #tpu.memory_space<hbm>>) target(%arg17 : memref<128x64xbf16, #tpu.memory_space<vmem>>) offsets(%dma_start3A_397 : memref<128xi32, #tpu.memory_space<vmem>>) semaphore(%arg27 : memref<!tpu.dma_semaphore, #tpu.memory_space<semaphore_mem>>)
      %mul3A_401 = arith.constant 8 : i32
      %mul3A_402 = arith.muli %mul3A_401, %scan3A_303 : i32
      %add3A_403 = arith.constant 3 : i32
      %add3A_404 = arith.addi %mul3A_402, %add3A_403 : i32
      %dma_wait3A_405 = arith.constant 0 : i32
      %dma_wait3A_406 = tpu.memref_slice %arg9[%add3A_404, %dma_wait3A_405] : memref<160x128xi32, #tpu.memory_space<vmem>> -> memref<1x128xi32, #tpu.memory_space<vmem>>
      %dma_wait3A_407 = tpu.memref_squeeze %dma_wait3A_406 : memref<1x128xi32, #tpu.memory_space<vmem>> -> memref<128xi32, #tpu.memory_space<vmem>>
      %dma_wait3A_408 = arith.constant 0 : i32
      %dma_wait3A_409 = arith.constant 0 : i32
      %dma_wait3A_410 = tpu.memref_slice %arg2[%dma_wait3A_408, %dma_wait3A_409] : memref<80000x64xbf16, #tpu.memory_space<hbm>> -> memref<80000x64xbf16, #tpu.memory_space<hbm>>
      tpu.wait_indirect_dma semaphore(%arg24 : memref<!tpu.dma_semaphore, #tpu.memory_space<semaphore_mem>>) src(%dma_wait3A_410 : memref<80000x64xbf16, #tpu.memory_space<hbm>>) dst(%arg14 : memref<128x64xbf16, #tpu.memory_space<vmem>>)
      %dma_start3A_411 = arith.constant 0 : i32
      %dma_start3A_412 = tpu.memref_slice %arg10[%add3A_404, %dma_start3A_411] : memref<160x128xi32, #tpu.memory_space<vmem>> -> memref<1x128xi32, #tpu.memory_space<vmem>>
      %dma_start3A_413 = tpu.memref_squeeze %dma_start3A_412 : memref<1x128xi32, #tpu.memory_space<vmem>> -> memref<128xi32, #tpu.memory_space<vmem>>
      %dma_start3A_414 = arith.constant 0 : i32
      %dma_start3A_415 = arith.constant 0 : i32
      %dma_start3A_416 = tpu.memref_slice %arg20[%dma_start3A_414, %dma_start3A_415] : memref<10112x64xbf16, #tpu.memory_space<vmem_shared>> -> memref<10112x64xbf16, #tpu.memory_space<vmem_shared>>
      tpu.enqueue_indirect_dma source(%arg14 : memref<128x64xbf16, #tpu.memory_space<vmem>>) target(%dma_start3A_416 : memref<10112x64xbf16, #tpu.memory_space<vmem_shared>>) offsets(%dma_start3A_413 : memref<128xi32, #tpu.memory_space<vmem>>) semaphore(%arg32 : memref<!tpu.dma_semaphore, #tpu.memory_space<semaphore_mem>>) {add = true}
      %eq3A_417 = arith.constant 0 : i32
      %eq3A_418 = arith.cmpi eq, %arg0, %eq3A_417 : i32
      %convert_element_type3A_419 = arith.extui %eq3A_418 : i1 to i32
      %cond3A_420 = arith.constant 0 : i32
      %cond3A_421 = arith.cmpi ne, %convert_element_type3A_419, %cond3A_420 : i32
      scf.if %cond3A_421 {
        %get3A = arith.index_cast %add3A_404 : i32 to index
        %get3A_569 = arith.constant 0 : index
        %get3A_570 = tpu.vector_load %arg10[%get3A, %get3A_569] {strides = array<i32>} : memref<160x128xi32, #tpu.memory_space<vmem>>, vector<16xi32>,
        tpu.vector_store_idx %arg19[%get3A_570], %broadcast_in_dim3A_0 {add = true} : memref<10112xf32, #tpu.memory_space<vmem>>[vector<16xi32>], vector<16xf32>,
        %get3A_571 = arith.index_cast %add3A_404 : i32 to index
        %get3A_572 = arith.constant 16 : index
        %get3A_573 = tpu.vector_load %arg10[%get3A_571, %get3A_572] {strides = array<i32>} : memref<160x128xi32, #tpu.memory_space<vmem>>, vector<16xi32>,
        tpu.vector_store_idx %arg19[%get3A_573], %broadcast_in_dim3A_0 {add = true} : memref<10112xf32, #tpu.memory_space<vmem>>[vector<16xi32>], vector<16xf32>,
        %get3A_574 = arith.index_cast %add3A_404 : i32 to index
        %get3A_575 = arith.constant 32 : index
        %get3A_576 = tpu.vector_load %arg10[%get3A_574, %get3A_575] {strides = array<i32>} : memref<160x128xi32, #tpu.memory_space<vmem>>, vector<16xi32>,
        tpu.vector_store_idx %arg19[%get3A_576], %broadcast_in_dim3A_0 {add = true} : memref<10112xf32, #tpu.memory_space<vmem>>[vector<16xi32>], vector<16xf32>,
        %get3A_577 = arith.index_cast %add3A_404 : i32 to index
        %get3A_578 = arith.constant 48 : index
        %get3A_579 = tpu.vector_load %arg10[%get3A_577, %get3A_578] {strides = array<i32>} : memref<160x128xi32, #tpu.memory_space<vmem>>, vector<16xi32>,
        tpu.vector_store_idx %arg19[%get3A_579], %broadcast_in_dim3A_0 {add = true} : memref<10112xf32, #tpu.memory_space<vmem>>[vector<16xi32>], vector<16xf32>,
        %get3A_580 = arith.index_cast %add3A_404 : i32 to index
        %get3A_581 = arith.constant 64 : index
        %get3A_582 = tpu.vector_load %arg10[%get3A_580, %get3A_581] {strides = array<i32>} : memref<160x128xi32, #tpu.memory_space<vmem>>, vector<16xi32>,
        tpu.vector_store_idx %arg19[%get3A_582], %broadcast_in_dim3A_0 {add = true} : memref<10112xf32, #tpu.memory_space<vmem>>[vector<16xi32>], vector<16xf32>,
        %get3A_583 = arith.index_cast %add3A_404 : i32 to index
        %get3A_584 = arith.constant 80 : index
        %get3A_585 = tpu.vector_load %arg10[%get3A_583, %get3A_584] {strides = array<i32>} : memref<160x128xi32, #tpu.memory_space<vmem>>, vector<16xi32>,
        tpu.vector_store_idx %arg19[%get3A_585], %broadcast_in_dim3A_0 {add = true} : memref<10112xf32, #tpu.memory_space<vmem>>[vector<16xi32>], vector<16xf32>,
        %get3A_586 = arith.index_cast %add3A_404 : i32 to index
        %get3A_587 = arith.constant 96 : index
        %get3A_588 = tpu.vector_load %arg10[%get3A_586, %get3A_587] {strides = array<i32>} : memref<160x128xi32, #tpu.memory_space<vmem>>, vector<16xi32>,
        tpu.vector_store_idx %arg19[%get3A_588], %broadcast_in_dim3A_0 {add = true} : memref<10112xf32, #tpu.memory_space<vmem>>[vector<16xi32>], vector<16xf32>,
        %get3A_589 = arith.index_cast %add3A_404 : i32 to index
        %get3A_590 = arith.constant 112 : index
        %get3A_591 = tpu.vector_load %arg10[%get3A_589, %get3A_590] {strides = array<i32>} : memref<160x128xi32, #tpu.memory_space<vmem>>, vector<16xi32>,
        tpu.vector_store_idx %arg19[%get3A_591], %broadcast_in_dim3A_0 {add = true} : memref<10112xf32, #tpu.memory_space<vmem>>[vector<16xi32>], vector<16xf32>,
      } else {
      }
      %gt3A_422 = arith.constant 0 : i32
      %gt3A_423 = arith.cmpi sgt, %scan3A_303, %gt3A_422 : i32
      %convert_element_type3A_424 = arith.extui %gt3A_423 : i1 to i32
      %cond3A_425 = arith.constant 0 : i32
      %cond3A_426 = arith.cmpi ne, %convert_element_type3A_424, %cond3A_425 : i32
      scf.if %cond3A_426 {
        %sub3A_569 = arith.constant 4 : i32
        %sub3A_570 = arith.subi %add3A_404, %sub3A_569 : i32
        %dma_wait3A_571 = arith.constant 0 : i32
        %dma_wait3A_572 = tpu.memref_slice %arg10[%sub3A_570, %dma_wait3A_571] : memref<160x128xi32, #tpu.memory_space<vmem>> -> memref<1x128xi32, #tpu.memory_space<vmem>>
        %dma_wait3A_573 = tpu.memref_squeeze %dma_wait3A_572 : memref<1x128xi32, #tpu.memory_space<vmem>> -> memref<128xi32, #tpu.memory_space<vmem>>
        %dma_wait3A_574 = arith.constant 0 : i32
        %dma_wait3A_575 = arith.constant 0 : i32
        %dma_wait3A_576 = tpu.memref_slice %arg20[%dma_wait3A_574, %dma_wait3A_575] : memref<10112x64xbf16, #tpu.memory_space<vmem_shared>> -> memref<10112x64xbf16, #tpu.memory_space<vmem_shared>>
        tpu.wait_indirect_dma semaphore(%arg36 : memref<!tpu.dma_semaphore, #tpu.memory_space<semaphore_mem>>) src(%arg18 : memref<128x64xbf16, #tpu.memory_space<vmem>>) dst(%dma_wait3A_576 : memref<10112x64xbf16, #tpu.memory_space<vmem_shared>>)
      } else {
      }
      %add3A_427 = arith.constant 4 : i32
      %add3A_428 = arith.addi %add3A_404, %add3A_427 : i32
      %dma_start3A_429 = arith.constant 0 : i32
      %dma_start3A_430 = tpu.memref_slice %arg9[%add3A_428, %dma_start3A_429] : memref<160x128xi32, #tpu.memory_space<vmem>> -> memref<1x128xi32, #tpu.memory_space<vmem>>
      %dma_start3A_431 = tpu.memref_squeeze %dma_start3A_430 : memref<1x128xi32, #tpu.memory_space<vmem>> -> memref<128xi32, #tpu.memory_space<vmem>>
      %dma_start3A_432 = arith.constant 0 : i32
      %dma_start3A_433 = arith.constant 0 : i32
      %dma_start3A_434 = tpu.memref_slice %arg2[%dma_start3A_432, %dma_start3A_433] : memref<80000x64xbf16, #tpu.memory_space<hbm>> -> memref<80000x64xbf16, #tpu.memory_space<hbm>>
      tpu.enqueue_indirect_dma source(%dma_start3A_434 : memref<80000x64xbf16, #tpu.memory_space<hbm>>) target(%arg18 : memref<128x64xbf16, #tpu.memory_space<vmem>>) offsets(%dma_start3A_431 : memref<128xi32, #tpu.memory_space<vmem>>) semaphore(%arg28 : memref<!tpu.dma_semaphore, #tpu.memory_space<semaphore_mem>>)
      %mul3A_435 = arith.constant 8 : i32
      %mul3A_436 = arith.muli %mul3A_435, %scan3A_303 : i32
      %add3A_437 = arith.constant 4 : i32
      %add3A_438 = arith.addi %mul3A_436, %add3A_437 : i32
      %dma_wait3A_439 = arith.constant 0 : i32
      %dma_wait3A_440 = tpu.memref_slice %arg9[%add3A_438, %dma_wait3A_439] : memref<160x128xi32, #tpu.memory_space<vmem>> -> memref<1x128xi32, #tpu.memory_space<vmem>>
      %dma_wait3A_441 = tpu.memref_squeeze %dma_wait3A_440 : memref<1x128xi32, #tpu.memory_space<vmem>> -> memref<128xi32, #tpu.memory_space<vmem>>
      %dma_wait3A_442 = arith.constant 0 : i32
      %dma_wait3A_443 = arith.constant 0 : i32
      %dma_wait3A_444 = tpu.memref_slice %arg2[%dma_wait3A_442, %dma_wait3A_443] : memref<80000x64xbf16, #tpu.memory_space<hbm>> -> memref<80000x64xbf16, #tpu.memory_space<hbm>>
      tpu.wait_indirect_dma semaphore(%arg25 : memref<!tpu.dma_semaphore, #tpu.memory_space<semaphore_mem>>) src(%dma_wait3A_444 : memref<80000x64xbf16, #tpu.memory_space<hbm>>) dst(%arg15 : memref<128x64xbf16, #tpu.memory_space<vmem>>)
      %dma_start3A_445 = arith.constant 0 : i32
      %dma_start3A_446 = tpu.memref_slice %arg10[%add3A_438, %dma_start3A_445] : memref<160x128xi32, #tpu.memory_space<vmem>> -> memref<1x128xi32, #tpu.memory_space<vmem>>
      %dma_start3A_447 = tpu.memref_squeeze %dma_start3A_446 : memref<1x128xi32, #tpu.memory_space<vmem>> -> memref<128xi32, #tpu.memory_space<vmem>>
      %dma_start3A_448 = arith.constant 0 : i32
      %dma_start3A_449 = arith.constant 0 : i32
      %dma_start3A_450 = tpu.memref_slice %arg20[%dma_start3A_448, %dma_start3A_449] : memref<10112x64xbf16, #tpu.memory_space<vmem_shared>> -> memref<10112x64xbf16, #tpu.memory_space<vmem_shared>>
      tpu.enqueue_indirect_dma source(%arg15 : memref<128x64xbf16, #tpu.memory_space<vmem>>) target(%dma_start3A_450 : memref<10112x64xbf16, #tpu.memory_space<vmem_shared>>) offsets(%dma_start3A_447 : memref<128xi32, #tpu.memory_space<vmem>>) semaphore(%arg33 : memref<!tpu.dma_semaphore, #tpu.memory_space<semaphore_mem>>) {add = true}
      %eq3A_451 = arith.constant 0 : i32
      %eq3A_452 = arith.cmpi eq, %arg0, %eq3A_451 : i32
      %convert_element_type3A_453 = arith.extui %eq3A_452 : i1 to i32
      %cond3A_454 = arith.constant 0 : i32
      %cond3A_455 = arith.cmpi ne, %convert_element_type3A_453, %cond3A_454 : i32
      scf.if %cond3A_455 {
        %get3A = arith.index_cast %add3A_438 : i32 to index
        %get3A_569 = arith.constant 0 : index
        %get3A_570 = tpu.vector_load %arg10[%get3A, %get3A_569] {strides = array<i32>} : memref<160x128xi32, #tpu.memory_space<vmem>>, vector<16xi32>,
        tpu.vector_store_idx %arg19[%get3A_570], %broadcast_in_dim3A_0 {add = true} : memref<10112xf32, #tpu.memory_space<vmem>>[vector<16xi32>], vector<16xf32>,
        %get3A_571 = arith.index_cast %add3A_438 : i32 to index
        %get3A_572 = arith.constant 16 : index
        %get3A_573 = tpu.vector_load %arg10[%get3A_571, %get3A_572] {strides = array<i32>} : memref<160x128xi32, #tpu.memory_space<vmem>>, vector<16xi32>,
        tpu.vector_store_idx %arg19[%get3A_573], %broadcast_in_dim3A_0 {add = true} : memref<10112xf32, #tpu.memory_space<vmem>>[vector<16xi32>], vector<16xf32>,
        %get3A_574 = arith.index_cast %add3A_438 : i32 to index
        %get3A_575 = arith.constant 32 : index
        %get3A_576 = tpu.vector_load %arg10[%get3A_574, %get3A_575] {strides = array<i32>} : memref<160x128xi32, #tpu.memory_space<vmem>>, vector<16xi32>,
        tpu.vector_store_idx %arg19[%get3A_576], %broadcast_in_dim3A_0 {add = true} : memref<10112xf32, #tpu.memory_space<vmem>>[vector<16xi32>], vector<16xf32>,
        %get3A_577 = arith.index_cast %add3A_438 : i32 to index
        %get3A_578 = arith.constant 48 : index
        %get3A_579 = tpu.vector_load %arg10[%get3A_577, %get3A_578] {strides = array<i32>} : memref<160x128xi32, #tpu.memory_space<vmem>>, vector<16xi32>,
        tpu.vector_store_idx %arg19[%get3A_579], %broadcast_in_dim3A_0 {add = true} : memref<10112xf32, #tpu.memory_space<vmem>>[vector<16xi32>], vector<16xf32>,
        %get3A_580 = arith.index_cast %add3A_438 : i32 to index
        %get3A_581 = arith.constant 64 : index
        %get3A_582 = tpu.vector_load %arg10[%get3A_580, %get3A_581] {strides = array<i32>} : memref<160x128xi32, #tpu.memory_space<vmem>>, vector<16xi32>,
        tpu.vector_store_idx %arg19[%get3A_582], %broadcast_in_dim3A_0 {add = true} : memref<10112xf32, #tpu.memory_space<vmem>>[vector<16xi32>], vector<16xf32>,
        %get3A_583 = arith.index_cast %add3A_438 : i32 to index
        %get3A_584 = arith.constant 80 : index
        %get3A_585 = tpu.vector_load %arg10[%get3A_583, %get3A_584] {strides = array<i32>} : memref<160x128xi32, #tpu.memory_space<vmem>>, vector<16xi32>,
        tpu.vector_store_idx %arg19[%get3A_585], %broadcast_in_dim3A_0 {add = true} : memref<10112xf32, #tpu.memory_space<vmem>>[vector<16xi32>], vector<16xf32>,
        %get3A_586 = arith.index_cast %add3A_438 : i32 to index
        %get3A_587 = arith.constant 96 : index
        %get3A_588 = tpu.vector_load %arg10[%get3A_586, %get3A_587] {strides = array<i32>} : memref<160x128xi32, #tpu.memory_space<vmem>>, vector<16xi32>,
        tpu.vector_store_idx %arg19[%get3A_588], %broadcast_in_dim3A_0 {add = true} : memref<10112xf32, #tpu.memory_space<vmem>>[vector<16xi32>], vector<16xf32>,
        %get3A_589 = arith.index_cast %add3A_438 : i32 to index
        %get3A_590 = arith.constant 112 : index
        %get3A_591 = tpu.vector_load %arg10[%get3A_589, %get3A_590] {strides = array<i32>} : memref<160x128xi32, #tpu.memory_space<vmem>>, vector<16xi32>,
        tpu.vector_store_idx %arg19[%get3A_591], %broadcast_in_dim3A_0 {add = true} : memref<10112xf32, #tpu.memory_space<vmem>>[vector<16xi32>], vector<16xf32>,
      } else {
      }
      %sub3A = arith.constant 4 : i32
      %sub3A_456 = arith.subi %add3A_438, %sub3A : i32
      %dma_wait3A_457 = arith.constant 0 : i32
      %dma_wait3A_458 = tpu.memref_slice %arg10[%sub3A_456, %dma_wait3A_457] : memref<160x128xi32, #tpu.memory_space<vmem>> -> memref<1x128xi32, #tpu.memory_space<vmem>>
      %dma_wait3A_459 = tpu.memref_squeeze %dma_wait3A_458 : memref<1x128xi32, #tpu.memory_space<vmem>> -> memref<128xi32, #tpu.memory_space<vmem>>
      %dma_wait3A_460 = arith.constant 0 : i32
      %dma_wait3A_461 = arith.constant 0 : i32
      %dma_wait3A_462 = tpu.memref_slice %arg20[%dma_wait3A_460, %dma_wait3A_461] : memref<10112x64xbf16, #tpu.memory_space<vmem_shared>> -> memref<10112x64xbf16, #tpu.memory_space<vmem_shared>>
      tpu.wait_indirect_dma semaphore(%arg29 : memref<!tpu.dma_semaphore, #tpu.memory_space<semaphore_mem>>) src(%arg11 : memref<128x64xbf16, #tpu.memory_space<vmem>>) dst(%dma_wait3A_462 : memref<10112x64xbf16, #tpu.memory_space<vmem_shared>>)
      %lt3A = arith.constant 19 : i32
      %lt3A_463 = arith.cmpi slt, %scan3A_303, %lt3A : i32
      %convert_element_type3A_464 = arith.extui %lt3A_463 : i1 to i32
      %cond3A_465 = arith.constant 0 : i32
      %cond3A_466 = arith.cmpi ne, %convert_element_type3A_464, %cond3A_465 : i32
      scf.if %cond3A_466 {
        %add3A_569 = arith.constant 4 : i32
        %add3A_570 = arith.addi %add3A_438, %add3A_569 : i32
        %dma_start3A_571 = arith.constant 0 : i32
        %dma_start3A_572 = tpu.memref_slice %arg9[%add3A_570, %dma_start3A_571] : memref<160x128xi32, #tpu.memory_space<vmem>> -> memref<1x128xi32, #tpu.memory_space<vmem>>
        %dma_start3A_573 = tpu.memref_squeeze %dma_start3A_572 : memref<1x128xi32, #tpu.memory_space<vmem>> -> memref<128xi32, #tpu.memory_space<vmem>>
        %dma_start3A_574 = arith.constant 0 : i32
        %dma_start3A_575 = arith.constant 0 : i32
        %dma_start3A_576 = tpu.memref_slice %arg2[%dma_start3A_574, %dma_start3A_575] : memref<80000x64xbf16, #tpu.memory_space<hbm>> -> memref<80000x64xbf16, #tpu.memory_space<hbm>>
        tpu.enqueue_indirect_dma source(%dma_start3A_576 : memref<80000x64xbf16, #tpu.memory_space<hbm>>) target(%arg11 : memref<128x64xbf16, #tpu.memory_space<vmem>>) offsets(%dma_start3A_573 : memref<128xi32, #tpu.memory_space<vmem>>) semaphore(%arg21 : memref<!tpu.dma_semaphore, #tpu.memory_space<semaphore_mem>>)
      } else {
      }
      %mul3A_467 = arith.constant 8 : i32
      %mul3A_468 = arith.muli %mul3A_467, %scan3A_303 : i32
      %add3A_469 = arith.constant 5 : i32
      %add3A_470 = arith.addi %mul3A_468, %add3A_469 : i32
      %dma_wait3A_471 = arith.constant 0 : i32
      %dma_wait3A_472 = tpu.memref_slice %arg9[%add3A_470, %dma_wait3A_471] : memref<160x128xi32, #tpu.memory_space<vmem>> -> memref<1x128xi32, #tpu.memory_space<vmem>>
      %dma_wait3A_473 = tpu.memref_squeeze %dma_wait3A_472 : memref<1x128xi32, #tpu.memory_space<vmem>> -> memref<128xi32, #tpu.memory_space<vmem>>
      %dma_wait3A_474 = arith.constant 0 : i32
      %dma_wait3A_475 = arith.constant 0 : i32
      %dma_wait3A_476 = tpu.memref_slice %arg2[%dma_wait3A_474, %dma_wait3A_475] : memref<80000x64xbf16, #tpu.memory_space<hbm>> -> memref<80000x64xbf16, #tpu.memory_space<hbm>>
      tpu.wait_indirect_dma semaphore(%arg26 : memref<!tpu.dma_semaphore, #tpu.memory_space<semaphore_mem>>) src(%dma_wait3A_476 : memref<80000x64xbf16, #tpu.memory_space<hbm>>) dst(%arg16 : memref<128x64xbf16, #tpu.memory_space<vmem>>)
      %dma_start3A_477 = arith.constant 0 : i32
      %dma_start3A_478 = tpu.memref_slice %arg10[%add3A_470, %dma_start3A_477] : memref<160x128xi32, #tpu.memory_space<vmem>> -> memref<1x128xi32, #tpu.memory_space<vmem>>
      %dma_start3A_479 = tpu.memref_squeeze %dma_start3A_478 : memref<1x128xi32, #tpu.memory_space<vmem>> -> memref<128xi32, #tpu.memory_space<vmem>>
      %dma_start3A_480 = arith.constant 0 : i32
      %dma_start3A_481 = arith.constant 0 : i32
      %dma_start3A_482 = tpu.memref_slice %arg20[%dma_start3A_480, %dma_start3A_481] : memref<10112x64xbf16, #tpu.memory_space<vmem_shared>> -> memref<10112x64xbf16, #tpu.memory_space<vmem_shared>>
      tpu.enqueue_indirect_dma source(%arg16 : memref<128x64xbf16, #tpu.memory_space<vmem>>) target(%dma_start3A_482 : memref<10112x64xbf16, #tpu.memory_space<vmem_shared>>) offsets(%dma_start3A_479 : memref<128xi32, #tpu.memory_space<vmem>>) semaphore(%arg34 : memref<!tpu.dma_semaphore, #tpu.memory_space<semaphore_mem>>) {add = true}
      %eq3A_483 = arith.constant 0 : i32
      %eq3A_484 = arith.cmpi eq, %arg0, %eq3A_483 : i32
      %convert_element_type3A_485 = arith.extui %eq3A_484 : i1 to i32
      %cond3A_486 = arith.constant 0 : i32
      %cond3A_487 = arith.cmpi ne, %convert_element_type3A_485, %cond3A_486 : i32
      scf.if %cond3A_487 {
        %get3A = arith.index_cast %add3A_470 : i32 to index
        %get3A_569 = arith.constant 0 : index
        %get3A_570 = tpu.vector_load %arg10[%get3A, %get3A_569] {strides = array<i32>} : memref<160x128xi32, #tpu.memory_space<vmem>>, vector<16xi32>,
        tpu.vector_store_idx %arg19[%get3A_570], %broadcast_in_dim3A_0 {add = true} : memref<10112xf32, #tpu.memory_space<vmem>>[vector<16xi32>], vector<16xf32>,
        %get3A_571 = arith.index_cast %add3A_470 : i32 to index
        %get3A_572 = arith.constant 16 : index
        %get3A_573 = tpu.vector_load %arg10[%get3A_571, %get3A_572] {strides = array<i32>} : memref<160x128xi32, #tpu.memory_space<vmem>>, vector<16xi32>,
        tpu.vector_store_idx %arg19[%get3A_573], %broadcast_in_dim3A_0 {add = true} : memref<10112xf32, #tpu.memory_space<vmem>>[vector<16xi32>], vector<16xf32>,
        %get3A_574 = arith.index_cast %add3A_470 : i32 to index
        %get3A_575 = arith.constant 32 : index
        %get3A_576 = tpu.vector_load %arg10[%get3A_574, %get3A_575] {strides = array<i32>} : memref<160x128xi32, #tpu.memory_space<vmem>>, vector<16xi32>,
        tpu.vector_store_idx %arg19[%get3A_576], %broadcast_in_dim3A_0 {add = true} : memref<10112xf32, #tpu.memory_space<vmem>>[vector<16xi32>], vector<16xf32>,
        %get3A_577 = arith.index_cast %add3A_470 : i32 to index
        %get3A_578 = arith.constant 48 : index
        %get3A_579 = tpu.vector_load %arg10[%get3A_577, %get3A_578] {strides = array<i32>} : memref<160x128xi32, #tpu.memory_space<vmem>>, vector<16xi32>,
        tpu.vector_store_idx %arg19[%get3A_579], %broadcast_in_dim3A_0 {add = true} : memref<10112xf32, #tpu.memory_space<vmem>>[vector<16xi32>], vector<16xf32>,
        %get3A_580 = arith.index_cast %add3A_470 : i32 to index
        %get3A_581 = arith.constant 64 : index
        %get3A_582 = tpu.vector_load %arg10[%get3A_580, %get3A_581] {strides = array<i32>} : memref<160x128xi32, #tpu.memory_space<vmem>>, vector<16xi32>,
        tpu.vector_store_idx %arg19[%get3A_582], %broadcast_in_dim3A_0 {add = true} : memref<10112xf32, #tpu.memory_space<vmem>>[vector<16xi32>], vector<16xf32>,
        %get3A_583 = arith.index_cast %add3A_470 : i32 to index
        %get3A_584 = arith.constant 80 : index
        %get3A_585 = tpu.vector_load %arg10[%get3A_583, %get3A_584] {strides = array<i32>} : memref<160x128xi32, #tpu.memory_space<vmem>>, vector<16xi32>,
        tpu.vector_store_idx %arg19[%get3A_585], %broadcast_in_dim3A_0 {add = true} : memref<10112xf32, #tpu.memory_space<vmem>>[vector<16xi32>], vector<16xf32>,
        %get3A_586 = arith.index_cast %add3A_470 : i32 to index
        %get3A_587 = arith.constant 96 : index
        %get3A_588 = tpu.vector_load %arg10[%get3A_586, %get3A_587] {strides = array<i32>} : memref<160x128xi32, #tpu.memory_space<vmem>>, vector<16xi32>,
        tpu.vector_store_idx %arg19[%get3A_588], %broadcast_in_dim3A_0 {add = true} : memref<10112xf32, #tpu.memory_space<vmem>>[vector<16xi32>], vector<16xf32>,
        %get3A_589 = arith.index_cast %add3A_470 : i32 to index
        %get3A_590 = arith.constant 112 : index
        %get3A_591 = tpu.vector_load %arg10[%get3A_589, %get3A_590] {strides = array<i32>} : memref<160x128xi32, #tpu.memory_space<vmem>>, vector<16xi32>,
        tpu.vector_store_idx %arg19[%get3A_591], %broadcast_in_dim3A_0 {add = true} : memref<10112xf32, #tpu.memory_space<vmem>>[vector<16xi32>], vector<16xf32>,
      } else {
      }
      %sub3A_488 = arith.constant 4 : i32
      %sub3A_489 = arith.subi %add3A_470, %sub3A_488 : i32
      %dma_wait3A_490 = arith.constant 0 : i32
      %dma_wait3A_491 = tpu.memref_slice %arg10[%sub3A_489, %dma_wait3A_490] : memref<160x128xi32, #tpu.memory_space<vmem>> -> memref<1x128xi32, #tpu.memory_space<vmem>>
      %dma_wait3A_492 = tpu.memref_squeeze %dma_wait3A_491 : memref<1x128xi32, #tpu.memory_space<vmem>> -> memref<128xi32, #tpu.memory_space<vmem>>
      %dma_wait3A_493 = arith.constant 0 : i32
      %dma_wait3A_494 = arith.constant 0 : i32
      %dma_wait3A_495 = tpu.memref_slice %arg20[%dma_wait3A_493, %dma_wait3A_494] : memref<10112x64xbf16, #tpu.memory_space<vmem_shared>> -> memref<10112x64xbf16, #tpu.memory_space<vmem_shared>>
      tpu.wait_indirect_dma semaphore(%arg30 : memref<!tpu.dma_semaphore, #tpu.memory_space<semaphore_mem>>) src(%arg12 : memref<128x64xbf16, #tpu.memory_space<vmem>>) dst(%dma_wait3A_495 : memref<10112x64xbf16, #tpu.memory_space<vmem_shared>>)
      %lt3A_496 = arith.constant 19 : i32
      %lt3A_497 = arith.cmpi slt, %scan3A_303, %lt3A_496 : i32
      %convert_element_type3A_498 = arith.extui %lt3A_497 : i1 to i32
      %cond3A_499 = arith.constant 0 : i32
      %cond3A_500 = arith.cmpi ne, %convert_element_type3A_498, %cond3A_499 : i32
      scf.if %cond3A_500 {
        %add3A_569 = arith.constant 4 : i32
        %add3A_570 = arith.addi %add3A_470, %add3A_569 : i32
        %dma_start3A_571 = arith.constant 0 : i32
        %dma_start3A_572 = tpu.memref_slice %arg9[%add3A_570, %dma_start3A_571] : memref<160x128xi32, #tpu.memory_space<vmem>> -> memref<1x128xi32, #tpu.memory_space<vmem>>
        %dma_start3A_573 = tpu.memref_squeeze %dma_start3A_572 : memref<1x128xi32, #tpu.memory_space<vmem>> -> memref<128xi32, #tpu.memory_space<vmem>>
        %dma_start3A_574 = arith.constant 0 : i32
        %dma_start3A_575 = arith.constant 0 : i32
        %dma_start3A_576 = tpu.memref_slice %arg2[%dma_start3A_574, %dma_start3A_575] : memref<80000x64xbf16, #tpu.memory_space<hbm>> -> memref<80000x64xbf16, #tpu.memory_space<hbm>>
        tpu.enqueue_indirect_dma source(%dma_start3A_576 : memref<80000x64xbf16, #tpu.memory_space<hbm>>) target(%arg12 : memref<128x64xbf16, #tpu.memory_space<vmem>>) offsets(%dma_start3A_573 : memref<128xi32, #tpu.memory_space<vmem>>) semaphore(%arg22 : memref<!tpu.dma_semaphore, #tpu.memory_space<semaphore_mem>>)
      } else {
      }
      %mul3A_501 = arith.constant 8 : i32
      %mul3A_502 = arith.muli %mul3A_501, %scan3A_303 : i32
      %add3A_503 = arith.constant 6 : i32
      %add3A_504 = arith.addi %mul3A_502, %add3A_503 : i32
      %dma_wait3A_505 = arith.constant 0 : i32
      %dma_wait3A_506 = tpu.memref_slice %arg9[%add3A_504, %dma_wait3A_505] : memref<160x128xi32, #tpu.memory_space<vmem>> -> memref<1x128xi32, #tpu.memory_space<vmem>>
      %dma_wait3A_507 = tpu.memref_squeeze %dma_wait3A_506 : memref<1x128xi32, #tpu.memory_space<vmem>> -> memref<128xi32, #tpu.memory_space<vmem>>
      %dma_wait3A_508 = arith.constant 0 : i32
      %dma_wait3A_509 = arith.constant 0 : i32
      %dma_wait3A_510 = tpu.memref_slice %arg2[%dma_wait3A_508, %dma_wait3A_509] : memref<80000x64xbf16, #tpu.memory_space<hbm>> -> memref<80000x64xbf16, #tpu.memory_space<hbm>>
      tpu.wait_indirect_dma semaphore(%arg27 : memref<!tpu.dma_semaphore, #tpu.memory_space<semaphore_mem>>) src(%dma_wait3A_510 : memref<80000x64xbf16, #tpu.memory_space<hbm>>) dst(%arg17 : memref<128x64xbf16, #tpu.memory_space<vmem>>)
      %dma_start3A_511 = arith.constant 0 : i32
      %dma_start3A_512 = tpu.memref_slice %arg10[%add3A_504, %dma_start3A_511] : memref<160x128xi32, #tpu.memory_space<vmem>> -> memref<1x128xi32, #tpu.memory_space<vmem>>
      %dma_start3A_513 = tpu.memref_squeeze %dma_start3A_512 : memref<1x128xi32, #tpu.memory_space<vmem>> -> memref<128xi32, #tpu.memory_space<vmem>>
      %dma_start3A_514 = arith.constant 0 : i32
      %dma_start3A_515 = arith.constant 0 : i32
      %dma_start3A_516 = tpu.memref_slice %arg20[%dma_start3A_514, %dma_start3A_515] : memref<10112x64xbf16, #tpu.memory_space<vmem_shared>> -> memref<10112x64xbf16, #tpu.memory_space<vmem_shared>>
      tpu.enqueue_indirect_dma source(%arg17 : memref<128x64xbf16, #tpu.memory_space<vmem>>) target(%dma_start3A_516 : memref<10112x64xbf16, #tpu.memory_space<vmem_shared>>) offsets(%dma_start3A_513 : memref<128xi32, #tpu.memory_space<vmem>>) semaphore(%arg35 : memref<!tpu.dma_semaphore, #tpu.memory_space<semaphore_mem>>) {add = true}
      %eq3A_517 = arith.constant 0 : i32
      %eq3A_518 = arith.cmpi eq, %arg0, %eq3A_517 : i32
      %convert_element_type3A_519 = arith.extui %eq3A_518 : i1 to i32
      %cond3A_520 = arith.constant 0 : i32
      %cond3A_521 = arith.cmpi ne, %convert_element_type3A_519, %cond3A_520 : i32
      scf.if %cond3A_521 {
        %get3A = arith.index_cast %add3A_504 : i32 to index
        %get3A_569 = arith.constant 0 : index
        %get3A_570 = tpu.vector_load %arg10[%get3A, %get3A_569] {strides = array<i32>} : memref<160x128xi32, #tpu.memory_space<vmem>>, vector<16xi32>,
        tpu.vector_store_idx %arg19[%get3A_570], %broadcast_in_dim3A_0 {add = true} : memref<10112xf32, #tpu.memory_space<vmem>>[vector<16xi32>], vector<16xf32>,
        %get3A_571 = arith.index_cast %add3A_504 : i32 to index
        %get3A_572 = arith.constant 16 : index
        %get3A_573 = tpu.vector_load %arg10[%get3A_571, %get3A_572] {strides = array<i32>} : memref<160x128xi32, #tpu.memory_space<vmem>>, vector<16xi32>,
        tpu.vector_store_idx %arg19[%get3A_573], %broadcast_in_dim3A_0 {add = true} : memref<10112xf32, #tpu.memory_space<vmem>>[vector<16xi32>], vector<16xf32>,
        %get3A_574 = arith.index_cast %add3A_504 : i32 to index
        %get3A_575 = arith.constant 32 : index
        %get3A_576 = tpu.vector_load %arg10[%get3A_574, %get3A_575] {strides = array<i32>} : memref<160x128xi32, #tpu.memory_space<vmem>>, vector<16xi32>,
        tpu.vector_store_idx %arg19[%get3A_576], %broadcast_in_dim3A_0 {add = true} : memref<10112xf32, #tpu.memory_space<vmem>>[vector<16xi32>], vector<16xf32>,
        %get3A_577 = arith.index_cast %add3A_504 : i32 to index
        %get3A_578 = arith.constant 48 : index
        %get3A_579 = tpu.vector_load %arg10[%get3A_577, %get3A_578] {strides = array<i32>} : memref<160x128xi32, #tpu.memory_space<vmem>>, vector<16xi32>,
        tpu.vector_store_idx %arg19[%get3A_579], %broadcast_in_dim3A_0 {add = true} : memref<10112xf32, #tpu.memory_space<vmem>>[vector<16xi32>], vector<16xf32>,
        %get3A_580 = arith.index_cast %add3A_504 : i32 to index
        %get3A_581 = arith.constant 64 : index
        %get3A_582 = tpu.vector_load %arg10[%get3A_580, %get3A_581] {strides = array<i32>} : memref<160x128xi32, #tpu.memory_space<vmem>>, vector<16xi32>,
        tpu.vector_store_idx %arg19[%get3A_582], %broadcast_in_dim3A_0 {add = true} : memref<10112xf32, #tpu.memory_space<vmem>>[vector<16xi32>], vector<16xf32>,
        %get3A_583 = arith.index_cast %add3A_504 : i32 to index
        %get3A_584 = arith.constant 80 : index
        %get3A_585 = tpu.vector_load %arg10[%get3A_583, %get3A_584] {strides = array<i32>} : memref<160x128xi32, #tpu.memory_space<vmem>>, vector<16xi32>,
        tpu.vector_store_idx %arg19[%get3A_585], %broadcast_in_dim3A_0 {add = true} : memref<10112xf32, #tpu.memory_space<vmem>>[vector<16xi32>], vector<16xf32>,
        %get3A_586 = arith.index_cast %add3A_504 : i32 to index
        %get3A_587 = arith.constant 96 : index
        %get3A_588 = tpu.vector_load %arg10[%get3A_586, %get3A_587] {strides = array<i32>} : memref<160x128xi32, #tpu.memory_space<vmem>>, vector<16xi32>,
        tpu.vector_store_idx %arg19[%get3A_588], %broadcast_in_dim3A_0 {add = true} : memref<10112xf32, #tpu.memory_space<vmem>>[vector<16xi32>], vector<16xf32>,
        %get3A_589 = arith.index_cast %add3A_504 : i32 to index
        %get3A_590 = arith.constant 112 : index
        %get3A_591 = tpu.vector_load %arg10[%get3A_589, %get3A_590] {strides = array<i32>} : memref<160x128xi32, #tpu.memory_space<vmem>>, vector<16xi32>,
        tpu.vector_store_idx %arg19[%get3A_591], %broadcast_in_dim3A_0 {add = true} : memref<10112xf32, #tpu.memory_space<vmem>>[vector<16xi32>], vector<16xf32>,
      } else {
      }
      %sub3A_522 = arith.constant 4 : i32
      %sub3A_523 = arith.subi %add3A_504, %sub3A_522 : i32
      %dma_wait3A_524 = arith.constant 0 : i32
      %dma_wait3A_525 = tpu.memref_slice %arg10[%sub3A_523, %dma_wait3A_524] : memref<160x128xi32, #tpu.memory_space<vmem>> -> memref<1x128xi32, #tpu.memory_space<vmem>>
      %dma_wait3A_526 = tpu.memref_squeeze %dma_wait3A_525 : memref<1x128xi32, #tpu.memory_space<vmem>> -> memref<128xi32, #tpu.memory_space<vmem>>
      %dma_wait3A_527 = arith.constant 0 : i32
      %dma_wait3A_528 = arith.constant 0 : i32
      %dma_wait3A_529 = tpu.memref_slice %arg20[%dma_wait3A_527, %dma_wait3A_528] : memref<10112x64xbf16, #tpu.memory_space<vmem_shared>> -> memref<10112x64xbf16, #tpu.memory_space<vmem_shared>>
      tpu.wait_indirect_dma semaphore(%arg31 : memref<!tpu.dma_semaphore, #tpu.memory_space<semaphore_mem>>) src(%arg13 : memref<128x64xbf16, #tpu.memory_space<vmem>>) dst(%dma_wait3A_529 : memref<10112x64xbf16, #tpu.memory_space<vmem_shared>>)
      %lt3A_530 = arith.constant 19 : i32
      %lt3A_531 = arith.cmpi slt, %scan3A_303, %lt3A_530 : i32
      %convert_element_type3A_532 = arith.extui %lt3A_531 : i1 to i32
      %cond3A_533 = arith.constant 0 : i32
      %cond3A_534 = arith.cmpi ne, %convert_element_type3A_532, %cond3A_533 : i32
      scf.if %cond3A_534 {
        %add3A_569 = arith.constant 4 : i32
        %add3A_570 = arith.addi %add3A_504, %add3A_569 : i32
        %dma_start3A_571 = arith.constant 0 : i32
        %dma_start3A_572 = tpu.memref_slice %arg9[%add3A_570, %dma_start3A_571] : memref<160x128xi32, #tpu.memory_space<vmem>> -> memref<1x128xi32, #tpu.memory_space<vmem>>
        %dma_start3A_573 = tpu.memref_squeeze %dma_start3A_572 : memref<1x128xi32, #tpu.memory_space<vmem>> -> memref<128xi32, #tpu.memory_space<vmem>>
        %dma_start3A_574 = arith.constant 0 : i32
        %dma_start3A_575 = arith.constant 0 : i32
        %dma_start3A_576 = tpu.memref_slice %arg2[%dma_start3A_574, %dma_start3A_575] : memref<80000x64xbf16, #tpu.memory_space<hbm>> -> memref<80000x64xbf16, #tpu.memory_space<hbm>>
        tpu.enqueue_indirect_dma source(%dma_start3A_576 : memref<80000x64xbf16, #tpu.memory_space<hbm>>) target(%arg13 : memref<128x64xbf16, #tpu.memory_space<vmem>>) offsets(%dma_start3A_573 : memref<128xi32, #tpu.memory_space<vmem>>) semaphore(%arg23 : memref<!tpu.dma_semaphore, #tpu.memory_space<semaphore_mem>>)
      } else {
      }
      %mul3A_535 = arith.constant 8 : i32
      %mul3A_536 = arith.muli %mul3A_535, %scan3A_303 : i32
      %add3A_537 = arith.constant 7 : i32
      %add3A_538 = arith.addi %mul3A_536, %add3A_537 : i32
      %dma_wait3A_539 = arith.constant 0 : i32
      %dma_wait3A_540 = tpu.memref_slice %arg9[%add3A_538, %dma_wait3A_539] : memref<160x128xi32, #tpu.memory_space<vmem>> -> memref<1x128xi32, #tpu.memory_space<vmem>>
      %dma_wait3A_541 = tpu.memref_squeeze %dma_wait3A_540 : memref<1x128xi32, #tpu.memory_space<vmem>> -> memref<128xi32, #tpu.memory_space<vmem>>
      %dma_wait3A_542 = arith.constant 0 : i32
      %dma_wait3A_543 = arith.constant 0 : i32
      %dma_wait3A_544 = tpu.memref_slice %arg2[%dma_wait3A_542, %dma_wait3A_543] : memref<80000x64xbf16, #tpu.memory_space<hbm>> -> memref<80000x64xbf16, #tpu.memory_space<hbm>>
      tpu.wait_indirect_dma semaphore(%arg28 : memref<!tpu.dma_semaphore, #tpu.memory_space<semaphore_mem>>) src(%dma_wait3A_544 : memref<80000x64xbf16, #tpu.memory_space<hbm>>) dst(%arg18 : memref<128x64xbf16, #tpu.memory_space<vmem>>)
      %dma_start3A_545 = arith.constant 0 : i32
      %dma_start3A_546 = tpu.memref_slice %arg10[%add3A_538, %dma_start3A_545] : memref<160x128xi32, #tpu.memory_space<vmem>> -> memref<1x128xi32, #tpu.memory_space<vmem>>
      %dma_start3A_547 = tpu.memref_squeeze %dma_start3A_546 : memref<1x128xi32, #tpu.memory_space<vmem>> -> memref<128xi32, #tpu.memory_space<vmem>>
      %dma_start3A_548 = arith.constant 0 : i32
      %dma_start3A_549 = arith.constant 0 : i32
      %dma_start3A_550 = tpu.memref_slice %arg20[%dma_start3A_548, %dma_start3A_549] : memref<10112x64xbf16, #tpu.memory_space<vmem_shared>> -> memref<10112x64xbf16, #tpu.memory_space<vmem_shared>>
      tpu.enqueue_indirect_dma source(%arg18 : memref<128x64xbf16, #tpu.memory_space<vmem>>) target(%dma_start3A_550 : memref<10112x64xbf16, #tpu.memory_space<vmem_shared>>) offsets(%dma_start3A_547 : memref<128xi32, #tpu.memory_space<vmem>>) semaphore(%arg36 : memref<!tpu.dma_semaphore, #tpu.memory_space<semaphore_mem>>) {add = true}
      %eq3A_551 = arith.constant 0 : i32
      %eq3A_552 = arith.cmpi eq, %arg0, %eq3A_551 : i32
      %convert_element_type3A_553 = arith.extui %eq3A_552 : i1 to i32
      %cond3A_554 = arith.constant 0 : i32
      %cond3A_555 = arith.cmpi ne, %convert_element_type3A_553, %cond3A_554 : i32
      scf.if %cond3A_555 {
        %get3A = arith.index_cast %add3A_538 : i32 to index
        %get3A_569 = arith.constant 0 : index
        %get3A_570 = tpu.vector_load %arg10[%get3A, %get3A_569] {strides = array<i32>} : memref<160x128xi32, #tpu.memory_space<vmem>>, vector<16xi32>,
        tpu.vector_store_idx %arg19[%get3A_570], %broadcast_in_dim3A_0 {add = true} : memref<10112xf32, #tpu.memory_space<vmem>>[vector<16xi32>], vector<16xf32>,
        %get3A_571 = arith.index_cast %add3A_538 : i32 to index
        %get3A_572 = arith.constant 16 : index
        %get3A_573 = tpu.vector_load %arg10[%get3A_571, %get3A_572] {strides = array<i32>} : memref<160x128xi32, #tpu.memory_space<vmem>>, vector<16xi32>,
        tpu.vector_store_idx %arg19[%get3A_573], %broadcast_in_dim3A_0 {add = true} : memref<10112xf32, #tpu.memory_space<vmem>>[vector<16xi32>], vector<16xf32>,
        %get3A_574 = arith.index_cast %add3A_538 : i32 to index
        %get3A_575 = arith.constant 32 : index
        %get3A_576 = tpu.vector_load %arg10[%get3A_574, %get3A_575] {strides = array<i32>} : memref<160x128xi32, #tpu.memory_space<vmem>>, vector<16xi32>,
        tpu.vector_store_idx %arg19[%get3A_576], %broadcast_in_dim3A_0 {add = true} : memref<10112xf32, #tpu.memory_space<vmem>>[vector<16xi32>], vector<16xf32>,
        %get3A_577 = arith.index_cast %add3A_538 : i32 to index
        %get3A_578 = arith.constant 48 : index
        %get3A_579 = tpu.vector_load %arg10[%get3A_577, %get3A_578] {strides = array<i32>} : memref<160x128xi32, #tpu.memory_space<vmem>>, vector<16xi32>,
        tpu.vector_store_idx %arg19[%get3A_579], %broadcast_in_dim3A_0 {add = true} : memref<10112xf32, #tpu.memory_space<vmem>>[vector<16xi32>], vector<16xf32>,
        %get3A_580 = arith.index_cast %add3A_538 : i32 to index
        %get3A_581 = arith.constant 64 : index
        %get3A_582 = tpu.vector_load %arg10[%get3A_580, %get3A_581] {strides = array<i32>} : memref<160x128xi32, #tpu.memory_space<vmem>>, vector<16xi32>,
        tpu.vector_store_idx %arg19[%get3A_582], %broadcast_in_dim3A_0 {add = true} : memref<10112xf32, #tpu.memory_space<vmem>>[vector<16xi32>], vector<16xf32>,
        %get3A_583 = arith.index_cast %add3A_538 : i32 to index
        %get3A_584 = arith.constant 80 : index
        %get3A_585 = tpu.vector_load %arg10[%get3A_583, %get3A_584] {strides = array<i32>} : memref<160x128xi32, #tpu.memory_space<vmem>>, vector<16xi32>,
        tpu.vector_store_idx %arg19[%get3A_585], %broadcast_in_dim3A_0 {add = true} : memref<10112xf32, #tpu.memory_space<vmem>>[vector<16xi32>], vector<16xf32>,
        %get3A_586 = arith.index_cast %add3A_538 : i32 to index
        %get3A_587 = arith.constant 96 : index
        %get3A_588 = tpu.vector_load %arg10[%get3A_586, %get3A_587] {strides = array<i32>} : memref<160x128xi32, #tpu.memory_space<vmem>>, vector<16xi32>,
        tpu.vector_store_idx %arg19[%get3A_588], %broadcast_in_dim3A_0 {add = true} : memref<10112xf32, #tpu.memory_space<vmem>>[vector<16xi32>], vector<16xf32>,
        %get3A_589 = arith.index_cast %add3A_538 : i32 to index
        %get3A_590 = arith.constant 112 : index
        %get3A_591 = tpu.vector_load %arg10[%get3A_589, %get3A_590] {strides = array<i32>} : memref<160x128xi32, #tpu.memory_space<vmem>>, vector<16xi32>,
        tpu.vector_store_idx %arg19[%get3A_591], %broadcast_in_dim3A_0 {add = true} : memref<10112xf32, #tpu.memory_space<vmem>>[vector<16xi32>], vector<16xf32>,
      } else {
      }
      %sub3A_556 = arith.constant 4 : i32
      %sub3A_557 = arith.subi %add3A_538, %sub3A_556 : i32
      %dma_wait3A_558 = arith.constant 0 : i32
      %dma_wait3A_559 = tpu.memref_slice %arg10[%sub3A_557, %dma_wait3A_558] : memref<160x128xi32, #tpu.memory_space<vmem>> -> memref<1x128xi32, #tpu.memory_space<vmem>>
      %dma_wait3A_560 = tpu.memref_squeeze %dma_wait3A_559 : memref<1x128xi32, #tpu.memory_space<vmem>> -> memref<128xi32, #tpu.memory_space<vmem>>
      %dma_wait3A_561 = arith.constant 0 : i32
      %dma_wait3A_562 = arith.constant 0 : i32
      %dma_wait3A_563 = tpu.memref_slice %arg20[%dma_wait3A_561, %dma_wait3A_562] : memref<10112x64xbf16, #tpu.memory_space<vmem_shared>> -> memref<10112x64xbf16, #tpu.memory_space<vmem_shared>>
      tpu.wait_indirect_dma semaphore(%arg32 : memref<!tpu.dma_semaphore, #tpu.memory_space<semaphore_mem>>) src(%arg14 : memref<128x64xbf16, #tpu.memory_space<vmem>>) dst(%dma_wait3A_563 : memref<10112x64xbf16, #tpu.memory_space<vmem_shared>>)
      %lt3A_564 = arith.constant 19 : i32
      %lt3A_565 = arith.cmpi slt, %scan3A_303, %lt3A_564 : i32
      %convert_element_type3A_566 = arith.extui %lt3A_565 : i1 to i32
      %cond3A_567 = arith.constant 0 : i32
      %cond3A_568 = arith.cmpi ne, %convert_element_type3A_566, %cond3A_567 : i32
      scf.if %cond3A_568 {
        %add3A_569 = arith.constant 4 : i32
        %add3A_570 = arith.addi %add3A_538, %add3A_569 : i32
        %dma_start3A_571 = arith.constant 0 : i32
        %dma_start3A_572 = tpu.memref_slice %arg9[%add3A_570, %dma_start3A_571] : memref<160x128xi32, #tpu.memory_space<vmem>> -> memref<1x128xi32, #tpu.memory_space<vmem>>
        %dma_start3A_573 = tpu.memref_squeeze %dma_start3A_572 : memref<1x128xi32, #tpu.memory_space<vmem>> -> memref<128xi32, #tpu.memory_space<vmem>>
        %dma_start3A_574 = arith.constant 0 : i32
        %dma_start3A_575 = arith.constant 0 : i32
        %dma_start3A_576 = tpu.memref_slice %arg2[%dma_start3A_574, %dma_start3A_575] : memref<80000x64xbf16, #tpu.memory_space<hbm>> -> memref<80000x64xbf16, #tpu.memory_space<hbm>>
        tpu.enqueue_indirect_dma source(%dma_start3A_576 : memref<80000x64xbf16, #tpu.memory_space<hbm>>) target(%arg14 : memref<128x64xbf16, #tpu.memory_space<vmem>>) offsets(%dma_start3A_573 : memref<128xi32, #tpu.memory_space<vmem>>) semaphore(%arg24 : memref<!tpu.dma_semaphore, #tpu.memory_space<semaphore_mem>>)
      } else {
      }
    }
    %scan3A_112 = arith.constant 20 : i32
    %dma_wait3A_113 = arith.constant 156 : i32
    %dma_wait3A_114 = arith.constant 0 : i32
    %dma_wait3A_115 = tpu.memref_slice %arg10[%dma_wait3A_113, %dma_wait3A_114] : memref<160x128xi32, #tpu.memory_space<vmem>> -> memref<1x128xi32, #tpu.memory_space<vmem>>
    %dma_wait3A_116 = tpu.memref_squeeze %dma_wait3A_115 : memref<1x128xi32, #tpu.memory_space<vmem>> -> memref<128xi32, #tpu.memory_space<vmem>>
    %dma_wait3A_117 = arith.constant 0 : i32
    %dma_wait3A_118 = arith.constant 0 : i32
    %dma_wait3A_119 = tpu.memref_slice %arg20[%dma_wait3A_117, %dma_wait3A_118] : memref<10112x64xbf16, #tpu.memory_space<vmem_shared>> -> memref<10112x64xbf16, #tpu.memory_space<vmem_shared>>
    tpu.wait_indirect_dma semaphore(%arg33 : memref<!tpu.dma_semaphore, #tpu.memory_space<semaphore_mem>>) src(%arg15 : memref<128x64xbf16, #tpu.memory_space<vmem>>) dst(%dma_wait3A_119 : memref<10112x64xbf16, #tpu.memory_space<vmem_shared>>)
    %dma_wait3A_120 = arith.constant 157 : i32
    %dma_wait3A_121 = arith.constant 0 : i32
    %dma_wait3A_122 = tpu.memref_slice %arg10[%dma_wait3A_120, %dma_wait3A_121] : memref<160x128xi32, #tpu.memory_space<vmem>> -> memref<1x128xi32, #tpu.memory_space<vmem>>
    %dma_wait3A_123 = tpu.memref_squeeze %dma_wait3A_122 : memref<1x128xi32, #tpu.memory_space<vmem>> -> memref<128xi32, #tpu.memory_space<vmem>>
    %dma_wait3A_124 = arith.constant 0 : i32
    %dma_wait3A_125 = arith.constant 0 : i32
    %dma_wait3A_126 = tpu.memref_slice %arg20[%dma_wait3A_124, %dma_wait3A_125] : memref<10112x64xbf16, #tpu.memory_space<vmem_shared>> -> memref<10112x64xbf16, #tpu.memory_space<vmem_shared>>
    tpu.wait_indirect_dma semaphore(%arg34 : memref<!tpu.dma_semaphore, #tpu.memory_space<semaphore_mem>>) src(%arg16 : memref<128x64xbf16, #tpu.memory_space<vmem>>) dst(%dma_wait3A_126 : memref<10112x64xbf16, #tpu.memory_space<vmem_shared>>)
    %dma_wait3A_127 = arith.constant 158 : i32
    %dma_wait3A_128 = arith.constant 0 : i32
    %dma_wait3A_129 = tpu.memref_slice %arg10[%dma_wait3A_127, %dma_wait3A_128] : memref<160x128xi32, #tpu.memory_space<vmem>> -> memref<1x128xi32, #tpu.memory_space<vmem>>
    %dma_wait3A_130 = tpu.memref_squeeze %dma_wait3A_129 : memref<1x128xi32, #tpu.memory_space<vmem>> -> memref<128xi32, #tpu.memory_space<vmem>>
    %dma_wait3A_131 = arith.constant 0 : i32
    %dma_wait3A_132 = arith.constant 0 : i32
    %dma_wait3A_133 = tpu.memref_slice %arg20[%dma_wait3A_131, %dma_wait3A_132] : memref<10112x64xbf16, #tpu.memory_space<vmem_shared>> -> memref<10112x64xbf16, #tpu.memory_space<vmem_shared>>
    tpu.wait_indirect_dma semaphore(%arg35 : memref<!tpu.dma_semaphore, #tpu.memory_space<semaphore_mem>>) src(%arg17 : memref<128x64xbf16, #tpu.memory_space<vmem>>) dst(%dma_wait3A_133 : memref<10112x64xbf16, #tpu.memory_space<vmem_shared>>)
    %dma_wait3A_134 = arith.constant 159 : i32
    %dma_wait3A_135 = arith.constant 0 : i32
    %dma_wait3A_136 = tpu.memref_slice %arg10[%dma_wait3A_134, %dma_wait3A_135] : memref<160x128xi32, #tpu.memory_space<vmem>> -> memref<1x128xi32, #tpu.memory_space<vmem>>
    %dma_wait3A_137 = tpu.memref_squeeze %dma_wait3A_136 : memref<1x128xi32, #tpu.memory_space<vmem>> -> memref<128xi32, #tpu.memory_space<vmem>>
    %dma_wait3A_138 = arith.constant 0 : i32
    %dma_wait3A_139 = arith.constant 0 : i32
    %dma_wait3A_140 = tpu.memref_slice %arg20[%dma_wait3A_138, %dma_wait3A_139] : memref<10112x64xbf16, #tpu.memory_space<vmem_shared>> -> memref<10112x64xbf16, #tpu.memory_space<vmem_shared>>
    tpu.wait_indirect_dma semaphore(%arg36 : memref<!tpu.dma_semaphore, #tpu.memory_space<semaphore_mem>>) src(%arg18 : memref<128x64xbf16, #tpu.memory_space<vmem>>) dst(%dma_wait3A_140 : memref<10112x64xbf16, #tpu.memory_space<vmem_shared>>)
    %barrier3A_141 = arith.constant 0 : index
    tpu.barrier barrier_id(%barrier3A_141)
    %mul3A_142 = arith.constant 632 : i32
    %mul3A_143 = arith.muli %arg1, %mul3A_142 : i32
    %mul3A_144 = arith.constant 632 : i32
    %mul3A_145 = arith.muli %arg1, %mul3A_144 : i32
    %run_scoped3A_146 = arith.constant 1 : i32
    "tpu.region"() ({
      %run_scoped3A_303 = tpu.sem_alloc : memref<!tpu.dma_semaphore, #tpu.memory_space<semaphore_mem>>
      %dma_start3A_304 = arith.constant 0 : i32
      %dma_start3A_305 = tpu.memref_slice %arg7[%run_scoped3A_146, %arg0, %mul3A_145, %dma_start3A_304] : memref<4x2x10112x64xbf16, #tpu.memory_space<hbm>> -> memref<1x1x632x64xbf16, #tpu.memory_space<hbm>>
      %dma_start3A_306 = tpu.memref_squeeze %dma_start3A_305 : memref<1x1x632x64xbf16, #tpu.memory_space<hbm>> -> memref<632x64xbf16, #tpu.memory_space<hbm>>
      %dma_start3A_307 = arith.constant 0 : i32
      %dma_start3A_308 = tpu.memref_slice %arg20[%mul3A_143, %dma_start3A_307] : memref<10112x64xbf16, #tpu.memory_space<vmem_shared>> -> memref<632x64xbf16, #tpu.memory_space<vmem_shared>>
      tpu.enqueue_dma source(%dma_start3A_308 : memref<632x64xbf16, #tpu.memory_space<vmem_shared>>) target(%dma_start3A_306 : memref<632x64xbf16, #tpu.memory_space<hbm>>) target_semaphore(%run_scoped3A_303 : memref<!tpu.dma_semaphore, #tpu.memory_space<semaphore_mem>>)
      %dma_wait3A_309 = arith.constant 0 : i32
      %dma_wait3A_310 = tpu.memref_slice %arg7[%run_scoped3A_146, %arg0, %mul3A_145, %dma_wait3A_309] : memref<4x2x10112x64xbf16, #tpu.memory_space<hbm>> -> memref<1x1x632x64xbf16, #tpu.memory_space<hbm>>
      %dma_wait3A_311 = tpu.memref_squeeze %dma_wait3A_310 : memref<1x1x632x64xbf16, #tpu.memory_space<hbm>> -> memref<632x64xbf16, #tpu.memory_space<hbm>>
      %dma_wait3A_312 = arith.constant 0 : i32
      %dma_wait3A_313 = tpu.memref_slice %arg20[%mul3A_143, %dma_wait3A_312] : memref<10112x64xbf16, #tpu.memory_space<vmem_shared>> -> memref<632x64xbf16, #tpu.memory_space<vmem_shared>>
      tpu.wait_dma2 semaphore(%run_scoped3A_303 : memref<!tpu.dma_semaphore, #tpu.memory_space<semaphore_mem>>) src(%dma_wait3A_313 : memref<632x64xbf16, #tpu.memory_space<vmem_shared>>) dst(%dma_wait3A_311 : memref<632x64xbf16, #tpu.memory_space<hbm>>)
      tpu.yield
    }) : () -> ()
    %run_scoped3A_147 = arith.constant 1 : i32
    "tpu.region"() ({
      %run_scoped3A_303 = tpu.sem_alloc : memref<!tpu.dma_semaphore, #tpu.memory_space<semaphore_mem>>
      %dma_start3A_304 = arith.constant 0 : i32
      %dma_start3A_305 = tpu.memref_slice %arg8[%run_scoped3A_147, %arg0, %arg1, %dma_start3A_304] : memref<4x2x16x10112xf32, #tpu.memory_space<hbm>> -> memref<1x1x1x10112xf32, #tpu.memory_space<hbm>>
      %dma_start3A_306 = tpu.memref_squeeze %dma_start3A_305 : memref<1x1x1x10112xf32, #tpu.memory_space<hbm>> -> memref<10112xf32, #tpu.memory_space<hbm>>
      %dma_start3A_307 = arith.constant 0 : i32
      %dma_start3A_308 = tpu.memref_slice %arg8[%run_scoped3A_147, %arg0, %arg1, %dma_start3A_307] : memref<4x2x16x10112xf32, #tpu.memory_space<hbm>> -> memref<1x1x1x10112xf32, #tpu.memory_space<hbm>>
      %dma_start3A_309 = tpu.memref_squeeze %dma_start3A_308 : memref<1x1x1x10112xf32, #tpu.memory_space<hbm>> -> memref<10112xf32, #tpu.memory_space<hbm>>
      tpu.enqueue_dma source(%arg19 : memref<10112xf32, #tpu.memory_space<vmem>>) target(%dma_start3A_309 : memref<10112xf32, #tpu.memory_space<hbm>>) target_semaphore(%run_scoped3A_303 : memref<!tpu.dma_semaphore, #tpu.memory_space<semaphore_mem>>)
      %dma_wait3A_310 = arith.constant 0 : i32
      %dma_wait3A_311 = tpu.memref_slice %arg8[%run_scoped3A_147, %arg0, %arg1, %dma_wait3A_310] : memref<4x2x16x10112xf32, #tpu.memory_space<hbm>> -> memref<1x1x1x10112xf32, #tpu.memory_space<hbm>>
      %dma_wait3A_312 = tpu.memref_squeeze %dma_wait3A_311 : memref<1x1x1x10112xf32, #tpu.memory_space<hbm>> -> memref<10112xf32, #tpu.memory_space<hbm>>
      %dma_wait3A_313 = arith.constant 0 : i32
      %dma_wait3A_314 = tpu.memref_slice %arg8[%run_scoped3A_147, %arg0, %arg1, %dma_wait3A_313] : memref<4x2x16x10112xf32, #tpu.memory_space<hbm>> -> memref<1x1x1x10112xf32, #tpu.memory_space<hbm>>
      %dma_wait3A_315 = tpu.memref_squeeze %dma_wait3A_314 : memref<1x1x1x10112xf32, #tpu.memory_space<hbm>> -> memref<10112xf32, #tpu.memory_space<hbm>>
      tpu.wait_dma2 semaphore(%run_scoped3A_303 : memref<!tpu.dma_semaphore, #tpu.memory_space<semaphore_mem>>) src(%arg19 : memref<10112xf32, #tpu.memory_space<vmem>>) dst(%dma_wait3A_315 : memref<10112xf32, #tpu.memory_space<hbm>>)
      tpu.yield
    }) : () -> ()
    %barrier3A_148 = arith.constant 0 : index
    tpu.barrier barrier_id(%barrier3A_148)
    %mul3A_149 = arith.constant 632 : i32
    %mul3A_150 = arith.muli %arg1, %mul3A_149 : i32
    %mul3A_151 = arith.constant 632 : i32
    %mul3A_152 = arith.muli %arg1, %mul3A_151 : i32
    "tpu.region"() ({
      %run_scoped3A_303 = tpu.sem_alloc : memref<!tpu.dma_semaphore, #tpu.memory_space<semaphore_mem>>
      %dma_start3A_304 = arith.constant 0 : i32
      %dma_start3A_305 = tpu.memref_slice %arg20[%mul3A_152, %dma_start3A_304] : memref<10112x64xbf16, #tpu.memory_space<vmem_shared>> -> memref<632x64xbf16, #tpu.memory_space<vmem_shared>>
      %dma_start3A_306 = arith.constant 0 : i32
      %dma_start3A_307 = tpu.memref_slice %arg5[%mul3A_150, %dma_start3A_306] : memref<10112x64xbf16, #tpu.memory_space<hbm>> -> memref<632x64xbf16, #tpu.memory_space<hbm>>
      tpu.enqueue_dma source(%dma_start3A_307 : memref<632x64xbf16, #tpu.memory_space<hbm>>) target(%dma_start3A_305 : memref<632x64xbf16, #tpu.memory_space<vmem_shared>>) target_semaphore(%run_scoped3A_303 : memref<!tpu.dma_semaphore, #tpu.memory_space<semaphore_mem>>)
      %dma_wait3A_308 = arith.constant 0 : i32
      %dma_wait3A_309 = tpu.memref_slice %arg20[%mul3A_152, %dma_wait3A_308] : memref<10112x64xbf16, #tpu.memory_space<vmem_shared>> -> memref<632x64xbf16, #tpu.memory_space<vmem_shared>>
      %dma_wait3A_310 = arith.constant 0 : i32
      %dma_wait3A_311 = tpu.memref_slice %arg5[%mul3A_150, %dma_wait3A_310] : memref<10112x64xbf16, #tpu.memory_space<hbm>> -> memref<632x64xbf16, #tpu.memory_space<hbm>>
      tpu.wait_dma2 semaphore(%run_scoped3A_303 : memref<!tpu.dma_semaphore, #tpu.memory_space<semaphore_mem>>) src(%dma_wait3A_311 : memref<632x64xbf16, #tpu.memory_space<hbm>>) dst(%dma_wait3A_309 : memref<632x64xbf16, #tpu.memory_space<vmem_shared>>)
      tpu.yield
    }) : () -> ()
    "tpu.region"() ({
      %run_scoped3A_303 = tpu.sem_alloc : memref<!tpu.dma_semaphore, #tpu.memory_space<semaphore_mem>>
      tpu.enqueue_dma source(%arg6 : memref<10112xf32, #tpu.memory_space<hbm>>) target(%arg19 : memref<10112xf32, #tpu.memory_space<vmem>>) target_semaphore(%run_scoped3A_303 : memref<!tpu.dma_semaphore, #tpu.memory_space<semaphore_mem>>)
      tpu.wait_dma2 semaphore(%run_scoped3A_303 : memref<!tpu.dma_semaphore, #tpu.memory_space<semaphore_mem>>) src(%arg6 : memref<10112xf32, #tpu.memory_space<hbm>>) dst(%arg19 : memref<10112xf32, #tpu.memory_space<vmem>>)
      tpu.yield
    }) : () -> ()
    %barrier3A_153 = arith.constant 0 : index
    tpu.barrier barrier_id(%barrier3A_153)
    %run_scoped3A_154 = arith.constant 2 : i32
    "tpu.region"() ({
      %run_scoped3A_303 = tpu.sem_alloc : memref<!tpu.dma_semaphore, #tpu.memory_space<semaphore_mem>>
      %dma_start3A_304 = arith.constant 0 : i32
      %dma_start3A_305 = arith.constant 0 : i32
      %dma_start3A_306 = tpu.memref_slice %arg3[%arg0, %run_scoped3A_154, %arg1, %dma_start3A_304, %dma_start3A_305] : memref<2x4x16x160x128xi32, #tpu.memory_space<hbm>> -> memref<1x1x1x160x128xi32, #tpu.memory_space<hbm>>
      %dma_start3A_307 = tpu.memref_squeeze %dma_start3A_306 : memref<1x1x1x160x128xi32, #tpu.memory_space<hbm>> -> memref<160x128xi32, #tpu.memory_space<hbm>>
      %dma_start3A_308 = arith.constant 0 : i32
      %dma_start3A_309 = arith.constant 0 : i32
      %dma_start3A_310 = tpu.memref_slice %arg3[%arg0, %run_scoped3A_154, %arg1, %dma_start3A_308, %dma_start3A_309] : memref<2x4x16x160x128xi32, #tpu.memory_space<hbm>> -> memref<1x1x1x160x128xi32, #tpu.memory_space<hbm>>
      %dma_start3A_311 = tpu.memref_squeeze %dma_start3A_310 : memref<1x1x1x160x128xi32, #tpu.memory_space<hbm>> -> memref<160x128xi32, #tpu.memory_space<hbm>>
      tpu.enqueue_dma source(%dma_start3A_311 : memref<160x128xi32, #tpu.memory_space<hbm>>) target(%arg9 : memref<160x128xi32, #tpu.memory_space<vmem>>) target_semaphore(%run_scoped3A_303 : memref<!tpu.dma_semaphore, #tpu.memory_space<semaphore_mem>>)
      %dma_wait3A_312 = arith.constant 0 : i32
      %dma_wait3A_313 = arith.constant 0 : i32
      %dma_wait3A_314 = tpu.memref_slice %arg3[%arg0, %run_scoped3A_154, %arg1, %dma_wait3A_312, %dma_wait3A_313] : memref<2x4x16x160x128xi32, #tpu.memory_space<hbm>> -> memref<1x1x1x160x128xi32, #tpu.memory_space<hbm>>
      %dma_wait3A_315 = tpu.memref_squeeze %dma_wait3A_314 : memref<1x1x1x160x128xi32, #tpu.memory_space<hbm>> -> memref<160x128xi32, #tpu.memory_space<hbm>>
      %dma_wait3A_316 = arith.constant 0 : i32
      %dma_wait3A_317 = arith.constant 0 : i32
      %dma_wait3A_318 = tpu.memref_slice %arg3[%arg0, %run_scoped3A_154, %arg1, %dma_wait3A_316, %dma_wait3A_317] : memref<2x4x16x160x128xi32, #tpu.memory_space<hbm>> -> memref<1x1x1x160x128xi32, #tpu.memory_space<hbm>>
      %dma_wait3A_319 = tpu.memref_squeeze %dma_wait3A_318 : memref<1x1x1x160x128xi32, #tpu.memory_space<hbm>> -> memref<160x128xi32, #tpu.memory_space<hbm>>
      tpu.wait_dma2 semaphore(%run_scoped3A_303 : memref<!tpu.dma_semaphore, #tpu.memory_space<semaphore_mem>>) src(%dma_wait3A_319 : memref<160x128xi32, #tpu.memory_space<hbm>>) dst(%arg9 : memref<160x128xi32, #tpu.memory_space<vmem>>)
      tpu.yield
    }) : () -> ()
    %run_scoped3A_155 = arith.constant 2 : i32
    "tpu.region"() ({
      %run_scoped3A_303 = tpu.sem_alloc : memref<!tpu.dma_semaphore, #tpu.memory_space<semaphore_mem>>
      %dma_start3A_304 = arith.constant 0 : i32
      %dma_start3A_305 = arith.constant 0 : i32
      %dma_start3A_306 = tpu.memref_slice %arg4[%run_scoped3A_155, %arg1, %dma_start3A_304, %dma_start3A_305] : memref<4x16x160x128xi32, #tpu.memory_space<hbm>> -> memref<1x1x160x128xi32, #tpu.memory_space<hbm>>
      %dma_start3A_307 = tpu.memref_squeeze %dma_start3A_306 : memref<1x1x160x128xi32, #tpu.memory_space<hbm>> -> memref<160x128xi32, #tpu.memory_space<hbm>>
      %dma_start3A_308 = arith.constant 0 : i32
      %dma_start3A_309 = arith.constant 0 : i32
      %dma_start3A_310 = tpu.memref_slice %arg4[%run_scoped3A_155, %arg1, %dma_start3A_308, %dma_start3A_309] : memref<4x16x160x128xi32, #tpu.memory_space<hbm>> -> memref<1x1x160x128xi32, #tpu.memory_space<hbm>>
      %dma_start3A_311 = tpu.memref_squeeze %dma_start3A_310 : memref<1x1x160x128xi32, #tpu.memory_space<hbm>> -> memref<160x128xi32, #tpu.memory_space<hbm>>
      tpu.enqueue_dma source(%dma_start3A_311 : memref<160x128xi32, #tpu.memory_space<hbm>>) target(%arg10 : memref<160x128xi32, #tpu.memory_space<vmem>>) target_semaphore(%run_scoped3A_303 : memref<!tpu.dma_semaphore, #tpu.memory_space<semaphore_mem>>)
      %dma_wait3A_312 = arith.constant 0 : i32
      %dma_wait3A_313 = arith.constant 0 : i32
      %dma_wait3A_314 = tpu.memref_slice %arg4[%run_scoped3A_155, %arg1, %dma_wait3A_312, %dma_wait3A_313] : memref<4x16x160x128xi32, #tpu.memory_space<hbm>> -> memref<1x1x160x128xi32, #tpu.memory_space<hbm>>
      %dma_wait3A_315 = tpu.memref_squeeze %dma_wait3A_314 : memref<1x1x160x128xi32, #tpu.memory_space<hbm>> -> memref<160x128xi32, #tpu.memory_space<hbm>>
      %dma_wait3A_316 = arith.constant 0 : i32
      %dma_wait3A_317 = arith.constant 0 : i32
      %dma_wait3A_318 = tpu.memref_slice %arg4[%run_scoped3A_155, %arg1, %dma_wait3A_316, %dma_wait3A_317] : memref<4x16x160x128xi32, #tpu.memory_space<hbm>> -> memref<1x1x160x128xi32, #tpu.memory_space<hbm>>
      %dma_wait3A_319 = tpu.memref_squeeze %dma_wait3A_318 : memref<1x1x160x128xi32, #tpu.memory_space<hbm>> -> memref<160x128xi32, #tpu.memory_space<hbm>>
      tpu.wait_dma2 semaphore(%run_scoped3A_303 : memref<!tpu.dma_semaphore, #tpu.memory_space<semaphore_mem>>) src(%dma_wait3A_319 : memref<160x128xi32, #tpu.memory_space<hbm>>) dst(%arg10 : memref<160x128xi32, #tpu.memory_space<vmem>>)
      tpu.yield
    }) : () -> ()
    %dma_start3A_156 = arith.constant 0 : i32
    %dma_start3A_157 = arith.constant 0 : i32
    %dma_start3A_158 = tpu.memref_slice %arg9[%dma_start3A_156, %dma_start3A_157] : memref<160x128xi32, #tpu.memory_space<vmem>> -> memref<1x128xi32, #tpu.memory_space<vmem>>
    %dma_start3A_159 = tpu.memref_squeeze %dma_start3A_158 : memref<1x128xi32, #tpu.memory_space<vmem>> -> memref<128xi32, #tpu.memory_space<vmem>>
    %dma_start3A_160 = arith.constant 0 : i32
    %dma_start3A_161 = arith.constant 0 : i32
    %dma_start3A_162 = tpu.memref_slice %arg2[%dma_start3A_160, %dma_start3A_161] : memref<80000x64xbf16, #tpu.memory_space<hbm>> -> memref<80000x64xbf16, #tpu.memory_space<hbm>>
    tpu.enqueue_indirect_dma source(%dma_start3A_162 : memref<80000x64xbf16, #tpu.memory_space<hbm>>) target(%arg11 : memref<128x64xbf16, #tpu.memory_space<vmem>>) offsets(%dma_start3A_159 : memref<128xi32, #tpu.memory_space<vmem>>) semaphore(%arg21 : memref<!tpu.dma_semaphore, #tpu.memory_space<semaphore_mem>>)
    %dma_start3A_163 = arith.constant 1 : i32
    %dma_start3A_164 = arith.constant 0 : i32
    %dma_start3A_165 = tpu.memref_slice %arg9[%dma_start3A_163, %dma_start3A_164] : memref<160x128xi32, #tpu.memory_space<vmem>> -> memref<1x128xi32, #tpu.memory_space<vmem>>
    %dma_start3A_166 = tpu.memref_squeeze %dma_start3A_165 : memref<1x128xi32, #tpu.memory_space<vmem>> -> memref<128xi32, #tpu.memory_space<vmem>>
    %dma_start3A_167 = arith.constant 0 : i32
    %dma_start3A_168 = arith.constant 0 : i32
    %dma_start3A_169 = tpu.memref_slice %arg2[%dma_start3A_167, %dma_start3A_168] : memref<80000x64xbf16, #tpu.memory_space<hbm>> -> memref<80000x64xbf16, #tpu.memory_space<hbm>>
    tpu.enqueue_indirect_dma source(%dma_start3A_169 : memref<80000x64xbf16, #tpu.memory_space<hbm>>) target(%arg12 : memref<128x64xbf16, #tpu.memory_space<vmem>>) offsets(%dma_start3A_166 : memref<128xi32, #tpu.memory_space<vmem>>) semaphore(%arg22 : memref<!tpu.dma_semaphore, #tpu.memory_space<semaphore_mem>>)
    %dma_start3A_170 = arith.constant 2 : i32
    %dma_start3A_171 = arith.constant 0 : i32
    %dma_start3A_172 = tpu.memref_slice %arg9[%dma_start3A_170, %dma_start3A_171] : memref<160x128xi32, #tpu.memory_space<vmem>> -> memref<1x128xi32, #tpu.memory_space<vmem>>
    %dma_start3A_173 = tpu.memref_squeeze %dma_start3A_172 : memref<1x128xi32, #tpu.memory_space<vmem>> -> memref<128xi32, #tpu.memory_space<vmem>>
    %dma_start3A_174 = arith.constant 0 : i32
    %dma_start3A_175 = arith.constant 0 : i32
    %dma_start3A_176 = tpu.memref_slice %arg2[%dma_start3A_174, %dma_start3A_175] : memref<80000x64xbf16, #tpu.memory_space<hbm>> -> memref<80000x64xbf16, #tpu.memory_space<hbm>>
    tpu.enqueue_indirect_dma source(%dma_start3A_176 : memref<80000x64xbf16, #tpu.memory_space<hbm>>) target(%arg13 : memref<128x64xbf16, #tpu.memory_space<vmem>>) offsets(%dma_start3A_173 : memref<128xi32, #tpu.memory_space<vmem>>) semaphore(%arg23 : memref<!tpu.dma_semaphore, #tpu.memory_space<semaphore_mem>>)
    %dma_start3A_177 = arith.constant 3 : i32
    %dma_start3A_178 = arith.constant 0 : i32
    %dma_start3A_179 = tpu.memref_slice %arg9[%dma_start3A_177, %dma_start3A_178] : memref<160x128xi32, #tpu.memory_space<vmem>> -> memref<1x128xi32, #tpu.memory_space<vmem>>
    %dma_start3A_180 = tpu.memref_squeeze %dma_start3A_179 : memref<1x128xi32, #tpu.memory_space<vmem>> -> memref<128xi32, #tpu.memory_space<vmem>>
    %dma_start3A_181 = arith.constant 0 : i32
    %dma_start3A_182 = arith.constant 0 : i32
    %dma_start3A_183 = tpu.memref_slice %arg2[%dma_start3A_181, %dma_start3A_182] : memref<80000x64xbf16, #tpu.memory_space<hbm>> -> memref<80000x64xbf16, #tpu.memory_space<hbm>>
    tpu.enqueue_indirect_dma source(%dma_start3A_183 : memref<80000x64xbf16, #tpu.memory_space<hbm>>) target(%arg14 : memref<128x64xbf16, #tpu.memory_space<vmem>>) offsets(%dma_start3A_180 : memref<128xi32, #tpu.memory_space<vmem>>) semaphore(%arg24 : memref<!tpu.dma_semaphore, #tpu.memory_space<semaphore_mem>>)
    %scan3A_184 = arith.constant 0 : i32
    %scan3A_185 = arith.constant 0 : i32
    %scan3A_186 = arith.constant 20 : i32
    %scan3A_187 = arith.addi %scan3A_185, %scan3A_186 : i32
    %scan3A_188 = arith.constant 1 : i32
    scf.for %scan3A_303 = %scan3A_185 to %scan3A_187 step %scan3A_188  : i32 {
      %mul3A_304 = arith.constant 8 : i32
      %mul3A_305 = arith.muli %mul3A_304, %scan3A_303 : i32
      %add3A = arith.constant 0 : i32
      %add3A_306 = arith.addi %mul3A_305, %add3A : i32
      %dma_wait3A_307 = arith.constant 0 : i32
      %dma_wait3A_308 = tpu.memref_slice %arg9[%add3A_306, %dma_wait3A_307] : memref<160x128xi32, #tpu.memory_space<vmem>> -> memref<1x128xi32, #tpu.memory_space<vmem>>
      %dma_wait3A_309 = tpu.memref_squeeze %dma_wait3A_308 : memref<1x128xi32, #tpu.memory_space<vmem>> -> memref<128xi32, #tpu.memory_space<vmem>>
      %dma_wait3A_310 = arith.constant 0 : i32
      %dma_wait3A_311 = arith.constant 0 : i32
      %dma_wait3A_312 = tpu.memref_slice %arg2[%dma_wait3A_310, %dma_wait3A_311] : memref<80000x64xbf16, #tpu.memory_space<hbm>> -> memref<80000x64xbf16, #tpu.memory_space<hbm>>
      tpu.wait_indirect_dma semaphore(%arg21 : memref<!tpu.dma_semaphore, #tpu.memory_space<semaphore_mem>>) src(%dma_wait3A_312 : memref<80000x64xbf16, #tpu.memory_space<hbm>>) dst(%arg11 : memref<128x64xbf16, #tpu.memory_space<vmem>>)
      %dma_start3A_313 = arith.constant 0 : i32
      %dma_start3A_314 = tpu.memref_slice %arg10[%add3A_306, %dma_start3A_313] : memref<160x128xi32, #tpu.memory_space<vmem>> -> memref<1x128xi32, #tpu.memory_space<vmem>>
      %dma_start3A_315 = tpu.memref_squeeze %dma_start3A_314 : memref<1x128xi32, #tpu.memory_space<vmem>> -> memref<128xi32, #tpu.memory_space<vmem>>
      %dma_start3A_316 = arith.constant 0 : i32
      %dma_start3A_317 = arith.constant 0 : i32
      %dma_start3A_318 = tpu.memref_slice %arg20[%dma_start3A_316, %dma_start3A_317] : memref<10112x64xbf16, #tpu.memory_space<vmem_shared>> -> memref<10112x64xbf16, #tpu.memory_space<vmem_shared>>
      tpu.enqueue_indirect_dma source(%arg11 : memref<128x64xbf16, #tpu.memory_space<vmem>>) target(%dma_start3A_318 : memref<10112x64xbf16, #tpu.memory_space<vmem_shared>>) offsets(%dma_start3A_315 : memref<128xi32, #tpu.memory_space<vmem>>) semaphore(%arg29 : memref<!tpu.dma_semaphore, #tpu.memory_space<semaphore_mem>>) {add = true}
      %eq3A = arith.constant 0 : i32
      %eq3A_319 = arith.cmpi eq, %arg0, %eq3A : i32
      %convert_element_type3A = arith.extui %eq3A_319 : i1 to i32
      %cond3A = arith.constant 0 : i32
      %cond3A_320 = arith.cmpi ne, %convert_element_type3A, %cond3A : i32
      scf.if %cond3A_320 {
        %get3A = arith.index_cast %add3A_306 : i32 to index
        %get3A_569 = arith.constant 0 : index
        %get3A_570 = tpu.vector_load %arg10[%get3A, %get3A_569] {strides = array<i32>} : memref<160x128xi32, #tpu.memory_space<vmem>>, vector<16xi32>,
        tpu.vector_store_idx %arg19[%get3A_570], %broadcast_in_dim3A_0 {add = true} : memref<10112xf32, #tpu.memory_space<vmem>>[vector<16xi32>], vector<16xf32>,
        %get3A_571 = arith.index_cast %add3A_306 : i32 to index
        %get3A_572 = arith.constant 16 : index
        %get3A_573 = tpu.vector_load %arg10[%get3A_571, %get3A_572] {strides = array<i32>} : memref<160x128xi32, #tpu.memory_space<vmem>>, vector<16xi32>,
        tpu.vector_store_idx %arg19[%get3A_573], %broadcast_in_dim3A_0 {add = true} : memref<10112xf32, #tpu.memory_space<vmem>>[vector<16xi32>], vector<16xf32>,
        %get3A_574 = arith.index_cast %add3A_306 : i32 to index
        %get3A_575 = arith.constant 32 : index
        %get3A_576 = tpu.vector_load %arg10[%get3A_574, %get3A_575] {strides = array<i32>} : memref<160x128xi32, #tpu.memory_space<vmem>>, vector<16xi32>,
        tpu.vector_store_idx %arg19[%get3A_576], %broadcast_in_dim3A_0 {add = true} : memref<10112xf32, #tpu.memory_space<vmem>>[vector<16xi32>], vector<16xf32>,
        %get3A_577 = arith.index_cast %add3A_306 : i32 to index
        %get3A_578 = arith.constant 48 : index
        %get3A_579 = tpu.vector_load %arg10[%get3A_577, %get3A_578] {strides = array<i32>} : memref<160x128xi32, #tpu.memory_space<vmem>>, vector<16xi32>,
        tpu.vector_store_idx %arg19[%get3A_579], %broadcast_in_dim3A_0 {add = true} : memref<10112xf32, #tpu.memory_space<vmem>>[vector<16xi32>], vector<16xf32>,
        %get3A_580 = arith.index_cast %add3A_306 : i32 to index
        %get3A_581 = arith.constant 64 : index
        %get3A_582 = tpu.vector_load %arg10[%get3A_580, %get3A_581] {strides = array<i32>} : memref<160x128xi32, #tpu.memory_space<vmem>>, vector<16xi32>,
        tpu.vector_store_idx %arg19[%get3A_582], %broadcast_in_dim3A_0 {add = true} : memref<10112xf32, #tpu.memory_space<vmem>>[vector<16xi32>], vector<16xf32>,
        %get3A_583 = arith.index_cast %add3A_306 : i32 to index
        %get3A_584 = arith.constant 80 : index
        %get3A_585 = tpu.vector_load %arg10[%get3A_583, %get3A_584] {strides = array<i32>} : memref<160x128xi32, #tpu.memory_space<vmem>>, vector<16xi32>,
        tpu.vector_store_idx %arg19[%get3A_585], %broadcast_in_dim3A_0 {add = true} : memref<10112xf32, #tpu.memory_space<vmem>>[vector<16xi32>], vector<16xf32>,
        %get3A_586 = arith.index_cast %add3A_306 : i32 to index
        %get3A_587 = arith.constant 96 : index
        %get3A_588 = tpu.vector_load %arg10[%get3A_586, %get3A_587] {strides = array<i32>} : memref<160x128xi32, #tpu.memory_space<vmem>>, vector<16xi32>,
        tpu.vector_store_idx %arg19[%get3A_588], %broadcast_in_dim3A_0 {add = true} : memref<10112xf32, #tpu.memory_space<vmem>>[vector<16xi32>], vector<16xf32>,
        %get3A_589 = arith.index_cast %add3A_306 : i32 to index
        %get3A_590 = arith.constant 112 : index
        %get3A_591 = tpu.vector_load %arg10[%get3A_589, %get3A_590] {strides = array<i32>} : memref<160x128xi32, #tpu.memory_space<vmem>>, vector<16xi32>,
        tpu.vector_store_idx %arg19[%get3A_591], %broadcast_in_dim3A_0 {add = true} : memref<10112xf32, #tpu.memory_space<vmem>>[vector<16xi32>], vector<16xf32>,
      } else {
      }
      %gt3A = arith.constant 0 : i32
      %gt3A_321 = arith.cmpi sgt, %scan3A_303, %gt3A : i32
      %convert_element_type3A_322 = arith.extui %gt3A_321 : i1 to i32
      %cond3A_323 = arith.constant 0 : i32
      %cond3A_324 = arith.cmpi ne, %convert_element_type3A_322, %cond3A_323 : i32
      scf.if %cond3A_324 {
        %sub3A_569 = arith.constant 4 : i32
        %sub3A_570 = arith.subi %add3A_306, %sub3A_569 : i32
        %dma_wait3A_571 = arith.constant 0 : i32
        %dma_wait3A_572 = tpu.memref_slice %arg10[%sub3A_570, %dma_wait3A_571] : memref<160x128xi32, #tpu.memory_space<vmem>> -> memref<1x128xi32, #tpu.memory_space<vmem>>
        %dma_wait3A_573 = tpu.memref_squeeze %dma_wait3A_572 : memref<1x128xi32, #tpu.memory_space<vmem>> -> memref<128xi32, #tpu.memory_space<vmem>>
        %dma_wait3A_574 = arith.constant 0 : i32
        %dma_wait3A_575 = arith.constant 0 : i32
        %dma_wait3A_576 = tpu.memref_slice %arg20[%dma_wait3A_574, %dma_wait3A_575] : memref<10112x64xbf16, #tpu.memory_space<vmem_shared>> -> memref<10112x64xbf16, #tpu.memory_space<vmem_shared>>
        tpu.wait_indirect_dma semaphore(%arg33 : memref<!tpu.dma_semaphore, #tpu.memory_space<semaphore_mem>>) src(%arg15 : memref<128x64xbf16, #tpu.memory_space<vmem>>) dst(%dma_wait3A_576 : memref<10112x64xbf16, #tpu.memory_space<vmem_shared>>)
      } else {
      }
      %add3A_325 = arith.constant 4 : i32
      %add3A_326 = arith.addi %add3A_306, %add3A_325 : i32
      %dma_start3A_327 = arith.constant 0 : i32
      %dma_start3A_328 = tpu.memref_slice %arg9[%add3A_326, %dma_start3A_327] : memref<160x128xi32, #tpu.memory_space<vmem>> -> memref<1x128xi32, #tpu.memory_space<vmem>>
      %dma_start3A_329 = tpu.memref_squeeze %dma_start3A_328 : memref<1x128xi32, #tpu.memory_space<vmem>> -> memref<128xi32, #tpu.memory_space<vmem>>
      %dma_start3A_330 = arith.constant 0 : i32
      %dma_start3A_331 = arith.constant 0 : i32
      %dma_start3A_332 = tpu.memref_slice %arg2[%dma_start3A_330, %dma_start3A_331] : memref<80000x64xbf16, #tpu.memory_space<hbm>> -> memref<80000x64xbf16, #tpu.memory_space<hbm>>
      tpu.enqueue_indirect_dma source(%dma_start3A_332 : memref<80000x64xbf16, #tpu.memory_space<hbm>>) target(%arg15 : memref<128x64xbf16, #tpu.memory_space<vmem>>) offsets(%dma_start3A_329 : memref<128xi32, #tpu.memory_space<vmem>>) semaphore(%arg25 : memref<!tpu.dma_semaphore, #tpu.memory_space<semaphore_mem>>)
      %mul3A_333 = arith.constant 8 : i32
      %mul3A_334 = arith.muli %mul3A_333, %scan3A_303 : i32
      %add3A_335 = arith.constant 1 : i32
      %add3A_336 = arith.addi %mul3A_334, %add3A_335 : i32
      %dma_wait3A_337 = arith.constant 0 : i32
      %dma_wait3A_338 = tpu.memref_slice %arg9[%add3A_336, %dma_wait3A_337] : memref<160x128xi32, #tpu.memory_space<vmem>> -> memref<1x128xi32, #tpu.memory_space<vmem>>
      %dma_wait3A_339 = tpu.memref_squeeze %dma_wait3A_338 : memref<1x128xi32, #tpu.memory_space<vmem>> -> memref<128xi32, #tpu.memory_space<vmem>>
      %dma_wait3A_340 = arith.constant 0 : i32
      %dma_wait3A_341 = arith.constant 0 : i32
      %dma_wait3A_342 = tpu.memref_slice %arg2[%dma_wait3A_340, %dma_wait3A_341] : memref<80000x64xbf16, #tpu.memory_space<hbm>> -> memref<80000x64xbf16, #tpu.memory_space<hbm>>
      tpu.wait_indirect_dma semaphore(%arg22 : memref<!tpu.dma_semaphore, #tpu.memory_space<semaphore_mem>>) src(%dma_wait3A_342 : memref<80000x64xbf16, #tpu.memory_space<hbm>>) dst(%arg12 : memref<128x64xbf16, #tpu.memory_space<vmem>>)
      %dma_start3A_343 = arith.constant 0 : i32
      %dma_start3A_344 = tpu.memref_slice %arg10[%add3A_336, %dma_start3A_343] : memref<160x128xi32, #tpu.memory_space<vmem>> -> memref<1x128xi32, #tpu.memory_space<vmem>>
      %dma_start3A_345 = tpu.memref_squeeze %dma_start3A_344 : memref<1x128xi32, #tpu.memory_space<vmem>> -> memref<128xi32, #tpu.memory_space<vmem>>
      %dma_start3A_346 = arith.constant 0 : i32
      %dma_start3A_347 = arith.constant 0 : i32
      %dma_start3A_348 = tpu.memref_slice %arg20[%dma_start3A_346, %dma_start3A_347] : memref<10112x64xbf16, #tpu.memory_space<vmem_shared>> -> memref<10112x64xbf16, #tpu.memory_space<vmem_shared>>
      tpu.enqueue_indirect_dma source(%arg12 : memref<128x64xbf16, #tpu.memory_space<vmem>>) target(%dma_start3A_348 : memref<10112x64xbf16, #tpu.memory_space<vmem_shared>>) offsets(%dma_start3A_345 : memref<128xi32, #tpu.memory_space<vmem>>) semaphore(%arg30 : memref<!tpu.dma_semaphore, #tpu.memory_space<semaphore_mem>>) {add = true}
      %eq3A_349 = arith.constant 0 : i32
      %eq3A_350 = arith.cmpi eq, %arg0, %eq3A_349 : i32
      %convert_element_type3A_351 = arith.extui %eq3A_350 : i1 to i32
      %cond3A_352 = arith.constant 0 : i32
      %cond3A_353 = arith.cmpi ne, %convert_element_type3A_351, %cond3A_352 : i32
      scf.if %cond3A_353 {
        %get3A = arith.index_cast %add3A_336 : i32 to index
        %get3A_569 = arith.constant 0 : index
        %get3A_570 = tpu.vector_load %arg10[%get3A, %get3A_569] {strides = array<i32>} : memref<160x128xi32, #tpu.memory_space<vmem>>, vector<16xi32>,
        tpu.vector_store_idx %arg19[%get3A_570], %broadcast_in_dim3A_0 {add = true} : memref<10112xf32, #tpu.memory_space<vmem>>[vector<16xi32>], vector<16xf32>,
        %get3A_571 = arith.index_cast %add3A_336 : i32 to index
        %get3A_572 = arith.constant 16 : index
        %get3A_573 = tpu.vector_load %arg10[%get3A_571, %get3A_572] {strides = array<i32>} : memref<160x128xi32, #tpu.memory_space<vmem>>, vector<16xi32>,
        tpu.vector_store_idx %arg19[%get3A_573], %broadcast_in_dim3A_0 {add = true} : memref<10112xf32, #tpu.memory_space<vmem>>[vector<16xi32>], vector<16xf32>,
        %get3A_574 = arith.index_cast %add3A_336 : i32 to index
        %get3A_575 = arith.constant 32 : index
        %get3A_576 = tpu.vector_load %arg10[%get3A_574, %get3A_575] {strides = array<i32>} : memref<160x128xi32, #tpu.memory_space<vmem>>, vector<16xi32>,
        tpu.vector_store_idx %arg19[%get3A_576], %broadcast_in_dim3A_0 {add = true} : memref<10112xf32, #tpu.memory_space<vmem>>[vector<16xi32>], vector<16xf32>,
        %get3A_577 = arith.index_cast %add3A_336 : i32 to index
        %get3A_578 = arith.constant 48 : index
        %get3A_579 = tpu.vector_load %arg10[%get3A_577, %get3A_578] {strides = array<i32>} : memref<160x128xi32, #tpu.memory_space<vmem>>, vector<16xi32>,
        tpu.vector_store_idx %arg19[%get3A_579], %broadcast_in_dim3A_0 {add = true} : memref<10112xf32, #tpu.memory_space<vmem>>[vector<16xi32>], vector<16xf32>,
        %get3A_580 = arith.index_cast %add3A_336 : i32 to index
        %get3A_581 = arith.constant 64 : index
        %get3A_582 = tpu.vector_load %arg10[%get3A_580, %get3A_581] {strides = array<i32>} : memref<160x128xi32, #tpu.memory_space<vmem>>, vector<16xi32>,
        tpu.vector_store_idx %arg19[%get3A_582], %broadcast_in_dim3A_0 {add = true} : memref<10112xf32, #tpu.memory_space<vmem>>[vector<16xi32>], vector<16xf32>,
        %get3A_583 = arith.index_cast %add3A_336 : i32 to index
        %get3A_584 = arith.constant 80 : index
        %get3A_585 = tpu.vector_load %arg10[%get3A_583, %get3A_584] {strides = array<i32>} : memref<160x128xi32, #tpu.memory_space<vmem>>, vector<16xi32>,
        tpu.vector_store_idx %arg19[%get3A_585], %broadcast_in_dim3A_0 {add = true} : memref<10112xf32, #tpu.memory_space<vmem>>[vector<16xi32>], vector<16xf32>,
        %get3A_586 = arith.index_cast %add3A_336 : i32 to index
        %get3A_587 = arith.constant 96 : index
        %get3A_588 = tpu.vector_load %arg10[%get3A_586, %get3A_587] {strides = array<i32>} : memref<160x128xi32, #tpu.memory_space<vmem>>, vector<16xi32>,
        tpu.vector_store_idx %arg19[%get3A_588], %broadcast_in_dim3A_0 {add = true} : memref<10112xf32, #tpu.memory_space<vmem>>[vector<16xi32>], vector<16xf32>,
        %get3A_589 = arith.index_cast %add3A_336 : i32 to index
        %get3A_590 = arith.constant 112 : index
        %get3A_591 = tpu.vector_load %arg10[%get3A_589, %get3A_590] {strides = array<i32>} : memref<160x128xi32, #tpu.memory_space<vmem>>, vector<16xi32>,
        tpu.vector_store_idx %arg19[%get3A_591], %broadcast_in_dim3A_0 {add = true} : memref<10112xf32, #tpu.memory_space<vmem>>[vector<16xi32>], vector<16xf32>,
      } else {
      }
      %gt3A_354 = arith.constant 0 : i32
      %gt3A_355 = arith.cmpi sgt, %scan3A_303, %gt3A_354 : i32
      %convert_element_type3A_356 = arith.extui %gt3A_355 : i1 to i32
      %cond3A_357 = arith.constant 0 : i32
      %cond3A_358 = arith.cmpi ne, %convert_element_type3A_356, %cond3A_357 : i32
      scf.if %cond3A_358 {
        %sub3A_569 = arith.constant 4 : i32
        %sub3A_570 = arith.subi %add3A_336, %sub3A_569 : i32
        %dma_wait3A_571 = arith.constant 0 : i32
        %dma_wait3A_572 = tpu.memref_slice %arg10[%sub3A_570, %dma_wait3A_571] : memref<160x128xi32, #tpu.memory_space<vmem>> -> memref<1x128xi32, #tpu.memory_space<vmem>>
        %dma_wait3A_573 = tpu.memref_squeeze %dma_wait3A_572 : memref<1x128xi32, #tpu.memory_space<vmem>> -> memref<128xi32, #tpu.memory_space<vmem>>
        %dma_wait3A_574 = arith.constant 0 : i32
        %dma_wait3A_575 = arith.constant 0 : i32
        %dma_wait3A_576 = tpu.memref_slice %arg20[%dma_wait3A_574, %dma_wait3A_575] : memref<10112x64xbf16, #tpu.memory_space<vmem_shared>> -> memref<10112x64xbf16, #tpu.memory_space<vmem_shared>>
        tpu.wait_indirect_dma semaphore(%arg34 : memref<!tpu.dma_semaphore, #tpu.memory_space<semaphore_mem>>) src(%arg16 : memref<128x64xbf16, #tpu.memory_space<vmem>>) dst(%dma_wait3A_576 : memref<10112x64xbf16, #tpu.memory_space<vmem_shared>>)
      } else {
      }
      %add3A_359 = arith.constant 4 : i32
      %add3A_360 = arith.addi %add3A_336, %add3A_359 : i32
      %dma_start3A_361 = arith.constant 0 : i32
      %dma_start3A_362 = tpu.memref_slice %arg9[%add3A_360, %dma_start3A_361] : memref<160x128xi32, #tpu.memory_space<vmem>> -> memref<1x128xi32, #tpu.memory_space<vmem>>
      %dma_start3A_363 = tpu.memref_squeeze %dma_start3A_362 : memref<1x128xi32, #tpu.memory_space<vmem>> -> memref<128xi32, #tpu.memory_space<vmem>>
      %dma_start3A_364 = arith.constant 0 : i32
      %dma_start3A_365 = arith.constant 0 : i32
      %dma_start3A_366 = tpu.memref_slice %arg2[%dma_start3A_364, %dma_start3A_365] : memref<80000x64xbf16, #tpu.memory_space<hbm>> -> memref<80000x64xbf16, #tpu.memory_space<hbm>>
      tpu.enqueue_indirect_dma source(%dma_start3A_366 : memref<80000x64xbf16, #tpu.memory_space<hbm>>) target(%arg16 : memref<128x64xbf16, #tpu.memory_space<vmem>>) offsets(%dma_start3A_363 : memref<128xi32, #tpu.memory_space<vmem>>) semaphore(%arg26 : memref<!tpu.dma_semaphore, #tpu.memory_space<semaphore_mem>>)
      %mul3A_367 = arith.constant 8 : i32
      %mul3A_368 = arith.muli %mul3A_367, %scan3A_303 : i32
      %add3A_369 = arith.constant 2 : i32
      %add3A_370 = arith.addi %mul3A_368, %add3A_369 : i32
      %dma_wait3A_371 = arith.constant 0 : i32
      %dma_wait3A_372 = tpu.memref_slice %arg9[%add3A_370, %dma_wait3A_371] : memref<160x128xi32, #tpu.memory_space<vmem>> -> memref<1x128xi32, #tpu.memory_space<vmem>>
      %dma_wait3A_373 = tpu.memref_squeeze %dma_wait3A_372 : memref<1x128xi32, #tpu.memory_space<vmem>> -> memref<128xi32, #tpu.memory_space<vmem>>
      %dma_wait3A_374 = arith.constant 0 : i32
      %dma_wait3A_375 = arith.constant 0 : i32
      %dma_wait3A_376 = tpu.memref_slice %arg2[%dma_wait3A_374, %dma_wait3A_375] : memref<80000x64xbf16, #tpu.memory_space<hbm>> -> memref<80000x64xbf16, #tpu.memory_space<hbm>>
      tpu.wait_indirect_dma semaphore(%arg23 : memref<!tpu.dma_semaphore, #tpu.memory_space<semaphore_mem>>) src(%dma_wait3A_376 : memref<80000x64xbf16, #tpu.memory_space<hbm>>) dst(%arg13 : memref<128x64xbf16, #tpu.memory_space<vmem>>)
      %dma_start3A_377 = arith.constant 0 : i32
      %dma_start3A_378 = tpu.memref_slice %arg10[%add3A_370, %dma_start3A_377] : memref<160x128xi32, #tpu.memory_space<vmem>> -> memref<1x128xi32, #tpu.memory_space<vmem>>
      %dma_start3A_379 = tpu.memref_squeeze %dma_start3A_378 : memref<1x128xi32, #tpu.memory_space<vmem>> -> memref<128xi32, #tpu.memory_space<vmem>>
      %dma_start3A_380 = arith.constant 0 : i32
      %dma_start3A_381 = arith.constant 0 : i32
      %dma_start3A_382 = tpu.memref_slice %arg20[%dma_start3A_380, %dma_start3A_381] : memref<10112x64xbf16, #tpu.memory_space<vmem_shared>> -> memref<10112x64xbf16, #tpu.memory_space<vmem_shared>>
      tpu.enqueue_indirect_dma source(%arg13 : memref<128x64xbf16, #tpu.memory_space<vmem>>) target(%dma_start3A_382 : memref<10112x64xbf16, #tpu.memory_space<vmem_shared>>) offsets(%dma_start3A_379 : memref<128xi32, #tpu.memory_space<vmem>>) semaphore(%arg31 : memref<!tpu.dma_semaphore, #tpu.memory_space<semaphore_mem>>) {add = true}
      %eq3A_383 = arith.constant 0 : i32
      %eq3A_384 = arith.cmpi eq, %arg0, %eq3A_383 : i32
      %convert_element_type3A_385 = arith.extui %eq3A_384 : i1 to i32
      %cond3A_386 = arith.constant 0 : i32
      %cond3A_387 = arith.cmpi ne, %convert_element_type3A_385, %cond3A_386 : i32
      scf.if %cond3A_387 {
        %get3A = arith.index_cast %add3A_370 : i32 to index
        %get3A_569 = arith.constant 0 : index
        %get3A_570 = tpu.vector_load %arg10[%get3A, %get3A_569] {strides = array<i32>} : memref<160x128xi32, #tpu.memory_space<vmem>>, vector<16xi32>,
        tpu.vector_store_idx %arg19[%get3A_570], %broadcast_in_dim3A_0 {add = true} : memref<10112xf32, #tpu.memory_space<vmem>>[vector<16xi32>], vector<16xf32>,
        %get3A_571 = arith.index_cast %add3A_370 : i32 to index
        %get3A_572 = arith.constant 16 : index
        %get3A_573 = tpu.vector_load %arg10[%get3A_571, %get3A_572] {strides = array<i32>} : memref<160x128xi32, #tpu.memory_space<vmem>>, vector<16xi32>,
        tpu.vector_store_idx %arg19[%get3A_573], %broadcast_in_dim3A_0 {add = true} : memref<10112xf32, #tpu.memory_space<vmem>>[vector<16xi32>], vector<16xf32>,
        %get3A_574 = arith.index_cast %add3A_370 : i32 to index
        %get3A_575 = arith.constant 32 : index
        %get3A_576 = tpu.vector_load %arg10[%get3A_574, %get3A_575] {strides = array<i32>} : memref<160x128xi32, #tpu.memory_space<vmem>>, vector<16xi32>,
        tpu.vector_store_idx %arg19[%get3A_576], %broadcast_in_dim3A_0 {add = true} : memref<10112xf32, #tpu.memory_space<vmem>>[vector<16xi32>], vector<16xf32>,
        %get3A_577 = arith.index_cast %add3A_370 : i32 to index
        %get3A_578 = arith.constant 48 : index
        %get3A_579 = tpu.vector_load %arg10[%get3A_577, %get3A_578] {strides = array<i32>} : memref<160x128xi32, #tpu.memory_space<vmem>>, vector<16xi32>,
        tpu.vector_store_idx %arg19[%get3A_579], %broadcast_in_dim3A_0 {add = true} : memref<10112xf32, #tpu.memory_space<vmem>>[vector<16xi32>], vector<16xf32>,
        %get3A_580 = arith.index_cast %add3A_370 : i32 to index
        %get3A_581 = arith.constant 64 : index
        %get3A_582 = tpu.vector_load %arg10[%get3A_580, %get3A_581] {strides = array<i32>} : memref<160x128xi32, #tpu.memory_space<vmem>>, vector<16xi32>,
        tpu.vector_store_idx %arg19[%get3A_582], %broadcast_in_dim3A_0 {add = true} : memref<10112xf32, #tpu.memory_space<vmem>>[vector<16xi32>], vector<16xf32>,
        %get3A_583 = arith.index_cast %add3A_370 : i32 to index
        %get3A_584 = arith.constant 80 : index
        %get3A_585 = tpu.vector_load %arg10[%get3A_583, %get3A_584] {strides = array<i32>} : memref<160x128xi32, #tpu.memory_space<vmem>>, vector<16xi32>,
        tpu.vector_store_idx %arg19[%get3A_585], %broadcast_in_dim3A_0 {add = true} : memref<10112xf32, #tpu.memory_space<vmem>>[vector<16xi32>], vector<16xf32>,
        %get3A_586 = arith.index_cast %add3A_370 : i32 to index
        %get3A_587 = arith.constant 96 : index
        %get3A_588 = tpu.vector_load %arg10[%get3A_586, %get3A_587] {strides = array<i32>} : memref<160x128xi32, #tpu.memory_space<vmem>>, vector<16xi32>,
        tpu.vector_store_idx %arg19[%get3A_588], %broadcast_in_dim3A_0 {add = true} : memref<10112xf32, #tpu.memory_space<vmem>>[vector<16xi32>], vector<16xf32>,
        %get3A_589 = arith.index_cast %add3A_370 : i32 to index
        %get3A_590 = arith.constant 112 : index
        %get3A_591 = tpu.vector_load %arg10[%get3A_589, %get3A_590] {strides = array<i32>} : memref<160x128xi32, #tpu.memory_space<vmem>>, vector<16xi32>,
        tpu.vector_store_idx %arg19[%get3A_591], %broadcast_in_dim3A_0 {add = true} : memref<10112xf32, #tpu.memory_space<vmem>>[vector<16xi32>], vector<16xf32>,
      } else {
      }
      %gt3A_388 = arith.constant 0 : i32
      %gt3A_389 = arith.cmpi sgt, %scan3A_303, %gt3A_388 : i32
      %convert_element_type3A_390 = arith.extui %gt3A_389 : i1 to i32
      %cond3A_391 = arith.constant 0 : i32
      %cond3A_392 = arith.cmpi ne, %convert_element_type3A_390, %cond3A_391 : i32
      scf.if %cond3A_392 {
        %sub3A_569 = arith.constant 4 : i32
        %sub3A_570 = arith.subi %add3A_370, %sub3A_569 : i32
        %dma_wait3A_571 = arith.constant 0 : i32
        %dma_wait3A_572 = tpu.memref_slice %arg10[%sub3A_570, %dma_wait3A_571] : memref<160x128xi32, #tpu.memory_space<vmem>> -> memref<1x128xi32, #tpu.memory_space<vmem>>
        %dma_wait3A_573 = tpu.memref_squeeze %dma_wait3A_572 : memref<1x128xi32, #tpu.memory_space<vmem>> -> memref<128xi32, #tpu.memory_space<vmem>>
        %dma_wait3A_574 = arith.constant 0 : i32
        %dma_wait3A_575 = arith.constant 0 : i32
        %dma_wait3A_576 = tpu.memref_slice %arg20[%dma_wait3A_574, %dma_wait3A_575] : memref<10112x64xbf16, #tpu.memory_space<vmem_shared>> -> memref<10112x64xbf16, #tpu.memory_space<vmem_shared>>
        tpu.wait_indirect_dma semaphore(%arg35 : memref<!tpu.dma_semaphore, #tpu.memory_space<semaphore_mem>>) src(%arg17 : memref<128x64xbf16, #tpu.memory_space<vmem>>) dst(%dma_wait3A_576 : memref<10112x64xbf16, #tpu.memory_space<vmem_shared>>)
      } else {
      }
      %add3A_393 = arith.constant 4 : i32
      %add3A_394 = arith.addi %add3A_370, %add3A_393 : i32
      %dma_start3A_395 = arith.constant 0 : i32
      %dma_start3A_396 = tpu.memref_slice %arg9[%add3A_394, %dma_start3A_395] : memref<160x128xi32, #tpu.memory_space<vmem>> -> memref<1x128xi32, #tpu.memory_space<vmem>>
      %dma_start3A_397 = tpu.memref_squeeze %dma_start3A_396 : memref<1x128xi32, #tpu.memory_space<vmem>> -> memref<128xi32, #tpu.memory_space<vmem>>
      %dma_start3A_398 = arith.constant 0 : i32
      %dma_start3A_399 = arith.constant 0 : i32
      %dma_start3A_400 = tpu.memref_slice %arg2[%dma_start3A_398, %dma_start3A_399] : memref<80000x64xbf16, #tpu.memory_space<hbm>> -> memref<80000x64xbf16, #tpu.memory_space<hbm>>
      tpu.enqueue_indirect_dma source(%dma_start3A_400 : memref<80000x64xbf16, #tpu.memory_space<hbm>>) target(%arg17 : memref<128x64xbf16, #tpu.memory_space<vmem>>) offsets(%dma_start3A_397 : memref<128xi32, #tpu.memory_space<vmem>>) semaphore(%arg27 : memref<!tpu.dma_semaphore, #tpu.memory_space<semaphore_mem>>)
      %mul3A_401 = arith.constant 8 : i32
      %mul3A_402 = arith.muli %mul3A_401, %scan3A_303 : i32
      %add3A_403 = arith.constant 3 : i32
      %add3A_404 = arith.addi %mul3A_402, %add3A_403 : i32
      %dma_wait3A_405 = arith.constant 0 : i32
      %dma_wait3A_406 = tpu.memref_slice %arg9[%add3A_404, %dma_wait3A_405] : memref<160x128xi32, #tpu.memory_space<vmem>> -> memref<1x128xi32, #tpu.memory_space<vmem>>
      %dma_wait3A_407 = tpu.memref_squeeze %dma_wait3A_406 : memref<1x128xi32, #tpu.memory_space<vmem>> -> memref<128xi32, #tpu.memory_space<vmem>>
      %dma_wait3A_408 = arith.constant 0 : i32
      %dma_wait3A_409 = arith.constant 0 : i32
      %dma_wait3A_410 = tpu.memref_slice %arg2[%dma_wait3A_408, %dma_wait3A_409] : memref<80000x64xbf16, #tpu.memory_space<hbm>> -> memref<80000x64xbf16, #tpu.memory_space<hbm>>
      tpu.wait_indirect_dma semaphore(%arg24 : memref<!tpu.dma_semaphore, #tpu.memory_space<semaphore_mem>>) src(%dma_wait3A_410 : memref<80000x64xbf16, #tpu.memory_space<hbm>>) dst(%arg14 : memref<128x64xbf16, #tpu.memory_space<vmem>>)
      %dma_start3A_411 = arith.constant 0 : i32
      %dma_start3A_412 = tpu.memref_slice %arg10[%add3A_404, %dma_start3A_411] : memref<160x128xi32, #tpu.memory_space<vmem>> -> memref<1x128xi32, #tpu.memory_space<vmem>>
      %dma_start3A_413 = tpu.memref_squeeze %dma_start3A_412 : memref<1x128xi32, #tpu.memory_space<vmem>> -> memref<128xi32, #tpu.memory_space<vmem>>
      %dma_start3A_414 = arith.constant 0 : i32
      %dma_start3A_415 = arith.constant 0 : i32
      %dma_start3A_416 = tpu.memref_slice %arg20[%dma_start3A_414, %dma_start3A_415] : memref<10112x64xbf16, #tpu.memory_space<vmem_shared>> -> memref<10112x64xbf16, #tpu.memory_space<vmem_shared>>
      tpu.enqueue_indirect_dma source(%arg14 : memref<128x64xbf16, #tpu.memory_space<vmem>>) target(%dma_start3A_416 : memref<10112x64xbf16, #tpu.memory_space<vmem_shared>>) offsets(%dma_start3A_413 : memref<128xi32, #tpu.memory_space<vmem>>) semaphore(%arg32 : memref<!tpu.dma_semaphore, #tpu.memory_space<semaphore_mem>>) {add = true}
      %eq3A_417 = arith.constant 0 : i32
      %eq3A_418 = arith.cmpi eq, %arg0, %eq3A_417 : i32
      %convert_element_type3A_419 = arith.extui %eq3A_418 : i1 to i32
      %cond3A_420 = arith.constant 0 : i32
      %cond3A_421 = arith.cmpi ne, %convert_element_type3A_419, %cond3A_420 : i32
      scf.if %cond3A_421 {
        %get3A = arith.index_cast %add3A_404 : i32 to index
        %get3A_569 = arith.constant 0 : index
        %get3A_570 = tpu.vector_load %arg10[%get3A, %get3A_569] {strides = array<i32>} : memref<160x128xi32, #tpu.memory_space<vmem>>, vector<16xi32>,
        tpu.vector_store_idx %arg19[%get3A_570], %broadcast_in_dim3A_0 {add = true} : memref<10112xf32, #tpu.memory_space<vmem>>[vector<16xi32>], vector<16xf32>,
        %get3A_571 = arith.index_cast %add3A_404 : i32 to index
        %get3A_572 = arith.constant 16 : index
        %get3A_573 = tpu.vector_load %arg10[%get3A_571, %get3A_572] {strides = array<i32>} : memref<160x128xi32, #tpu.memory_space<vmem>>, vector<16xi32>,
        tpu.vector_store_idx %arg19[%get3A_573], %broadcast_in_dim3A_0 {add = true} : memref<10112xf32, #tpu.memory_space<vmem>>[vector<16xi32>], vector<16xf32>,
        %get3A_574 = arith.index_cast %add3A_404 : i32 to index
        %get3A_575 = arith.constant 32 : index
        %get3A_576 = tpu.vector_load %arg10[%get3A_574, %get3A_575] {strides = array<i32>} : memref<160x128xi32, #tpu.memory_space<vmem>>, vector<16xi32>,
        tpu.vector_store_idx %arg19[%get3A_576], %broadcast_in_dim3A_0 {add = true} : memref<10112xf32, #tpu.memory_space<vmem>>[vector<16xi32>], vector<16xf32>,
        %get3A_577 = arith.index_cast %add3A_404 : i32 to index
        %get3A_578 = arith.constant 48 : index
        %get3A_579 = tpu.vector_load %arg10[%get3A_577, %get3A_578] {strides = array<i32>} : memref<160x128xi32, #tpu.memory_space<vmem>>, vector<16xi32>,
        tpu.vector_store_idx %arg19[%get3A_579], %broadcast_in_dim3A_0 {add = true} : memref<10112xf32, #tpu.memory_space<vmem>>[vector<16xi32>], vector<16xf32>,
        %get3A_580 = arith.index_cast %add3A_404 : i32 to index
        %get3A_581 = arith.constant 64 : index
        %get3A_582 = tpu.vector_load %arg10[%get3A_580, %get3A_581] {strides = array<i32>} : memref<160x128xi32, #tpu.memory_space<vmem>>, vector<16xi32>,
        tpu.vector_store_idx %arg19[%get3A_582], %broadcast_in_dim3A_0 {add = true} : memref<10112xf32, #tpu.memory_space<vmem>>[vector<16xi32>], vector<16xf32>,
        %get3A_583 = arith.index_cast %add3A_404 : i32 to index
        %get3A_584 = arith.constant 80 : index
        %get3A_585 = tpu.vector_load %arg10[%get3A_583, %get3A_584] {strides = array<i32>} : memref<160x128xi32, #tpu.memory_space<vmem>>, vector<16xi32>,
        tpu.vector_store_idx %arg19[%get3A_585], %broadcast_in_dim3A_0 {add = true} : memref<10112xf32, #tpu.memory_space<vmem>>[vector<16xi32>], vector<16xf32>,
        %get3A_586 = arith.index_cast %add3A_404 : i32 to index
        %get3A_587 = arith.constant 96 : index
        %get3A_588 = tpu.vector_load %arg10[%get3A_586, %get3A_587] {strides = array<i32>} : memref<160x128xi32, #tpu.memory_space<vmem>>, vector<16xi32>,
        tpu.vector_store_idx %arg19[%get3A_588], %broadcast_in_dim3A_0 {add = true} : memref<10112xf32, #tpu.memory_space<vmem>>[vector<16xi32>], vector<16xf32>,
        %get3A_589 = arith.index_cast %add3A_404 : i32 to index
        %get3A_590 = arith.constant 112 : index
        %get3A_591 = tpu.vector_load %arg10[%get3A_589, %get3A_590] {strides = array<i32>} : memref<160x128xi32, #tpu.memory_space<vmem>>, vector<16xi32>,
        tpu.vector_store_idx %arg19[%get3A_591], %broadcast_in_dim3A_0 {add = true} : memref<10112xf32, #tpu.memory_space<vmem>>[vector<16xi32>], vector<16xf32>,
      } else {
      }
      %gt3A_422 = arith.constant 0 : i32
      %gt3A_423 = arith.cmpi sgt, %scan3A_303, %gt3A_422 : i32
      %convert_element_type3A_424 = arith.extui %gt3A_423 : i1 to i32
      %cond3A_425 = arith.constant 0 : i32
      %cond3A_426 = arith.cmpi ne, %convert_element_type3A_424, %cond3A_425 : i32
      scf.if %cond3A_426 {
        %sub3A_569 = arith.constant 4 : i32
        %sub3A_570 = arith.subi %add3A_404, %sub3A_569 : i32
        %dma_wait3A_571 = arith.constant 0 : i32
        %dma_wait3A_572 = tpu.memref_slice %arg10[%sub3A_570, %dma_wait3A_571] : memref<160x128xi32, #tpu.memory_space<vmem>> -> memref<1x128xi32, #tpu.memory_space<vmem>>
        %dma_wait3A_573 = tpu.memref_squeeze %dma_wait3A_572 : memref<1x128xi32, #tpu.memory_space<vmem>> -> memref<128xi32, #tpu.memory_space<vmem>>
        %dma_wait3A_574 = arith.constant 0 : i32
        %dma_wait3A_575 = arith.constant 0 : i32
        %dma_wait3A_576 = tpu.memref_slice %arg20[%dma_wait3A_574, %dma_wait3A_575] : memref<10112x64xbf16, #tpu.memory_space<vmem_shared>> -> memref<10112x64xbf16, #tpu.memory_space<vmem_shared>>
        tpu.wait_indirect_dma semaphore(%arg36 : memref<!tpu.dma_semaphore, #tpu.memory_space<semaphore_mem>>) src(%arg18 : memref<128x64xbf16, #tpu.memory_space<vmem>>) dst(%dma_wait3A_576 : memref<10112x64xbf16, #tpu.memory_space<vmem_shared>>)
      } else {
      }
      %add3A_427 = arith.constant 4 : i32
      %add3A_428 = arith.addi %add3A_404, %add3A_427 : i32
      %dma_start3A_429 = arith.constant 0 : i32
      %dma_start3A_430 = tpu.memref_slice %arg9[%add3A_428, %dma_start3A_429] : memref<160x128xi32, #tpu.memory_space<vmem>> -> memref<1x128xi32, #tpu.memory_space<vmem>>
      %dma_start3A_431 = tpu.memref_squeeze %dma_start3A_430 : memref<1x128xi32, #tpu.memory_space<vmem>> -> memref<128xi32, #tpu.memory_space<vmem>>
      %dma_start3A_432 = arith.constant 0 : i32
      %dma_start3A_433 = arith.constant 0 : i32
      %dma_start3A_434 = tpu.memref_slice %arg2[%dma_start3A_432, %dma_start3A_433] : memref<80000x64xbf16, #tpu.memory_space<hbm>> -> memref<80000x64xbf16, #tpu.memory_space<hbm>>
      tpu.enqueue_indirect_dma source(%dma_start3A_434 : memref<80000x64xbf16, #tpu.memory_space<hbm>>) target(%arg18 : memref<128x64xbf16, #tpu.memory_space<vmem>>) offsets(%dma_start3A_431 : memref<128xi32, #tpu.memory_space<vmem>>) semaphore(%arg28 : memref<!tpu.dma_semaphore, #tpu.memory_space<semaphore_mem>>)
      %mul3A_435 = arith.constant 8 : i32
      %mul3A_436 = arith.muli %mul3A_435, %scan3A_303 : i32
      %add3A_437 = arith.constant 4 : i32
      %add3A_438 = arith.addi %mul3A_436, %add3A_437 : i32
      %dma_wait3A_439 = arith.constant 0 : i32
      %dma_wait3A_440 = tpu.memref_slice %arg9[%add3A_438, %dma_wait3A_439] : memref<160x128xi32, #tpu.memory_space<vmem>> -> memref<1x128xi32, #tpu.memory_space<vmem>>
      %dma_wait3A_441 = tpu.memref_squeeze %dma_wait3A_440 : memref<1x128xi32, #tpu.memory_space<vmem>> -> memref<128xi32, #tpu.memory_space<vmem>>
      %dma_wait3A_442 = arith.constant 0 : i32
      %dma_wait3A_443 = arith.constant 0 : i32
      %dma_wait3A_444 = tpu.memref_slice %arg2[%dma_wait3A_442, %dma_wait3A_443] : memref<80000x64xbf16, #tpu.memory_space<hbm>> -> memref<80000x64xbf16, #tpu.memory_space<hbm>>
      tpu.wait_indirect_dma semaphore(%arg25 : memref<!tpu.dma_semaphore, #tpu.memory_space<semaphore_mem>>) src(%dma_wait3A_444 : memref<80000x64xbf16, #tpu.memory_space<hbm>>) dst(%arg15 : memref<128x64xbf16, #tpu.memory_space<vmem>>)
      %dma_start3A_445 = arith.constant 0 : i32
      %dma_start3A_446 = tpu.memref_slice %arg10[%add3A_438, %dma_start3A_445] : memref<160x128xi32, #tpu.memory_space<vmem>> -> memref<1x128xi32, #tpu.memory_space<vmem>>
      %dma_start3A_447 = tpu.memref_squeeze %dma_start3A_446 : memref<1x128xi32, #tpu.memory_space<vmem>> -> memref<128xi32, #tpu.memory_space<vmem>>
      %dma_start3A_448 = arith.constant 0 : i32
      %dma_start3A_449 = arith.constant 0 : i32
      %dma_start3A_450 = tpu.memref_slice %arg20[%dma_start3A_448, %dma_start3A_449] : memref<10112x64xbf16, #tpu.memory_space<vmem_shared>> -> memref<10112x64xbf16, #tpu.memory_space<vmem_shared>>
      tpu.enqueue_indirect_dma source(%arg15 : memref<128x64xbf16, #tpu.memory_space<vmem>>) target(%dma_start3A_450 : memref<10112x64xbf16, #tpu.memory_space<vmem_shared>>) offsets(%dma_start3A_447 : memref<128xi32, #tpu.memory_space<vmem>>) semaphore(%arg33 : memref<!tpu.dma_semaphore, #tpu.memory_space<semaphore_mem>>) {add = true}
      %eq3A_451 = arith.constant 0 : i32
      %eq3A_452 = arith.cmpi eq, %arg0, %eq3A_451 : i32
      %convert_element_type3A_453 = arith.extui %eq3A_452 : i1 to i32
      %cond3A_454 = arith.constant 0 : i32
      %cond3A_455 = arith.cmpi ne, %convert_element_type3A_453, %cond3A_454 : i32
      scf.if %cond3A_455 {
        %get3A = arith.index_cast %add3A_438 : i32 to index
        %get3A_569 = arith.constant 0 : index
        %get3A_570 = tpu.vector_load %arg10[%get3A, %get3A_569] {strides = array<i32>} : memref<160x128xi32, #tpu.memory_space<vmem>>, vector<16xi32>,
        tpu.vector_store_idx %arg19[%get3A_570], %broadcast_in_dim3A_0 {add = true} : memref<10112xf32, #tpu.memory_space<vmem>>[vector<16xi32>], vector<16xf32>,
        %get3A_571 = arith.index_cast %add3A_438 : i32 to index
        %get3A_572 = arith.constant 16 : index
        %get3A_573 = tpu.vector_load %arg10[%get3A_571, %get3A_572] {strides = array<i32>} : memref<160x128xi32, #tpu.memory_space<vmem>>, vector<16xi32>,
        tpu.vector_store_idx %arg19[%get3A_573], %broadcast_in_dim3A_0 {add = true} : memref<10112xf32, #tpu.memory_space<vmem>>[vector<16xi32>], vector<16xf32>,
        %get3A_574 = arith.index_cast %add3A_438 : i32 to index
        %get3A_575 = arith.constant 32 : index
        %get3A_576 = tpu.vector_load %arg10[%get3A_574, %get3A_575] {strides = array<i32>} : memref<160x128xi32, #tpu.memory_space<vmem>>, vector<16xi32>,
        tpu.vector_store_idx %arg19[%get3A_576], %broadcast_in_dim3A_0 {add = true} : memref<10112xf32, #tpu.memory_space<vmem>>[vector<16xi32>], vector<16xf32>,
        %get3A_577 = arith.index_cast %add3A_438 : i32 to index
        %get3A_578 = arith.constant 48 : index
        %get3A_579 = tpu.vector_load %arg10[%get3A_577, %get3A_578] {strides = array<i32>} : memref<160x128xi32, #tpu.memory_space<vmem>>, vector<16xi32>,
        tpu.vector_store_idx %arg19[%get3A_579], %broadcast_in_dim3A_0 {add = true} : memref<10112xf32, #tpu.memory_space<vmem>>[vector<16xi32>], vector<16xf32>,
        %get3A_580 = arith.index_cast %add3A_438 : i32 to index
        %get3A_581 = arith.constant 64 : index
        %get3A_582 = tpu.vector_load %arg10[%get3A_580, %get3A_581] {strides = array<i32>} : memref<160x128xi32, #tpu.memory_space<vmem>>, vector<16xi32>,
        tpu.vector_store_idx %arg19[%get3A_582], %broadcast_in_dim3A_0 {add = true} : memref<10112xf32, #tpu.memory_space<vmem>>[vector<16xi32>], vector<16xf32>,
        %get3A_583 = arith.index_cast %add3A_438 : i32 to index
        %get3A_584 = arith.constant 80 : index
        %get3A_585 = tpu.vector_load %arg10[%get3A_583, %get3A_584] {strides = array<i32>} : memref<160x128xi32, #tpu.memory_space<vmem>>, vector<16xi32>,
        tpu.vector_store_idx %arg19[%get3A_585], %broadcast_in_dim3A_0 {add = true} : memref<10112xf32, #tpu.memory_space<vmem>>[vector<16xi32>], vector<16xf32>,
        %get3A_586 = arith.index_cast %add3A_438 : i32 to index
        %get3A_587 = arith.constant 96 : index
        %get3A_588 = tpu.vector_load %arg10[%get3A_586, %get3A_587] {strides = array<i32>} : memref<160x128xi32, #tpu.memory_space<vmem>>, vector<16xi32>,
        tpu.vector_store_idx %arg19[%get3A_588], %broadcast_in_dim3A_0 {add = true} : memref<10112xf32, #tpu.memory_space<vmem>>[vector<16xi32>], vector<16xf32>,
        %get3A_589 = arith.index_cast %add3A_438 : i32 to index
        %get3A_590 = arith.constant 112 : index
        %get3A_591 = tpu.vector_load %arg10[%get3A_589, %get3A_590] {strides = array<i32>} : memref<160x128xi32, #tpu.memory_space<vmem>>, vector<16xi32>,
        tpu.vector_store_idx %arg19[%get3A_591], %broadcast_in_dim3A_0 {add = true} : memref<10112xf32, #tpu.memory_space<vmem>>[vector<16xi32>], vector<16xf32>,
      } else {
      }
      %sub3A = arith.constant 4 : i32
      %sub3A_456 = arith.subi %add3A_438, %sub3A : i32
      %dma_wait3A_457 = arith.constant 0 : i32
      %dma_wait3A_458 = tpu.memref_slice %arg10[%sub3A_456, %dma_wait3A_457] : memref<160x128xi32, #tpu.memory_space<vmem>> -> memref<1x128xi32, #tpu.memory_space<vmem>>
      %dma_wait3A_459 = tpu.memref_squeeze %dma_wait3A_458 : memref<1x128xi32, #tpu.memory_space<vmem>> -> memref<128xi32, #tpu.memory_space<vmem>>
      %dma_wait3A_460 = arith.constant 0 : i32
      %dma_wait3A_461 = arith.constant 0 : i32
      %dma_wait3A_462 = tpu.memref_slice %arg20[%dma_wait3A_460, %dma_wait3A_461] : memref<10112x64xbf16, #tpu.memory_space<vmem_shared>> -> memref<10112x64xbf16, #tpu.memory_space<vmem_shared>>
      tpu.wait_indirect_dma semaphore(%arg29 : memref<!tpu.dma_semaphore, #tpu.memory_space<semaphore_mem>>) src(%arg11 : memref<128x64xbf16, #tpu.memory_space<vmem>>) dst(%dma_wait3A_462 : memref<10112x64xbf16, #tpu.memory_space<vmem_shared>>)
      %lt3A = arith.constant 19 : i32
      %lt3A_463 = arith.cmpi slt, %scan3A_303, %lt3A : i32
      %convert_element_type3A_464 = arith.extui %lt3A_463 : i1 to i32
      %cond3A_465 = arith.constant 0 : i32
      %cond3A_466 = arith.cmpi ne, %convert_element_type3A_464, %cond3A_465 : i32
      scf.if %cond3A_466 {
        %add3A_569 = arith.constant 4 : i32
        %add3A_570 = arith.addi %add3A_438, %add3A_569 : i32
        %dma_start3A_571 = arith.constant 0 : i32
        %dma_start3A_572 = tpu.memref_slice %arg9[%add3A_570, %dma_start3A_571] : memref<160x128xi32, #tpu.memory_space<vmem>> -> memref<1x128xi32, #tpu.memory_space<vmem>>
        %dma_start3A_573 = tpu.memref_squeeze %dma_start3A_572 : memref<1x128xi32, #tpu.memory_space<vmem>> -> memref<128xi32, #tpu.memory_space<vmem>>
        %dma_start3A_574 = arith.constant 0 : i32
        %dma_start3A_575 = arith.constant 0 : i32
        %dma_start3A_576 = tpu.memref_slice %arg2[%dma_start3A_574, %dma_start3A_575] : memref<80000x64xbf16, #tpu.memory_space<hbm>> -> memref<80000x64xbf16, #tpu.memory_space<hbm>>
        tpu.enqueue_indirect_dma source(%dma_start3A_576 : memref<80000x64xbf16, #tpu.memory_space<hbm>>) target(%arg11 : memref<128x64xbf16, #tpu.memory_space<vmem>>) offsets(%dma_start3A_573 : memref<128xi32, #tpu.memory_space<vmem>>) semaphore(%arg21 : memref<!tpu.dma_semaphore, #tpu.memory_space<semaphore_mem>>)
      } else {
      }
      %mul3A_467 = arith.constant 8 : i32
      %mul3A_468 = arith.muli %mul3A_467, %scan3A_303 : i32
      %add3A_469 = arith.constant 5 : i32
      %add3A_470 = arith.addi %mul3A_468, %add3A_469 : i32
      %dma_wait3A_471 = arith.constant 0 : i32
      %dma_wait3A_472 = tpu.memref_slice %arg9[%add3A_470, %dma_wait3A_471] : memref<160x128xi32, #tpu.memory_space<vmem>> -> memref<1x128xi32, #tpu.memory_space<vmem>>
      %dma_wait3A_473 = tpu.memref_squeeze %dma_wait3A_472 : memref<1x128xi32, #tpu.memory_space<vmem>> -> memref<128xi32, #tpu.memory_space<vmem>>
      %dma_wait3A_474 = arith.constant 0 : i32
      %dma_wait3A_475 = arith.constant 0 : i32
      %dma_wait3A_476 = tpu.memref_slice %arg2[%dma_wait3A_474, %dma_wait3A_475] : memref<80000x64xbf16, #tpu.memory_space<hbm>> -> memref<80000x64xbf16, #tpu.memory_space<hbm>>
      tpu.wait_indirect_dma semaphore(%arg26 : memref<!tpu.dma_semaphore, #tpu.memory_space<semaphore_mem>>) src(%dma_wait3A_476 : memref<80000x64xbf16, #tpu.memory_space<hbm>>) dst(%arg16 : memref<128x64xbf16, #tpu.memory_space<vmem>>)
      %dma_start3A_477 = arith.constant 0 : i32
      %dma_start3A_478 = tpu.memref_slice %arg10[%add3A_470, %dma_start3A_477] : memref<160x128xi32, #tpu.memory_space<vmem>> -> memref<1x128xi32, #tpu.memory_space<vmem>>
      %dma_start3A_479 = tpu.memref_squeeze %dma_start3A_478 : memref<1x128xi32, #tpu.memory_space<vmem>> -> memref<128xi32, #tpu.memory_space<vmem>>
      %dma_start3A_480 = arith.constant 0 : i32
      %dma_start3A_481 = arith.constant 0 : i32
      %dma_start3A_482 = tpu.memref_slice %arg20[%dma_start3A_480, %dma_start3A_481] : memref<10112x64xbf16, #tpu.memory_space<vmem_shared>> -> memref<10112x64xbf16, #tpu.memory_space<vmem_shared>>
      tpu.enqueue_indirect_dma source(%arg16 : memref<128x64xbf16, #tpu.memory_space<vmem>>) target(%dma_start3A_482 : memref<10112x64xbf16, #tpu.memory_space<vmem_shared>>) offsets(%dma_start3A_479 : memref<128xi32, #tpu.memory_space<vmem>>) semaphore(%arg34 : memref<!tpu.dma_semaphore, #tpu.memory_space<semaphore_mem>>) {add = true}
      %eq3A_483 = arith.constant 0 : i32
      %eq3A_484 = arith.cmpi eq, %arg0, %eq3A_483 : i32
      %convert_element_type3A_485 = arith.extui %eq3A_484 : i1 to i32
      %cond3A_486 = arith.constant 0 : i32
      %cond3A_487 = arith.cmpi ne, %convert_element_type3A_485, %cond3A_486 : i32
      scf.if %cond3A_487 {
        %get3A = arith.index_cast %add3A_470 : i32 to index
        %get3A_569 = arith.constant 0 : index
        %get3A_570 = tpu.vector_load %arg10[%get3A, %get3A_569] {strides = array<i32>} : memref<160x128xi32, #tpu.memory_space<vmem>>, vector<16xi32>,
        tpu.vector_store_idx %arg19[%get3A_570], %broadcast_in_dim3A_0 {add = true} : memref<10112xf32, #tpu.memory_space<vmem>>[vector<16xi32>], vector<16xf32>,
        %get3A_571 = arith.index_cast %add3A_470 : i32 to index
        %get3A_572 = arith.constant 16 : index
        %get3A_573 = tpu.vector_load %arg10[%get3A_571, %get3A_572] {strides = array<i32>} : memref<160x128xi32, #tpu.memory_space<vmem>>, vector<16xi32>,
        tpu.vector_store_idx %arg19[%get3A_573], %broadcast_in_dim3A_0 {add = true} : memref<10112xf32, #tpu.memory_space<vmem>>[vector<16xi32>], vector<16xf32>,
        %get3A_574 = arith.index_cast %add3A_470 : i32 to index
        %get3A_575 = arith.constant 32 : index
        %get3A_576 = tpu.vector_load %arg10[%get3A_574, %get3A_575] {strides = array<i32>} : memref<160x128xi32, #tpu.memory_space<vmem>>, vector<16xi32>,
        tpu.vector_store_idx %arg19[%get3A_576], %broadcast_in_dim3A_0 {add = true} : memref<10112xf32, #tpu.memory_space<vmem>>[vector<16xi32>], vector<16xf32>,
        %get3A_577 = arith.index_cast %add3A_470 : i32 to index
        %get3A_578 = arith.constant 48 : index
        %get3A_579 = tpu.vector_load %arg10[%get3A_577, %get3A_578] {strides = array<i32>} : memref<160x128xi32, #tpu.memory_space<vmem>>, vector<16xi32>,
        tpu.vector_store_idx %arg19[%get3A_579], %broadcast_in_dim3A_0 {add = true} : memref<10112xf32, #tpu.memory_space<vmem>>[vector<16xi32>], vector<16xf32>,
        %get3A_580 = arith.index_cast %add3A_470 : i32 to index
        %get3A_581 = arith.constant 64 : index
        %get3A_582 = tpu.vector_load %arg10[%get3A_580, %get3A_581] {strides = array<i32>} : memref<160x128xi32, #tpu.memory_space<vmem>>, vector<16xi32>,
        tpu.vector_store_idx %arg19[%get3A_582], %broadcast_in_dim3A_0 {add = true} : memref<10112xf32, #tpu.memory_space<vmem>>[vector<16xi32>], vector<16xf32>,
        %get3A_583 = arith.index_cast %add3A_470 : i32 to index
        %get3A_584 = arith.constant 80 : index
        %get3A_585 = tpu.vector_load %arg10[%get3A_583, %get3A_584] {strides = array<i32>} : memref<160x128xi32, #tpu.memory_space<vmem>>, vector<16xi32>,
        tpu.vector_store_idx %arg19[%get3A_585], %broadcast_in_dim3A_0 {add = true} : memref<10112xf32, #tpu.memory_space<vmem>>[vector<16xi32>], vector<16xf32>,
        %get3A_586 = arith.index_cast %add3A_470 : i32 to index
        %get3A_587 = arith.constant 96 : index
        %get3A_588 = tpu.vector_load %arg10[%get3A_586, %get3A_587] {strides = array<i32>} : memref<160x128xi32, #tpu.memory_space<vmem>>, vector<16xi32>,
        tpu.vector_store_idx %arg19[%get3A_588], %broadcast_in_dim3A_0 {add = true} : memref<10112xf32, #tpu.memory_space<vmem>>[vector<16xi32>], vector<16xf32>,
        %get3A_589 = arith.index_cast %add3A_470 : i32 to index
        %get3A_590 = arith.constant 112 : index
        %get3A_591 = tpu.vector_load %arg10[%get3A_589, %get3A_590] {strides = array<i32>} : memref<160x128xi32, #tpu.memory_space<vmem>>, vector<16xi32>,
        tpu.vector_store_idx %arg19[%get3A_591], %broadcast_in_dim3A_0 {add = true} : memref<10112xf32, #tpu.memory_space<vmem>>[vector<16xi32>], vector<16xf32>,
      } else {
      }
      %sub3A_488 = arith.constant 4 : i32
      %sub3A_489 = arith.subi %add3A_470, %sub3A_488 : i32
      %dma_wait3A_490 = arith.constant 0 : i32
      %dma_wait3A_491 = tpu.memref_slice %arg10[%sub3A_489, %dma_wait3A_490] : memref<160x128xi32, #tpu.memory_space<vmem>> -> memref<1x128xi32, #tpu.memory_space<vmem>>
      %dma_wait3A_492 = tpu.memref_squeeze %dma_wait3A_491 : memref<1x128xi32, #tpu.memory_space<vmem>> -> memref<128xi32, #tpu.memory_space<vmem>>
      %dma_wait3A_493 = arith.constant 0 : i32
      %dma_wait3A_494 = arith.constant 0 : i32
      %dma_wait3A_495 = tpu.memref_slice %arg20[%dma_wait3A_493, %dma_wait3A_494] : memref<10112x64xbf16, #tpu.memory_space<vmem_shared>> -> memref<10112x64xbf16, #tpu.memory_space<vmem_shared>>
      tpu.wait_indirect_dma semaphore(%arg30 : memref<!tpu.dma_semaphore, #tpu.memory_space<semaphore_mem>>) src(%arg12 : memref<128x64xbf16, #tpu.memory_space<vmem>>) dst(%dma_wait3A_495 : memref<10112x64xbf16, #tpu.memory_space<vmem_shared>>)
      %lt3A_496 = arith.constant 19 : i32
      %lt3A_497 = arith.cmpi slt, %scan3A_303, %lt3A_496 : i32
      %convert_element_type3A_498 = arith.extui %lt3A_497 : i1 to i32
      %cond3A_499 = arith.constant 0 : i32
      %cond3A_500 = arith.cmpi ne, %convert_element_type3A_498, %cond3A_499 : i32
      scf.if %cond3A_500 {
        %add3A_569 = arith.constant 4 : i32
        %add3A_570 = arith.addi %add3A_470, %add3A_569 : i32
        %dma_start3A_571 = arith.constant 0 : i32
        %dma_start3A_572 = tpu.memref_slice %arg9[%add3A_570, %dma_start3A_571] : memref<160x128xi32, #tpu.memory_space<vmem>> -> memref<1x128xi32, #tpu.memory_space<vmem>>
        %dma_start3A_573 = tpu.memref_squeeze %dma_start3A_572 : memref<1x128xi32, #tpu.memory_space<vmem>> -> memref<128xi32, #tpu.memory_space<vmem>>
        %dma_start3A_574 = arith.constant 0 : i32
        %dma_start3A_575 = arith.constant 0 : i32
        %dma_start3A_576 = tpu.memref_slice %arg2[%dma_start3A_574, %dma_start3A_575] : memref<80000x64xbf16, #tpu.memory_space<hbm>> -> memref<80000x64xbf16, #tpu.memory_space<hbm>>
        tpu.enqueue_indirect_dma source(%dma_start3A_576 : memref<80000x64xbf16, #tpu.memory_space<hbm>>) target(%arg12 : memref<128x64xbf16, #tpu.memory_space<vmem>>) offsets(%dma_start3A_573 : memref<128xi32, #tpu.memory_space<vmem>>) semaphore(%arg22 : memref<!tpu.dma_semaphore, #tpu.memory_space<semaphore_mem>>)
      } else {
      }
      %mul3A_501 = arith.constant 8 : i32
      %mul3A_502 = arith.muli %mul3A_501, %scan3A_303 : i32
      %add3A_503 = arith.constant 6 : i32
      %add3A_504 = arith.addi %mul3A_502, %add3A_503 : i32
      %dma_wait3A_505 = arith.constant 0 : i32
      %dma_wait3A_506 = tpu.memref_slice %arg9[%add3A_504, %dma_wait3A_505] : memref<160x128xi32, #tpu.memory_space<vmem>> -> memref<1x128xi32, #tpu.memory_space<vmem>>
      %dma_wait3A_507 = tpu.memref_squeeze %dma_wait3A_506 : memref<1x128xi32, #tpu.memory_space<vmem>> -> memref<128xi32, #tpu.memory_space<vmem>>
      %dma_wait3A_508 = arith.constant 0 : i32
      %dma_wait3A_509 = arith.constant 0 : i32
      %dma_wait3A_510 = tpu.memref_slice %arg2[%dma_wait3A_508, %dma_wait3A_509] : memref<80000x64xbf16, #tpu.memory_space<hbm>> -> memref<80000x64xbf16, #tpu.memory_space<hbm>>
      tpu.wait_indirect_dma semaphore(%arg27 : memref<!tpu.dma_semaphore, #tpu.memory_space<semaphore_mem>>) src(%dma_wait3A_510 : memref<80000x64xbf16, #tpu.memory_space<hbm>>) dst(%arg17 : memref<128x64xbf16, #tpu.memory_space<vmem>>)
      %dma_start3A_511 = arith.constant 0 : i32
      %dma_start3A_512 = tpu.memref_slice %arg10[%add3A_504, %dma_start3A_511] : memref<160x128xi32, #tpu.memory_space<vmem>> -> memref<1x128xi32, #tpu.memory_space<vmem>>
      %dma_start3A_513 = tpu.memref_squeeze %dma_start3A_512 : memref<1x128xi32, #tpu.memory_space<vmem>> -> memref<128xi32, #tpu.memory_space<vmem>>
      %dma_start3A_514 = arith.constant 0 : i32
      %dma_start3A_515 = arith.constant 0 : i32
      %dma_start3A_516 = tpu.memref_slice %arg20[%dma_start3A_514, %dma_start3A_515] : memref<10112x64xbf16, #tpu.memory_space<vmem_shared>> -> memref<10112x64xbf16, #tpu.memory_space<vmem_shared>>
      tpu.enqueue_indirect_dma source(%arg17 : memref<128x64xbf16, #tpu.memory_space<vmem>>) target(%dma_start3A_516 : memref<10112x64xbf16, #tpu.memory_space<vmem_shared>>) offsets(%dma_start3A_513 : memref<128xi32, #tpu.memory_space<vmem>>) semaphore(%arg35 : memref<!tpu.dma_semaphore, #tpu.memory_space<semaphore_mem>>) {add = true}
      %eq3A_517 = arith.constant 0 : i32
      %eq3A_518 = arith.cmpi eq, %arg0, %eq3A_517 : i32
      %convert_element_type3A_519 = arith.extui %eq3A_518 : i1 to i32
      %cond3A_520 = arith.constant 0 : i32
      %cond3A_521 = arith.cmpi ne, %convert_element_type3A_519, %cond3A_520 : i32
      scf.if %cond3A_521 {
        %get3A = arith.index_cast %add3A_504 : i32 to index
        %get3A_569 = arith.constant 0 : index
        %get3A_570 = tpu.vector_load %arg10[%get3A, %get3A_569] {strides = array<i32>} : memref<160x128xi32, #tpu.memory_space<vmem>>, vector<16xi32>,
        tpu.vector_store_idx %arg19[%get3A_570], %broadcast_in_dim3A_0 {add = true} : memref<10112xf32, #tpu.memory_space<vmem>>[vector<16xi32>], vector<16xf32>,
        %get3A_571 = arith.index_cast %add3A_504 : i32 to index
        %get3A_572 = arith.constant 16 : index
        %get3A_573 = tpu.vector_load %arg10[%get3A_571, %get3A_572] {strides = array<i32>} : memref<160x128xi32, #tpu.memory_space<vmem>>, vector<16xi32>,
        tpu.vector_store_idx %arg19[%get3A_573], %broadcast_in_dim3A_0 {add = true} : memref<10112xf32, #tpu.memory_space<vmem>>[vector<16xi32>], vector<16xf32>,
        %get3A_574 = arith.index_cast %add3A_504 : i32 to index
        %get3A_575 = arith.constant 32 : index
        %get3A_576 = tpu.vector_load %arg10[%get3A_574, %get3A_575] {strides = array<i32>} : memref<160x128xi32, #tpu.memory_space<vmem>>, vector<16xi32>,
        tpu.vector_store_idx %arg19[%get3A_576], %broadcast_in_dim3A_0 {add = true} : memref<10112xf32, #tpu.memory_space<vmem>>[vector<16xi32>], vector<16xf32>,
        %get3A_577 = arith.index_cast %add3A_504 : i32 to index
        %get3A_578 = arith.constant 48 : index
        %get3A_579 = tpu.vector_load %arg10[%get3A_577, %get3A_578] {strides = array<i32>} : memref<160x128xi32, #tpu.memory_space<vmem>>, vector<16xi32>,
        tpu.vector_store_idx %arg19[%get3A_579], %broadcast_in_dim3A_0 {add = true} : memref<10112xf32, #tpu.memory_space<vmem>>[vector<16xi32>], vector<16xf32>,
        %get3A_580 = arith.index_cast %add3A_504 : i32 to index
        %get3A_581 = arith.constant 64 : index
        %get3A_582 = tpu.vector_load %arg10[%get3A_580, %get3A_581] {strides = array<i32>} : memref<160x128xi32, #tpu.memory_space<vmem>>, vector<16xi32>,
        tpu.vector_store_idx %arg19[%get3A_582], %broadcast_in_dim3A_0 {add = true} : memref<10112xf32, #tpu.memory_space<vmem>>[vector<16xi32>], vector<16xf32>,
        %get3A_583 = arith.index_cast %add3A_504 : i32 to index
        %get3A_584 = arith.constant 80 : index
        %get3A_585 = tpu.vector_load %arg10[%get3A_583, %get3A_584] {strides = array<i32>} : memref<160x128xi32, #tpu.memory_space<vmem>>, vector<16xi32>,
        tpu.vector_store_idx %arg19[%get3A_585], %broadcast_in_dim3A_0 {add = true} : memref<10112xf32, #tpu.memory_space<vmem>>[vector<16xi32>], vector<16xf32>,
        %get3A_586 = arith.index_cast %add3A_504 : i32 to index
        %get3A_587 = arith.constant 96 : index
        %get3A_588 = tpu.vector_load %arg10[%get3A_586, %get3A_587] {strides = array<i32>} : memref<160x128xi32, #tpu.memory_space<vmem>>, vector<16xi32>,
        tpu.vector_store_idx %arg19[%get3A_588], %broadcast_in_dim3A_0 {add = true} : memref<10112xf32, #tpu.memory_space<vmem>>[vector<16xi32>], vector<16xf32>,
        %get3A_589 = arith.index_cast %add3A_504 : i32 to index
        %get3A_590 = arith.constant 112 : index
        %get3A_591 = tpu.vector_load %arg10[%get3A_589, %get3A_590] {strides = array<i32>} : memref<160x128xi32, #tpu.memory_space<vmem>>, vector<16xi32>,
        tpu.vector_store_idx %arg19[%get3A_591], %broadcast_in_dim3A_0 {add = true} : memref<10112xf32, #tpu.memory_space<vmem>>[vector<16xi32>], vector<16xf32>,
      } else {
      }
      %sub3A_522 = arith.constant 4 : i32
      %sub3A_523 = arith.subi %add3A_504, %sub3A_522 : i32
      %dma_wait3A_524 = arith.constant 0 : i32
      %dma_wait3A_525 = tpu.memref_slice %arg10[%sub3A_523, %dma_wait3A_524] : memref<160x128xi32, #tpu.memory_space<vmem>> -> memref<1x128xi32, #tpu.memory_space<vmem>>
      %dma_wait3A_526 = tpu.memref_squeeze %dma_wait3A_525 : memref<1x128xi32, #tpu.memory_space<vmem>> -> memref<128xi32, #tpu.memory_space<vmem>>
      %dma_wait3A_527 = arith.constant 0 : i32
      %dma_wait3A_528 = arith.constant 0 : i32
      %dma_wait3A_529 = tpu.memref_slice %arg20[%dma_wait3A_527, %dma_wait3A_528] : memref<10112x64xbf16, #tpu.memory_space<vmem_shared>> -> memref<10112x64xbf16, #tpu.memory_space<vmem_shared>>
      tpu.wait_indirect_dma semaphore(%arg31 : memref<!tpu.dma_semaphore, #tpu.memory_space<semaphore_mem>>) src(%arg13 : memref<128x64xbf16, #tpu.memory_space<vmem>>) dst(%dma_wait3A_529 : memref<10112x64xbf16, #tpu.memory_space<vmem_shared>>)
      %lt3A_530 = arith.constant 19 : i32
      %lt3A_531 = arith.cmpi slt, %scan3A_303, %lt3A_530 : i32
      %convert_element_type3A_532 = arith.extui %lt3A_531 : i1 to i32
      %cond3A_533 = arith.constant 0 : i32
      %cond3A_534 = arith.cmpi ne, %convert_element_type3A_532, %cond3A_533 : i32
      scf.if %cond3A_534 {
        %add3A_569 = arith.constant 4 : i32
        %add3A_570 = arith.addi %add3A_504, %add3A_569 : i32
        %dma_start3A_571 = arith.constant 0 : i32
        %dma_start3A_572 = tpu.memref_slice %arg9[%add3A_570, %dma_start3A_571] : memref<160x128xi32, #tpu.memory_space<vmem>> -> memref<1x128xi32, #tpu.memory_space<vmem>>
        %dma_start3A_573 = tpu.memref_squeeze %dma_start3A_572 : memref<1x128xi32, #tpu.memory_space<vmem>> -> memref<128xi32, #tpu.memory_space<vmem>>
        %dma_start3A_574 = arith.constant 0 : i32
        %dma_start3A_575 = arith.constant 0 : i32
        %dma_start3A_576 = tpu.memref_slice %arg2[%dma_start3A_574, %dma_start3A_575] : memref<80000x64xbf16, #tpu.memory_space<hbm>> -> memref<80000x64xbf16, #tpu.memory_space<hbm>>
        tpu.enqueue_indirect_dma source(%dma_start3A_576 : memref<80000x64xbf16, #tpu.memory_space<hbm>>) target(%arg13 : memref<128x64xbf16, #tpu.memory_space<vmem>>) offsets(%dma_start3A_573 : memref<128xi32, #tpu.memory_space<vmem>>) semaphore(%arg23 : memref<!tpu.dma_semaphore, #tpu.memory_space<semaphore_mem>>)
      } else {
      }
      %mul3A_535 = arith.constant 8 : i32
      %mul3A_536 = arith.muli %mul3A_535, %scan3A_303 : i32
      %add3A_537 = arith.constant 7 : i32
      %add3A_538 = arith.addi %mul3A_536, %add3A_537 : i32
      %dma_wait3A_539 = arith.constant 0 : i32
      %dma_wait3A_540 = tpu.memref_slice %arg9[%add3A_538, %dma_wait3A_539] : memref<160x128xi32, #tpu.memory_space<vmem>> -> memref<1x128xi32, #tpu.memory_space<vmem>>
      %dma_wait3A_541 = tpu.memref_squeeze %dma_wait3A_540 : memref<1x128xi32, #tpu.memory_space<vmem>> -> memref<128xi32, #tpu.memory_space<vmem>>
      %dma_wait3A_542 = arith.constant 0 : i32
      %dma_wait3A_543 = arith.constant 0 : i32
      %dma_wait3A_544 = tpu.memref_slice %arg2[%dma_wait3A_542, %dma_wait3A_543] : memref<80000x64xbf16, #tpu.memory_space<hbm>> -> memref<80000x64xbf16, #tpu.memory_space<hbm>>
      tpu.wait_indirect_dma semaphore(%arg28 : memref<!tpu.dma_semaphore, #tpu.memory_space<semaphore_mem>>) src(%dma_wait3A_544 : memref<80000x64xbf16, #tpu.memory_space<hbm>>) dst(%arg18 : memref<128x64xbf16, #tpu.memory_space<vmem>>)
      %dma_start3A_545 = arith.constant 0 : i32
      %dma_start3A_546 = tpu.memref_slice %arg10[%add3A_538, %dma_start3A_545] : memref<160x128xi32, #tpu.memory_space<vmem>> -> memref<1x128xi32, #tpu.memory_space<vmem>>
      %dma_start3A_547 = tpu.memref_squeeze %dma_start3A_546 : memref<1x128xi32, #tpu.memory_space<vmem>> -> memref<128xi32, #tpu.memory_space<vmem>>
      %dma_start3A_548 = arith.constant 0 : i32
      %dma_start3A_549 = arith.constant 0 : i32
      %dma_start3A_550 = tpu.memref_slice %arg20[%dma_start3A_548, %dma_start3A_549] : memref<10112x64xbf16, #tpu.memory_space<vmem_shared>> -> memref<10112x64xbf16, #tpu.memory_space<vmem_shared>>
      tpu.enqueue_indirect_dma source(%arg18 : memref<128x64xbf16, #tpu.memory_space<vmem>>) target(%dma_start3A_550 : memref<10112x64xbf16, #tpu.memory_space<vmem_shared>>) offsets(%dma_start3A_547 : memref<128xi32, #tpu.memory_space<vmem>>) semaphore(%arg36 : memref<!tpu.dma_semaphore, #tpu.memory_space<semaphore_mem>>) {add = true}
      %eq3A_551 = arith.constant 0 : i32
      %eq3A_552 = arith.cmpi eq, %arg0, %eq3A_551 : i32
      %convert_element_type3A_553 = arith.extui %eq3A_552 : i1 to i32
      %cond3A_554 = arith.constant 0 : i32
      %cond3A_555 = arith.cmpi ne, %convert_element_type3A_553, %cond3A_554 : i32
      scf.if %cond3A_555 {
        %get3A = arith.index_cast %add3A_538 : i32 to index
        %get3A_569 = arith.constant 0 : index
        %get3A_570 = tpu.vector_load %arg10[%get3A, %get3A_569] {strides = array<i32>} : memref<160x128xi32, #tpu.memory_space<vmem>>, vector<16xi32>,
        tpu.vector_store_idx %arg19[%get3A_570], %broadcast_in_dim3A_0 {add = true} : memref<10112xf32, #tpu.memory_space<vmem>>[vector<16xi32>], vector<16xf32>,
        %get3A_571 = arith.index_cast %add3A_538 : i32 to index
        %get3A_572 = arith.constant 16 : index
        %get3A_573 = tpu.vector_load %arg10[%get3A_571, %get3A_572] {strides = array<i32>} : memref<160x128xi32, #tpu.memory_space<vmem>>, vector<16xi32>,
        tpu.vector_store_idx %arg19[%get3A_573], %broadcast_in_dim3A_0 {add = true} : memref<10112xf32, #tpu.memory_space<vmem>>[vector<16xi32>], vector<16xf32>,
        %get3A_574 = arith.index_cast %add3A_538 : i32 to index
        %get3A_575 = arith.constant 32 : index
        %get3A_576 = tpu.vector_load %arg10[%get3A_574, %get3A_575] {strides = array<i32>} : memref<160x128xi32, #tpu.memory_space<vmem>>, vector<16xi32>,
        tpu.vector_store_idx %arg19[%get3A_576], %broadcast_in_dim3A_0 {add = true} : memref<10112xf32, #tpu.memory_space<vmem>>[vector<16xi32>], vector<16xf32>,
        %get3A_577 = arith.index_cast %add3A_538 : i32 to index
        %get3A_578 = arith.constant 48 : index
        %get3A_579 = tpu.vector_load %arg10[%get3A_577, %get3A_578] {strides = array<i32>} : memref<160x128xi32, #tpu.memory_space<vmem>>, vector<16xi32>,
        tpu.vector_store_idx %arg19[%get3A_579], %broadcast_in_dim3A_0 {add = true} : memref<10112xf32, #tpu.memory_space<vmem>>[vector<16xi32>], vector<16xf32>,
        %get3A_580 = arith.index_cast %add3A_538 : i32 to index
        %get3A_581 = arith.constant 64 : index
        %get3A_582 = tpu.vector_load %arg10[%get3A_580, %get3A_581] {strides = array<i32>} : memref<160x128xi32, #tpu.memory_space<vmem>>, vector<16xi32>,
        tpu.vector_store_idx %arg19[%get3A_582], %broadcast_in_dim3A_0 {add = true} : memref<10112xf32, #tpu.memory_space<vmem>>[vector<16xi32>], vector<16xf32>,
        %get3A_583 = arith.index_cast %add3A_538 : i32 to index
        %get3A_584 = arith.constant 80 : index
        %get3A_585 = tpu.vector_load %arg10[%get3A_583, %get3A_584] {strides = array<i32>} : memref<160x128xi32, #tpu.memory_space<vmem>>, vector<16xi32>,
        tpu.vector_store_idx %arg19[%get3A_585], %broadcast_in_dim3A_0 {add = true} : memref<10112xf32, #tpu.memory_space<vmem>>[vector<16xi32>], vector<16xf32>,
        %get3A_586 = arith.index_cast %add3A_538 : i32 to index
        %get3A_587 = arith.constant 96 : index
        %get3A_588 = tpu.vector_load %arg10[%get3A_586, %get3A_587] {strides = array<i32>} : memref<160x128xi32, #tpu.memory_space<vmem>>, vector<16xi32>,
        tpu.vector_store_idx %arg19[%get3A_588], %broadcast_in_dim3A_0 {add = true} : memref<10112xf32, #tpu.memory_space<vmem>>[vector<16xi32>], vector<16xf32>,
        %get3A_589 = arith.index_cast %add3A_538 : i32 to index
        %get3A_590 = arith.constant 112 : index
        %get3A_591 = tpu.vector_load %arg10[%get3A_589, %get3A_590] {strides = array<i32>} : memref<160x128xi32, #tpu.memory_space<vmem>>, vector<16xi32>,
        tpu.vector_store_idx %arg19[%get3A_591], %broadcast_in_dim3A_0 {add = true} : memref<10112xf32, #tpu.memory_space<vmem>>[vector<16xi32>], vector<16xf32>,
      } else {
      }
      %sub3A_556 = arith.constant 4 : i32
      %sub3A_557 = arith.subi %add3A_538, %sub3A_556 : i32
      %dma_wait3A_558 = arith.constant 0 : i32
      %dma_wait3A_559 = tpu.memref_slice %arg10[%sub3A_557, %dma_wait3A_558] : memref<160x128xi32, #tpu.memory_space<vmem>> -> memref<1x128xi32, #tpu.memory_space<vmem>>
      %dma_wait3A_560 = tpu.memref_squeeze %dma_wait3A_559 : memref<1x128xi32, #tpu.memory_space<vmem>> -> memref<128xi32, #tpu.memory_space<vmem>>
      %dma_wait3A_561 = arith.constant 0 : i32
      %dma_wait3A_562 = arith.constant 0 : i32
      %dma_wait3A_563 = tpu.memref_slice %arg20[%dma_wait3A_561, %dma_wait3A_562] : memref<10112x64xbf16, #tpu.memory_space<vmem_shared>> -> memref<10112x64xbf16, #tpu.memory_space<vmem_shared>>
      tpu.wait_indirect_dma semaphore(%arg32 : memref<!tpu.dma_semaphore, #tpu.memory_space<semaphore_mem>>) src(%arg14 : memref<128x64xbf16, #tpu.memory_space<vmem>>) dst(%dma_wait3A_563 : memref<10112x64xbf16, #tpu.memory_space<vmem_shared>>)
      %lt3A_564 = arith.constant 19 : i32
      %lt3A_565 = arith.cmpi slt, %scan3A_303, %lt3A_564 : i32
      %convert_element_type3A_566 = arith.extui %lt3A_565 : i1 to i32
      %cond3A_567 = arith.constant 0 : i32
      %cond3A_568 = arith.cmpi ne, %convert_element_type3A_566, %cond3A_567 : i32
      scf.if %cond3A_568 {
        %add3A_569 = arith.constant 4 : i32
        %add3A_570 = arith.addi %add3A_538, %add3A_569 : i32
        %dma_start3A_571 = arith.constant 0 : i32
        %dma_start3A_572 = tpu.memref_slice %arg9[%add3A_570, %dma_start3A_571] : memref<160x128xi32, #tpu.memory_space<vmem>> -> memref<1x128xi32, #tpu.memory_space<vmem>>
        %dma_start3A_573 = tpu.memref_squeeze %dma_start3A_572 : memref<1x128xi32, #tpu.memory_space<vmem>> -> memref<128xi32, #tpu.memory_space<vmem>>
        %dma_start3A_574 = arith.constant 0 : i32
        %dma_start3A_575 = arith.constant 0 : i32
        %dma_start3A_576 = tpu.memref_slice %arg2[%dma_start3A_574, %dma_start3A_575] : memref<80000x64xbf16, #tpu.memory_space<hbm>> -> memref<80000x64xbf16, #tpu.memory_space<hbm>>
        tpu.enqueue_indirect_dma source(%dma_start3A_576 : memref<80000x64xbf16, #tpu.memory_space<hbm>>) target(%arg14 : memref<128x64xbf16, #tpu.memory_space<vmem>>) offsets(%dma_start3A_573 : memref<128xi32, #tpu.memory_space<vmem>>) semaphore(%arg24 : memref<!tpu.dma_semaphore, #tpu.memory_space<semaphore_mem>>)
      } else {
      }
    }
    %scan3A_189 = arith.constant 20 : i32
    %dma_wait3A_190 = arith.constant 156 : i32
    %dma_wait3A_191 = arith.constant 0 : i32
    %dma_wait3A_192 = tpu.memref_slice %arg10[%dma_wait3A_190, %dma_wait3A_191] : memref<160x128xi32, #tpu.memory_space<vmem>> -> memref<1x128xi32, #tpu.memory_space<vmem>>
    %dma_wait3A_193 = tpu.memref_squeeze %dma_wait3A_192 : memref<1x128xi32, #tpu.memory_space<vmem>> -> memref<128xi32, #tpu.memory_space<vmem>>
    %dma_wait3A_194 = arith.constant 0 : i32
    %dma_wait3A_195 = arith.constant 0 : i32
    %dma_wait3A_196 = tpu.memref_slice %arg20[%dma_wait3A_194, %dma_wait3A_195] : memref<10112x64xbf16, #tpu.memory_space<vmem_shared>> -> memref<10112x64xbf16, #tpu.memory_space<vmem_shared>>
    tpu.wait_indirect_dma semaphore(%arg33 : memref<!tpu.dma_semaphore, #tpu.memory_space<semaphore_mem>>) src(%arg15 : memref<128x64xbf16, #tpu.memory_space<vmem>>) dst(%dma_wait3A_196 : memref<10112x64xbf16, #tpu.memory_space<vmem_shared>>)
    %dma_wait3A_197 = arith.constant 157 : i32
    %dma_wait3A_198 = arith.constant 0 : i32
    %dma_wait3A_199 = tpu.memref_slice %arg10[%dma_wait3A_197, %dma_wait3A_198] : memref<160x128xi32, #tpu.memory_space<vmem>> -> memref<1x128xi32, #tpu.memory_space<vmem>>
    %dma_wait3A_200 = tpu.memref_squeeze %dma_wait3A_199 : memref<1x128xi32, #tpu.memory_space<vmem>> -> memref<128xi32, #tpu.memory_space<vmem>>
    %dma_wait3A_201 = arith.constant 0 : i32
    %dma_wait3A_202 = arith.constant 0 : i32
    %dma_wait3A_203 = tpu.memref_slice %arg20[%dma_wait3A_201, %dma_wait3A_202] : memref<10112x64xbf16, #tpu.memory_space<vmem_shared>> -> memref<10112x64xbf16, #tpu.memory_space<vmem_shared>>
    tpu.wait_indirect_dma semaphore(%arg34 : memref<!tpu.dma_semaphore, #tpu.memory_space<semaphore_mem>>) src(%arg16 : memref<128x64xbf16, #tpu.memory_space<vmem>>) dst(%dma_wait3A_203 : memref<10112x64xbf16, #tpu.memory_space<vmem_shared>>)
    %dma_wait3A_204 = arith.constant 158 : i32
    %dma_wait3A_205 = arith.constant 0 : i32
    %dma_wait3A_206 = tpu.memref_slice %arg10[%dma_wait3A_204, %dma_wait3A_205] : memref<160x128xi32, #tpu.memory_space<vmem>> -> memref<1x128xi32, #tpu.memory_space<vmem>>
    %dma_wait3A_207 = tpu.memref_squeeze %dma_wait3A_206 : memref<1x128xi32, #tpu.memory_space<vmem>> -> memref<128xi32, #tpu.memory_space<vmem>>
    %dma_wait3A_208 = arith.constant 0 : i32
    %dma_wait3A_209 = arith.constant 0 : i32
    %dma_wait3A_210 = tpu.memref_slice %arg20[%dma_wait3A_208, %dma_wait3A_209] : memref<10112x64xbf16, #tpu.memory_space<vmem_shared>> -> memref<10112x64xbf16, #tpu.memory_space<vmem_shared>>
    tpu.wait_indirect_dma semaphore(%arg35 : memref<!tpu.dma_semaphore, #tpu.memory_space<semaphore_mem>>) src(%arg17 : memref<128x64xbf16, #tpu.memory_space<vmem>>) dst(%dma_wait3A_210 : memref<10112x64xbf16, #tpu.memory_space<vmem_shared>>)
    %dma_wait3A_211 = arith.constant 159 : i32
    %dma_wait3A_212 = arith.constant 0 : i32
    %dma_wait3A_213 = tpu.memref_slice %arg10[%dma_wait3A_211, %dma_wait3A_212] : memref<160x128xi32, #tpu.memory_space<vmem>> -> memref<1x128xi32, #tpu.memory_space<vmem>>
    %dma_wait3A_214 = tpu.memref_squeeze %dma_wait3A_213 : memref<1x128xi32, #tpu.memory_space<vmem>> -> memref<128xi32, #tpu.memory_space<vmem>>
    %dma_wait3A_215 = arith.constant 0 : i32
    %dma_wait3A_216 = arith.constant 0 : i32
    %dma_wait3A_217 = tpu.memref_slice %arg20[%dma_wait3A_215, %dma_wait3A_216] : memref<10112x64xbf16, #tpu.memory_space<vmem_shared>> -> memref<10112x64xbf16, #tpu.memory_space<vmem_shared>>
    tpu.wait_indirect_dma semaphore(%arg36 : memref<!tpu.dma_semaphore, #tpu.memory_space<semaphore_mem>>) src(%arg18 : memref<128x64xbf16, #tpu.memory_space<vmem>>) dst(%dma_wait3A_217 : memref<10112x64xbf16, #tpu.memory_space<vmem_shared>>)
    %barrier3A_218 = arith.constant 0 : index
    tpu.barrier barrier_id(%barrier3A_218)
    %mul3A_219 = arith.constant 632 : i32
    %mul3A_220 = arith.muli %arg1, %mul3A_219 : i32
    %mul3A_221 = arith.constant 632 : i32
    %mul3A_222 = arith.muli %arg1, %mul3A_221 : i32
    %run_scoped3A_223 = arith.constant 2 : i32
    "tpu.region"() ({
      %run_scoped3A_303 = tpu.sem_alloc : memref<!tpu.dma_semaphore, #tpu.memory_space<semaphore_mem>>
      %dma_start3A_304 = arith.constant 0 : i32
      %dma_start3A_305 = tpu.memref_slice %arg7[%run_scoped3A_223, %arg0, %mul3A_222, %dma_start3A_304] : memref<4x2x10112x64xbf16, #tpu.memory_space<hbm>> -> memref<1x1x632x64xbf16, #tpu.memory_space<hbm>>
      %dma_start3A_306 = tpu.memref_squeeze %dma_start3A_305 : memref<1x1x632x64xbf16, #tpu.memory_space<hbm>> -> memref<632x64xbf16, #tpu.memory_space<hbm>>
      %dma_start3A_307 = arith.constant 0 : i32
      %dma_start3A_308 = tpu.memref_slice %arg20[%mul3A_220, %dma_start3A_307] : memref<10112x64xbf16, #tpu.memory_space<vmem_shared>> -> memref<632x64xbf16, #tpu.memory_space<vmem_shared>>
      tpu.enqueue_dma source(%dma_start3A_308 : memref<632x64xbf16, #tpu.memory_space<vmem_shared>>) target(%dma_start3A_306 : memref<632x64xbf16, #tpu.memory_space<hbm>>) target_semaphore(%run_scoped3A_303 : memref<!tpu.dma_semaphore, #tpu.memory_space<semaphore_mem>>)
      %dma_wait3A_309 = arith.constant 0 : i32
      %dma_wait3A_310 = tpu.memref_slice %arg7[%run_scoped3A_223, %arg0, %mul3A_222, %dma_wait3A_309] : memref<4x2x10112x64xbf16, #tpu.memory_space<hbm>> -> memref<1x1x632x64xbf16, #tpu.memory_space<hbm>>
      %dma_wait3A_311 = tpu.memref_squeeze %dma_wait3A_310 : memref<1x1x632x64xbf16, #tpu.memory_space<hbm>> -> memref<632x64xbf16, #tpu.memory_space<hbm>>
      %dma_wait3A_312 = arith.constant 0 : i32
      %dma_wait3A_313 = tpu.memref_slice %arg20[%mul3A_220, %dma_wait3A_312] : memref<10112x64xbf16, #tpu.memory_space<vmem_shared>> -> memref<632x64xbf16, #tpu.memory_space<vmem_shared>>
      tpu.wait_dma2 semaphore(%run_scoped3A_303 : memref<!tpu.dma_semaphore, #tpu.memory_space<semaphore_mem>>) src(%dma_wait3A_313 : memref<632x64xbf16, #tpu.memory_space<vmem_shared>>) dst(%dma_wait3A_311 : memref<632x64xbf16, #tpu.memory_space<hbm>>)
      tpu.yield
    }) : () -> ()
    %run_scoped3A_224 = arith.constant 2 : i32
    "tpu.region"() ({
      %run_scoped3A_303 = tpu.sem_alloc : memref<!tpu.dma_semaphore, #tpu.memory_space<semaphore_mem>>
      %dma_start3A_304 = arith.constant 0 : i32
      %dma_start3A_305 = tpu.memref_slice %arg8[%run_scoped3A_224, %arg0, %arg1, %dma_start3A_304] : memref<4x2x16x10112xf32, #tpu.memory_space<hbm>> -> memref<1x1x1x10112xf32, #tpu.memory_space<hbm>>
      %dma_start3A_306 = tpu.memref_squeeze %dma_start3A_305 : memref<1x1x1x10112xf32, #tpu.memory_space<hbm>> -> memref<10112xf32, #tpu.memory_space<hbm>>
      %dma_start3A_307 = arith.constant 0 : i32
      %dma_start3A_308 = tpu.memref_slice %arg8[%run_scoped3A_224, %arg0, %arg1, %dma_start3A_307] : memref<4x2x16x10112xf32, #tpu.memory_space<hbm>> -> memref<1x1x1x10112xf32, #tpu.memory_space<hbm>>
      %dma_start3A_309 = tpu.memref_squeeze %dma_start3A_308 : memref<1x1x1x10112xf32, #tpu.memory_space<hbm>> -> memref<10112xf32, #tpu.memory_space<hbm>>
      tpu.enqueue_dma source(%arg19 : memref<10112xf32, #tpu.memory_space<vmem>>) target(%dma_start3A_309 : memref<10112xf32, #tpu.memory_space<hbm>>) target_semaphore(%run_scoped3A_303 : memref<!tpu.dma_semaphore, #tpu.memory_space<semaphore_mem>>)
      %dma_wait3A_310 = arith.constant 0 : i32
      %dma_wait3A_311 = tpu.memref_slice %arg8[%run_scoped3A_224, %arg0, %arg1, %dma_wait3A_310] : memref<4x2x16x10112xf32, #tpu.memory_space<hbm>> -> memref<1x1x1x10112xf32, #tpu.memory_space<hbm>>
      %dma_wait3A_312 = tpu.memref_squeeze %dma_wait3A_311 : memref<1x1x1x10112xf32, #tpu.memory_space<hbm>> -> memref<10112xf32, #tpu.memory_space<hbm>>
      %dma_wait3A_313 = arith.constant 0 : i32
      %dma_wait3A_314 = tpu.memref_slice %arg8[%run_scoped3A_224, %arg0, %arg1, %dma_wait3A_313] : memref<4x2x16x10112xf32, #tpu.memory_space<hbm>> -> memref<1x1x1x10112xf32, #tpu.memory_space<hbm>>
      %dma_wait3A_315 = tpu.memref_squeeze %dma_wait3A_314 : memref<1x1x1x10112xf32, #tpu.memory_space<hbm>> -> memref<10112xf32, #tpu.memory_space<hbm>>
      tpu.wait_dma2 semaphore(%run_scoped3A_303 : memref<!tpu.dma_semaphore, #tpu.memory_space<semaphore_mem>>) src(%arg19 : memref<10112xf32, #tpu.memory_space<vmem>>) dst(%dma_wait3A_315 : memref<10112xf32, #tpu.memory_space<hbm>>)
      tpu.yield
    }) : () -> ()
    %barrier3A_225 = arith.constant 0 : index
    tpu.barrier barrier_id(%barrier3A_225)
    %mul3A_226 = arith.constant 632 : i32
    %mul3A_227 = arith.muli %arg1, %mul3A_226 : i32
    %mul3A_228 = arith.constant 632 : i32
    %mul3A_229 = arith.muli %arg1, %mul3A_228 : i32
    "tpu.region"() ({
      %run_scoped3A_303 = tpu.sem_alloc : memref<!tpu.dma_semaphore, #tpu.memory_space<semaphore_mem>>
      %dma_start3A_304 = arith.constant 0 : i32
      %dma_start3A_305 = tpu.memref_slice %arg20[%mul3A_229, %dma_start3A_304] : memref<10112x64xbf16, #tpu.memory_space<vmem_shared>> -> memref<632x64xbf16, #tpu.memory_space<vmem_shared>>
      %dma_start3A_306 = arith.constant 0 : i32
      %dma_start3A_307 = tpu.memref_slice %arg5[%mul3A_227, %dma_start3A_306] : memref<10112x64xbf16, #tpu.memory_space<hbm>> -> memref<632x64xbf16, #tpu.memory_space<hbm>>
      tpu.enqueue_dma source(%dma_start3A_307 : memref<632x64xbf16, #tpu.memory_space<hbm>>) target(%dma_start3A_305 : memref<632x64xbf16, #tpu.memory_space<vmem_shared>>) target_semaphore(%run_scoped3A_303 : memref<!tpu.dma_semaphore, #tpu.memory_space<semaphore_mem>>)
      %dma_wait3A_308 = arith.constant 0 : i32
      %dma_wait3A_309 = tpu.memref_slice %arg20[%mul3A_229, %dma_wait3A_308] : memref<10112x64xbf16, #tpu.memory_space<vmem_shared>> -> memref<632x64xbf16, #tpu.memory_space<vmem_shared>>
      %dma_wait3A_310 = arith.constant 0 : i32
      %dma_wait3A_311 = tpu.memref_slice %arg5[%mul3A_227, %dma_wait3A_310] : memref<10112x64xbf16, #tpu.memory_space<hbm>> -> memref<632x64xbf16, #tpu.memory_space<hbm>>
      tpu.wait_dma2 semaphore(%run_scoped3A_303 : memref<!tpu.dma_semaphore, #tpu.memory_space<semaphore_mem>>) src(%dma_wait3A_311 : memref<632x64xbf16, #tpu.memory_space<hbm>>) dst(%dma_wait3A_309 : memref<632x64xbf16, #tpu.memory_space<vmem_shared>>)
      tpu.yield
    }) : () -> ()
    "tpu.region"() ({
      %run_scoped3A_303 = tpu.sem_alloc : memref<!tpu.dma_semaphore, #tpu.memory_space<semaphore_mem>>
      tpu.enqueue_dma source(%arg6 : memref<10112xf32, #tpu.memory_space<hbm>>) target(%arg19 : memref<10112xf32, #tpu.memory_space<vmem>>) target_semaphore(%run_scoped3A_303 : memref<!tpu.dma_semaphore, #tpu.memory_space<semaphore_mem>>)
      tpu.wait_dma2 semaphore(%run_scoped3A_303 : memref<!tpu.dma_semaphore, #tpu.memory_space<semaphore_mem>>) src(%arg6 : memref<10112xf32, #tpu.memory_space<hbm>>) dst(%arg19 : memref<10112xf32, #tpu.memory_space<vmem>>)
      tpu.yield
    }) : () -> ()
    %barrier3A_230 = arith.constant 0 : index
    tpu.barrier barrier_id(%barrier3A_230)
    %run_scoped3A_231 = arith.constant 3 : i32
    "tpu.region"() ({
      %run_scoped3A_303 = tpu.sem_alloc : memref<!tpu.dma_semaphore, #tpu.memory_space<semaphore_mem>>
      %dma_start3A_304 = arith.constant 0 : i32
      %dma_start3A_305 = arith.constant 0 : i32
      %dma_start3A_306 = tpu.memref_slice %arg3[%arg0, %run_scoped3A_231, %arg1, %dma_start3A_304, %dma_start3A_305] : memref<2x4x16x160x128xi32, #tpu.memory_space<hbm>> -> memref<1x1x1x160x128xi32, #tpu.memory_space<hbm>>
      %dma_start3A_307 = tpu.memref_squeeze %dma_start3A_306 : memref<1x1x1x160x128xi32, #tpu.memory_space<hbm>> -> memref<160x128xi32, #tpu.memory_space<hbm>>
      %dma_start3A_308 = arith.constant 0 : i32
      %dma_start3A_309 = arith.constant 0 : i32
      %dma_start3A_310 = tpu.memref_slice %arg3[%arg0, %run_scoped3A_231, %arg1, %dma_start3A_308, %dma_start3A_309] : memref<2x4x16x160x128xi32, #tpu.memory_space<hbm>> -> memref<1x1x1x160x128xi32, #tpu.memory_space<hbm>>
      %dma_start3A_311 = tpu.memref_squeeze %dma_start3A_310 : memref<1x1x1x160x128xi32, #tpu.memory_space<hbm>> -> memref<160x128xi32, #tpu.memory_space<hbm>>
      tpu.enqueue_dma source(%dma_start3A_311 : memref<160x128xi32, #tpu.memory_space<hbm>>) target(%arg9 : memref<160x128xi32, #tpu.memory_space<vmem>>) target_semaphore(%run_scoped3A_303 : memref<!tpu.dma_semaphore, #tpu.memory_space<semaphore_mem>>)
      %dma_wait3A_312 = arith.constant 0 : i32
      %dma_wait3A_313 = arith.constant 0 : i32
      %dma_wait3A_314 = tpu.memref_slice %arg3[%arg0, %run_scoped3A_231, %arg1, %dma_wait3A_312, %dma_wait3A_313] : memref<2x4x16x160x128xi32, #tpu.memory_space<hbm>> -> memref<1x1x1x160x128xi32, #tpu.memory_space<hbm>>
      %dma_wait3A_315 = tpu.memref_squeeze %dma_wait3A_314 : memref<1x1x1x160x128xi32, #tpu.memory_space<hbm>> -> memref<160x128xi32, #tpu.memory_space<hbm>>
      %dma_wait3A_316 = arith.constant 0 : i32
      %dma_wait3A_317 = arith.constant 0 : i32
      %dma_wait3A_318 = tpu.memref_slice %arg3[%arg0, %run_scoped3A_231, %arg1, %dma_wait3A_316, %dma_wait3A_317] : memref<2x4x16x160x128xi32, #tpu.memory_space<hbm>> -> memref<1x1x1x160x128xi32, #tpu.memory_space<hbm>>
      %dma_wait3A_319 = tpu.memref_squeeze %dma_wait3A_318 : memref<1x1x1x160x128xi32, #tpu.memory_space<hbm>> -> memref<160x128xi32, #tpu.memory_space<hbm>>
      tpu.wait_dma2 semaphore(%run_scoped3A_303 : memref<!tpu.dma_semaphore, #tpu.memory_space<semaphore_mem>>) src(%dma_wait3A_319 : memref<160x128xi32, #tpu.memory_space<hbm>>) dst(%arg9 : memref<160x128xi32, #tpu.memory_space<vmem>>)
      tpu.yield
    }) : () -> ()
    %run_scoped3A_232 = arith.constant 3 : i32
    "tpu.region"() ({
      %run_scoped3A_303 = tpu.sem_alloc : memref<!tpu.dma_semaphore, #tpu.memory_space<semaphore_mem>>
      %dma_start3A_304 = arith.constant 0 : i32
      %dma_start3A_305 = arith.constant 0 : i32
      %dma_start3A_306 = tpu.memref_slice %arg4[%run_scoped3A_232, %arg1, %dma_start3A_304, %dma_start3A_305] : memref<4x16x160x128xi32, #tpu.memory_space<hbm>> -> memref<1x1x160x128xi32, #tpu.memory_space<hbm>>
      %dma_start3A_307 = tpu.memref_squeeze %dma_start3A_306 : memref<1x1x160x128xi32, #tpu.memory_space<hbm>> -> memref<160x128xi32, #tpu.memory_space<hbm>>
      %dma_start3A_308 = arith.constant 0 : i32
      %dma_start3A_309 = arith.constant 0 : i32
      %dma_start3A_310 = tpu.memref_slice %arg4[%run_scoped3A_232, %arg1, %dma_start3A_308, %dma_start3A_309] : memref<4x16x160x128xi32, #tpu.memory_space<hbm>> -> memref<1x1x160x128xi32, #tpu.memory_space<hbm>>
      %dma_start3A_311 = tpu.memref_squeeze %dma_start3A_310 : memref<1x1x160x128xi32, #tpu.memory_space<hbm>> -> memref<160x128xi32, #tpu.memory_space<hbm>>
      tpu.enqueue_dma source(%dma_start3A_311 : memref<160x128xi32, #tpu.memory_space<hbm>>) target(%arg10 : memref<160x128xi32, #tpu.memory_space<vmem>>) target_semaphore(%run_scoped3A_303 : memref<!tpu.dma_semaphore, #tpu.memory_space<semaphore_mem>>)
      %dma_wait3A_312 = arith.constant 0 : i32
      %dma_wait3A_313 = arith.constant 0 : i32
      %dma_wait3A_314 = tpu.memref_slice %arg4[%run_scoped3A_232, %arg1, %dma_wait3A_312, %dma_wait3A_313] : memref<4x16x160x128xi32, #tpu.memory_space<hbm>> -> memref<1x1x160x128xi32, #tpu.memory_space<hbm>>
      %dma_wait3A_315 = tpu.memref_squeeze %dma_wait3A_314 : memref<1x1x160x128xi32, #tpu.memory_space<hbm>> -> memref<160x128xi32, #tpu.memory_space<hbm>>
      %dma_wait3A_316 = arith.constant 0 : i32
      %dma_wait3A_317 = arith.constant 0 : i32
      %dma_wait3A_318 = tpu.memref_slice %arg4[%run_scoped3A_232, %arg1, %dma_wait3A_316, %dma_wait3A_317] : memref<4x16x160x128xi32, #tpu.memory_space<hbm>> -> memref<1x1x160x128xi32, #tpu.memory_space<hbm>>
      %dma_wait3A_319 = tpu.memref_squeeze %dma_wait3A_318 : memref<1x1x160x128xi32, #tpu.memory_space<hbm>> -> memref<160x128xi32, #tpu.memory_space<hbm>>
      tpu.wait_dma2 semaphore(%run_scoped3A_303 : memref<!tpu.dma_semaphore, #tpu.memory_space<semaphore_mem>>) src(%dma_wait3A_319 : memref<160x128xi32, #tpu.memory_space<hbm>>) dst(%arg10 : memref<160x128xi32, #tpu.memory_space<vmem>>)
      tpu.yield
    }) : () -> ()
    %dma_start3A_233 = arith.constant 0 : i32
    %dma_start3A_234 = arith.constant 0 : i32
    %dma_start3A_235 = tpu.memref_slice %arg9[%dma_start3A_233, %dma_start3A_234] : memref<160x128xi32, #tpu.memory_space<vmem>> -> memref<1x128xi32, #tpu.memory_space<vmem>>
    %dma_start3A_236 = tpu.memref_squeeze %dma_start3A_235 : memref<1x128xi32, #tpu.memory_space<vmem>> -> memref<128xi32, #tpu.memory_space<vmem>>
    %dma_start3A_237 = arith.constant 0 : i32
    %dma_start3A_238 = arith.constant 0 : i32
    %dma_start3A_239 = tpu.memref_slice %arg2[%dma_start3A_237, %dma_start3A_238] : memref<80000x64xbf16, #tpu.memory_space<hbm>> -> memref<80000x64xbf16, #tpu.memory_space<hbm>>
    tpu.enqueue_indirect_dma source(%dma_start3A_239 : memref<80000x64xbf16, #tpu.memory_space<hbm>>) target(%arg11 : memref<128x64xbf16, #tpu.memory_space<vmem>>) offsets(%dma_start3A_236 : memref<128xi32, #tpu.memory_space<vmem>>) semaphore(%arg21 : memref<!tpu.dma_semaphore, #tpu.memory_space<semaphore_mem>>)
    %dma_start3A_240 = arith.constant 1 : i32
    %dma_start3A_241 = arith.constant 0 : i32
    %dma_start3A_242 = tpu.memref_slice %arg9[%dma_start3A_240, %dma_start3A_241] : memref<160x128xi32, #tpu.memory_space<vmem>> -> memref<1x128xi32, #tpu.memory_space<vmem>>
    %dma_start3A_243 = tpu.memref_squeeze %dma_start3A_242 : memref<1x128xi32, #tpu.memory_space<vmem>> -> memref<128xi32, #tpu.memory_space<vmem>>
    %dma_start3A_244 = arith.constant 0 : i32
    %dma_start3A_245 = arith.constant 0 : i32
    %dma_start3A_246 = tpu.memref_slice %arg2[%dma_start3A_244, %dma_start3A_245] : memref<80000x64xbf16, #tpu.memory_space<hbm>> -> memref<80000x64xbf16, #tpu.memory_space<hbm>>
    tpu.enqueue_indirect_dma source(%dma_start3A_246 : memref<80000x64xbf16, #tpu.memory_space<hbm>>) target(%arg12 : memref<128x64xbf16, #tpu.memory_space<vmem>>) offsets(%dma_start3A_243 : memref<128xi32, #tpu.memory_space<vmem>>) semaphore(%arg22 : memref<!tpu.dma_semaphore, #tpu.memory_space<semaphore_mem>>)
    %dma_start3A_247 = arith.constant 2 : i32
    %dma_start3A_248 = arith.constant 0 : i32
    %dma_start3A_249 = tpu.memref_slice %arg9[%dma_start3A_247, %dma_start3A_248] : memref<160x128xi32, #tpu.memory_space<vmem>> -> memref<1x128xi32, #tpu.memory_space<vmem>>
    %dma_start3A_250 = tpu.memref_squeeze %dma_start3A_249 : memref<1x128xi32, #tpu.memory_space<vmem>> -> memref<128xi32, #tpu.memory_space<vmem>>
    %dma_start3A_251 = arith.constant 0 : i32
    %dma_start3A_252 = arith.constant 0 : i32
    %dma_start3A_253 = tpu.memref_slice %arg2[%dma_start3A_251, %dma_start3A_252] : memref<80000x64xbf16, #tpu.memory_space<hbm>> -> memref<80000x64xbf16, #tpu.memory_space<hbm>>
    tpu.enqueue_indirect_dma source(%dma_start3A_253 : memref<80000x64xbf16, #tpu.memory_space<hbm>>) target(%arg13 : memref<128x64xbf16, #tpu.memory_space<vmem>>) offsets(%dma_start3A_250 : memref<128xi32, #tpu.memory_space<vmem>>) semaphore(%arg23 : memref<!tpu.dma_semaphore, #tpu.memory_space<semaphore_mem>>)
    %dma_start3A_254 = arith.constant 3 : i32
    %dma_start3A_255 = arith.constant 0 : i32
    %dma_start3A_256 = tpu.memref_slice %arg9[%dma_start3A_254, %dma_start3A_255] : memref<160x128xi32, #tpu.memory_space<vmem>> -> memref<1x128xi32, #tpu.memory_space<vmem>>
    %dma_start3A_257 = tpu.memref_squeeze %dma_start3A_256 : memref<1x128xi32, #tpu.memory_space<vmem>> -> memref<128xi32, #tpu.memory_space<vmem>>
    %dma_start3A_258 = arith.constant 0 : i32
    %dma_start3A_259 = arith.constant 0 : i32
    %dma_start3A_260 = tpu.memref_slice %arg2[%dma_start3A_258, %dma_start3A_259] : memref<80000x64xbf16, #tpu.memory_space<hbm>> -> memref<80000x64xbf16, #tpu.memory_space<hbm>>
    tpu.enqueue_indirect_dma source(%dma_start3A_260 : memref<80000x64xbf16, #tpu.memory_space<hbm>>) target(%arg14 : memref<128x64xbf16, #tpu.memory_space<vmem>>) offsets(%dma_start3A_257 : memref<128xi32, #tpu.memory_space<vmem>>) semaphore(%arg24 : memref<!tpu.dma_semaphore, #tpu.memory_space<semaphore_mem>>)
    %scan3A_261 = arith.constant 0 : i32
    %scan3A_262 = arith.constant 0 : i32
    %scan3A_263 = arith.constant 20 : i32
    %scan3A_264 = arith.addi %scan3A_262, %scan3A_263 : i32
    %scan3A_265 = arith.constant 1 : i32
    scf.for %scan3A_303 = %scan3A_262 to %scan3A_264 step %scan3A_265  : i32 {
      %mul3A_304 = arith.constant 8 : i32
      %mul3A_305 = arith.muli %mul3A_304, %scan3A_303 : i32
      %add3A = arith.constant 0 : i32
      %add3A_306 = arith.addi %mul3A_305, %add3A : i32
      %dma_wait3A_307 = arith.constant 0 : i32
      %dma_wait3A_308 = tpu.memref_slice %arg9[%add3A_306, %dma_wait3A_307] : memref<160x128xi32, #tpu.memory_space<vmem>> -> memref<1x128xi32, #tpu.memory_space<vmem>>
      %dma_wait3A_309 = tpu.memref_squeeze %dma_wait3A_308 : memref<1x128xi32, #tpu.memory_space<vmem>> -> memref<128xi32, #tpu.memory_space<vmem>>
      %dma_wait3A_310 = arith.constant 0 : i32
      %dma_wait3A_311 = arith.constant 0 : i32
      %dma_wait3A_312 = tpu.memref_slice %arg2[%dma_wait3A_310, %dma_wait3A_311] : memref<80000x64xbf16, #tpu.memory_space<hbm>> -> memref<80000x64xbf16, #tpu.memory_space<hbm>>
      tpu.wait_indirect_dma semaphore(%arg21 : memref<!tpu.dma_semaphore, #tpu.memory_space<semaphore_mem>>) src(%dma_wait3A_312 : memref<80000x64xbf16, #tpu.memory_space<hbm>>) dst(%arg11 : memref<128x64xbf16, #tpu.memory_space<vmem>>)
      %dma_start3A_313 = arith.constant 0 : i32
      %dma_start3A_314 = tpu.memref_slice %arg10[%add3A_306, %dma_start3A_313] : memref<160x128xi32, #tpu.memory_space<vmem>> -> memref<1x128xi32, #tpu.memory_space<vmem>>
      %dma_start3A_315 = tpu.memref_squeeze %dma_start3A_314 : memref<1x128xi32, #tpu.memory_space<vmem>> -> memref<128xi32, #tpu.memory_space<vmem>>
      %dma_start3A_316 = arith.constant 0 : i32
      %dma_start3A_317 = arith.constant 0 : i32
      %dma_start3A_318 = tpu.memref_slice %arg20[%dma_start3A_316, %dma_start3A_317] : memref<10112x64xbf16, #tpu.memory_space<vmem_shared>> -> memref<10112x64xbf16, #tpu.memory_space<vmem_shared>>
      tpu.enqueue_indirect_dma source(%arg11 : memref<128x64xbf16, #tpu.memory_space<vmem>>) target(%dma_start3A_318 : memref<10112x64xbf16, #tpu.memory_space<vmem_shared>>) offsets(%dma_start3A_315 : memref<128xi32, #tpu.memory_space<vmem>>) semaphore(%arg29 : memref<!tpu.dma_semaphore, #tpu.memory_space<semaphore_mem>>) {add = true}
      %eq3A = arith.constant 0 : i32
      %eq3A_319 = arith.cmpi eq, %arg0, %eq3A : i32
      %convert_element_type3A = arith.extui %eq3A_319 : i1 to i32
      %cond3A = arith.constant 0 : i32
      %cond3A_320 = arith.cmpi ne, %convert_element_type3A, %cond3A : i32
      scf.if %cond3A_320 {
        %get3A = arith.index_cast %add3A_306 : i32 to index
        %get3A_569 = arith.constant 0 : index
        %get3A_570 = tpu.vector_load %arg10[%get3A, %get3A_569] {strides = array<i32>} : memref<160x128xi32, #tpu.memory_space<vmem>>, vector<16xi32>,
        tpu.vector_store_idx %arg19[%get3A_570], %broadcast_in_dim3A_0 {add = true} : memref<10112xf32, #tpu.memory_space<vmem>>[vector<16xi32>], vector<16xf32>,
        %get3A_571 = arith.index_cast %add3A_306 : i32 to index
        %get3A_572 = arith.constant 16 : index
        %get3A_573 = tpu.vector_load %arg10[%get3A_571, %get3A_572] {strides = array<i32>} : memref<160x128xi32, #tpu.memory_space<vmem>>, vector<16xi32>,
        tpu.vector_store_idx %arg19[%get3A_573], %broadcast_in_dim3A_0 {add = true} : memref<10112xf32, #tpu.memory_space<vmem>>[vector<16xi32>], vector<16xf32>,
        %get3A_574 = arith.index_cast %add3A_306 : i32 to index
        %get3A_575 = arith.constant 32 : index
        %get3A_576 = tpu.vector_load %arg10[%get3A_574, %get3A_575] {strides = array<i32>} : memref<160x128xi32, #tpu.memory_space<vmem>>, vector<16xi32>,
        tpu.vector_store_idx %arg19[%get3A_576], %broadcast_in_dim3A_0 {add = true} : memref<10112xf32, #tpu.memory_space<vmem>>[vector<16xi32>], vector<16xf32>,
        %get3A_577 = arith.index_cast %add3A_306 : i32 to index
        %get3A_578 = arith.constant 48 : index
        %get3A_579 = tpu.vector_load %arg10[%get3A_577, %get3A_578] {strides = array<i32>} : memref<160x128xi32, #tpu.memory_space<vmem>>, vector<16xi32>,
        tpu.vector_store_idx %arg19[%get3A_579], %broadcast_in_dim3A_0 {add = true} : memref<10112xf32, #tpu.memory_space<vmem>>[vector<16xi32>], vector<16xf32>,
        %get3A_580 = arith.index_cast %add3A_306 : i32 to index
        %get3A_581 = arith.constant 64 : index
        %get3A_582 = tpu.vector_load %arg10[%get3A_580, %get3A_581] {strides = array<i32>} : memref<160x128xi32, #tpu.memory_space<vmem>>, vector<16xi32>,
        tpu.vector_store_idx %arg19[%get3A_582], %broadcast_in_dim3A_0 {add = true} : memref<10112xf32, #tpu.memory_space<vmem>>[vector<16xi32>], vector<16xf32>,
        %get3A_583 = arith.index_cast %add3A_306 : i32 to index
        %get3A_584 = arith.constant 80 : index
        %get3A_585 = tpu.vector_load %arg10[%get3A_583, %get3A_584] {strides = array<i32>} : memref<160x128xi32, #tpu.memory_space<vmem>>, vector<16xi32>,
        tpu.vector_store_idx %arg19[%get3A_585], %broadcast_in_dim3A_0 {add = true} : memref<10112xf32, #tpu.memory_space<vmem>>[vector<16xi32>], vector<16xf32>,
        %get3A_586 = arith.index_cast %add3A_306 : i32 to index
        %get3A_587 = arith.constant 96 : index
        %get3A_588 = tpu.vector_load %arg10[%get3A_586, %get3A_587] {strides = array<i32>} : memref<160x128xi32, #tpu.memory_space<vmem>>, vector<16xi32>,
        tpu.vector_store_idx %arg19[%get3A_588], %broadcast_in_dim3A_0 {add = true} : memref<10112xf32, #tpu.memory_space<vmem>>[vector<16xi32>], vector<16xf32>,
        %get3A_589 = arith.index_cast %add3A_306 : i32 to index
        %get3A_590 = arith.constant 112 : index
        %get3A_591 = tpu.vector_load %arg10[%get3A_589, %get3A_590] {strides = array<i32>} : memref<160x128xi32, #tpu.memory_space<vmem>>, vector<16xi32>,
        tpu.vector_store_idx %arg19[%get3A_591], %broadcast_in_dim3A_0 {add = true} : memref<10112xf32, #tpu.memory_space<vmem>>[vector<16xi32>], vector<16xf32>,
      } else {
      }
      %gt3A = arith.constant 0 : i32
      %gt3A_321 = arith.cmpi sgt, %scan3A_303, %gt3A : i32
      %convert_element_type3A_322 = arith.extui %gt3A_321 : i1 to i32
      %cond3A_323 = arith.constant 0 : i32
      %cond3A_324 = arith.cmpi ne, %convert_element_type3A_322, %cond3A_323 : i32
      scf.if %cond3A_324 {
        %sub3A_569 = arith.constant 4 : i32
        %sub3A_570 = arith.subi %add3A_306, %sub3A_569 : i32
        %dma_wait3A_571 = arith.constant 0 : i32
        %dma_wait3A_572 = tpu.memref_slice %arg10[%sub3A_570, %dma_wait3A_571] : memref<160x128xi32, #tpu.memory_space<vmem>> -> memref<1x128xi32, #tpu.memory_space<vmem>>
        %dma_wait3A_573 = tpu.memref_squeeze %dma_wait3A_572 : memref<1x128xi32, #tpu.memory_space<vmem>> -> memref<128xi32, #tpu.memory_space<vmem>>
        %dma_wait3A_574 = arith.constant 0 : i32
        %dma_wait3A_575 = arith.constant 0 : i32
        %dma_wait3A_576 = tpu.memref_slice %arg20[%dma_wait3A_574, %dma_wait3A_575] : memref<10112x64xbf16, #tpu.memory_space<vmem_shared>> -> memref<10112x64xbf16, #tpu.memory_space<vmem_shared>>
        tpu.wait_indirect_dma semaphore(%arg33 : memref<!tpu.dma_semaphore, #tpu.memory_space<semaphore_mem>>) src(%arg15 : memref<128x64xbf16, #tpu.memory_space<vmem>>) dst(%dma_wait3A_576 : memref<10112x64xbf16, #tpu.memory_space<vmem_shared>>)
      } else {
      }
      %add3A_325 = arith.constant 4 : i32
      %add3A_326 = arith.addi %add3A_306, %add3A_325 : i32
      %dma_start3A_327 = arith.constant 0 : i32
      %dma_start3A_328 = tpu.memref_slice %arg9[%add3A_326, %dma_start3A_327] : memref<160x128xi32, #tpu.memory_space<vmem>> -> memref<1x128xi32, #tpu.memory_space<vmem>>
      %dma_start3A_329 = tpu.memref_squeeze %dma_start3A_328 : memref<1x128xi32, #tpu.memory_space<vmem>> -> memref<128xi32, #tpu.memory_space<vmem>>
      %dma_start3A_330 = arith.constant 0 : i32
      %dma_start3A_331 = arith.constant 0 : i32
      %dma_start3A_332 = tpu.memref_slice %arg2[%dma_start3A_330, %dma_start3A_331] : memref<80000x64xbf16, #tpu.memory_space<hbm>> -> memref<80000x64xbf16, #tpu.memory_space<hbm>>
      tpu.enqueue_indirect_dma source(%dma_start3A_332 : memref<80000x64xbf16, #tpu.memory_space<hbm>>) target(%arg15 : memref<128x64xbf16, #tpu.memory_space<vmem>>) offsets(%dma_start3A_329 : memref<128xi32, #tpu.memory_space<vmem>>) semaphore(%arg25 : memref<!tpu.dma_semaphore, #tpu.memory_space<semaphore_mem>>)
      %mul3A_333 = arith.constant 8 : i32
      %mul3A_334 = arith.muli %mul3A_333, %scan3A_303 : i32
      %add3A_335 = arith.constant 1 : i32
      %add3A_336 = arith.addi %mul3A_334, %add3A_335 : i32
      %dma_wait3A_337 = arith.constant 0 : i32
      %dma_wait3A_338 = tpu.memref_slice %arg9[%add3A_336, %dma_wait3A_337] : memref<160x128xi32, #tpu.memory_space<vmem>> -> memref<1x128xi32, #tpu.memory_space<vmem>>
      %dma_wait3A_339 = tpu.memref_squeeze %dma_wait3A_338 : memref<1x128xi32, #tpu.memory_space<vmem>> -> memref<128xi32, #tpu.memory_space<vmem>>
      %dma_wait3A_340 = arith.constant 0 : i32
      %dma_wait3A_341 = arith.constant 0 : i32
      %dma_wait3A_342 = tpu.memref_slice %arg2[%dma_wait3A_340, %dma_wait3A_341] : memref<80000x64xbf16, #tpu.memory_space<hbm>> -> memref<80000x64xbf16, #tpu.memory_space<hbm>>
      tpu.wait_indirect_dma semaphore(%arg22 : memref<!tpu.dma_semaphore, #tpu.memory_space<semaphore_mem>>) src(%dma_wait3A_342 : memref<80000x64xbf16, #tpu.memory_space<hbm>>) dst(%arg12 : memref<128x64xbf16, #tpu.memory_space<vmem>>)
      %dma_start3A_343 = arith.constant 0 : i32
      %dma_start3A_344 = tpu.memref_slice %arg10[%add3A_336, %dma_start3A_343] : memref<160x128xi32, #tpu.memory_space<vmem>> -> memref<1x128xi32, #tpu.memory_space<vmem>>
      %dma_start3A_345 = tpu.memref_squeeze %dma_start3A_344 : memref<1x128xi32, #tpu.memory_space<vmem>> -> memref<128xi32, #tpu.memory_space<vmem>>
      %dma_start3A_346 = arith.constant 0 : i32
      %dma_start3A_347 = arith.constant 0 : i32
      %dma_start3A_348 = tpu.memref_slice %arg20[%dma_start3A_346, %dma_start3A_347] : memref<10112x64xbf16, #tpu.memory_space<vmem_shared>> -> memref<10112x64xbf16, #tpu.memory_space<vmem_shared>>
      tpu.enqueue_indirect_dma source(%arg12 : memref<128x64xbf16, #tpu.memory_space<vmem>>) target(%dma_start3A_348 : memref<10112x64xbf16, #tpu.memory_space<vmem_shared>>) offsets(%dma_start3A_345 : memref<128xi32, #tpu.memory_space<vmem>>) semaphore(%arg30 : memref<!tpu.dma_semaphore, #tpu.memory_space<semaphore_mem>>) {add = true}
      %eq3A_349 = arith.constant 0 : i32
      %eq3A_350 = arith.cmpi eq, %arg0, %eq3A_349 : i32
      %convert_element_type3A_351 = arith.extui %eq3A_350 : i1 to i32
      %cond3A_352 = arith.constant 0 : i32
      %cond3A_353 = arith.cmpi ne, %convert_element_type3A_351, %cond3A_352 : i32
      scf.if %cond3A_353 {
        %get3A = arith.index_cast %add3A_336 : i32 to index
        %get3A_569 = arith.constant 0 : index
        %get3A_570 = tpu.vector_load %arg10[%get3A, %get3A_569] {strides = array<i32>} : memref<160x128xi32, #tpu.memory_space<vmem>>, vector<16xi32>,
        tpu.vector_store_idx %arg19[%get3A_570], %broadcast_in_dim3A_0 {add = true} : memref<10112xf32, #tpu.memory_space<vmem>>[vector<16xi32>], vector<16xf32>,
        %get3A_571 = arith.index_cast %add3A_336 : i32 to index
        %get3A_572 = arith.constant 16 : index
        %get3A_573 = tpu.vector_load %arg10[%get3A_571, %get3A_572] {strides = array<i32>} : memref<160x128xi32, #tpu.memory_space<vmem>>, vector<16xi32>,
        tpu.vector_store_idx %arg19[%get3A_573], %broadcast_in_dim3A_0 {add = true} : memref<10112xf32, #tpu.memory_space<vmem>>[vector<16xi32>], vector<16xf32>,
        %get3A_574 = arith.index_cast %add3A_336 : i32 to index
        %get3A_575 = arith.constant 32 : index
        %get3A_576 = tpu.vector_load %arg10[%get3A_574, %get3A_575] {strides = array<i32>} : memref<160x128xi32, #tpu.memory_space<vmem>>, vector<16xi32>,
        tpu.vector_store_idx %arg19[%get3A_576], %broadcast_in_dim3A_0 {add = true} : memref<10112xf32, #tpu.memory_space<vmem>>[vector<16xi32>], vector<16xf32>,
        %get3A_577 = arith.index_cast %add3A_336 : i32 to index
        %get3A_578 = arith.constant 48 : index
        %get3A_579 = tpu.vector_load %arg10[%get3A_577, %get3A_578] {strides = array<i32>} : memref<160x128xi32, #tpu.memory_space<vmem>>, vector<16xi32>,
        tpu.vector_store_idx %arg19[%get3A_579], %broadcast_in_dim3A_0 {add = true} : memref<10112xf32, #tpu.memory_space<vmem>>[vector<16xi32>], vector<16xf32>,
        %get3A_580 = arith.index_cast %add3A_336 : i32 to index
        %get3A_581 = arith.constant 64 : index
        %get3A_582 = tpu.vector_load %arg10[%get3A_580, %get3A_581] {strides = array<i32>} : memref<160x128xi32, #tpu.memory_space<vmem>>, vector<16xi32>,
        tpu.vector_store_idx %arg19[%get3A_582], %broadcast_in_dim3A_0 {add = true} : memref<10112xf32, #tpu.memory_space<vmem>>[vector<16xi32>], vector<16xf32>,
        %get3A_583 = arith.index_cast %add3A_336 : i32 to index
        %get3A_584 = arith.constant 80 : index
        %get3A_585 = tpu.vector_load %arg10[%get3A_583, %get3A_584] {strides = array<i32>} : memref<160x128xi32, #tpu.memory_space<vmem>>, vector<16xi32>,
        tpu.vector_store_idx %arg19[%get3A_585], %broadcast_in_dim3A_0 {add = true} : memref<10112xf32, #tpu.memory_space<vmem>>[vector<16xi32>], vector<16xf32>,
        %get3A_586 = arith.index_cast %add3A_336 : i32 to index
        %get3A_587 = arith.constant 96 : index
        %get3A_588 = tpu.vector_load %arg10[%get3A_586, %get3A_587] {strides = array<i32>} : memref<160x128xi32, #tpu.memory_space<vmem>>, vector<16xi32>,
        tpu.vector_store_idx %arg19[%get3A_588], %broadcast_in_dim3A_0 {add = true} : memref<10112xf32, #tpu.memory_space<vmem>>[vector<16xi32>], vector<16xf32>,
        %get3A_589 = arith.index_cast %add3A_336 : i32 to index
        %get3A_590 = arith.constant 112 : index
        %get3A_591 = tpu.vector_load %arg10[%get3A_589, %get3A_590] {strides = array<i32>} : memref<160x128xi32, #tpu.memory_space<vmem>>, vector<16xi32>,
        tpu.vector_store_idx %arg19[%get3A_591], %broadcast_in_dim3A_0 {add = true} : memref<10112xf32, #tpu.memory_space<vmem>>[vector<16xi32>], vector<16xf32>,
      } else {
      }
      %gt3A_354 = arith.constant 0 : i32
      %gt3A_355 = arith.cmpi sgt, %scan3A_303, %gt3A_354 : i32
      %convert_element_type3A_356 = arith.extui %gt3A_355 : i1 to i32
      %cond3A_357 = arith.constant 0 : i32
      %cond3A_358 = arith.cmpi ne, %convert_element_type3A_356, %cond3A_357 : i32
      scf.if %cond3A_358 {
        %sub3A_569 = arith.constant 4 : i32
        %sub3A_570 = arith.subi %add3A_336, %sub3A_569 : i32
        %dma_wait3A_571 = arith.constant 0 : i32
        %dma_wait3A_572 = tpu.memref_slice %arg10[%sub3A_570, %dma_wait3A_571] : memref<160x128xi32, #tpu.memory_space<vmem>> -> memref<1x128xi32, #tpu.memory_space<vmem>>
        %dma_wait3A_573 = tpu.memref_squeeze %dma_wait3A_572 : memref<1x128xi32, #tpu.memory_space<vmem>> -> memref<128xi32, #tpu.memory_space<vmem>>
        %dma_wait3A_574 = arith.constant 0 : i32
        %dma_wait3A_575 = arith.constant 0 : i32
        %dma_wait3A_576 = tpu.memref_slice %arg20[%dma_wait3A_574, %dma_wait3A_575] : memref<10112x64xbf16, #tpu.memory_space<vmem_shared>> -> memref<10112x64xbf16, #tpu.memory_space<vmem_shared>>
        tpu.wait_indirect_dma semaphore(%arg34 : memref<!tpu.dma_semaphore, #tpu.memory_space<semaphore_mem>>) src(%arg16 : memref<128x64xbf16, #tpu.memory_space<vmem>>) dst(%dma_wait3A_576 : memref<10112x64xbf16, #tpu.memory_space<vmem_shared>>)
      } else {
      }
      %add3A_359 = arith.constant 4 : i32
      %add3A_360 = arith.addi %add3A_336, %add3A_359 : i32
      %dma_start3A_361 = arith.constant 0 : i32
      %dma_start3A_362 = tpu.memref_slice %arg9[%add3A_360, %dma_start3A_361] : memref<160x128xi32, #tpu.memory_space<vmem>> -> memref<1x128xi32, #tpu.memory_space<vmem>>
      %dma_start3A_363 = tpu.memref_squeeze %dma_start3A_362 : memref<1x128xi32, #tpu.memory_space<vmem>> -> memref<128xi32, #tpu.memory_space<vmem>>
      %dma_start3A_364 = arith.constant 0 : i32
      %dma_start3A_365 = arith.constant 0 : i32
      %dma_start3A_366 = tpu.memref_slice %arg2[%dma_start3A_364, %dma_start3A_365] : memref<80000x64xbf16, #tpu.memory_space<hbm>> -> memref<80000x64xbf16, #tpu.memory_space<hbm>>
      tpu.enqueue_indirect_dma source(%dma_start3A_366 : memref<80000x64xbf16, #tpu.memory_space<hbm>>) target(%arg16 : memref<128x64xbf16, #tpu.memory_space<vmem>>) offsets(%dma_start3A_363 : memref<128xi32, #tpu.memory_space<vmem>>) semaphore(%arg26 : memref<!tpu.dma_semaphore, #tpu.memory_space<semaphore_mem>>)
      %mul3A_367 = arith.constant 8 : i32
      %mul3A_368 = arith.muli %mul3A_367, %scan3A_303 : i32
      %add3A_369 = arith.constant 2 : i32
      %add3A_370 = arith.addi %mul3A_368, %add3A_369 : i32
      %dma_wait3A_371 = arith.constant 0 : i32
      %dma_wait3A_372 = tpu.memref_slice %arg9[%add3A_370, %dma_wait3A_371] : memref<160x128xi32, #tpu.memory_space<vmem>> -> memref<1x128xi32, #tpu.memory_space<vmem>>
      %dma_wait3A_373 = tpu.memref_squeeze %dma_wait3A_372 : memref<1x128xi32, #tpu.memory_space<vmem>> -> memref<128xi32, #tpu.memory_space<vmem>>
      %dma_wait3A_374 = arith.constant 0 : i32
      %dma_wait3A_375 = arith.constant 0 : i32
      %dma_wait3A_376 = tpu.memref_slice %arg2[%dma_wait3A_374, %dma_wait3A_375] : memref<80000x64xbf16, #tpu.memory_space<hbm>> -> memref<80000x64xbf16, #tpu.memory_space<hbm>>
      tpu.wait_indirect_dma semaphore(%arg23 : memref<!tpu.dma_semaphore, #tpu.memory_space<semaphore_mem>>) src(%dma_wait3A_376 : memref<80000x64xbf16, #tpu.memory_space<hbm>>) dst(%arg13 : memref<128x64xbf16, #tpu.memory_space<vmem>>)
      %dma_start3A_377 = arith.constant 0 : i32
      %dma_start3A_378 = tpu.memref_slice %arg10[%add3A_370, %dma_start3A_377] : memref<160x128xi32, #tpu.memory_space<vmem>> -> memref<1x128xi32, #tpu.memory_space<vmem>>
      %dma_start3A_379 = tpu.memref_squeeze %dma_start3A_378 : memref<1x128xi32, #tpu.memory_space<vmem>> -> memref<128xi32, #tpu.memory_space<vmem>>
      %dma_start3A_380 = arith.constant 0 : i32
      %dma_start3A_381 = arith.constant 0 : i32
      %dma_start3A_382 = tpu.memref_slice %arg20[%dma_start3A_380, %dma_start3A_381] : memref<10112x64xbf16, #tpu.memory_space<vmem_shared>> -> memref<10112x64xbf16, #tpu.memory_space<vmem_shared>>
      tpu.enqueue_indirect_dma source(%arg13 : memref<128x64xbf16, #tpu.memory_space<vmem>>) target(%dma_start3A_382 : memref<10112x64xbf16, #tpu.memory_space<vmem_shared>>) offsets(%dma_start3A_379 : memref<128xi32, #tpu.memory_space<vmem>>) semaphore(%arg31 : memref<!tpu.dma_semaphore, #tpu.memory_space<semaphore_mem>>) {add = true}
      %eq3A_383 = arith.constant 0 : i32
      %eq3A_384 = arith.cmpi eq, %arg0, %eq3A_383 : i32
      %convert_element_type3A_385 = arith.extui %eq3A_384 : i1 to i32
      %cond3A_386 = arith.constant 0 : i32
      %cond3A_387 = arith.cmpi ne, %convert_element_type3A_385, %cond3A_386 : i32
      scf.if %cond3A_387 {
        %get3A = arith.index_cast %add3A_370 : i32 to index
        %get3A_569 = arith.constant 0 : index
        %get3A_570 = tpu.vector_load %arg10[%get3A, %get3A_569] {strides = array<i32>} : memref<160x128xi32, #tpu.memory_space<vmem>>, vector<16xi32>,
        tpu.vector_store_idx %arg19[%get3A_570], %broadcast_in_dim3A_0 {add = true} : memref<10112xf32, #tpu.memory_space<vmem>>[vector<16xi32>], vector<16xf32>,
        %get3A_571 = arith.index_cast %add3A_370 : i32 to index
        %get3A_572 = arith.constant 16 : index
        %get3A_573 = tpu.vector_load %arg10[%get3A_571, %get3A_572] {strides = array<i32>} : memref<160x128xi32, #tpu.memory_space<vmem>>, vector<16xi32>,
        tpu.vector_store_idx %arg19[%get3A_573], %broadcast_in_dim3A_0 {add = true} : memref<10112xf32, #tpu.memory_space<vmem>>[vector<16xi32>], vector<16xf32>,
        %get3A_574 = arith.index_cast %add3A_370 : i32 to index
        %get3A_575 = arith.constant 32 : index
        %get3A_576 = tpu.vector_load %arg10[%get3A_574, %get3A_575] {strides = array<i32>} : memref<160x128xi32, #tpu.memory_space<vmem>>, vector<16xi32>,
        tpu.vector_store_idx %arg19[%get3A_576], %broadcast_in_dim3A_0 {add = true} : memref<10112xf32, #tpu.memory_space<vmem>>[vector<16xi32>], vector<16xf32>,
        %get3A_577 = arith.index_cast %add3A_370 : i32 to index
        %get3A_578 = arith.constant 48 : index
        %get3A_579 = tpu.vector_load %arg10[%get3A_577, %get3A_578] {strides = array<i32>} : memref<160x128xi32, #tpu.memory_space<vmem>>, vector<16xi32>,
        tpu.vector_store_idx %arg19[%get3A_579], %broadcast_in_dim3A_0 {add = true} : memref<10112xf32, #tpu.memory_space<vmem>>[vector<16xi32>], vector<16xf32>,
        %get3A_580 = arith.index_cast %add3A_370 : i32 to index
        %get3A_581 = arith.constant 64 : index
        %get3A_582 = tpu.vector_load %arg10[%get3A_580, %get3A_581] {strides = array<i32>} : memref<160x128xi32, #tpu.memory_space<vmem>>, vector<16xi32>,
        tpu.vector_store_idx %arg19[%get3A_582], %broadcast_in_dim3A_0 {add = true} : memref<10112xf32, #tpu.memory_space<vmem>>[vector<16xi32>], vector<16xf32>,
        %get3A_583 = arith.index_cast %add3A_370 : i32 to index
        %get3A_584 = arith.constant 80 : index
        %get3A_585 = tpu.vector_load %arg10[%get3A_583, %get3A_584] {strides = array<i32>} : memref<160x128xi32, #tpu.memory_space<vmem>>, vector<16xi32>,
        tpu.vector_store_idx %arg19[%get3A_585], %broadcast_in_dim3A_0 {add = true} : memref<10112xf32, #tpu.memory_space<vmem>>[vector<16xi32>], vector<16xf32>,
        %get3A_586 = arith.index_cast %add3A_370 : i32 to index
        %get3A_587 = arith.constant 96 : index
        %get3A_588 = tpu.vector_load %arg10[%get3A_586, %get3A_587] {strides = array<i32>} : memref<160x128xi32, #tpu.memory_space<vmem>>, vector<16xi32>,
        tpu.vector_store_idx %arg19[%get3A_588], %broadcast_in_dim3A_0 {add = true} : memref<10112xf32, #tpu.memory_space<vmem>>[vector<16xi32>], vector<16xf32>,
        %get3A_589 = arith.index_cast %add3A_370 : i32 to index
        %get3A_590 = arith.constant 112 : index
        %get3A_591 = tpu.vector_load %arg10[%get3A_589, %get3A_590] {strides = array<i32>} : memref<160x128xi32, #tpu.memory_space<vmem>>, vector<16xi32>,
        tpu.vector_store_idx %arg19[%get3A_591], %broadcast_in_dim3A_0 {add = true} : memref<10112xf32, #tpu.memory_space<vmem>>[vector<16xi32>], vector<16xf32>,
      } else {
      }
      %gt3A_388 = arith.constant 0 : i32
      %gt3A_389 = arith.cmpi sgt, %scan3A_303, %gt3A_388 : i32
      %convert_element_type3A_390 = arith.extui %gt3A_389 : i1 to i32
      %cond3A_391 = arith.constant 0 : i32
      %cond3A_392 = arith.cmpi ne, %convert_element_type3A_390, %cond3A_391 : i32
      scf.if %cond3A_392 {
        %sub3A_569 = arith.constant 4 : i32
        %sub3A_570 = arith.subi %add3A_370, %sub3A_569 : i32
        %dma_wait3A_571 = arith.constant 0 : i32
        %dma_wait3A_572 = tpu.memref_slice %arg10[%sub3A_570, %dma_wait3A_571] : memref<160x128xi32, #tpu.memory_space<vmem>> -> memref<1x128xi32, #tpu.memory_space<vmem>>
        %dma_wait3A_573 = tpu.memref_squeeze %dma_wait3A_572 : memref<1x128xi32, #tpu.memory_space<vmem>> -> memref<128xi32, #tpu.memory_space<vmem>>
        %dma_wait3A_574 = arith.constant 0 : i32
        %dma_wait3A_575 = arith.constant 0 : i32
        %dma_wait3A_576 = tpu.memref_slice %arg20[%dma_wait3A_574, %dma_wait3A_575] : memref<10112x64xbf16, #tpu.memory_space<vmem_shared>> -> memref<10112x64xbf16, #tpu.memory_space<vmem_shared>>
        tpu.wait_indirect_dma semaphore(%arg35 : memref<!tpu.dma_semaphore, #tpu.memory_space<semaphore_mem>>) src(%arg17 : memref<128x64xbf16, #tpu.memory_space<vmem>>) dst(%dma_wait3A_576 : memref<10112x64xbf16, #tpu.memory_space<vmem_shared>>)
      } else {
      }
      %add3A_393 = arith.constant 4 : i32
      %add3A_394 = arith.addi %add3A_370, %add3A_393 : i32
      %dma_start3A_395 = arith.constant 0 : i32
      %dma_start3A_396 = tpu.memref_slice %arg9[%add3A_394, %dma_start3A_395] : memref<160x128xi32, #tpu.memory_space<vmem>> -> memref<1x128xi32, #tpu.memory_space<vmem>>
      %dma_start3A_397 = tpu.memref_squeeze %dma_start3A_396 : memref<1x128xi32, #tpu.memory_space<vmem>> -> memref<128xi32, #tpu.memory_space<vmem>>
      %dma_start3A_398 = arith.constant 0 : i32
      %dma_start3A_399 = arith.constant 0 : i32
      %dma_start3A_400 = tpu.memref_slice %arg2[%dma_start3A_398, %dma_start3A_399] : memref<80000x64xbf16, #tpu.memory_space<hbm>> -> memref<80000x64xbf16, #tpu.memory_space<hbm>>
      tpu.enqueue_indirect_dma source(%dma_start3A_400 : memref<80000x64xbf16, #tpu.memory_space<hbm>>) target(%arg17 : memref<128x64xbf16, #tpu.memory_space<vmem>>) offsets(%dma_start3A_397 : memref<128xi32, #tpu.memory_space<vmem>>) semaphore(%arg27 : memref<!tpu.dma_semaphore, #tpu.memory_space<semaphore_mem>>)
      %mul3A_401 = arith.constant 8 : i32
      %mul3A_402 = arith.muli %mul3A_401, %scan3A_303 : i32
      %add3A_403 = arith.constant 3 : i32
      %add3A_404 = arith.addi %mul3A_402, %add3A_403 : i32
      %dma_wait3A_405 = arith.constant 0 : i32
      %dma_wait3A_406 = tpu.memref_slice %arg9[%add3A_404, %dma_wait3A_405] : memref<160x128xi32, #tpu.memory_space<vmem>> -> memref<1x128xi32, #tpu.memory_space<vmem>>
      %dma_wait3A_407 = tpu.memref_squeeze %dma_wait3A_406 : memref<1x128xi32, #tpu.memory_space<vmem>> -> memref<128xi32, #tpu.memory_space<vmem>>
      %dma_wait3A_408 = arith.constant 0 : i32
      %dma_wait3A_409 = arith.constant 0 : i32
      %dma_wait3A_410 = tpu.memref_slice %arg2[%dma_wait3A_408, %dma_wait3A_409] : memref<80000x64xbf16, #tpu.memory_space<hbm>> -> memref<80000x64xbf16, #tpu.memory_space<hbm>>
      tpu.wait_indirect_dma semaphore(%arg24 : memref<!tpu.dma_semaphore, #tpu.memory_space<semaphore_mem>>) src(%dma_wait3A_410 : memref<80000x64xbf16, #tpu.memory_space<hbm>>) dst(%arg14 : memref<128x64xbf16, #tpu.memory_space<vmem>>)
      %dma_start3A_411 = arith.constant 0 : i32
      %dma_start3A_412 = tpu.memref_slice %arg10[%add3A_404, %dma_start3A_411] : memref<160x128xi32, #tpu.memory_space<vmem>> -> memref<1x128xi32, #tpu.memory_space<vmem>>
      %dma_start3A_413 = tpu.memref_squeeze %dma_start3A_412 : memref<1x128xi32, #tpu.memory_space<vmem>> -> memref<128xi32, #tpu.memory_space<vmem>>
      %dma_start3A_414 = arith.constant 0 : i32
      %dma_start3A_415 = arith.constant 0 : i32
      %dma_start3A_416 = tpu.memref_slice %arg20[%dma_start3A_414, %dma_start3A_415] : memref<10112x64xbf16, #tpu.memory_space<vmem_shared>> -> memref<10112x64xbf16, #tpu.memory_space<vmem_shared>>
      tpu.enqueue_indirect_dma source(%arg14 : memref<128x64xbf16, #tpu.memory_space<vmem>>) target(%dma_start3A_416 : memref<10112x64xbf16, #tpu.memory_space<vmem_shared>>) offsets(%dma_start3A_413 : memref<128xi32, #tpu.memory_space<vmem>>) semaphore(%arg32 : memref<!tpu.dma_semaphore, #tpu.memory_space<semaphore_mem>>) {add = true}
      %eq3A_417 = arith.constant 0 : i32
      %eq3A_418 = arith.cmpi eq, %arg0, %eq3A_417 : i32
      %convert_element_type3A_419 = arith.extui %eq3A_418 : i1 to i32
      %cond3A_420 = arith.constant 0 : i32
      %cond3A_421 = arith.cmpi ne, %convert_element_type3A_419, %cond3A_420 : i32
      scf.if %cond3A_421 {
        %get3A = arith.index_cast %add3A_404 : i32 to index
        %get3A_569 = arith.constant 0 : index
        %get3A_570 = tpu.vector_load %arg10[%get3A, %get3A_569] {strides = array<i32>} : memref<160x128xi32, #tpu.memory_space<vmem>>, vector<16xi32>,
        tpu.vector_store_idx %arg19[%get3A_570], %broadcast_in_dim3A_0 {add = true} : memref<10112xf32, #tpu.memory_space<vmem>>[vector<16xi32>], vector<16xf32>,
        %get3A_571 = arith.index_cast %add3A_404 : i32 to index
        %get3A_572 = arith.constant 16 : index
        %get3A_573 = tpu.vector_load %arg10[%get3A_571, %get3A_572] {strides = array<i32>} : memref<160x128xi32, #tpu.memory_space<vmem>>, vector<16xi32>,
        tpu.vector_store_idx %arg19[%get3A_573], %broadcast_in_dim3A_0 {add = true} : memref<10112xf32, #tpu.memory_space<vmem>>[vector<16xi32>], vector<16xf32>,
        %get3A_574 = arith.index_cast %add3A_404 : i32 to index
        %get3A_575 = arith.constant 32 : index
        %get3A_576 = tpu.vector_load %arg10[%get3A_574, %get3A_575] {strides = array<i32>} : memref<160x128xi32, #tpu.memory_space<vmem>>, vector<16xi32>,
        tpu.vector_store_idx %arg19[%get3A_576], %broadcast_in_dim3A_0 {add = true} : memref<10112xf32, #tpu.memory_space<vmem>>[vector<16xi32>], vector<16xf32>,
        %get3A_577 = arith.index_cast %add3A_404 : i32 to index
        %get3A_578 = arith.constant 48 : index
        %get3A_579 = tpu.vector_load %arg10[%get3A_577, %get3A_578] {strides = array<i32>} : memref<160x128xi32, #tpu.memory_space<vmem>>, vector<16xi32>,
        tpu.vector_store_idx %arg19[%get3A_579], %broadcast_in_dim3A_0 {add = true} : memref<10112xf32, #tpu.memory_space<vmem>>[vector<16xi32>], vector<16xf32>,
        %get3A_580 = arith.index_cast %add3A_404 : i32 to index
        %get3A_581 = arith.constant 64 : index
        %get3A_582 = tpu.vector_load %arg10[%get3A_580, %get3A_581] {strides = array<i32>} : memref<160x128xi32, #tpu.memory_space<vmem>>, vector<16xi32>,
        tpu.vector_store_idx %arg19[%get3A_582], %broadcast_in_dim3A_0 {add = true} : memref<10112xf32, #tpu.memory_space<vmem>>[vector<16xi32>], vector<16xf32>,
        %get3A_583 = arith.index_cast %add3A_404 : i32 to index
        %get3A_584 = arith.constant 80 : index
        %get3A_585 = tpu.vector_load %arg10[%get3A_583, %get3A_584] {strides = array<i32>} : memref<160x128xi32, #tpu.memory_space<vmem>>, vector<16xi32>,
        tpu.vector_store_idx %arg19[%get3A_585], %broadcast_in_dim3A_0 {add = true} : memref<10112xf32, #tpu.memory_space<vmem>>[vector<16xi32>], vector<16xf32>,
        %get3A_586 = arith.index_cast %add3A_404 : i32 to index
        %get3A_587 = arith.constant 96 : index
        %get3A_588 = tpu.vector_load %arg10[%get3A_586, %get3A_587] {strides = array<i32>} : memref<160x128xi32, #tpu.memory_space<vmem>>, vector<16xi32>,
        tpu.vector_store_idx %arg19[%get3A_588], %broadcast_in_dim3A_0 {add = true} : memref<10112xf32, #tpu.memory_space<vmem>>[vector<16xi32>], vector<16xf32>,
        %get3A_589 = arith.index_cast %add3A_404 : i32 to index
        %get3A_590 = arith.constant 112 : index
        %get3A_591 = tpu.vector_load %arg10[%get3A_589, %get3A_590] {strides = array<i32>} : memref<160x128xi32, #tpu.memory_space<vmem>>, vector<16xi32>,
        tpu.vector_store_idx %arg19[%get3A_591], %broadcast_in_dim3A_0 {add = true} : memref<10112xf32, #tpu.memory_space<vmem>>[vector<16xi32>], vector<16xf32>,
      } else {
      }
      %gt3A_422 = arith.constant 0 : i32
      %gt3A_423 = arith.cmpi sgt, %scan3A_303, %gt3A_422 : i32
      %convert_element_type3A_424 = arith.extui %gt3A_423 : i1 to i32
      %cond3A_425 = arith.constant 0 : i32
      %cond3A_426 = arith.cmpi ne, %convert_element_type3A_424, %cond3A_425 : i32
      scf.if %cond3A_426 {
        %sub3A_569 = arith.constant 4 : i32
        %sub3A_570 = arith.subi %add3A_404, %sub3A_569 : i32
        %dma_wait3A_571 = arith.constant 0 : i32
        %dma_wait3A_572 = tpu.memref_slice %arg10[%sub3A_570, %dma_wait3A_571] : memref<160x128xi32, #tpu.memory_space<vmem>> -> memref<1x128xi32, #tpu.memory_space<vmem>>
        %dma_wait3A_573 = tpu.memref_squeeze %dma_wait3A_572 : memref<1x128xi32, #tpu.memory_space<vmem>> -> memref<128xi32, #tpu.memory_space<vmem>>
        %dma_wait3A_574 = arith.constant 0 : i32
        %dma_wait3A_575 = arith.constant 0 : i32
        %dma_wait3A_576 = tpu.memref_slice %arg20[%dma_wait3A_574, %dma_wait3A_575] : memref<10112x64xbf16, #tpu.memory_space<vmem_shared>> -> memref<10112x64xbf16, #tpu.memory_space<vmem_shared>>
        tpu.wait_indirect_dma semaphore(%arg36 : memref<!tpu.dma_semaphore, #tpu.memory_space<semaphore_mem>>) src(%arg18 : memref<128x64xbf16, #tpu.memory_space<vmem>>) dst(%dma_wait3A_576 : memref<10112x64xbf16, #tpu.memory_space<vmem_shared>>)
      } else {
      }
      %add3A_427 = arith.constant 4 : i32
      %add3A_428 = arith.addi %add3A_404, %add3A_427 : i32
      %dma_start3A_429 = arith.constant 0 : i32
      %dma_start3A_430 = tpu.memref_slice %arg9[%add3A_428, %dma_start3A_429] : memref<160x128xi32, #tpu.memory_space<vmem>> -> memref<1x128xi32, #tpu.memory_space<vmem>>
      %dma_start3A_431 = tpu.memref_squeeze %dma_start3A_430 : memref<1x128xi32, #tpu.memory_space<vmem>> -> memref<128xi32, #tpu.memory_space<vmem>>
      %dma_start3A_432 = arith.constant 0 : i32
      %dma_start3A_433 = arith.constant 0 : i32
      %dma_start3A_434 = tpu.memref_slice %arg2[%dma_start3A_432, %dma_start3A_433] : memref<80000x64xbf16, #tpu.memory_space<hbm>> -> memref<80000x64xbf16, #tpu.memory_space<hbm>>
      tpu.enqueue_indirect_dma source(%dma_start3A_434 : memref<80000x64xbf16, #tpu.memory_space<hbm>>) target(%arg18 : memref<128x64xbf16, #tpu.memory_space<vmem>>) offsets(%dma_start3A_431 : memref<128xi32, #tpu.memory_space<vmem>>) semaphore(%arg28 : memref<!tpu.dma_semaphore, #tpu.memory_space<semaphore_mem>>)
      %mul3A_435 = arith.constant 8 : i32
      %mul3A_436 = arith.muli %mul3A_435, %scan3A_303 : i32
      %add3A_437 = arith.constant 4 : i32
      %add3A_438 = arith.addi %mul3A_436, %add3A_437 : i32
      %dma_wait3A_439 = arith.constant 0 : i32
      %dma_wait3A_440 = tpu.memref_slice %arg9[%add3A_438, %dma_wait3A_439] : memref<160x128xi32, #tpu.memory_space<vmem>> -> memref<1x128xi32, #tpu.memory_space<vmem>>
      %dma_wait3A_441 = tpu.memref_squeeze %dma_wait3A_440 : memref<1x128xi32, #tpu.memory_space<vmem>> -> memref<128xi32, #tpu.memory_space<vmem>>
      %dma_wait3A_442 = arith.constant 0 : i32
      %dma_wait3A_443 = arith.constant 0 : i32
      %dma_wait3A_444 = tpu.memref_slice %arg2[%dma_wait3A_442, %dma_wait3A_443] : memref<80000x64xbf16, #tpu.memory_space<hbm>> -> memref<80000x64xbf16, #tpu.memory_space<hbm>>
      tpu.wait_indirect_dma semaphore(%arg25 : memref<!tpu.dma_semaphore, #tpu.memory_space<semaphore_mem>>) src(%dma_wait3A_444 : memref<80000x64xbf16, #tpu.memory_space<hbm>>) dst(%arg15 : memref<128x64xbf16, #tpu.memory_space<vmem>>)
      %dma_start3A_445 = arith.constant 0 : i32
      %dma_start3A_446 = tpu.memref_slice %arg10[%add3A_438, %dma_start3A_445] : memref<160x128xi32, #tpu.memory_space<vmem>> -> memref<1x128xi32, #tpu.memory_space<vmem>>
      %dma_start3A_447 = tpu.memref_squeeze %dma_start3A_446 : memref<1x128xi32, #tpu.memory_space<vmem>> -> memref<128xi32, #tpu.memory_space<vmem>>
      %dma_start3A_448 = arith.constant 0 : i32
      %dma_start3A_449 = arith.constant 0 : i32
      %dma_start3A_450 = tpu.memref_slice %arg20[%dma_start3A_448, %dma_start3A_449] : memref<10112x64xbf16, #tpu.memory_space<vmem_shared>> -> memref<10112x64xbf16, #tpu.memory_space<vmem_shared>>
      tpu.enqueue_indirect_dma source(%arg15 : memref<128x64xbf16, #tpu.memory_space<vmem>>) target(%dma_start3A_450 : memref<10112x64xbf16, #tpu.memory_space<vmem_shared>>) offsets(%dma_start3A_447 : memref<128xi32, #tpu.memory_space<vmem>>) semaphore(%arg33 : memref<!tpu.dma_semaphore, #tpu.memory_space<semaphore_mem>>) {add = true}
      %eq3A_451 = arith.constant 0 : i32
      %eq3A_452 = arith.cmpi eq, %arg0, %eq3A_451 : i32
      %convert_element_type3A_453 = arith.extui %eq3A_452 : i1 to i32
      %cond3A_454 = arith.constant 0 : i32
      %cond3A_455 = arith.cmpi ne, %convert_element_type3A_453, %cond3A_454 : i32
      scf.if %cond3A_455 {
        %get3A = arith.index_cast %add3A_438 : i32 to index
        %get3A_569 = arith.constant 0 : index
        %get3A_570 = tpu.vector_load %arg10[%get3A, %get3A_569] {strides = array<i32>} : memref<160x128xi32, #tpu.memory_space<vmem>>, vector<16xi32>,
        tpu.vector_store_idx %arg19[%get3A_570], %broadcast_in_dim3A_0 {add = true} : memref<10112xf32, #tpu.memory_space<vmem>>[vector<16xi32>], vector<16xf32>,
        %get3A_571 = arith.index_cast %add3A_438 : i32 to index
        %get3A_572 = arith.constant 16 : index
        %get3A_573 = tpu.vector_load %arg10[%get3A_571, %get3A_572] {strides = array<i32>} : memref<160x128xi32, #tpu.memory_space<vmem>>, vector<16xi32>,
        tpu.vector_store_idx %arg19[%get3A_573], %broadcast_in_dim3A_0 {add = true} : memref<10112xf32, #tpu.memory_space<vmem>>[vector<16xi32>], vector<16xf32>,
        %get3A_574 = arith.index_cast %add3A_438 : i32 to index
        %get3A_575 = arith.constant 32 : index
        %get3A_576 = tpu.vector_load %arg10[%get3A_574, %get3A_575] {strides = array<i32>} : memref<160x128xi32, #tpu.memory_space<vmem>>, vector<16xi32>,
        tpu.vector_store_idx %arg19[%get3A_576], %broadcast_in_dim3A_0 {add = true} : memref<10112xf32, #tpu.memory_space<vmem>>[vector<16xi32>], vector<16xf32>,
        %get3A_577 = arith.index_cast %add3A_438 : i32 to index
        %get3A_578 = arith.constant 48 : index
        %get3A_579 = tpu.vector_load %arg10[%get3A_577, %get3A_578] {strides = array<i32>} : memref<160x128xi32, #tpu.memory_space<vmem>>, vector<16xi32>,
        tpu.vector_store_idx %arg19[%get3A_579], %broadcast_in_dim3A_0 {add = true} : memref<10112xf32, #tpu.memory_space<vmem>>[vector<16xi32>], vector<16xf32>,
        %get3A_580 = arith.index_cast %add3A_438 : i32 to index
        %get3A_581 = arith.constant 64 : index
        %get3A_582 = tpu.vector_load %arg10[%get3A_580, %get3A_581] {strides = array<i32>} : memref<160x128xi32, #tpu.memory_space<vmem>>, vector<16xi32>,
        tpu.vector_store_idx %arg19[%get3A_582], %broadcast_in_dim3A_0 {add = true} : memref<10112xf32, #tpu.memory_space<vmem>>[vector<16xi32>], vector<16xf32>,
        %get3A_583 = arith.index_cast %add3A_438 : i32 to index
        %get3A_584 = arith.constant 80 : index
        %get3A_585 = tpu.vector_load %arg10[%get3A_583, %get3A_584] {strides = array<i32>} : memref<160x128xi32, #tpu.memory_space<vmem>>, vector<16xi32>,
        tpu.vector_store_idx %arg19[%get3A_585], %broadcast_in_dim3A_0 {add = true} : memref<10112xf32, #tpu.memory_space<vmem>>[vector<16xi32>], vector<16xf32>,
        %get3A_586 = arith.index_cast %add3A_438 : i32 to index
        %get3A_587 = arith.constant 96 : index
        %get3A_588 = tpu.vector_load %arg10[%get3A_586, %get3A_587] {strides = array<i32>} : memref<160x128xi32, #tpu.memory_space<vmem>>, vector<16xi32>,
        tpu.vector_store_idx %arg19[%get3A_588], %broadcast_in_dim3A_0 {add = true} : memref<10112xf32, #tpu.memory_space<vmem>>[vector<16xi32>], vector<16xf32>,
        %get3A_589 = arith.index_cast %add3A_438 : i32 to index
        %get3A_590 = arith.constant 112 : index
        %get3A_591 = tpu.vector_load %arg10[%get3A_589, %get3A_590] {strides = array<i32>} : memref<160x128xi32, #tpu.memory_space<vmem>>, vector<16xi32>,
        tpu.vector_store_idx %arg19[%get3A_591], %broadcast_in_dim3A_0 {add = true} : memref<10112xf32, #tpu.memory_space<vmem>>[vector<16xi32>], vector<16xf32>,
      } else {
      }
      %sub3A = arith.constant 4 : i32
      %sub3A_456 = arith.subi %add3A_438, %sub3A : i32
      %dma_wait3A_457 = arith.constant 0 : i32
      %dma_wait3A_458 = tpu.memref_slice %arg10[%sub3A_456, %dma_wait3A_457] : memref<160x128xi32, #tpu.memory_space<vmem>> -> memref<1x128xi32, #tpu.memory_space<vmem>>
      %dma_wait3A_459 = tpu.memref_squeeze %dma_wait3A_458 : memref<1x128xi32, #tpu.memory_space<vmem>> -> memref<128xi32, #tpu.memory_space<vmem>>
      %dma_wait3A_460 = arith.constant 0 : i32
      %dma_wait3A_461 = arith.constant 0 : i32
      %dma_wait3A_462 = tpu.memref_slice %arg20[%dma_wait3A_460, %dma_wait3A_461] : memref<10112x64xbf16, #tpu.memory_space<vmem_shared>> -> memref<10112x64xbf16, #tpu.memory_space<vmem_shared>>
      tpu.wait_indirect_dma semaphore(%arg29 : memref<!tpu.dma_semaphore, #tpu.memory_space<semaphore_mem>>) src(%arg11 : memref<128x64xbf16, #tpu.memory_space<vmem>>) dst(%dma_wait3A_462 : memref<10112x64xbf16, #tpu.memory_space<vmem_shared>>)
      %lt3A = arith.constant 19 : i32
      %lt3A_463 = arith.cmpi slt, %scan3A_303, %lt3A : i32
      %convert_element_type3A_464 = arith.extui %lt3A_463 : i1 to i32
      %cond3A_465 = arith.constant 0 : i32
      %cond3A_466 = arith.cmpi ne, %convert_element_type3A_464, %cond3A_465 : i32
      scf.if %cond3A_466 {
        %add3A_569 = arith.constant 4 : i32
        %add3A_570 = arith.addi %add3A_438, %add3A_569 : i32
        %dma_start3A_571 = arith.constant 0 : i32
        %dma_start3A_572 = tpu.memref_slice %arg9[%add3A_570, %dma_start3A_571] : memref<160x128xi32, #tpu.memory_space<vmem>> -> memref<1x128xi32, #tpu.memory_space<vmem>>
        %dma_start3A_573 = tpu.memref_squeeze %dma_start3A_572 : memref<1x128xi32, #tpu.memory_space<vmem>> -> memref<128xi32, #tpu.memory_space<vmem>>
        %dma_start3A_574 = arith.constant 0 : i32
        %dma_start3A_575 = arith.constant 0 : i32
        %dma_start3A_576 = tpu.memref_slice %arg2[%dma_start3A_574, %dma_start3A_575] : memref<80000x64xbf16, #tpu.memory_space<hbm>> -> memref<80000x64xbf16, #tpu.memory_space<hbm>>
        tpu.enqueue_indirect_dma source(%dma_start3A_576 : memref<80000x64xbf16, #tpu.memory_space<hbm>>) target(%arg11 : memref<128x64xbf16, #tpu.memory_space<vmem>>) offsets(%dma_start3A_573 : memref<128xi32, #tpu.memory_space<vmem>>) semaphore(%arg21 : memref<!tpu.dma_semaphore, #tpu.memory_space<semaphore_mem>>)
      } else {
      }
      %mul3A_467 = arith.constant 8 : i32
      %mul3A_468 = arith.muli %mul3A_467, %scan3A_303 : i32
      %add3A_469 = arith.constant 5 : i32
      %add3A_470 = arith.addi %mul3A_468, %add3A_469 : i32
      %dma_wait3A_471 = arith.constant 0 : i32
      %dma_wait3A_472 = tpu.memref_slice %arg9[%add3A_470, %dma_wait3A_471] : memref<160x128xi32, #tpu.memory_space<vmem>> -> memref<1x128xi32, #tpu.memory_space<vmem>>
      %dma_wait3A_473 = tpu.memref_squeeze %dma_wait3A_472 : memref<1x128xi32, #tpu.memory_space<vmem>> -> memref<128xi32, #tpu.memory_space<vmem>>
      %dma_wait3A_474 = arith.constant 0 : i32
      %dma_wait3A_475 = arith.constant 0 : i32
      %dma_wait3A_476 = tpu.memref_slice %arg2[%dma_wait3A_474, %dma_wait3A_475] : memref<80000x64xbf16, #tpu.memory_space<hbm>> -> memref<80000x64xbf16, #tpu.memory_space<hbm>>
      tpu.wait_indirect_dma semaphore(%arg26 : memref<!tpu.dma_semaphore, #tpu.memory_space<semaphore_mem>>) src(%dma_wait3A_476 : memref<80000x64xbf16, #tpu.memory_space<hbm>>) dst(%arg16 : memref<128x64xbf16, #tpu.memory_space<vmem>>)
      %dma_start3A_477 = arith.constant 0 : i32
      %dma_start3A_478 = tpu.memref_slice %arg10[%add3A_470, %dma_start3A_477] : memref<160x128xi32, #tpu.memory_space<vmem>> -> memref<1x128xi32, #tpu.memory_space<vmem>>
      %dma_start3A_479 = tpu.memref_squeeze %dma_start3A_478 : memref<1x128xi32, #tpu.memory_space<vmem>> -> memref<128xi32, #tpu.memory_space<vmem>>
      %dma_start3A_480 = arith.constant 0 : i32
      %dma_start3A_481 = arith.constant 0 : i32
      %dma_start3A_482 = tpu.memref_slice %arg20[%dma_start3A_480, %dma_start3A_481] : memref<10112x64xbf16, #tpu.memory_space<vmem_shared>> -> memref<10112x64xbf16, #tpu.memory_space<vmem_shared>>
      tpu.enqueue_indirect_dma source(%arg16 : memref<128x64xbf16, #tpu.memory_space<vmem>>) target(%dma_start3A_482 : memref<10112x64xbf16, #tpu.memory_space<vmem_shared>>) offsets(%dma_start3A_479 : memref<128xi32, #tpu.memory_space<vmem>>) semaphore(%arg34 : memref<!tpu.dma_semaphore, #tpu.memory_space<semaphore_mem>>) {add = true}
      %eq3A_483 = arith.constant 0 : i32
      %eq3A_484 = arith.cmpi eq, %arg0, %eq3A_483 : i32
      %convert_element_type3A_485 = arith.extui %eq3A_484 : i1 to i32
      %cond3A_486 = arith.constant 0 : i32
      %cond3A_487 = arith.cmpi ne, %convert_element_type3A_485, %cond3A_486 : i32
      scf.if %cond3A_487 {
        %get3A = arith.index_cast %add3A_470 : i32 to index
        %get3A_569 = arith.constant 0 : index
        %get3A_570 = tpu.vector_load %arg10[%get3A, %get3A_569] {strides = array<i32>} : memref<160x128xi32, #tpu.memory_space<vmem>>, vector<16xi32>,
        tpu.vector_store_idx %arg19[%get3A_570], %broadcast_in_dim3A_0 {add = true} : memref<10112xf32, #tpu.memory_space<vmem>>[vector<16xi32>], vector<16xf32>,
        %get3A_571 = arith.index_cast %add3A_470 : i32 to index
        %get3A_572 = arith.constant 16 : index
        %get3A_573 = tpu.vector_load %arg10[%get3A_571, %get3A_572] {strides = array<i32>} : memref<160x128xi32, #tpu.memory_space<vmem>>, vector<16xi32>,
        tpu.vector_store_idx %arg19[%get3A_573], %broadcast_in_dim3A_0 {add = true} : memref<10112xf32, #tpu.memory_space<vmem>>[vector<16xi32>], vector<16xf32>,
        %get3A_574 = arith.index_cast %add3A_470 : i32 to index
        %get3A_575 = arith.constant 32 : index
        %get3A_576 = tpu.vector_load %arg10[%get3A_574, %get3A_575] {strides = array<i32>} : memref<160x128xi32, #tpu.memory_space<vmem>>, vector<16xi32>,
        tpu.vector_store_idx %arg19[%get3A_576], %broadcast_in_dim3A_0 {add = true} : memref<10112xf32, #tpu.memory_space<vmem>>[vector<16xi32>], vector<16xf32>,
        %get3A_577 = arith.index_cast %add3A_470 : i32 to index
        %get3A_578 = arith.constant 48 : index
        %get3A_579 = tpu.vector_load %arg10[%get3A_577, %get3A_578] {strides = array<i32>} : memref<160x128xi32, #tpu.memory_space<vmem>>, vector<16xi32>,
        tpu.vector_store_idx %arg19[%get3A_579], %broadcast_in_dim3A_0 {add = true} : memref<10112xf32, #tpu.memory_space<vmem>>[vector<16xi32>], vector<16xf32>,
        %get3A_580 = arith.index_cast %add3A_470 : i32 to index
        %get3A_581 = arith.constant 64 : index
        %get3A_582 = tpu.vector_load %arg10[%get3A_580, %get3A_581] {strides = array<i32>} : memref<160x128xi32, #tpu.memory_space<vmem>>, vector<16xi32>,
        tpu.vector_store_idx %arg19[%get3A_582], %broadcast_in_dim3A_0 {add = true} : memref<10112xf32, #tpu.memory_space<vmem>>[vector<16xi32>], vector<16xf32>,
        %get3A_583 = arith.index_cast %add3A_470 : i32 to index
        %get3A_584 = arith.constant 80 : index
        %get3A_585 = tpu.vector_load %arg10[%get3A_583, %get3A_584] {strides = array<i32>} : memref<160x128xi32, #tpu.memory_space<vmem>>, vector<16xi32>,
        tpu.vector_store_idx %arg19[%get3A_585], %broadcast_in_dim3A_0 {add = true} : memref<10112xf32, #tpu.memory_space<vmem>>[vector<16xi32>], vector<16xf32>,
        %get3A_586 = arith.index_cast %add3A_470 : i32 to index
        %get3A_587 = arith.constant 96 : index
        %get3A_588 = tpu.vector_load %arg10[%get3A_586, %get3A_587] {strides = array<i32>} : memref<160x128xi32, #tpu.memory_space<vmem>>, vector<16xi32>,
        tpu.vector_store_idx %arg19[%get3A_588], %broadcast_in_dim3A_0 {add = true} : memref<10112xf32, #tpu.memory_space<vmem>>[vector<16xi32>], vector<16xf32>,
        %get3A_589 = arith.index_cast %add3A_470 : i32 to index
        %get3A_590 = arith.constant 112 : index
        %get3A_591 = tpu.vector_load %arg10[%get3A_589, %get3A_590] {strides = array<i32>} : memref<160x128xi32, #tpu.memory_space<vmem>>, vector<16xi32>,
        tpu.vector_store_idx %arg19[%get3A_591], %broadcast_in_dim3A_0 {add = true} : memref<10112xf32, #tpu.memory_space<vmem>>[vector<16xi32>], vector<16xf32>,
      } else {
      }
      %sub3A_488 = arith.constant 4 : i32
      %sub3A_489 = arith.subi %add3A_470, %sub3A_488 : i32
      %dma_wait3A_490 = arith.constant 0 : i32
      %dma_wait3A_491 = tpu.memref_slice %arg10[%sub3A_489, %dma_wait3A_490] : memref<160x128xi32, #tpu.memory_space<vmem>> -> memref<1x128xi32, #tpu.memory_space<vmem>>
      %dma_wait3A_492 = tpu.memref_squeeze %dma_wait3A_491 : memref<1x128xi32, #tpu.memory_space<vmem>> -> memref<128xi32, #tpu.memory_space<vmem>>
      %dma_wait3A_493 = arith.constant 0 : i32
      %dma_wait3A_494 = arith.constant 0 : i32
      %dma_wait3A_495 = tpu.memref_slice %arg20[%dma_wait3A_493, %dma_wait3A_494] : memref<10112x64xbf16, #tpu.memory_space<vmem_shared>> -> memref<10112x64xbf16, #tpu.memory_space<vmem_shared>>
      tpu.wait_indirect_dma semaphore(%arg30 : memref<!tpu.dma_semaphore, #tpu.memory_space<semaphore_mem>>) src(%arg12 : memref<128x64xbf16, #tpu.memory_space<vmem>>) dst(%dma_wait3A_495 : memref<10112x64xbf16, #tpu.memory_space<vmem_shared>>)
      %lt3A_496 = arith.constant 19 : i32
      %lt3A_497 = arith.cmpi slt, %scan3A_303, %lt3A_496 : i32
      %convert_element_type3A_498 = arith.extui %lt3A_497 : i1 to i32
      %cond3A_499 = arith.constant 0 : i32
      %cond3A_500 = arith.cmpi ne, %convert_element_type3A_498, %cond3A_499 : i32
      scf.if %cond3A_500 {
        %add3A_569 = arith.constant 4 : i32
        %add3A_570 = arith.addi %add3A_470, %add3A_569 : i32
        %dma_start3A_571 = arith.constant 0 : i32
        %dma_start3A_572 = tpu.memref_slice %arg9[%add3A_570, %dma_start3A_571] : memref<160x128xi32, #tpu.memory_space<vmem>> -> memref<1x128xi32, #tpu.memory_space<vmem>>
        %dma_start3A_573 = tpu.memref_squeeze %dma_start3A_572 : memref<1x128xi32, #tpu.memory_space<vmem>> -> memref<128xi32, #tpu.memory_space<vmem>>
        %dma_start3A_574 = arith.constant 0 : i32
        %dma_start3A_575 = arith.constant 0 : i32
        %dma_start3A_576 = tpu.memref_slice %arg2[%dma_start3A_574, %dma_start3A_575] : memref<80000x64xbf16, #tpu.memory_space<hbm>> -> memref<80000x64xbf16, #tpu.memory_space<hbm>>
        tpu.enqueue_indirect_dma source(%dma_start3A_576 : memref<80000x64xbf16, #tpu.memory_space<hbm>>) target(%arg12 : memref<128x64xbf16, #tpu.memory_space<vmem>>) offsets(%dma_start3A_573 : memref<128xi32, #tpu.memory_space<vmem>>) semaphore(%arg22 : memref<!tpu.dma_semaphore, #tpu.memory_space<semaphore_mem>>)
      } else {
      }
      %mul3A_501 = arith.constant 8 : i32
      %mul3A_502 = arith.muli %mul3A_501, %scan3A_303 : i32
      %add3A_503 = arith.constant 6 : i32
      %add3A_504 = arith.addi %mul3A_502, %add3A_503 : i32
      %dma_wait3A_505 = arith.constant 0 : i32
      %dma_wait3A_506 = tpu.memref_slice %arg9[%add3A_504, %dma_wait3A_505] : memref<160x128xi32, #tpu.memory_space<vmem>> -> memref<1x128xi32, #tpu.memory_space<vmem>>
      %dma_wait3A_507 = tpu.memref_squeeze %dma_wait3A_506 : memref<1x128xi32, #tpu.memory_space<vmem>> -> memref<128xi32, #tpu.memory_space<vmem>>
      %dma_wait3A_508 = arith.constant 0 : i32
      %dma_wait3A_509 = arith.constant 0 : i32
      %dma_wait3A_510 = tpu.memref_slice %arg2[%dma_wait3A_508, %dma_wait3A_509] : memref<80000x64xbf16, #tpu.memory_space<hbm>> -> memref<80000x64xbf16, #tpu.memory_space<hbm>>
      tpu.wait_indirect_dma semaphore(%arg27 : memref<!tpu.dma_semaphore, #tpu.memory_space<semaphore_mem>>) src(%dma_wait3A_510 : memref<80000x64xbf16, #tpu.memory_space<hbm>>) dst(%arg17 : memref<128x64xbf16, #tpu.memory_space<vmem>>)
      %dma_start3A_511 = arith.constant 0 : i32
      %dma_start3A_512 = tpu.memref_slice %arg10[%add3A_504, %dma_start3A_511] : memref<160x128xi32, #tpu.memory_space<vmem>> -> memref<1x128xi32, #tpu.memory_space<vmem>>
      %dma_start3A_513 = tpu.memref_squeeze %dma_start3A_512 : memref<1x128xi32, #tpu.memory_space<vmem>> -> memref<128xi32, #tpu.memory_space<vmem>>
      %dma_start3A_514 = arith.constant 0 : i32
      %dma_start3A_515 = arith.constant 0 : i32
      %dma_start3A_516 = tpu.memref_slice %arg20[%dma_start3A_514, %dma_start3A_515] : memref<10112x64xbf16, #tpu.memory_space<vmem_shared>> -> memref<10112x64xbf16, #tpu.memory_space<vmem_shared>>
      tpu.enqueue_indirect_dma source(%arg17 : memref<128x64xbf16, #tpu.memory_space<vmem>>) target(%dma_start3A_516 : memref<10112x64xbf16, #tpu.memory_space<vmem_shared>>) offsets(%dma_start3A_513 : memref<128xi32, #tpu.memory_space<vmem>>) semaphore(%arg35 : memref<!tpu.dma_semaphore, #tpu.memory_space<semaphore_mem>>) {add = true}
      %eq3A_517 = arith.constant 0 : i32
      %eq3A_518 = arith.cmpi eq, %arg0, %eq3A_517 : i32
      %convert_element_type3A_519 = arith.extui %eq3A_518 : i1 to i32
      %cond3A_520 = arith.constant 0 : i32
      %cond3A_521 = arith.cmpi ne, %convert_element_type3A_519, %cond3A_520 : i32
      scf.if %cond3A_521 {
        %get3A = arith.index_cast %add3A_504 : i32 to index
        %get3A_569 = arith.constant 0 : index
        %get3A_570 = tpu.vector_load %arg10[%get3A, %get3A_569] {strides = array<i32>} : memref<160x128xi32, #tpu.memory_space<vmem>>, vector<16xi32>,
        tpu.vector_store_idx %arg19[%get3A_570], %broadcast_in_dim3A_0 {add = true} : memref<10112xf32, #tpu.memory_space<vmem>>[vector<16xi32>], vector<16xf32>,
        %get3A_571 = arith.index_cast %add3A_504 : i32 to index
        %get3A_572 = arith.constant 16 : index
        %get3A_573 = tpu.vector_load %arg10[%get3A_571, %get3A_572] {strides = array<i32>} : memref<160x128xi32, #tpu.memory_space<vmem>>, vector<16xi32>,
        tpu.vector_store_idx %arg19[%get3A_573], %broadcast_in_dim3A_0 {add = true} : memref<10112xf32, #tpu.memory_space<vmem>>[vector<16xi32>], vector<16xf32>,
        %get3A_574 = arith.index_cast %add3A_504 : i32 to index
        %get3A_575 = arith.constant 32 : index
        %get3A_576 = tpu.vector_load %arg10[%get3A_574, %get3A_575] {strides = array<i32>} : memref<160x128xi32, #tpu.memory_space<vmem>>, vector<16xi32>,
        tpu.vector_store_idx %arg19[%get3A_576], %broadcast_in_dim3A_0 {add = true} : memref<10112xf32, #tpu.memory_space<vmem>>[vector<16xi32>], vector<16xf32>,
        %get3A_577 = arith.index_cast %add3A_504 : i32 to index
        %get3A_578 = arith.constant 48 : index
        %get3A_579 = tpu.vector_load %arg10[%get3A_577, %get3A_578] {strides = array<i32>} : memref<160x128xi32, #tpu.memory_space<vmem>>, vector<16xi32>,
        tpu.vector_store_idx %arg19[%get3A_579], %broadcast_in_dim3A_0 {add = true} : memref<10112xf32, #tpu.memory_space<vmem>>[vector<16xi32>], vector<16xf32>,
        %get3A_580 = arith.index_cast %add3A_504 : i32 to index
        %get3A_581 = arith.constant 64 : index
        %get3A_582 = tpu.vector_load %arg10[%get3A_580, %get3A_581] {strides = array<i32>} : memref<160x128xi32, #tpu.memory_space<vmem>>, vector<16xi32>,
        tpu.vector_store_idx %arg19[%get3A_582], %broadcast_in_dim3A_0 {add = true} : memref<10112xf32, #tpu.memory_space<vmem>>[vector<16xi32>], vector<16xf32>,
        %get3A_583 = arith.index_cast %add3A_504 : i32 to index
        %get3A_584 = arith.constant 80 : index
        %get3A_585 = tpu.vector_load %arg10[%get3A_583, %get3A_584] {strides = array<i32>} : memref<160x128xi32, #tpu.memory_space<vmem>>, vector<16xi32>,
        tpu.vector_store_idx %arg19[%get3A_585], %broadcast_in_dim3A_0 {add = true} : memref<10112xf32, #tpu.memory_space<vmem>>[vector<16xi32>], vector<16xf32>,
        %get3A_586 = arith.index_cast %add3A_504 : i32 to index
        %get3A_587 = arith.constant 96 : index
        %get3A_588 = tpu.vector_load %arg10[%get3A_586, %get3A_587] {strides = array<i32>} : memref<160x128xi32, #tpu.memory_space<vmem>>, vector<16xi32>,
        tpu.vector_store_idx %arg19[%get3A_588], %broadcast_in_dim3A_0 {add = true} : memref<10112xf32, #tpu.memory_space<vmem>>[vector<16xi32>], vector<16xf32>,
        %get3A_589 = arith.index_cast %add3A_504 : i32 to index
        %get3A_590 = arith.constant 112 : index
        %get3A_591 = tpu.vector_load %arg10[%get3A_589, %get3A_590] {strides = array<i32>} : memref<160x128xi32, #tpu.memory_space<vmem>>, vector<16xi32>,
        tpu.vector_store_idx %arg19[%get3A_591], %broadcast_in_dim3A_0 {add = true} : memref<10112xf32, #tpu.memory_space<vmem>>[vector<16xi32>], vector<16xf32>,
      } else {
      }
      %sub3A_522 = arith.constant 4 : i32
      %sub3A_523 = arith.subi %add3A_504, %sub3A_522 : i32
      %dma_wait3A_524 = arith.constant 0 : i32
      %dma_wait3A_525 = tpu.memref_slice %arg10[%sub3A_523, %dma_wait3A_524] : memref<160x128xi32, #tpu.memory_space<vmem>> -> memref<1x128xi32, #tpu.memory_space<vmem>>
      %dma_wait3A_526 = tpu.memref_squeeze %dma_wait3A_525 : memref<1x128xi32, #tpu.memory_space<vmem>> -> memref<128xi32, #tpu.memory_space<vmem>>
      %dma_wait3A_527 = arith.constant 0 : i32
      %dma_wait3A_528 = arith.constant 0 : i32
      %dma_wait3A_529 = tpu.memref_slice %arg20[%dma_wait3A_527, %dma_wait3A_528] : memref<10112x64xbf16, #tpu.memory_space<vmem_shared>> -> memref<10112x64xbf16, #tpu.memory_space<vmem_shared>>
      tpu.wait_indirect_dma semaphore(%arg31 : memref<!tpu.dma_semaphore, #tpu.memory_space<semaphore_mem>>) src(%arg13 : memref<128x64xbf16, #tpu.memory_space<vmem>>) dst(%dma_wait3A_529 : memref<10112x64xbf16, #tpu.memory_space<vmem_shared>>)
      %lt3A_530 = arith.constant 19 : i32
      %lt3A_531 = arith.cmpi slt, %scan3A_303, %lt3A_530 : i32
      %convert_element_type3A_532 = arith.extui %lt3A_531 : i1 to i32
      %cond3A_533 = arith.constant 0 : i32
      %cond3A_534 = arith.cmpi ne, %convert_element_type3A_532, %cond3A_533 : i32
      scf.if %cond3A_534 {
        %add3A_569 = arith.constant 4 : i32
        %add3A_570 = arith.addi %add3A_504, %add3A_569 : i32
        %dma_start3A_571 = arith.constant 0 : i32
        %dma_start3A_572 = tpu.memref_slice %arg9[%add3A_570, %dma_start3A_571] : memref<160x128xi32, #tpu.memory_space<vmem>> -> memref<1x128xi32, #tpu.memory_space<vmem>>
        %dma_start3A_573 = tpu.memref_squeeze %dma_start3A_572 : memref<1x128xi32, #tpu.memory_space<vmem>> -> memref<128xi32, #tpu.memory_space<vmem>>
        %dma_start3A_574 = arith.constant 0 : i32
        %dma_start3A_575 = arith.constant 0 : i32
        %dma_start3A_576 = tpu.memref_slice %arg2[%dma_start3A_574, %dma_start3A_575] : memref<80000x64xbf16, #tpu.memory_space<hbm>> -> memref<80000x64xbf16, #tpu.memory_space<hbm>>
        tpu.enqueue_indirect_dma source(%dma_start3A_576 : memref<80000x64xbf16, #tpu.memory_space<hbm>>) target(%arg13 : memref<128x64xbf16, #tpu.memory_space<vmem>>) offsets(%dma_start3A_573 : memref<128xi32, #tpu.memory_space<vmem>>) semaphore(%arg23 : memref<!tpu.dma_semaphore, #tpu.memory_space<semaphore_mem>>)
      } else {
      }
      %mul3A_535 = arith.constant 8 : i32
      %mul3A_536 = arith.muli %mul3A_535, %scan3A_303 : i32
      %add3A_537 = arith.constant 7 : i32
      %add3A_538 = arith.addi %mul3A_536, %add3A_537 : i32
      %dma_wait3A_539 = arith.constant 0 : i32
      %dma_wait3A_540 = tpu.memref_slice %arg9[%add3A_538, %dma_wait3A_539] : memref<160x128xi32, #tpu.memory_space<vmem>> -> memref<1x128xi32, #tpu.memory_space<vmem>>
      %dma_wait3A_541 = tpu.memref_squeeze %dma_wait3A_540 : memref<1x128xi32, #tpu.memory_space<vmem>> -> memref<128xi32, #tpu.memory_space<vmem>>
      %dma_wait3A_542 = arith.constant 0 : i32
      %dma_wait3A_543 = arith.constant 0 : i32
      %dma_wait3A_544 = tpu.memref_slice %arg2[%dma_wait3A_542, %dma_wait3A_543] : memref<80000x64xbf16, #tpu.memory_space<hbm>> -> memref<80000x64xbf16, #tpu.memory_space<hbm>>
      tpu.wait_indirect_dma semaphore(%arg28 : memref<!tpu.dma_semaphore, #tpu.memory_space<semaphore_mem>>) src(%dma_wait3A_544 : memref<80000x64xbf16, #tpu.memory_space<hbm>>) dst(%arg18 : memref<128x64xbf16, #tpu.memory_space<vmem>>)
      %dma_start3A_545 = arith.constant 0 : i32
      %dma_start3A_546 = tpu.memref_slice %arg10[%add3A_538, %dma_start3A_545] : memref<160x128xi32, #tpu.memory_space<vmem>> -> memref<1x128xi32, #tpu.memory_space<vmem>>
      %dma_start3A_547 = tpu.memref_squeeze %dma_start3A_546 : memref<1x128xi32, #tpu.memory_space<vmem>> -> memref<128xi32, #tpu.memory_space<vmem>>
      %dma_start3A_548 = arith.constant 0 : i32
      %dma_start3A_549 = arith.constant 0 : i32
      %dma_start3A_550 = tpu.memref_slice %arg20[%dma_start3A_548, %dma_start3A_549] : memref<10112x64xbf16, #tpu.memory_space<vmem_shared>> -> memref<10112x64xbf16, #tpu.memory_space<vmem_shared>>
      tpu.enqueue_indirect_dma source(%arg18 : memref<128x64xbf16, #tpu.memory_space<vmem>>) target(%dma_start3A_550 : memref<10112x64xbf16, #tpu.memory_space<vmem_shared>>) offsets(%dma_start3A_547 : memref<128xi32, #tpu.memory_space<vmem>>) semaphore(%arg36 : memref<!tpu.dma_semaphore, #tpu.memory_space<semaphore_mem>>) {add = true}
      %eq3A_551 = arith.constant 0 : i32
      %eq3A_552 = arith.cmpi eq, %arg0, %eq3A_551 : i32
      %convert_element_type3A_553 = arith.extui %eq3A_552 : i1 to i32
      %cond3A_554 = arith.constant 0 : i32
      %cond3A_555 = arith.cmpi ne, %convert_element_type3A_553, %cond3A_554 : i32
      scf.if %cond3A_555 {
        %get3A = arith.index_cast %add3A_538 : i32 to index
        %get3A_569 = arith.constant 0 : index
        %get3A_570 = tpu.vector_load %arg10[%get3A, %get3A_569] {strides = array<i32>} : memref<160x128xi32, #tpu.memory_space<vmem>>, vector<16xi32>,
        tpu.vector_store_idx %arg19[%get3A_570], %broadcast_in_dim3A_0 {add = true} : memref<10112xf32, #tpu.memory_space<vmem>>[vector<16xi32>], vector<16xf32>,
        %get3A_571 = arith.index_cast %add3A_538 : i32 to index
        %get3A_572 = arith.constant 16 : index
        %get3A_573 = tpu.vector_load %arg10[%get3A_571, %get3A_572] {strides = array<i32>} : memref<160x128xi32, #tpu.memory_space<vmem>>, vector<16xi32>,
        tpu.vector_store_idx %arg19[%get3A_573], %broadcast_in_dim3A_0 {add = true} : memref<10112xf32, #tpu.memory_space<vmem>>[vector<16xi32>], vector<16xf32>,
        %get3A_574 = arith.index_cast %add3A_538 : i32 to index
        %get3A_575 = arith.constant 32 : index
        %get3A_576 = tpu.vector_load %arg10[%get3A_574, %get3A_575] {strides = array<i32>} : memref<160x128xi32, #tpu.memory_space<vmem>>, vector<16xi32>,
        tpu.vector_store_idx %arg19[%get3A_576], %broadcast_in_dim3A_0 {add = true} : memref<10112xf32, #tpu.memory_space<vmem>>[vector<16xi32>], vector<16xf32>,
        %get3A_577 = arith.index_cast %add3A_538 : i32 to index
        %get3A_578 = arith.constant 48 : index
        %get3A_579 = tpu.vector_load %arg10[%get3A_577, %get3A_578] {strides = array<i32>} : memref<160x128xi32, #tpu.memory_space<vmem>>, vector<16xi32>,
        tpu.vector_store_idx %arg19[%get3A_579], %broadcast_in_dim3A_0 {add = true} : memref<10112xf32, #tpu.memory_space<vmem>>[vector<16xi32>], vector<16xf32>,
        %get3A_580 = arith.index_cast %add3A_538 : i32 to index
        %get3A_581 = arith.constant 64 : index
        %get3A_582 = tpu.vector_load %arg10[%get3A_580, %get3A_581] {strides = array<i32>} : memref<160x128xi32, #tpu.memory_space<vmem>>, vector<16xi32>,
        tpu.vector_store_idx %arg19[%get3A_582], %broadcast_in_dim3A_0 {add = true} : memref<10112xf32, #tpu.memory_space<vmem>>[vector<16xi32>], vector<16xf32>,
        %get3A_583 = arith.index_cast %add3A_538 : i32 to index
        %get3A_584 = arith.constant 80 : index
        %get3A_585 = tpu.vector_load %arg10[%get3A_583, %get3A_584] {strides = array<i32>} : memref<160x128xi32, #tpu.memory_space<vmem>>, vector<16xi32>,
        tpu.vector_store_idx %arg19[%get3A_585], %broadcast_in_dim3A_0 {add = true} : memref<10112xf32, #tpu.memory_space<vmem>>[vector<16xi32>], vector<16xf32>,
        %get3A_586 = arith.index_cast %add3A_538 : i32 to index
        %get3A_587 = arith.constant 96 : index
        %get3A_588 = tpu.vector_load %arg10[%get3A_586, %get3A_587] {strides = array<i32>} : memref<160x128xi32, #tpu.memory_space<vmem>>, vector<16xi32>,
        tpu.vector_store_idx %arg19[%get3A_588], %broadcast_in_dim3A_0 {add = true} : memref<10112xf32, #tpu.memory_space<vmem>>[vector<16xi32>], vector<16xf32>,
        %get3A_589 = arith.index_cast %add3A_538 : i32 to index
        %get3A_590 = arith.constant 112 : index
        %get3A_591 = tpu.vector_load %arg10[%get3A_589, %get3A_590] {strides = array<i32>} : memref<160x128xi32, #tpu.memory_space<vmem>>, vector<16xi32>,
        tpu.vector_store_idx %arg19[%get3A_591], %broadcast_in_dim3A_0 {add = true} : memref<10112xf32, #tpu.memory_space<vmem>>[vector<16xi32>], vector<16xf32>,
      } else {
      }
      %sub3A_556 = arith.constant 4 : i32
      %sub3A_557 = arith.subi %add3A_538, %sub3A_556 : i32
      %dma_wait3A_558 = arith.constant 0 : i32
      %dma_wait3A_559 = tpu.memref_slice %arg10[%sub3A_557, %dma_wait3A_558] : memref<160x128xi32, #tpu.memory_space<vmem>> -> memref<1x128xi32, #tpu.memory_space<vmem>>
      %dma_wait3A_560 = tpu.memref_squeeze %dma_wait3A_559 : memref<1x128xi32, #tpu.memory_space<vmem>> -> memref<128xi32, #tpu.memory_space<vmem>>
      %dma_wait3A_561 = arith.constant 0 : i32
      %dma_wait3A_562 = arith.constant 0 : i32
      %dma_wait3A_563 = tpu.memref_slice %arg20[%dma_wait3A_561, %dma_wait3A_562] : memref<10112x64xbf16, #tpu.memory_space<vmem_shared>> -> memref<10112x64xbf16, #tpu.memory_space<vmem_shared>>
      tpu.wait_indirect_dma semaphore(%arg32 : memref<!tpu.dma_semaphore, #tpu.memory_space<semaphore_mem>>) src(%arg14 : memref<128x64xbf16, #tpu.memory_space<vmem>>) dst(%dma_wait3A_563 : memref<10112x64xbf16, #tpu.memory_space<vmem_shared>>)
      %lt3A_564 = arith.constant 19 : i32
      %lt3A_565 = arith.cmpi slt, %scan3A_303, %lt3A_564 : i32
      %convert_element_type3A_566 = arith.extui %lt3A_565 : i1 to i32
      %cond3A_567 = arith.constant 0 : i32
      %cond3A_568 = arith.cmpi ne, %convert_element_type3A_566, %cond3A_567 : i32
      scf.if %cond3A_568 {
        %add3A_569 = arith.constant 4 : i32
        %add3A_570 = arith.addi %add3A_538, %add3A_569 : i32
        %dma_start3A_571 = arith.constant 0 : i32
        %dma_start3A_572 = tpu.memref_slice %arg9[%add3A_570, %dma_start3A_571] : memref<160x128xi32, #tpu.memory_space<vmem>> -> memref<1x128xi32, #tpu.memory_space<vmem>>
        %dma_start3A_573 = tpu.memref_squeeze %dma_start3A_572 : memref<1x128xi32, #tpu.memory_space<vmem>> -> memref<128xi32, #tpu.memory_space<vmem>>
        %dma_start3A_574 = arith.constant 0 : i32
        %dma_start3A_575 = arith.constant 0 : i32
        %dma_start3A_576 = tpu.memref_slice %arg2[%dma_start3A_574, %dma_start3A_575] : memref<80000x64xbf16, #tpu.memory_space<hbm>> -> memref<80000x64xbf16, #tpu.memory_space<hbm>>
        tpu.enqueue_indirect_dma source(%dma_start3A_576 : memref<80000x64xbf16, #tpu.memory_space<hbm>>) target(%arg14 : memref<128x64xbf16, #tpu.memory_space<vmem>>) offsets(%dma_start3A_573 : memref<128xi32, #tpu.memory_space<vmem>>) semaphore(%arg24 : memref<!tpu.dma_semaphore, #tpu.memory_space<semaphore_mem>>)
      } else {
      }
    }
    %scan3A_266 = arith.constant 20 : i32
    %dma_wait3A_267 = arith.constant 156 : i32
    %dma_wait3A_268 = arith.constant 0 : i32
    %dma_wait3A_269 = tpu.memref_slice %arg10[%dma_wait3A_267, %dma_wait3A_268] : memref<160x128xi32, #tpu.memory_space<vmem>> -> memref<1x128xi32, #tpu.memory_space<vmem>>
    %dma_wait3A_270 = tpu.memref_squeeze %dma_wait3A_269 : memref<1x128xi32, #tpu.memory_space<vmem>> -> memref<128xi32, #tpu.memory_space<vmem>>
    %dma_wait3A_271 = arith.constant 0 : i32
    %dma_wait3A_272 = arith.constant 0 : i32
    %dma_wait3A_273 = tpu.memref_slice %arg20[%dma_wait3A_271, %dma_wait3A_272] : memref<10112x64xbf16, #tpu.memory_space<vmem_shared>> -> memref<10112x64xbf16, #tpu.memory_space<vmem_shared>>
    tpu.wait_indirect_dma semaphore(%arg33 : memref<!tpu.dma_semaphore, #tpu.memory_space<semaphore_mem>>) src(%arg15 : memref<128x64xbf16, #tpu.memory_space<vmem>>) dst(%dma_wait3A_273 : memref<10112x64xbf16, #tpu.memory_space<vmem_shared>>)
    %dma_wait3A_274 = arith.constant 157 : i32
    %dma_wait3A_275 = arith.constant 0 : i32
    %dma_wait3A_276 = tpu.memref_slice %arg10[%dma_wait3A_274, %dma_wait3A_275] : memref<160x128xi32, #tpu.memory_space<vmem>> -> memref<1x128xi32, #tpu.memory_space<vmem>>
    %dma_wait3A_277 = tpu.memref_squeeze %dma_wait3A_276 : memref<1x128xi32, #tpu.memory_space<vmem>> -> memref<128xi32, #tpu.memory_space<vmem>>
    %dma_wait3A_278 = arith.constant 0 : i32
    %dma_wait3A_279 = arith.constant 0 : i32
    %dma_wait3A_280 = tpu.memref_slice %arg20[%dma_wait3A_278, %dma_wait3A_279] : memref<10112x64xbf16, #tpu.memory_space<vmem_shared>> -> memref<10112x64xbf16, #tpu.memory_space<vmem_shared>>
    tpu.wait_indirect_dma semaphore(%arg34 : memref<!tpu.dma_semaphore, #tpu.memory_space<semaphore_mem>>) src(%arg16 : memref<128x64xbf16, #tpu.memory_space<vmem>>) dst(%dma_wait3A_280 : memref<10112x64xbf16, #tpu.memory_space<vmem_shared>>)
    %dma_wait3A_281 = arith.constant 158 : i32
    %dma_wait3A_282 = arith.constant 0 : i32
    %dma_wait3A_283 = tpu.memref_slice %arg10[%dma_wait3A_281, %dma_wait3A_282] : memref<160x128xi32, #tpu.memory_space<vmem>> -> memref<1x128xi32, #tpu.memory_space<vmem>>
    %dma_wait3A_284 = tpu.memref_squeeze %dma_wait3A_283 : memref<1x128xi32, #tpu.memory_space<vmem>> -> memref<128xi32, #tpu.memory_space<vmem>>
    %dma_wait3A_285 = arith.constant 0 : i32
    %dma_wait3A_286 = arith.constant 0 : i32
    %dma_wait3A_287 = tpu.memref_slice %arg20[%dma_wait3A_285, %dma_wait3A_286] : memref<10112x64xbf16, #tpu.memory_space<vmem_shared>> -> memref<10112x64xbf16, #tpu.memory_space<vmem_shared>>
    tpu.wait_indirect_dma semaphore(%arg35 : memref<!tpu.dma_semaphore, #tpu.memory_space<semaphore_mem>>) src(%arg17 : memref<128x64xbf16, #tpu.memory_space<vmem>>) dst(%dma_wait3A_287 : memref<10112x64xbf16, #tpu.memory_space<vmem_shared>>)
    %dma_wait3A_288 = arith.constant 159 : i32
    %dma_wait3A_289 = arith.constant 0 : i32
    %dma_wait3A_290 = tpu.memref_slice %arg10[%dma_wait3A_288, %dma_wait3A_289] : memref<160x128xi32, #tpu.memory_space<vmem>> -> memref<1x128xi32, #tpu.memory_space<vmem>>
    %dma_wait3A_291 = tpu.memref_squeeze %dma_wait3A_290 : memref<1x128xi32, #tpu.memory_space<vmem>> -> memref<128xi32, #tpu.memory_space<vmem>>
    %dma_wait3A_292 = arith.constant 0 : i32
    %dma_wait3A_293 = arith.constant 0 : i32
    %dma_wait3A_294 = tpu.memref_slice %arg20[%dma_wait3A_292, %dma_wait3A_293] : memref<10112x64xbf16, #tpu.memory_space<vmem_shared>> -> memref<10112x64xbf16, #tpu.memory_space<vmem_shared>>
    tpu.wait_indirect_dma semaphore(%arg36 : memref<!tpu.dma_semaphore, #tpu.memory_space<semaphore_mem>>) src(%arg18 : memref<128x64xbf16, #tpu.memory_space<vmem>>) dst(%dma_wait3A_294 : memref<10112x64xbf16, #tpu.memory_space<vmem_shared>>)
    %barrier3A_295 = arith.constant 0 : index
    tpu.barrier barrier_id(%barrier3A_295)
    %mul3A_296 = arith.constant 632 : i32
    %mul3A_297 = arith.muli %arg1, %mul3A_296 : i32
    %mul3A_298 = arith.constant 632 : i32
    %mul3A_299 = arith.muli %arg1, %mul3A_298 : i32
    %run_scoped3A_300 = arith.constant 3 : i32
    "tpu.region"() ({
      %run_scoped3A_303 = tpu.sem_alloc : memref<!tpu.dma_semaphore, #tpu.memory_space<semaphore_mem>>
      %dma_start3A_304 = arith.constant 0 : i32
      %dma_start3A_305 = tpu.memref_slice %arg7[%run_scoped3A_300, %arg0, %mul3A_299, %dma_start3A_304] : memref<4x2x10112x64xbf16, #tpu.memory_space<hbm>> -> memref<1x1x632x64xbf16, #tpu.memory_space<hbm>>
      %dma_start3A_306 = tpu.memref_squeeze %dma_start3A_305 : memref<1x1x632x64xbf16, #tpu.memory_space<hbm>> -> memref<632x64xbf16, #tpu.memory_space<hbm>>
      %dma_start3A_307 = arith.constant 0 : i32
      %dma_start3A_308 = tpu.memref_slice %arg20[%mul3A_297, %dma_start3A_307] : memref<10112x64xbf16, #tpu.memory_space<vmem_shared>> -> memref<632x64xbf16, #tpu.memory_space<vmem_shared>>
      tpu.enqueue_dma source(%dma_start3A_308 : memref<632x64xbf16, #tpu.memory_space<vmem_shared>>) target(%dma_start3A_306 : memref<632x64xbf16, #tpu.memory_space<hbm>>) target_semaphore(%run_scoped3A_303 : memref<!tpu.dma_semaphore, #tpu.memory_space<semaphore_mem>>)
      %dma_wait3A_309 = arith.constant 0 : i32
      %dma_wait3A_310 = tpu.memref_slice %arg7[%run_scoped3A_300, %arg0, %mul3A_299, %dma_wait3A_309] : memref<4x2x10112x64xbf16, #tpu.memory_space<hbm>> -> memref<1x1x632x64xbf16, #tpu.memory_space<hbm>>
      %dma_wait3A_311 = tpu.memref_squeeze %dma_wait3A_310 : memref<1x1x632x64xbf16, #tpu.memory_space<hbm>> -> memref<632x64xbf16, #tpu.memory_space<hbm>>
      %dma_wait3A_312 = arith.constant 0 : i32
      %dma_wait3A_313 = tpu.memref_slice %arg20[%mul3A_297, %dma_wait3A_312] : memref<10112x64xbf16, #tpu.memory_space<vmem_shared>> -> memref<632x64xbf16, #tpu.memory_space<vmem_shared>>
      tpu.wait_dma2 semaphore(%run_scoped3A_303 : memref<!tpu.dma_semaphore, #tpu.memory_space<semaphore_mem>>) src(%dma_wait3A_313 : memref<632x64xbf16, #tpu.memory_space<vmem_shared>>) dst(%dma_wait3A_311 : memref<632x64xbf16, #tpu.memory_space<hbm>>)
      tpu.yield
    }) : () -> ()
    %run_scoped3A_301 = arith.constant 3 : i32
    "tpu.region"() ({
      %run_scoped3A_303 = tpu.sem_alloc : memref<!tpu.dma_semaphore, #tpu.memory_space<semaphore_mem>>
      %dma_start3A_304 = arith.constant 0 : i32
      %dma_start3A_305 = tpu.memref_slice %arg8[%run_scoped3A_301, %arg0, %arg1, %dma_start3A_304] : memref<4x2x16x10112xf32, #tpu.memory_space<hbm>> -> memref<1x1x1x10112xf32, #tpu.memory_space<hbm>>
      %dma_start3A_306 = tpu.memref_squeeze %dma_start3A_305 : memref<1x1x1x10112xf32, #tpu.memory_space<hbm>> -> memref<10112xf32, #tpu.memory_space<hbm>>
      %dma_start3A_307 = arith.constant 0 : i32
      %dma_start3A_308 = tpu.memref_slice %arg8[%run_scoped3A_301, %arg0, %arg1, %dma_start3A_307] : memref<4x2x16x10112xf32, #tpu.memory_space<hbm>> -> memref<1x1x1x10112xf32, #tpu.memory_space<hbm>>
      %dma_start3A_309 = tpu.memref_squeeze %dma_start3A_308 : memref<1x1x1x10112xf32, #tpu.memory_space<hbm>> -> memref<10112xf32, #tpu.memory_space<hbm>>
      tpu.enqueue_dma source(%arg19 : memref<10112xf32, #tpu.memory_space<vmem>>) target(%dma_start3A_309 : memref<10112xf32, #tpu.memory_space<hbm>>) target_semaphore(%run_scoped3A_303 : memref<!tpu.dma_semaphore, #tpu.memory_space<semaphore_mem>>)
      %dma_wait3A_310 = arith.constant 0 : i32
      %dma_wait3A_311 = tpu.memref_slice %arg8[%run_scoped3A_301, %arg0, %arg1, %dma_wait3A_310] : memref<4x2x16x10112xf32, #tpu.memory_space<hbm>> -> memref<1x1x1x10112xf32, #tpu.memory_space<hbm>>
      %dma_wait3A_312 = tpu.memref_squeeze %dma_wait3A_311 : memref<1x1x1x10112xf32, #tpu.memory_space<hbm>> -> memref<10112xf32, #tpu.memory_space<hbm>>
      %dma_wait3A_313 = arith.constant 0 : i32
      %dma_wait3A_314 = tpu.memref_slice %arg8[%run_scoped3A_301, %arg0, %arg1, %dma_wait3A_313] : memref<4x2x16x10112xf32, #tpu.memory_space<hbm>> -> memref<1x1x1x10112xf32, #tpu.memory_space<hbm>>
      %dma_wait3A_315 = tpu.memref_squeeze %dma_wait3A_314 : memref<1x1x1x10112xf32, #tpu.memory_space<hbm>> -> memref<10112xf32, #tpu.memory_space<hbm>>
      tpu.wait_dma2 semaphore(%run_scoped3A_303 : memref<!tpu.dma_semaphore, #tpu.memory_space<semaphore_mem>>) src(%arg19 : memref<10112xf32, #tpu.memory_space<vmem>>) dst(%dma_wait3A_315 : memref<10112xf32, #tpu.memory_space<hbm>>)
      tpu.yield
    }) : () -> ()
    %barrier3A_302 = arith.constant 0 : index
    tpu.barrier barrier_id(%barrier3A_302)
    return
  }
}

module attributes {stable_mosaic.version = 14 : i64} {
  func.func @_tc_dense_body(%arg0: i32, %arg1: memref<4x1000x128xf32, #tpu.memory_space<vmem>>, %arg2: memref<4x2x1000x64xbf16, #tpu.memory_space<vmem>>, %arg3: memref<4x1000x32xf32, #tpu.memory_space<vmem>>, %arg4: memref<128x512xf32, #tpu.memory_space<vmem>>, %arg5: memref<128x256xf32, #tpu.memory_space<vmem>>, %arg6: memref<1x256xf32, #tpu.memory_space<vmem>>, %arg7: memref<256x256xf32, #tpu.memory_space<vmem>>, %arg8: memref<256x256xf32, #tpu.memory_space<vmem>>, %arg9: memref<1x256xf32, #tpu.memory_space<vmem>>, %arg10: memref<1x256xf32, #tpu.memory_space<vmem>>, %arg11: memref<1x1xf32, #tpu.memory_space<vmem>>, %arg12: memref<1x16xf32, #tpu.memory_space<vmem>>, %arg13: memref<256x16xf32, #tpu.memory_space<vmem>>, %arg14: memref<16x256xf32, #tpu.memory_space<vmem>>, %arg15: memref<1x256xf32, #tpu.memory_space<vmem>>, %arg16: memref<1x256xf32, #tpu.memory_space<vmem>>, %arg17: memref<4x1000x256xf32, #tpu.memory_space<vmem>>) attributes {dimension_semantics = [#tpu.dimension_semantics<arbitrary>], iteration_bounds = array<i64: 10>, scalar_prefetch = 0 : i64, scratch_operands = 0 : i64, tpu.core_type = #tpu.core_type<tc>, window_params = [{transform_indices = @transform_0, window_bounds = array<i64: 4, 1000, 128>}, {transform_indices = @transform_1, window_bounds = array<i64: 4, 2, 1000, 64>}, {transform_indices = @transform_2, window_bounds = array<i64: 4, 1000, 32>}, {pipeline_mode = #tpu.pipeline_mode<synchronous>, transform_indices = @transform_3, window_bounds = array<i64: 128, 512>}, {pipeline_mode = #tpu.pipeline_mode<synchronous>, transform_indices = @transform_4, window_bounds = array<i64: 128, 256>}, {pipeline_mode = #tpu.pipeline_mode<synchronous>, transform_indices = @transform_5, window_bounds = array<i64: 1, 256>}, {pipeline_mode = #tpu.pipeline_mode<synchronous>, transform_indices = @transform_6, window_bounds = array<i64: 256, 256>}, {pipeline_mode = #tpu.pipeline_mode<synchronous>, transform_indices = @transform_7, window_bounds = array<i64: 256, 256>}, {pipeline_mode = #tpu.pipeline_mode<synchronous>, transform_indices = @transform_8, window_bounds = array<i64: 1, 256>}, {pipeline_mode = #tpu.pipeline_mode<synchronous>, transform_indices = @transform_9, window_bounds = array<i64: 1, 256>}, {pipeline_mode = #tpu.pipeline_mode<synchronous>, transform_indices = @transform_10, window_bounds = array<i64: 1, 1>}, {pipeline_mode = #tpu.pipeline_mode<synchronous>, transform_indices = @transform_11, window_bounds = array<i64: 1, 16>}, {pipeline_mode = #tpu.pipeline_mode<synchronous>, transform_indices = @transform_12, window_bounds = array<i64: 256, 16>}, {pipeline_mode = #tpu.pipeline_mode<synchronous>, transform_indices = @transform_13, window_bounds = array<i64: 16, 256>}, {pipeline_mode = #tpu.pipeline_mode<synchronous>, transform_indices = @transform_14, window_bounds = array<i64: 1, 256>}, {pipeline_mode = #tpu.pipeline_mode<synchronous>, transform_indices = @transform_15, window_bounds = array<i64: 1, 256>}, {transform_indices = @transform_16, window_bounds = array<i64: 4, 1000, 256>}]} {
    %get3A = arith.constant 0 : index
    %get3A_0 = arith.constant 0 : index
    %get3A_1 = vector.load %arg12[%get3A, %get3A_0] : memref<1x16xf32, #tpu.memory_space<vmem>>, vector<1x16xf32>
    %custom_jvp_call3A = arith.constant 0.000000e+00 : f32
    %max3A = vector.broadcast %custom_jvp_call3A : f32 to vector<1x16xf32>
    %max3A_2 = arith.maximumf %get3A_1, %max3A : vector<1x16xf32>
    %sub3A = vector.broadcast %custom_jvp_call3A : f32 to vector<1x16xf32>
    %sub3A_3 = arith.subf %get3A_1, %sub3A : vector<1x16xf32>
    %ne3A = arith.cmpf one, %sub3A_3, %sub3A_3 : vector<1x16xf32>
    %add3A = vector.broadcast %custom_jvp_call3A : f32 to vector<1x16xf32>
    %add3A_4 = arith.addf %get3A_1, %add3A : vector<1x16xf32>
    %abs3A = math.absf %sub3A_3 : vector<1x16xf32>
    %neg3A = arith.constant 0.000000e+00 : f32
    %neg3A_5 = vector.broadcast %neg3A : f32 to vector<1x16xf32>
    %neg3A_6 = arith.subf %neg3A_5, %abs3A : vector<1x16xf32>
    %exp3A = math.exp %neg3A_6 : vector<1x16xf32>
    %log1p3A = math.log1p %exp3A : vector<1x16xf32>
    %add3A_7 = arith.addf %max3A_2, %log1p3A : vector<1x16xf32>
    %select_n3A = arith.select %ne3A, %add3A_4, %add3A_7 : vector<1x16xi1>, vector<1x16xf32>
    %get3A_8 = arith.constant 0 : index
    %get3A_9 = arith.constant 0 : index
    %get3A_10 = arith.constant 0 : index
    %get3A_11 = vector.load %arg1[%get3A_8, %get3A_9, %get3A_10] : memref<4x1000x128xf32, #tpu.memory_space<vmem>>, vector<1x1000x128xf32>
    %get3A_12 = vector.shape_cast %get3A_11 : vector<1x1000x128xf32> to vector<1000x128xf32>
    %get3A_13 = arith.constant 0 : index
    %get3A_14 = arith.constant 0 : index
    %get3A_15 = arith.constant 0 : index
    %get3A_16 = arith.constant 0 : index
    %get3A_17 = vector.load %arg2[%get3A_13, %get3A_14, %get3A_15, %get3A_16] : memref<4x2x1000x64xbf16, #tpu.memory_space<vmem>>, vector<1x1x1000x64xbf16>
    %get3A_18 = vector.shape_cast %get3A_17 : vector<1x1x1000x64xbf16> to vector<1000x64xbf16>
    %get3A_19 = arith.constant 0 : index
    %get3A_20 = arith.constant 1 : index
    %get3A_21 = arith.constant 0 : index
    %get3A_22 = arith.constant 0 : index
    %get3A_23 = vector.load %arg2[%get3A_19, %get3A_20, %get3A_21, %get3A_22] : memref<4x2x1000x64xbf16, #tpu.memory_space<vmem>>, vector<1x1x1000x64xbf16>
    %get3A_24 = vector.shape_cast %get3A_23 : vector<1x1x1000x64xbf16> to vector<1000x64xbf16>
    %concatenate3A = tpu.concatenate %get3A_18, %get3A_24 in 1 : vector<1000x64xbf16>, vector<1000x64xbf16> -> vector<1000x128xbf16>
    %convert_element_type3A = arith.extf %concatenate3A : vector<1000x128xbf16> to vector<1000x128xf32>
    %get3A_25 = arith.constant 0 : index
    %get3A_26 = arith.constant 0 : index
    %get3A_27 = arith.constant 0 : index
    %get3A_28 = vector.load %arg3[%get3A_25, %get3A_26, %get3A_27] : memref<4x1000x32xf32, #tpu.memory_space<vmem>>, vector<1x1000x32xf32>
    %get3A_29 = vector.shape_cast %get3A_28 : vector<1x1000x32xf32> to vector<1000x32xf32>
    %reduce_sum3A = arith.constant dense<0.000000e+00> : vector<1000xf32>
    %reduce_sum3A_30 = vector.multi_reduction <add>, %get3A_29, %reduce_sum3A [1] : vector<1000x32xf32> to vector<1000xf32>
    %broadcast_in_dim3A = vector.shape_cast %reduce_sum3A_30 : vector<1000xf32> to vector<1000x1xf32>
    %max3A_31 = arith.constant 1.000000e+00 : f32
    %max3A_32 = vector.broadcast %max3A_31 : f32 to vector<1000x1xf32>
    %max3A_33 = arith.maximumf %broadcast_in_dim3A, %max3A_32 : vector<1000x1xf32>
    %div3A = vector.broadcast %max3A_33 : vector<1000x1xf32> to vector<1000x128xf32>
    %div3A_34 = arith.divf %convert_element_type3A, %div3A : vector<1000x128xf32>
    %get3A_35 = arith.constant 0 : index
    %get3A_36 = arith.constant 0 : index
    %get3A_37 = vector.load %arg4[%get3A_35, %get3A_36] : memref<128x512xf32, #tpu.memory_space<vmem>>, vector<128x512xf32>
    %dot_general3A = arith.constant dense<0.000000e+00> : vector<1000x512xf32>
    %dot_general3A_38 = tpu.matmul %get3A_12, %get3A_37, %dot_general3A {dimension_numbers = #tpu.dot_dimension_numbers<[1], [0], [0], [1], [0, 0, 1, 1], [], []>, transpose_lhs_hint = false} : vector<1000x128xf32>, vector<128x512xf32>, vector<1000x512xf32> -> vector<1000x512xf32>
    %slice3A = vector.extract_strided_slice %dot_general3A_38 {offsets = [0, 0], sizes = [1000, 256], strides = [1, 1]} : vector<1000x512xf32> to vector<1000x256xf32>
    %get3A_39 = arith.constant 0 : index
    %get3A_40 = arith.constant 0 : index
    %get3A_41 = vector.load %arg5[%get3A_39, %get3A_40] : memref<128x256xf32, #tpu.memory_space<vmem>>, vector<128x256xf32>
    %dot_general3A_42 = arith.constant dense<0.000000e+00> : vector<1000x256xf32>
    %dot_general3A_43 = tpu.matmul %div3A_34, %get3A_41, %dot_general3A_42 {dimension_numbers = #tpu.dot_dimension_numbers<[1], [0], [0], [1], [0, 0, 1, 1], [], []>, transpose_lhs_hint = false} : vector<1000x128xf32>, vector<128x256xf32>, vector<1000x256xf32> -> vector<1000x256xf32>
    %add3A_44 = arith.addf %slice3A, %dot_general3A_43 : vector<1000x256xf32>
    %get3A_45 = arith.constant 0 : index
    %get3A_46 = arith.constant 0 : index
    %get3A_47 = vector.load %arg6[%get3A_45, %get3A_46] : memref<1x256xf32, #tpu.memory_space<vmem>>, vector<1x256xf32>
    %add3A_48 = vector.broadcast %get3A_47 : vector<1x256xf32> to vector<1000x256xf32>
    %add3A_49 = arith.addf %add3A_44, %add3A_48 : vector<1000x256xf32>
    %get3A_50 = arith.constant 0 : index
    %get3A_51 = arith.constant 0 : index
    %get3A_52 = vector.load %arg10[%get3A_50, %get3A_51] : memref<1x256xf32, #tpu.memory_space<vmem>>, vector<1x256xf32>
    %mul3A = vector.broadcast %get3A_52 : vector<1x256xf32> to vector<1000x256xf32>
    %mul3A_53 = arith.mulf %add3A_49, %mul3A : vector<1000x256xf32>
    %reduce_sum3A_54 = arith.constant dense<0.000000e+00> : vector<1000xf32>
    %reduce_sum3A_55 = vector.multi_reduction <add>, %mul3A_53, %reduce_sum3A_54 [1] : vector<1000x256xf32> to vector<1000xf32>
    %broadcast_in_dim3A_56 = vector.shape_cast %reduce_sum3A_55 : vector<1000xf32> to vector<1000x1xf32>
    %get3A_57 = arith.constant 0 : index
    %get3A_58 = arith.constant 0 : index
    %get3A_59 = vector.load %arg11[%get3A_57, %get3A_58] : memref<1x1xf32, #tpu.memory_space<vmem>>, vector<1x1xf32>
    %add3A_60 = vector.broadcast %get3A_59 : vector<1x1xf32> to vector<1000x1xf32>
    %add3A_61 = arith.addf %broadcast_in_dim3A_56, %add3A_60 : vector<1000x1xf32>
    %custom_jvp_call3A_62 = arith.constant 0.000000e+00 : f32
    %max3A_63 = vector.broadcast %custom_jvp_call3A_62 : f32 to vector<1000x1xf32>
    %max3A_64 = arith.maximumf %add3A_61, %max3A_63 : vector<1000x1xf32>
    %sub3A_65 = vector.broadcast %custom_jvp_call3A_62 : f32 to vector<1000x1xf32>
    %sub3A_66 = arith.subf %add3A_61, %sub3A_65 : vector<1000x1xf32>
    %ne3A_67 = arith.cmpf one, %sub3A_66, %sub3A_66 : vector<1000x1xf32>
    %add3A_68 = vector.broadcast %custom_jvp_call3A_62 : f32 to vector<1000x1xf32>
    %add3A_69 = arith.addf %add3A_61, %add3A_68 : vector<1000x1xf32>
    %abs3A_70 = math.absf %sub3A_66 : vector<1000x1xf32>
    %neg3A_71 = arith.constant 0.000000e+00 : f32
    %neg3A_72 = vector.broadcast %neg3A_71 : f32 to vector<1000x1xf32>
    %neg3A_73 = arith.subf %neg3A_72, %abs3A_70 : vector<1000x1xf32>
    %exp3A_74 = math.exp %neg3A_73 : vector<1000x1xf32>
    %log1p3A_75 = math.log1p %exp3A_74 : vector<1000x1xf32>
    %add3A_76 = arith.addf %max3A_64, %log1p3A_75 : vector<1000x1xf32>
    %select_n3A_77 = arith.select %ne3A_67, %add3A_69, %add3A_76 : vector<1000x1xi1>, vector<1000x1xf32>
    %get3A_78 = arith.constant 0 : index
    %get3A_79 = arith.constant 0 : index
    %get3A_80 = vector.load %arg13[%get3A_78, %get3A_79] : memref<256x16xf32, #tpu.memory_space<vmem>>, vector<256x16xf32>
    %dot_general3A_81 = arith.constant dense<0.000000e+00> : vector<1000x16xf32>
    %dot_general3A_82 = tpu.matmul %add3A_49, %get3A_80, %dot_general3A_81 {dimension_numbers = #tpu.dot_dimension_numbers<[1], [0], [0], [1], [0, 0, 1, 1], [], []>, transpose_lhs_hint = false} : vector<1000x256xf32>, vector<256x16xf32>, vector<1000x16xf32> -> vector<1000x16xf32>
    %mul3A_83 = vector.broadcast %select_n3A_77 : vector<1000x1xf32> to vector<1000x16xf32>
    %mul3A_84 = arith.mulf %dot_general3A_82, %mul3A_83 : vector<1000x16xf32>
    %get3A_85 = arith.constant 0 : index
    %get3A_86 = arith.constant 0 : index
    %get3A_87 = vector.load %arg14[%get3A_85, %get3A_86] : memref<16x256xf32, #tpu.memory_space<vmem>>, vector<16x256xf32>
    %dot_general3A_88 = arith.constant dense<0.000000e+00> : vector<1000x256xf32>
    %dot_general3A_89 = tpu.matmul %mul3A_84, %get3A_87, %dot_general3A_88 {dimension_numbers = #tpu.dot_dimension_numbers<[1], [0], [0], [1], [0, 0, 1, 1], [], []>, transpose_lhs_hint = false} : vector<1000x16xf32>, vector<16x256xf32>, vector<1000x256xf32> -> vector<1000x256xf32>
    %get3A_90 = arith.constant 0 : index
    %get3A_91 = arith.constant 0 : index
    %get3A_92 = vector.load %arg15[%get3A_90, %get3A_91] : memref<1x256xf32, #tpu.memory_space<vmem>>, vector<1x256xf32>
    %mul3A_93 = vector.broadcast %get3A_92 : vector<1x256xf32> to vector<1000x256xf32>
    %mul3A_94 = arith.mulf %add3A_49, %mul3A_93 : vector<1000x256xf32>
    %add3A_95 = arith.addf %dot_general3A_89, %mul3A_94 : vector<1000x256xf32>
    %slice3A_96 = vector.extract_strided_slice %dot_general3A_38 {offsets = [0, 256], sizes = [1000, 256], strides = [1, 1]} : vector<1000x512xf32> to vector<1000x256xf32>
    %add3A_97 = arith.addf %add3A_95, %slice3A_96 : vector<1000x256xf32>
    %get3A_98 = arith.constant 0 : index
    %get3A_99 = arith.constant 0 : index
    %get3A_100 = vector.load %arg16[%get3A_98, %get3A_99] : memref<1x256xf32, #tpu.memory_space<vmem>>, vector<1x256xf32>
    %add3A_101 = vector.broadcast %get3A_100 : vector<1x256xf32> to vector<1000x256xf32>
    %add3A_102 = arith.addf %add3A_97, %add3A_101 : vector<1000x256xf32>
    %logistic3A = arith.negf %add3A_102 : vector<1000x256xf32>
    %logistic3A_103 = math.exp %logistic3A : vector<1000x256xf32>
    %logistic3A_104 = arith.constant 1.000000e+00 : f32
    %logistic3A_105 = vector.broadcast %logistic3A_104 : f32 to vector<1000x256xf32>
    %logistic3A_106 = arith.addf %logistic3A_105, %logistic3A_103 : vector<1000x256xf32>
    %logistic3A_107 = arith.divf %logistic3A_105, %logistic3A_106 : vector<1000x256xf32>
    %mul3A_108 = arith.mulf %add3A_102, %logistic3A_107 : vector<1000x256xf32>
    %swap3A = arith.constant 0 : index
    %swap3A_109 = arith.constant 0 : index
    %swap3A_110 = arith.constant 0 : index
    %swap3A_111 = vector.load %arg17[%swap3A, %swap3A_109, %swap3A_110] : memref<4x1000x256xf32, #tpu.memory_space<vmem>>, vector<1x1000x256xf32>
    %swap3A_112 = vector.shape_cast %swap3A_111 : vector<1x1000x256xf32> to vector<1000x256xf32>
    %swap3A_113 = vector.shape_cast %mul3A_108 : vector<1000x256xf32> to vector<1x1000x256xf32>
    tpu.vector_store %arg17[%swap3A, %swap3A_109, %swap3A_110], %swap3A_113 {strides = array<i32>} : memref<4x1000x256xf32, #tpu.memory_space<vmem>>, vector<1x1000x256xf32>,
    %get3A_114 = arith.constant 1 : index
    %get3A_115 = arith.constant 0 : index
    %get3A_116 = arith.constant 0 : index
    %get3A_117 = vector.load %arg1[%get3A_114, %get3A_115, %get3A_116] : memref<4x1000x128xf32, #tpu.memory_space<vmem>>, vector<1x1000x128xf32>
    %get3A_118 = vector.shape_cast %get3A_117 : vector<1x1000x128xf32> to vector<1000x128xf32>
    %get3A_119 = arith.constant 1 : index
    %get3A_120 = arith.constant 0 : index
    %get3A_121 = arith.constant 0 : index
    %get3A_122 = arith.constant 0 : index
    %get3A_123 = vector.load %arg2[%get3A_119, %get3A_120, %get3A_121, %get3A_122] : memref<4x2x1000x64xbf16, #tpu.memory_space<vmem>>, vector<1x1x1000x64xbf16>
    %get3A_124 = vector.shape_cast %get3A_123 : vector<1x1x1000x64xbf16> to vector<1000x64xbf16>
    %get3A_125 = arith.constant 1 : index
    %get3A_126 = arith.constant 1 : index
    %get3A_127 = arith.constant 0 : index
    %get3A_128 = arith.constant 0 : index
    %get3A_129 = vector.load %arg2[%get3A_125, %get3A_126, %get3A_127, %get3A_128] : memref<4x2x1000x64xbf16, #tpu.memory_space<vmem>>, vector<1x1x1000x64xbf16>
    %get3A_130 = vector.shape_cast %get3A_129 : vector<1x1x1000x64xbf16> to vector<1000x64xbf16>
    %concatenate3A_131 = tpu.concatenate %get3A_124, %get3A_130 in 1 : vector<1000x64xbf16>, vector<1000x64xbf16> -> vector<1000x128xbf16>
    %convert_element_type3A_132 = arith.extf %concatenate3A_131 : vector<1000x128xbf16> to vector<1000x128xf32>
    %get3A_133 = arith.constant 1 : index
    %get3A_134 = arith.constant 0 : index
    %get3A_135 = arith.constant 0 : index
    %get3A_136 = vector.load %arg3[%get3A_133, %get3A_134, %get3A_135] : memref<4x1000x32xf32, #tpu.memory_space<vmem>>, vector<1x1000x32xf32>
    %get3A_137 = vector.shape_cast %get3A_136 : vector<1x1000x32xf32> to vector<1000x32xf32>
    %reduce_sum3A_138 = arith.constant dense<0.000000e+00> : vector<1000xf32>
    %reduce_sum3A_139 = vector.multi_reduction <add>, %get3A_137, %reduce_sum3A_138 [1] : vector<1000x32xf32> to vector<1000xf32>
    %broadcast_in_dim3A_140 = vector.shape_cast %reduce_sum3A_139 : vector<1000xf32> to vector<1000x1xf32>
    %max3A_141 = arith.constant 1.000000e+00 : f32
    %max3A_142 = vector.broadcast %max3A_141 : f32 to vector<1000x1xf32>
    %max3A_143 = arith.maximumf %broadcast_in_dim3A_140, %max3A_142 : vector<1000x1xf32>
    %div3A_144 = vector.broadcast %max3A_143 : vector<1000x1xf32> to vector<1000x128xf32>
    %div3A_145 = arith.divf %convert_element_type3A_132, %div3A_144 : vector<1000x128xf32>
    %get3A_146 = arith.constant 0 : index
    %get3A_147 = arith.constant 0 : index
    %get3A_148 = vector.load %arg4[%get3A_146, %get3A_147] : memref<128x512xf32, #tpu.memory_space<vmem>>, vector<128x512xf32>
    %dot_general3A_149 = arith.constant dense<0.000000e+00> : vector<1000x512xf32>
    %dot_general3A_150 = tpu.matmul %get3A_118, %get3A_148, %dot_general3A_149 {dimension_numbers = #tpu.dot_dimension_numbers<[1], [0], [0], [1], [0, 0, 1, 1], [], []>, transpose_lhs_hint = false} : vector<1000x128xf32>, vector<128x512xf32>, vector<1000x512xf32> -> vector<1000x512xf32>
    %slice3A_151 = vector.extract_strided_slice %dot_general3A_150 {offsets = [0, 0], sizes = [1000, 256], strides = [1, 1]} : vector<1000x512xf32> to vector<1000x256xf32>
    %get3A_152 = arith.constant 0 : index
    %get3A_153 = arith.constant 0 : index
    %get3A_154 = vector.load %arg5[%get3A_152, %get3A_153] : memref<128x256xf32, #tpu.memory_space<vmem>>, vector<128x256xf32>
    %dot_general3A_155 = arith.constant dense<0.000000e+00> : vector<1000x256xf32>
    %dot_general3A_156 = tpu.matmul %div3A_145, %get3A_154, %dot_general3A_155 {dimension_numbers = #tpu.dot_dimension_numbers<[1], [0], [0], [1], [0, 0, 1, 1], [], []>, transpose_lhs_hint = false} : vector<1000x128xf32>, vector<128x256xf32>, vector<1000x256xf32> -> vector<1000x256xf32>
    %add3A_157 = arith.addf %slice3A_151, %dot_general3A_156 : vector<1000x256xf32>
    %get3A_158 = arith.constant 0 : index
    %get3A_159 = arith.constant 0 : index
    %get3A_160 = vector.load %arg6[%get3A_158, %get3A_159] : memref<1x256xf32, #tpu.memory_space<vmem>>, vector<1x256xf32>
    %add3A_161 = vector.broadcast %get3A_160 : vector<1x256xf32> to vector<1000x256xf32>
    %add3A_162 = arith.addf %add3A_157, %add3A_161 : vector<1000x256xf32>
    %get3A_163 = arith.constant 0 : index
    %get3A_164 = arith.constant 0 : index
    %get3A_165 = vector.load %arg7[%get3A_163, %get3A_164] : memref<256x256xf32, #tpu.memory_space<vmem>>, vector<256x256xf32>
    %dot_general3A_166 = arith.constant dense<0.000000e+00> : vector<1000x256xf32>
    %dot_general3A_167 = tpu.matmul %add3A_162, %get3A_165, %dot_general3A_166 {dimension_numbers = #tpu.dot_dimension_numbers<[1], [0], [0], [1], [0, 0, 1, 1], [], []>, transpose_lhs_hint = false} : vector<1000x256xf32>, vector<256x256xf32>, vector<1000x256xf32> -> vector<1000x256xf32>
    %get3A_168 = arith.constant 0 : index
    %get3A_169 = arith.constant 0 : index
    %get3A_170 = vector.load %arg8[%get3A_168, %get3A_169] : memref<256x256xf32, #tpu.memory_space<vmem>>, vector<256x256xf32>
    %dot_general3A_171 = arith.constant dense<0.000000e+00> : vector<1000x256xf32>
    %dot_general3A_172 = tpu.matmul %add3A_49, %get3A_170, %dot_general3A_171 {dimension_numbers = #tpu.dot_dimension_numbers<[1], [0], [0], [1], [0, 0, 1, 1], [], []>, transpose_lhs_hint = false} : vector<1000x256xf32>, vector<256x256xf32>, vector<1000x256xf32> -> vector<1000x256xf32>
    %add3A_173 = arith.addf %dot_general3A_167, %dot_general3A_172 : vector<1000x256xf32>
    %get3A_174 = arith.constant 0 : index
    %get3A_175 = arith.constant 0 : index
    %get3A_176 = vector.load %arg9[%get3A_174, %get3A_175] : memref<1x256xf32, #tpu.memory_space<vmem>>, vector<1x256xf32>
    %add3A_177 = vector.broadcast %get3A_176 : vector<1x256xf32> to vector<1000x256xf32>
    %add3A_178 = arith.addf %add3A_173, %add3A_177 : vector<1000x256xf32>
    %logistic3A_179 = arith.negf %add3A_178 : vector<1000x256xf32>
    %logistic3A_180 = math.exp %logistic3A_179 : vector<1000x256xf32>
    %logistic3A_181 = arith.constant 1.000000e+00 : f32
    %logistic3A_182 = vector.broadcast %logistic3A_181 : f32 to vector<1000x256xf32>
    %logistic3A_183 = arith.addf %logistic3A_182, %logistic3A_180 : vector<1000x256xf32>
    %logistic3A_184 = arith.divf %logistic3A_182, %logistic3A_183 : vector<1000x256xf32>
    %mul3A_185 = arith.mulf %logistic3A_184, %add3A_162 : vector<1000x256xf32>
    %sub3A_186 = arith.constant 1.000000e+00 : f32
    %sub3A_187 = vector.broadcast %sub3A_186 : f32 to vector<1000x256xf32>
    %sub3A_188 = arith.subf %sub3A_187, %logistic3A_184 : vector<1000x256xf32>
    %mul3A_189 = arith.mulf %sub3A_188, %add3A_49 : vector<1000x256xf32>
    %add3A_190 = arith.addf %mul3A_185, %mul3A_189 : vector<1000x256xf32>
    %get3A_191 = arith.constant 0 : index
    %get3A_192 = arith.constant 0 : index
    %get3A_193 = vector.load %arg10[%get3A_191, %get3A_192] : memref<1x256xf32, #tpu.memory_space<vmem>>, vector<1x256xf32>
    %mul3A_194 = vector.broadcast %get3A_193 : vector<1x256xf32> to vector<1000x256xf32>
    %mul3A_195 = arith.mulf %add3A_190, %mul3A_194 : vector<1000x256xf32>
    %reduce_sum3A_196 = arith.constant dense<0.000000e+00> : vector<1000xf32>
    %reduce_sum3A_197 = vector.multi_reduction <add>, %mul3A_195, %reduce_sum3A_196 [1] : vector<1000x256xf32> to vector<1000xf32>
    %broadcast_in_dim3A_198 = vector.shape_cast %reduce_sum3A_197 : vector<1000xf32> to vector<1000x1xf32>
    %get3A_199 = arith.constant 0 : index
    %get3A_200 = arith.constant 0 : index
    %get3A_201 = vector.load %arg11[%get3A_199, %get3A_200] : memref<1x1xf32, #tpu.memory_space<vmem>>, vector<1x1xf32>
    %add3A_202 = vector.broadcast %get3A_201 : vector<1x1xf32> to vector<1000x1xf32>
    %add3A_203 = arith.addf %broadcast_in_dim3A_198, %add3A_202 : vector<1000x1xf32>
    %custom_jvp_call3A_204 = arith.constant 0.000000e+00 : f32
    %max3A_205 = vector.broadcast %custom_jvp_call3A_204 : f32 to vector<1000x1xf32>
    %max3A_206 = arith.maximumf %add3A_203, %max3A_205 : vector<1000x1xf32>
    %sub3A_207 = vector.broadcast %custom_jvp_call3A_204 : f32 to vector<1000x1xf32>
    %sub3A_208 = arith.subf %add3A_203, %sub3A_207 : vector<1000x1xf32>
    %ne3A_209 = arith.cmpf one, %sub3A_208, %sub3A_208 : vector<1000x1xf32>
    %add3A_210 = vector.broadcast %custom_jvp_call3A_204 : f32 to vector<1000x1xf32>
    %add3A_211 = arith.addf %add3A_203, %add3A_210 : vector<1000x1xf32>
    %abs3A_212 = math.absf %sub3A_208 : vector<1000x1xf32>
    %neg3A_213 = arith.constant 0.000000e+00 : f32
    %neg3A_214 = vector.broadcast %neg3A_213 : f32 to vector<1000x1xf32>
    %neg3A_215 = arith.subf %neg3A_214, %abs3A_212 : vector<1000x1xf32>
    %exp3A_216 = math.exp %neg3A_215 : vector<1000x1xf32>
    %log1p3A_217 = math.log1p %exp3A_216 : vector<1000x1xf32>
    %add3A_218 = arith.addf %max3A_206, %log1p3A_217 : vector<1000x1xf32>
    %select_n3A_219 = arith.select %ne3A_209, %add3A_211, %add3A_218 : vector<1000x1xi1>, vector<1000x1xf32>
    %neg3A_220 = arith.constant 0.000000e+00 : f32
    %neg3A_221 = vector.broadcast %neg3A_220 : f32 to vector<1000x1xf32>
    %neg3A_222 = arith.subf %neg3A_221, %select_n3A_219 : vector<1000x1xf32>
    %mul3A_223 = vector.broadcast %neg3A_222 : vector<1000x1xf32> to vector<1000x16xf32>
    %mul3A_224 = vector.broadcast %select_n3A : vector<1x16xf32> to vector<1000x16xf32>
    %mul3A_225 = arith.mulf %mul3A_223, %mul3A_224 : vector<1000x16xf32>
    %exp3A_226 = math.exp %mul3A_225 : vector<1000x16xf32>
    %get3A_227 = arith.constant 0 : index
    %get3A_228 = arith.constant 0 : index
    %get3A_229 = vector.load %arg13[%get3A_227, %get3A_228] : memref<256x16xf32, #tpu.memory_space<vmem>>, vector<256x16xf32>
    %dot_general3A_230 = arith.constant dense<0.000000e+00> : vector<1000x16xf32>
    %dot_general3A_231 = tpu.matmul %add3A_190, %get3A_229, %dot_general3A_230 {dimension_numbers = #tpu.dot_dimension_numbers<[1], [0], [0], [1], [0, 0, 1, 1], [], []>, transpose_lhs_hint = false} : vector<1000x256xf32>, vector<256x16xf32>, vector<1000x16xf32> -> vector<1000x16xf32>
    %mul3A_232 = arith.mulf %mul3A_84, %exp3A_226 : vector<1000x16xf32>
    %mul3A_233 = vector.broadcast %select_n3A_219 : vector<1000x1xf32> to vector<1000x16xf32>
    %mul3A_234 = arith.mulf %dot_general3A_231, %mul3A_233 : vector<1000x16xf32>
    %add3A_235 = arith.addf %mul3A_232, %mul3A_234 : vector<1000x16xf32>
    %get3A_236 = arith.constant 0 : index
    %get3A_237 = arith.constant 0 : index
    %get3A_238 = vector.load %arg14[%get3A_236, %get3A_237] : memref<16x256xf32, #tpu.memory_space<vmem>>, vector<16x256xf32>
    %dot_general3A_239 = arith.constant dense<0.000000e+00> : vector<1000x256xf32>
    %dot_general3A_240 = tpu.matmul %add3A_235, %get3A_238, %dot_general3A_239 {dimension_numbers = #tpu.dot_dimension_numbers<[1], [0], [0], [1], [0, 0, 1, 1], [], []>, transpose_lhs_hint = false} : vector<1000x16xf32>, vector<16x256xf32>, vector<1000x256xf32> -> vector<1000x256xf32>
    %get3A_241 = arith.constant 0 : index
    %get3A_242 = arith.constant 0 : index
    %get3A_243 = vector.load %arg15[%get3A_241, %get3A_242] : memref<1x256xf32, #tpu.memory_space<vmem>>, vector<1x256xf32>
    %mul3A_244 = vector.broadcast %get3A_243 : vector<1x256xf32> to vector<1000x256xf32>
    %mul3A_245 = arith.mulf %add3A_190, %mul3A_244 : vector<1000x256xf32>
    %add3A_246 = arith.addf %dot_general3A_240, %mul3A_245 : vector<1000x256xf32>
    %slice3A_247 = vector.extract_strided_slice %dot_general3A_150 {offsets = [0, 256], sizes = [1000, 256], strides = [1, 1]} : vector<1000x512xf32> to vector<1000x256xf32>
    %add3A_248 = arith.addf %add3A_246, %slice3A_247 : vector<1000x256xf32>
    %get3A_249 = arith.constant 0 : index
    %get3A_250 = arith.constant 0 : index
    %get3A_251 = vector.load %arg16[%get3A_249, %get3A_250] : memref<1x256xf32, #tpu.memory_space<vmem>>, vector<1x256xf32>
    %add3A_252 = vector.broadcast %get3A_251 : vector<1x256xf32> to vector<1000x256xf32>
    %add3A_253 = arith.addf %add3A_248, %add3A_252 : vector<1000x256xf32>
    %logistic3A_254 = arith.negf %add3A_253 : vector<1000x256xf32>
    %logistic3A_255 = math.exp %logistic3A_254 : vector<1000x256xf32>
    %logistic3A_256 = arith.constant 1.000000e+00 : f32
    %logistic3A_257 = vector.broadcast %logistic3A_256 : f32 to vector<1000x256xf32>
    %logistic3A_258 = arith.addf %logistic3A_257, %logistic3A_255 : vector<1000x256xf32>
    %logistic3A_259 = arith.divf %logistic3A_257, %logistic3A_258 : vector<1000x256xf32>
    %mul3A_260 = arith.mulf %add3A_253, %logistic3A_259 : vector<1000x256xf32>
    %swap3A_261 = arith.constant 1 : index
    %swap3A_262 = arith.constant 0 : index
    %swap3A_263 = arith.constant 0 : index
    %swap3A_264 = vector.load %arg17[%swap3A_261, %swap3A_262, %swap3A_263] : memref<4x1000x256xf32, #tpu.memory_space<vmem>>, vector<1x1000x256xf32>
    %swap3A_265 = vector.shape_cast %swap3A_264 : vector<1x1000x256xf32> to vector<1000x256xf32>
    %swap3A_266 = vector.shape_cast %mul3A_260 : vector<1000x256xf32> to vector<1x1000x256xf32>
    tpu.vector_store %arg17[%swap3A_261, %swap3A_262, %swap3A_263], %swap3A_266 {strides = array<i32>} : memref<4x1000x256xf32, #tpu.memory_space<vmem>>, vector<1x1000x256xf32>,
    %get3A_267 = arith.constant 2 : index
    %get3A_268 = arith.constant 0 : index
    %get3A_269 = arith.constant 0 : index
    %get3A_270 = vector.load %arg1[%get3A_267, %get3A_268, %get3A_269] : memref<4x1000x128xf32, #tpu.memory_space<vmem>>, vector<1x1000x128xf32>
    %get3A_271 = vector.shape_cast %get3A_270 : vector<1x1000x128xf32> to vector<1000x128xf32>
    %get3A_272 = arith.constant 2 : index
    %get3A_273 = arith.constant 0 : index
    %get3A_274 = arith.constant 0 : index
    %get3A_275 = arith.constant 0 : index
    %get3A_276 = vector.load %arg2[%get3A_272, %get3A_273, %get3A_274, %get3A_275] : memref<4x2x1000x64xbf16, #tpu.memory_space<vmem>>, vector<1x1x1000x64xbf16>
    %get3A_277 = vector.shape_cast %get3A_276 : vector<1x1x1000x64xbf16> to vector<1000x64xbf16>
    %get3A_278 = arith.constant 2 : index
    %get3A_279 = arith.constant 1 : index
    %get3A_280 = arith.constant 0 : index
    %get3A_281 = arith.constant 0 : index
    %get3A_282 = vector.load %arg2[%get3A_278, %get3A_279, %get3A_280, %get3A_281] : memref<4x2x1000x64xbf16, #tpu.memory_space<vmem>>, vector<1x1x1000x64xbf16>
    %get3A_283 = vector.shape_cast %get3A_282 : vector<1x1x1000x64xbf16> to vector<1000x64xbf16>
    %concatenate3A_284 = tpu.concatenate %get3A_277, %get3A_283 in 1 : vector<1000x64xbf16>, vector<1000x64xbf16> -> vector<1000x128xbf16>
    %convert_element_type3A_285 = arith.extf %concatenate3A_284 : vector<1000x128xbf16> to vector<1000x128xf32>
    %get3A_286 = arith.constant 2 : index
    %get3A_287 = arith.constant 0 : index
    %get3A_288 = arith.constant 0 : index
    %get3A_289 = vector.load %arg3[%get3A_286, %get3A_287, %get3A_288] : memref<4x1000x32xf32, #tpu.memory_space<vmem>>, vector<1x1000x32xf32>
    %get3A_290 = vector.shape_cast %get3A_289 : vector<1x1000x32xf32> to vector<1000x32xf32>
    %reduce_sum3A_291 = arith.constant dense<0.000000e+00> : vector<1000xf32>
    %reduce_sum3A_292 = vector.multi_reduction <add>, %get3A_290, %reduce_sum3A_291 [1] : vector<1000x32xf32> to vector<1000xf32>
    %broadcast_in_dim3A_293 = vector.shape_cast %reduce_sum3A_292 : vector<1000xf32> to vector<1000x1xf32>
    %max3A_294 = arith.constant 1.000000e+00 : f32
    %max3A_295 = vector.broadcast %max3A_294 : f32 to vector<1000x1xf32>
    %max3A_296 = arith.maximumf %broadcast_in_dim3A_293, %max3A_295 : vector<1000x1xf32>
    %div3A_297 = vector.broadcast %max3A_296 : vector<1000x1xf32> to vector<1000x128xf32>
    %div3A_298 = arith.divf %convert_element_type3A_285, %div3A_297 : vector<1000x128xf32>
    %get3A_299 = arith.constant 0 : index
    %get3A_300 = arith.constant 0 : index
    %get3A_301 = vector.load %arg4[%get3A_299, %get3A_300] : memref<128x512xf32, #tpu.memory_space<vmem>>, vector<128x512xf32>
    %dot_general3A_302 = arith.constant dense<0.000000e+00> : vector<1000x512xf32>
    %dot_general3A_303 = tpu.matmul %get3A_271, %get3A_301, %dot_general3A_302 {dimension_numbers = #tpu.dot_dimension_numbers<[1], [0], [0], [1], [0, 0, 1, 1], [], []>, transpose_lhs_hint = false} : vector<1000x128xf32>, vector<128x512xf32>, vector<1000x512xf32> -> vector<1000x512xf32>
    %slice3A_304 = vector.extract_strided_slice %dot_general3A_303 {offsets = [0, 0], sizes = [1000, 256], strides = [1, 1]} : vector<1000x512xf32> to vector<1000x256xf32>
    %get3A_305 = arith.constant 0 : index
    %get3A_306 = arith.constant 0 : index
    %get3A_307 = vector.load %arg5[%get3A_305, %get3A_306] : memref<128x256xf32, #tpu.memory_space<vmem>>, vector<128x256xf32>
    %dot_general3A_308 = arith.constant dense<0.000000e+00> : vector<1000x256xf32>
    %dot_general3A_309 = tpu.matmul %div3A_298, %get3A_307, %dot_general3A_308 {dimension_numbers = #tpu.dot_dimension_numbers<[1], [0], [0], [1], [0, 0, 1, 1], [], []>, transpose_lhs_hint = false} : vector<1000x128xf32>, vector<128x256xf32>, vector<1000x256xf32> -> vector<1000x256xf32>
    %add3A_310 = arith.addf %slice3A_304, %dot_general3A_309 : vector<1000x256xf32>
    %get3A_311 = arith.constant 0 : index
    %get3A_312 = arith.constant 0 : index
    %get3A_313 = vector.load %arg6[%get3A_311, %get3A_312] : memref<1x256xf32, #tpu.memory_space<vmem>>, vector<1x256xf32>
    %add3A_314 = vector.broadcast %get3A_313 : vector<1x256xf32> to vector<1000x256xf32>
    %add3A_315 = arith.addf %add3A_310, %add3A_314 : vector<1000x256xf32>
    %get3A_316 = arith.constant 0 : index
    %get3A_317 = arith.constant 0 : index
    %get3A_318 = vector.load %arg7[%get3A_316, %get3A_317] : memref<256x256xf32, #tpu.memory_space<vmem>>, vector<256x256xf32>
    %dot_general3A_319 = arith.constant dense<0.000000e+00> : vector<1000x256xf32>
    %dot_general3A_320 = tpu.matmul %add3A_315, %get3A_318, %dot_general3A_319 {dimension_numbers = #tpu.dot_dimension_numbers<[1], [0], [0], [1], [0, 0, 1, 1], [], []>, transpose_lhs_hint = false} : vector<1000x256xf32>, vector<256x256xf32>, vector<1000x256xf32> -> vector<1000x256xf32>
    %get3A_321 = arith.constant 0 : index
    %get3A_322 = arith.constant 0 : index
    %get3A_323 = vector.load %arg8[%get3A_321, %get3A_322] : memref<256x256xf32, #tpu.memory_space<vmem>>, vector<256x256xf32>
    %dot_general3A_324 = arith.constant dense<0.000000e+00> : vector<1000x256xf32>
    %dot_general3A_325 = tpu.matmul %add3A_162, %get3A_323, %dot_general3A_324 {dimension_numbers = #tpu.dot_dimension_numbers<[1], [0], [0], [1], [0, 0, 1, 1], [], []>, transpose_lhs_hint = false} : vector<1000x256xf32>, vector<256x256xf32>, vector<1000x256xf32> -> vector<1000x256xf32>
    %add3A_326 = arith.addf %dot_general3A_320, %dot_general3A_325 : vector<1000x256xf32>
    %get3A_327 = arith.constant 0 : index
    %get3A_328 = arith.constant 0 : index
    %get3A_329 = vector.load %arg9[%get3A_327, %get3A_328] : memref<1x256xf32, #tpu.memory_space<vmem>>, vector<1x256xf32>
    %add3A_330 = vector.broadcast %get3A_329 : vector<1x256xf32> to vector<1000x256xf32>
    %add3A_331 = arith.addf %add3A_326, %add3A_330 : vector<1000x256xf32>
    %logistic3A_332 = arith.negf %add3A_331 : vector<1000x256xf32>
    %logistic3A_333 = math.exp %logistic3A_332 : vector<1000x256xf32>
    %logistic3A_334 = arith.constant 1.000000e+00 : f32
    %logistic3A_335 = vector.broadcast %logistic3A_334 : f32 to vector<1000x256xf32>
    %logistic3A_336 = arith.addf %logistic3A_335, %logistic3A_333 : vector<1000x256xf32>
    %logistic3A_337 = arith.divf %logistic3A_335, %logistic3A_336 : vector<1000x256xf32>
    %mul3A_338 = arith.mulf %logistic3A_337, %add3A_315 : vector<1000x256xf32>
    %sub3A_339 = arith.constant 1.000000e+00 : f32
    %sub3A_340 = vector.broadcast %sub3A_339 : f32 to vector<1000x256xf32>
    %sub3A_341 = arith.subf %sub3A_340, %logistic3A_337 : vector<1000x256xf32>
    %mul3A_342 = arith.mulf %sub3A_341, %add3A_162 : vector<1000x256xf32>
    %add3A_343 = arith.addf %mul3A_338, %mul3A_342 : vector<1000x256xf32>
    %get3A_344 = arith.constant 0 : index
    %get3A_345 = arith.constant 0 : index
    %get3A_346 = vector.load %arg10[%get3A_344, %get3A_345] : memref<1x256xf32, #tpu.memory_space<vmem>>, vector<1x256xf32>
    %mul3A_347 = vector.broadcast %get3A_346 : vector<1x256xf32> to vector<1000x256xf32>
    %mul3A_348 = arith.mulf %add3A_343, %mul3A_347 : vector<1000x256xf32>
    %reduce_sum3A_349 = arith.constant dense<0.000000e+00> : vector<1000xf32>
    %reduce_sum3A_350 = vector.multi_reduction <add>, %mul3A_348, %reduce_sum3A_349 [1] : vector<1000x256xf32> to vector<1000xf32>
    %broadcast_in_dim3A_351 = vector.shape_cast %reduce_sum3A_350 : vector<1000xf32> to vector<1000x1xf32>
    %get3A_352 = arith.constant 0 : index
    %get3A_353 = arith.constant 0 : index
    %get3A_354 = vector.load %arg11[%get3A_352, %get3A_353] : memref<1x1xf32, #tpu.memory_space<vmem>>, vector<1x1xf32>
    %add3A_355 = vector.broadcast %get3A_354 : vector<1x1xf32> to vector<1000x1xf32>
    %add3A_356 = arith.addf %broadcast_in_dim3A_351, %add3A_355 : vector<1000x1xf32>
    %custom_jvp_call3A_357 = arith.constant 0.000000e+00 : f32
    %max3A_358 = vector.broadcast %custom_jvp_call3A_357 : f32 to vector<1000x1xf32>
    %max3A_359 = arith.maximumf %add3A_356, %max3A_358 : vector<1000x1xf32>
    %sub3A_360 = vector.broadcast %custom_jvp_call3A_357 : f32 to vector<1000x1xf32>
    %sub3A_361 = arith.subf %add3A_356, %sub3A_360 : vector<1000x1xf32>
    %ne3A_362 = arith.cmpf one, %sub3A_361, %sub3A_361 : vector<1000x1xf32>
    %add3A_363 = vector.broadcast %custom_jvp_call3A_357 : f32 to vector<1000x1xf32>
    %add3A_364 = arith.addf %add3A_356, %add3A_363 : vector<1000x1xf32>
    %abs3A_365 = math.absf %sub3A_361 : vector<1000x1xf32>
    %neg3A_366 = arith.constant 0.000000e+00 : f32
    %neg3A_367 = vector.broadcast %neg3A_366 : f32 to vector<1000x1xf32>
    %neg3A_368 = arith.subf %neg3A_367, %abs3A_365 : vector<1000x1xf32>
    %exp3A_369 = math.exp %neg3A_368 : vector<1000x1xf32>
    %log1p3A_370 = math.log1p %exp3A_369 : vector<1000x1xf32>
    %add3A_371 = arith.addf %max3A_359, %log1p3A_370 : vector<1000x1xf32>
    %select_n3A_372 = arith.select %ne3A_362, %add3A_364, %add3A_371 : vector<1000x1xi1>, vector<1000x1xf32>
    %neg3A_373 = arith.constant 0.000000e+00 : f32
    %neg3A_374 = vector.broadcast %neg3A_373 : f32 to vector<1000x1xf32>
    %neg3A_375 = arith.subf %neg3A_374, %select_n3A_372 : vector<1000x1xf32>
    %mul3A_376 = vector.broadcast %neg3A_375 : vector<1000x1xf32> to vector<1000x16xf32>
    %mul3A_377 = vector.broadcast %select_n3A : vector<1x16xf32> to vector<1000x16xf32>
    %mul3A_378 = arith.mulf %mul3A_376, %mul3A_377 : vector<1000x16xf32>
    %exp3A_379 = math.exp %mul3A_378 : vector<1000x16xf32>
    %get3A_380 = arith.constant 0 : index
    %get3A_381 = arith.constant 0 : index
    %get3A_382 = vector.load %arg13[%get3A_380, %get3A_381] : memref<256x16xf32, #tpu.memory_space<vmem>>, vector<256x16xf32>
    %dot_general3A_383 = arith.constant dense<0.000000e+00> : vector<1000x16xf32>
    %dot_general3A_384 = tpu.matmul %add3A_343, %get3A_382, %dot_general3A_383 {dimension_numbers = #tpu.dot_dimension_numbers<[1], [0], [0], [1], [0, 0, 1, 1], [], []>, transpose_lhs_hint = false} : vector<1000x256xf32>, vector<256x16xf32>, vector<1000x16xf32> -> vector<1000x16xf32>
    %mul3A_385 = arith.mulf %add3A_235, %exp3A_379 : vector<1000x16xf32>
    %mul3A_386 = vector.broadcast %select_n3A_372 : vector<1000x1xf32> to vector<1000x16xf32>
    %mul3A_387 = arith.mulf %dot_general3A_384, %mul3A_386 : vector<1000x16xf32>
    %add3A_388 = arith.addf %mul3A_385, %mul3A_387 : vector<1000x16xf32>
    %get3A_389 = arith.constant 0 : index
    %get3A_390 = arith.constant 0 : index
    %get3A_391 = vector.load %arg14[%get3A_389, %get3A_390] : memref<16x256xf32, #tpu.memory_space<vmem>>, vector<16x256xf32>
    %dot_general3A_392 = arith.constant dense<0.000000e+00> : vector<1000x256xf32>
    %dot_general3A_393 = tpu.matmul %add3A_388, %get3A_391, %dot_general3A_392 {dimension_numbers = #tpu.dot_dimension_numbers<[1], [0], [0], [1], [0, 0, 1, 1], [], []>, transpose_lhs_hint = false} : vector<1000x16xf32>, vector<16x256xf32>, vector<1000x256xf32> -> vector<1000x256xf32>
    %get3A_394 = arith.constant 0 : index
    %get3A_395 = arith.constant 0 : index
    %get3A_396 = vector.load %arg15[%get3A_394, %get3A_395] : memref<1x256xf32, #tpu.memory_space<vmem>>, vector<1x256xf32>
    %mul3A_397 = vector.broadcast %get3A_396 : vector<1x256xf32> to vector<1000x256xf32>
    %mul3A_398 = arith.mulf %add3A_343, %mul3A_397 : vector<1000x256xf32>
    %add3A_399 = arith.addf %dot_general3A_393, %mul3A_398 : vector<1000x256xf32>
    %slice3A_400 = vector.extract_strided_slice %dot_general3A_303 {offsets = [0, 256], sizes = [1000, 256], strides = [1, 1]} : vector<1000x512xf32> to vector<1000x256xf32>
    %add3A_401 = arith.addf %add3A_399, %slice3A_400 : vector<1000x256xf32>
    %get3A_402 = arith.constant 0 : index
    %get3A_403 = arith.constant 0 : index
    %get3A_404 = vector.load %arg16[%get3A_402, %get3A_403] : memref<1x256xf32, #tpu.memory_space<vmem>>, vector<1x256xf32>
    %add3A_405 = vector.broadcast %get3A_404 : vector<1x256xf32> to vector<1000x256xf32>
    %add3A_406 = arith.addf %add3A_401, %add3A_405 : vector<1000x256xf32>
    %logistic3A_407 = arith.negf %add3A_406 : vector<1000x256xf32>
    %logistic3A_408 = math.exp %logistic3A_407 : vector<1000x256xf32>
    %logistic3A_409 = arith.constant 1.000000e+00 : f32
    %logistic3A_410 = vector.broadcast %logistic3A_409 : f32 to vector<1000x256xf32>
    %logistic3A_411 = arith.addf %logistic3A_410, %logistic3A_408 : vector<1000x256xf32>
    %logistic3A_412 = arith.divf %logistic3A_410, %logistic3A_411 : vector<1000x256xf32>
    %mul3A_413 = arith.mulf %add3A_406, %logistic3A_412 : vector<1000x256xf32>
    %swap3A_414 = arith.constant 2 : index
    %swap3A_415 = arith.constant 0 : index
    %swap3A_416 = arith.constant 0 : index
    %swap3A_417 = vector.load %arg17[%swap3A_414, %swap3A_415, %swap3A_416] : memref<4x1000x256xf32, #tpu.memory_space<vmem>>, vector<1x1000x256xf32>
    %swap3A_418 = vector.shape_cast %swap3A_417 : vector<1x1000x256xf32> to vector<1000x256xf32>
    %swap3A_419 = vector.shape_cast %mul3A_413 : vector<1000x256xf32> to vector<1x1000x256xf32>
    tpu.vector_store %arg17[%swap3A_414, %swap3A_415, %swap3A_416], %swap3A_419 {strides = array<i32>} : memref<4x1000x256xf32, #tpu.memory_space<vmem>>, vector<1x1000x256xf32>,
    %get3A_420 = arith.constant 3 : index
    %get3A_421 = arith.constant 0 : index
    %get3A_422 = arith.constant 0 : index
    %get3A_423 = vector.load %arg1[%get3A_420, %get3A_421, %get3A_422] : memref<4x1000x128xf32, #tpu.memory_space<vmem>>, vector<1x1000x128xf32>
    %get3A_424 = vector.shape_cast %get3A_423 : vector<1x1000x128xf32> to vector<1000x128xf32>
    %get3A_425 = arith.constant 3 : index
    %get3A_426 = arith.constant 0 : index
    %get3A_427 = arith.constant 0 : index
    %get3A_428 = arith.constant 0 : index
    %get3A_429 = vector.load %arg2[%get3A_425, %get3A_426, %get3A_427, %get3A_428] : memref<4x2x1000x64xbf16, #tpu.memory_space<vmem>>, vector<1x1x1000x64xbf16>
    %get3A_430 = vector.shape_cast %get3A_429 : vector<1x1x1000x64xbf16> to vector<1000x64xbf16>
    %get3A_431 = arith.constant 3 : index
    %get3A_432 = arith.constant 1 : index
    %get3A_433 = arith.constant 0 : index
    %get3A_434 = arith.constant 0 : index
    %get3A_435 = vector.load %arg2[%get3A_431, %get3A_432, %get3A_433, %get3A_434] : memref<4x2x1000x64xbf16, #tpu.memory_space<vmem>>, vector<1x1x1000x64xbf16>
    %get3A_436 = vector.shape_cast %get3A_435 : vector<1x1x1000x64xbf16> to vector<1000x64xbf16>
    %concatenate3A_437 = tpu.concatenate %get3A_430, %get3A_436 in 1 : vector<1000x64xbf16>, vector<1000x64xbf16> -> vector<1000x128xbf16>
    %convert_element_type3A_438 = arith.extf %concatenate3A_437 : vector<1000x128xbf16> to vector<1000x128xf32>
    %get3A_439 = arith.constant 3 : index
    %get3A_440 = arith.constant 0 : index
    %get3A_441 = arith.constant 0 : index
    %get3A_442 = vector.load %arg3[%get3A_439, %get3A_440, %get3A_441] : memref<4x1000x32xf32, #tpu.memory_space<vmem>>, vector<1x1000x32xf32>
    %get3A_443 = vector.shape_cast %get3A_442 : vector<1x1000x32xf32> to vector<1000x32xf32>
    %reduce_sum3A_444 = arith.constant dense<0.000000e+00> : vector<1000xf32>
    %reduce_sum3A_445 = vector.multi_reduction <add>, %get3A_443, %reduce_sum3A_444 [1] : vector<1000x32xf32> to vector<1000xf32>
    %broadcast_in_dim3A_446 = vector.shape_cast %reduce_sum3A_445 : vector<1000xf32> to vector<1000x1xf32>
    %max3A_447 = arith.constant 1.000000e+00 : f32
    %max3A_448 = vector.broadcast %max3A_447 : f32 to vector<1000x1xf32>
    %max3A_449 = arith.maximumf %broadcast_in_dim3A_446, %max3A_448 : vector<1000x1xf32>
    %div3A_450 = vector.broadcast %max3A_449 : vector<1000x1xf32> to vector<1000x128xf32>
    %div3A_451 = arith.divf %convert_element_type3A_438, %div3A_450 : vector<1000x128xf32>
    %get3A_452 = arith.constant 0 : index
    %get3A_453 = arith.constant 0 : index
    %get3A_454 = vector.load %arg4[%get3A_452, %get3A_453] : memref<128x512xf32, #tpu.memory_space<vmem>>, vector<128x512xf32>
    %dot_general3A_455 = arith.constant dense<0.000000e+00> : vector<1000x512xf32>
    %dot_general3A_456 = tpu.matmul %get3A_424, %get3A_454, %dot_general3A_455 {dimension_numbers = #tpu.dot_dimension_numbers<[1], [0], [0], [1], [0, 0, 1, 1], [], []>, transpose_lhs_hint = false} : vector<1000x128xf32>, vector<128x512xf32>, vector<1000x512xf32> -> vector<1000x512xf32>
    %slice3A_457 = vector.extract_strided_slice %dot_general3A_456 {offsets = [0, 0], sizes = [1000, 256], strides = [1, 1]} : vector<1000x512xf32> to vector<1000x256xf32>
    %get3A_458 = arith.constant 0 : index
    %get3A_459 = arith.constant 0 : index
    %get3A_460 = vector.load %arg5[%get3A_458, %get3A_459] : memref<128x256xf32, #tpu.memory_space<vmem>>, vector<128x256xf32>
    %dot_general3A_461 = arith.constant dense<0.000000e+00> : vector<1000x256xf32>
    %dot_general3A_462 = tpu.matmul %div3A_451, %get3A_460, %dot_general3A_461 {dimension_numbers = #tpu.dot_dimension_numbers<[1], [0], [0], [1], [0, 0, 1, 1], [], []>, transpose_lhs_hint = false} : vector<1000x128xf32>, vector<128x256xf32>, vector<1000x256xf32> -> vector<1000x256xf32>
    %add3A_463 = arith.addf %slice3A_457, %dot_general3A_462 : vector<1000x256xf32>
    %get3A_464 = arith.constant 0 : index
    %get3A_465 = arith.constant 0 : index
    %get3A_466 = vector.load %arg6[%get3A_464, %get3A_465] : memref<1x256xf32, #tpu.memory_space<vmem>>, vector<1x256xf32>
    %add3A_467 = vector.broadcast %get3A_466 : vector<1x256xf32> to vector<1000x256xf32>
    %add3A_468 = arith.addf %add3A_463, %add3A_467 : vector<1000x256xf32>
    %get3A_469 = arith.constant 0 : index
    %get3A_470 = arith.constant 0 : index
    %get3A_471 = vector.load %arg7[%get3A_469, %get3A_470] : memref<256x256xf32, #tpu.memory_space<vmem>>, vector<256x256xf32>
    %dot_general3A_472 = arith.constant dense<0.000000e+00> : vector<1000x256xf32>
    %dot_general3A_473 = tpu.matmul %add3A_468, %get3A_471, %dot_general3A_472 {dimension_numbers = #tpu.dot_dimension_numbers<[1], [0], [0], [1], [0, 0, 1, 1], [], []>, transpose_lhs_hint = false} : vector<1000x256xf32>, vector<256x256xf32>, vector<1000x256xf32> -> vector<1000x256xf32>
    %get3A_474 = arith.constant 0 : index
    %get3A_475 = arith.constant 0 : index
    %get3A_476 = vector.load %arg8[%get3A_474, %get3A_475] : memref<256x256xf32, #tpu.memory_space<vmem>>, vector<256x256xf32>
    %dot_general3A_477 = arith.constant dense<0.000000e+00> : vector<1000x256xf32>
    %dot_general3A_478 = tpu.matmul %add3A_315, %get3A_476, %dot_general3A_477 {dimension_numbers = #tpu.dot_dimension_numbers<[1], [0], [0], [1], [0, 0, 1, 1], [], []>, transpose_lhs_hint = false} : vector<1000x256xf32>, vector<256x256xf32>, vector<1000x256xf32> -> vector<1000x256xf32>
    %add3A_479 = arith.addf %dot_general3A_473, %dot_general3A_478 : vector<1000x256xf32>
    %get3A_480 = arith.constant 0 : index
    %get3A_481 = arith.constant 0 : index
    %get3A_482 = vector.load %arg9[%get3A_480, %get3A_481] : memref<1x256xf32, #tpu.memory_space<vmem>>, vector<1x256xf32>
    %add3A_483 = vector.broadcast %get3A_482 : vector<1x256xf32> to vector<1000x256xf32>
    %add3A_484 = arith.addf %add3A_479, %add3A_483 : vector<1000x256xf32>
    %logistic3A_485 = arith.negf %add3A_484 : vector<1000x256xf32>
    %logistic3A_486 = math.exp %logistic3A_485 : vector<1000x256xf32>
    %logistic3A_487 = arith.constant 1.000000e+00 : f32
    %logistic3A_488 = vector.broadcast %logistic3A_487 : f32 to vector<1000x256xf32>
    %logistic3A_489 = arith.addf %logistic3A_488, %logistic3A_486 : vector<1000x256xf32>
    %logistic3A_490 = arith.divf %logistic3A_488, %logistic3A_489 : vector<1000x256xf32>
    %mul3A_491 = arith.mulf %logistic3A_490, %add3A_468 : vector<1000x256xf32>
    %sub3A_492 = arith.constant 1.000000e+00 : f32
    %sub3A_493 = vector.broadcast %sub3A_492 : f32 to vector<1000x256xf32>
    %sub3A_494 = arith.subf %sub3A_493, %logistic3A_490 : vector<1000x256xf32>
    %mul3A_495 = arith.mulf %sub3A_494, %add3A_315 : vector<1000x256xf32>
    %add3A_496 = arith.addf %mul3A_491, %mul3A_495 : vector<1000x256xf32>
    %get3A_497 = arith.constant 0 : index
    %get3A_498 = arith.constant 0 : index
    %get3A_499 = vector.load %arg10[%get3A_497, %get3A_498] : memref<1x256xf32, #tpu.memory_space<vmem>>, vector<1x256xf32>
    %mul3A_500 = vector.broadcast %get3A_499 : vector<1x256xf32> to vector<1000x256xf32>
    %mul3A_501 = arith.mulf %add3A_496, %mul3A_500 : vector<1000x256xf32>
    %reduce_sum3A_502 = arith.constant dense<0.000000e+00> : vector<1000xf32>
    %reduce_sum3A_503 = vector.multi_reduction <add>, %mul3A_501, %reduce_sum3A_502 [1] : vector<1000x256xf32> to vector<1000xf32>
    %broadcast_in_dim3A_504 = vector.shape_cast %reduce_sum3A_503 : vector<1000xf32> to vector<1000x1xf32>
    %get3A_505 = arith.constant 0 : index
    %get3A_506 = arith.constant 0 : index
    %get3A_507 = vector.load %arg11[%get3A_505, %get3A_506] : memref<1x1xf32, #tpu.memory_space<vmem>>, vector<1x1xf32>
    %add3A_508 = vector.broadcast %get3A_507 : vector<1x1xf32> to vector<1000x1xf32>
    %add3A_509 = arith.addf %broadcast_in_dim3A_504, %add3A_508 : vector<1000x1xf32>
    %custom_jvp_call3A_510 = arith.constant 0.000000e+00 : f32
    %max3A_511 = vector.broadcast %custom_jvp_call3A_510 : f32 to vector<1000x1xf32>
    %max3A_512 = arith.maximumf %add3A_509, %max3A_511 : vector<1000x1xf32>
    %sub3A_513 = vector.broadcast %custom_jvp_call3A_510 : f32 to vector<1000x1xf32>
    %sub3A_514 = arith.subf %add3A_509, %sub3A_513 : vector<1000x1xf32>
    %ne3A_515 = arith.cmpf one, %sub3A_514, %sub3A_514 : vector<1000x1xf32>
    %add3A_516 = vector.broadcast %custom_jvp_call3A_510 : f32 to vector<1000x1xf32>
    %add3A_517 = arith.addf %add3A_509, %add3A_516 : vector<1000x1xf32>
    %abs3A_518 = math.absf %sub3A_514 : vector<1000x1xf32>
    %neg3A_519 = arith.constant 0.000000e+00 : f32
    %neg3A_520 = vector.broadcast %neg3A_519 : f32 to vector<1000x1xf32>
    %neg3A_521 = arith.subf %neg3A_520, %abs3A_518 : vector<1000x1xf32>
    %exp3A_522 = math.exp %neg3A_521 : vector<1000x1xf32>
    %log1p3A_523 = math.log1p %exp3A_522 : vector<1000x1xf32>
    %add3A_524 = arith.addf %max3A_512, %log1p3A_523 : vector<1000x1xf32>
    %select_n3A_525 = arith.select %ne3A_515, %add3A_517, %add3A_524 : vector<1000x1xi1>, vector<1000x1xf32>
    %neg3A_526 = arith.constant 0.000000e+00 : f32
    %neg3A_527 = vector.broadcast %neg3A_526 : f32 to vector<1000x1xf32>
    %neg3A_528 = arith.subf %neg3A_527, %select_n3A_525 : vector<1000x1xf32>
    %mul3A_529 = vector.broadcast %neg3A_528 : vector<1000x1xf32> to vector<1000x16xf32>
    %mul3A_530 = vector.broadcast %select_n3A : vector<1x16xf32> to vector<1000x16xf32>
    %mul3A_531 = arith.mulf %mul3A_529, %mul3A_530 : vector<1000x16xf32>
    %exp3A_532 = math.exp %mul3A_531 : vector<1000x16xf32>
    %get3A_533 = arith.constant 0 : index
    %get3A_534 = arith.constant 0 : index
    %get3A_535 = vector.load %arg13[%get3A_533, %get3A_534] : memref<256x16xf32, #tpu.memory_space<vmem>>, vector<256x16xf32>
    %dot_general3A_536 = arith.constant dense<0.000000e+00> : vector<1000x16xf32>
    %dot_general3A_537 = tpu.matmul %add3A_496, %get3A_535, %dot_general3A_536 {dimension_numbers = #tpu.dot_dimension_numbers<[1], [0], [0], [1], [0, 0, 1, 1], [], []>, transpose_lhs_hint = false} : vector<1000x256xf32>, vector<256x16xf32>, vector<1000x16xf32> -> vector<1000x16xf32>
    %mul3A_538 = arith.mulf %add3A_388, %exp3A_532 : vector<1000x16xf32>
    %mul3A_539 = vector.broadcast %select_n3A_525 : vector<1000x1xf32> to vector<1000x16xf32>
    %mul3A_540 = arith.mulf %dot_general3A_537, %mul3A_539 : vector<1000x16xf32>
    %add3A_541 = arith.addf %mul3A_538, %mul3A_540 : vector<1000x16xf32>
    %get3A_542 = arith.constant 0 : index
    %get3A_543 = arith.constant 0 : index
    %get3A_544 = vector.load %arg14[%get3A_542, %get3A_543] : memref<16x256xf32, #tpu.memory_space<vmem>>, vector<16x256xf32>
    %dot_general3A_545 = arith.constant dense<0.000000e+00> : vector<1000x256xf32>
    %dot_general3A_546 = tpu.matmul %add3A_541, %get3A_544, %dot_general3A_545 {dimension_numbers = #tpu.dot_dimension_numbers<[1], [0], [0], [1], [0, 0, 1, 1], [], []>, transpose_lhs_hint = false} : vector<1000x16xf32>, vector<16x256xf32>, vector<1000x256xf32> -> vector<1000x256xf32>
    %get3A_547 = arith.constant 0 : index
    %get3A_548 = arith.constant 0 : index
    %get3A_549 = vector.load %arg15[%get3A_547, %get3A_548] : memref<1x256xf32, #tpu.memory_space<vmem>>, vector<1x256xf32>
    %mul3A_550 = vector.broadcast %get3A_549 : vector<1x256xf32> to vector<1000x256xf32>
    %mul3A_551 = arith.mulf %add3A_496, %mul3A_550 : vector<1000x256xf32>
    %add3A_552 = arith.addf %dot_general3A_546, %mul3A_551 : vector<1000x256xf32>
    %slice3A_553 = vector.extract_strided_slice %dot_general3A_456 {offsets = [0, 256], sizes = [1000, 256], strides = [1, 1]} : vector<1000x512xf32> to vector<1000x256xf32>
    %add3A_554 = arith.addf %add3A_552, %slice3A_553 : vector<1000x256xf32>
    %get3A_555 = arith.constant 0 : index
    %get3A_556 = arith.constant 0 : index
    %get3A_557 = vector.load %arg16[%get3A_555, %get3A_556] : memref<1x256xf32, #tpu.memory_space<vmem>>, vector<1x256xf32>
    %add3A_558 = vector.broadcast %get3A_557 : vector<1x256xf32> to vector<1000x256xf32>
    %add3A_559 = arith.addf %add3A_554, %add3A_558 : vector<1000x256xf32>
    %logistic3A_560 = arith.negf %add3A_559 : vector<1000x256xf32>
    %logistic3A_561 = math.exp %logistic3A_560 : vector<1000x256xf32>
    %logistic3A_562 = arith.constant 1.000000e+00 : f32
    %logistic3A_563 = vector.broadcast %logistic3A_562 : f32 to vector<1000x256xf32>
    %logistic3A_564 = arith.addf %logistic3A_563, %logistic3A_561 : vector<1000x256xf32>
    %logistic3A_565 = arith.divf %logistic3A_563, %logistic3A_564 : vector<1000x256xf32>
    %mul3A_566 = arith.mulf %add3A_559, %logistic3A_565 : vector<1000x256xf32>
    %swap3A_567 = arith.constant 3 : index
    %swap3A_568 = arith.constant 0 : index
    %swap3A_569 = arith.constant 0 : index
    %swap3A_570 = vector.load %arg17[%swap3A_567, %swap3A_568, %swap3A_569] : memref<4x1000x256xf32, #tpu.memory_space<vmem>>, vector<1x1000x256xf32>
    %swap3A_571 = vector.shape_cast %swap3A_570 : vector<1x1000x256xf32> to vector<1000x256xf32>
    %swap3A_572 = vector.shape_cast %mul3A_566 : vector<1000x256xf32> to vector<1x1000x256xf32>
    tpu.vector_store %arg17[%swap3A_567, %swap3A_568, %swap3A_569], %swap3A_572 {strides = array<i32>} : memref<4x1000x256xf32, #tpu.memory_space<vmem>>, vector<1x1000x256xf32>,
    return
  }
  func.func @transform_0(%arg0: i32) -> (i32, i32, i32) {
    %c0_i32 = arith.constant 0 : i32
    %c0_i32_0 = arith.constant 0 : i32
    %c0_i32_1 = arith.constant 0 : i32
    return %c0_i32, %arg0, %c0_i32_0 : i32, i32, i32
  }
  func.func @transform_1(%arg0: i32) -> (i32, i32, i32, i32) {
    %c0_i32 = arith.constant 0 : i32
    %c0_i32_0 = arith.constant 0 : i32
    %c0_i32_1 = arith.constant 0 : i32
    %c0_i32_2 = arith.constant 0 : i32
    return %c0_i32, %c0_i32_0, %arg0, %c0_i32_1 : i32, i32, i32, i32
  }
  func.func @transform_2(%arg0: i32) -> (i32, i32, i32) {
    %c0_i32 = arith.constant 0 : i32
    %c0_i32_0 = arith.constant 0 : i32
    %c0_i32_1 = arith.constant 0 : i32
    return %c0_i32, %arg0, %c0_i32_0 : i32, i32, i32
  }
  func.func @transform_3(%arg0: i32) -> (i32, i32) {
    %c0_i32 = arith.constant 0 : i32
    %c0_i32_0 = arith.constant 0 : i32
    %c0_i32_1 = arith.constant 0 : i32
    return %c0_i32, %c0_i32_0 : i32, i32
  }
  func.func @transform_4(%arg0: i32) -> (i32, i32) {
    %c0_i32 = arith.constant 0 : i32
    %c0_i32_0 = arith.constant 0 : i32
    %c0_i32_1 = arith.constant 0 : i32
    return %c0_i32, %c0_i32_0 : i32, i32
  }
  func.func @transform_5(%arg0: i32) -> (i32, i32) {
    %c0_i32 = arith.constant 0 : i32
    %c0_i32_0 = arith.constant 0 : i32
    %c0_i32_1 = arith.constant 0 : i32
    return %c0_i32, %c0_i32_0 : i32, i32
  }
  func.func @transform_6(%arg0: i32) -> (i32, i32) {
    %c0_i32 = arith.constant 0 : i32
    %c0_i32_0 = arith.constant 0 : i32
    %c0_i32_1 = arith.constant 0 : i32
    return %c0_i32, %c0_i32_0 : i32, i32
  }
  func.func @transform_7(%arg0: i32) -> (i32, i32) {
    %c0_i32 = arith.constant 0 : i32
    %c0_i32_0 = arith.constant 0 : i32
    %c0_i32_1 = arith.constant 0 : i32
    return %c0_i32, %c0_i32_0 : i32, i32
  }
  func.func @transform_8(%arg0: i32) -> (i32, i32) {
    %c0_i32 = arith.constant 0 : i32
    %c0_i32_0 = arith.constant 0 : i32
    %c0_i32_1 = arith.constant 0 : i32
    return %c0_i32, %c0_i32_0 : i32, i32
  }
  func.func @transform_9(%arg0: i32) -> (i32, i32) {
    %c0_i32 = arith.constant 0 : i32
    %c0_i32_0 = arith.constant 0 : i32
    %c0_i32_1 = arith.constant 0 : i32
    return %c0_i32, %c0_i32_0 : i32, i32
  }
  func.func @transform_10(%arg0: i32) -> (i32, i32) {
    %c0_i32 = arith.constant 0 : i32
    %c0_i32_0 = arith.constant 0 : i32
    %c0_i32_1 = arith.constant 0 : i32
    return %c0_i32, %c0_i32_0 : i32, i32
  }
  func.func @transform_11(%arg0: i32) -> (i32, i32) {
    %c0_i32 = arith.constant 0 : i32
    %c0_i32_0 = arith.constant 0 : i32
    %c0_i32_1 = arith.constant 0 : i32
    return %c0_i32, %c0_i32_0 : i32, i32
  }
  func.func @transform_12(%arg0: i32) -> (i32, i32) {
    %c0_i32 = arith.constant 0 : i32
    %c0_i32_0 = arith.constant 0 : i32
    %c0_i32_1 = arith.constant 0 : i32
    return %c0_i32, %c0_i32_0 : i32, i32
  }
  func.func @transform_13(%arg0: i32) -> (i32, i32) {
    %c0_i32 = arith.constant 0 : i32
    %c0_i32_0 = arith.constant 0 : i32
    %c0_i32_1 = arith.constant 0 : i32
    return %c0_i32, %c0_i32_0 : i32, i32
  }
  func.func @transform_14(%arg0: i32) -> (i32, i32) {
    %c0_i32 = arith.constant 0 : i32
    %c0_i32_0 = arith.constant 0 : i32
    %c0_i32_1 = arith.constant 0 : i32
    return %c0_i32, %c0_i32_0 : i32, i32
  }
  func.func @transform_15(%arg0: i32) -> (i32, i32) {
    %c0_i32 = arith.constant 0 : i32
    %c0_i32_0 = arith.constant 0 : i32
    %c0_i32_1 = arith.constant 0 : i32
    return %c0_i32, %c0_i32_0 : i32, i32
  }
  func.func @transform_16(%arg0: i32) -> (i32, i32, i32) {
    %c0_i32 = arith.constant 0 : i32
    %c0_i32_0 = arith.constant 0 : i32
    %c0_i32_1 = arith.constant 0 : i32
    return %c0_i32, %arg0, %c0_i32_0 : i32, i32, i32
  }
}

</mosaic_0001>

<sc_bundles>
// kernel: kernel.4.cloned.1.call-start
scs
__scs_entry_jumppad:
0x0: {  	(pc) =	sbr.rel $0x88, $3  }
0x1: {  	(tag) =	ssettag $0x0;
	lr =	simm.s32 $0x1  }
0x2: {  	[smem:$0x3F92] =	sst lr;
	_ =	strace $0xD0000000  }
0x3: {  	_ = 	snop  }
0x4: {  	_ = 	snop  }
0x5: {  	_ = 	snop  }
0x6: {  	_ = 	snop  }
0x7: {  	_ = 	snop  }
__scs_overlays_trampoline_lowered:
0x8: {  	[smem:$0x3FA1] =	sst s0  }
0x9: {  	[smem:$0x3FA2] =	sst s1  }
0xa: {  	[smem:$0x3FA3] =	sst s2  }
0xb: {  	[smem:$0x3FA4] =	sst s3  }
0xc: {  	[smem:$0x3FA5] =	sst s4  }
0xd: {  	[smem:$0x3FA6] =	sst s5  }
0xe: {  	[smem:$0x3FA7] =	sst s6  }
0xf: {  	[smem:$0x3FA8] =	sst s7  }
0x10: {  	[smem:$0x3FA9] =	sst s8  }
0x11: {  	[smem:$0x3FAA] =	sst s9;
	s0 =	simm.s32 @!p0 $0x0  }
0x12: {  	s1 =	sld [smem:$0x3F90];
	s0 =	simm.s32 @p0 $0x1  }
0x13: {  	[smem:$0x3FAB] =	sst s0;
	s0 =	simm.s32 @!p1 $0x0  }
0x14: {  	s2 =	sld [smem:$0x3F8F];
	s0 =	simm.s32 @p1 $0x1  }
0x15: {  	[smem:$0x3FAC] =	sst s0;
	s0 =	simm.s32 @!p2 $0x0  }
0x16: {  	s3 =	sld [smem:$0x3FDB];
	s0 =	simm.s32 @p2 $0x1  }
0x17: {  	s4 =	simm.s32 $0x1BF5;
	[smem:$0x3FAE] =	sst s0  }
0x18: {  	s0 =	sld [smem:$0x3F91];
	_ =	swait.ge [sflag:s4], $0x0  }
0x19: {  	s7 =	sld [smem:$0x3F92]  }
0x1a: {  	s8 =	sadd.s32 $0xFFFFE003, lr  }
0x1b: {  	s9 =	sadd.s32 $0xFFFFFEF7, lr;
	s5 =	simm.s32 $0xFFFFFFFF;
	p2 =	slt.u32 s8, $0xFFFFF086  }
0x1c: {  	p1 =	slt.u32 s9, $0xF7A;
	s5 =	simm.s32 @!p2 $0x0  }
0x1d: {  	s5 =	simm.s32 @p1 $0x1;
	p0 =	seq.s32 s7, s2  }
0x1e: {  	s7 =	smul.u32 @!p0 $0xF7A, s2;
	p2 =	seq.s32 @!p0 s5, $0x0  }
0x1f: {  	s9 =	smul.u32 $0xF7A, s1;
	s8 =	simm.s32 @!p0 $0x1BF5;
	p2 =	por !p2, p0  }
0x20: {  	[sflag:s8] =	ssyncset.s32 @!p0 $0xFFFFF086;
	s6 =	sadd.s32 @!p0 s3, s7;
	s7 =	simm.s32 @!p0 $0x108  }
0x21: {  	s3 =	sadd.s32 s3, s9;
	s6 =	sadd.s32 @!p0 $0x88, s6;
	s7 =	simm.s32 @p2 $0x1082  }
0x22: {  	[simem:s7], [sflag:s8] =	dma.local @!p0 [hbm:s6], $0xF7A  }
0x23: {  	s9 =	sor.u32 $0xD0000000, s2;
	s6 =	simm.s32 $0x108;
	_ =	swait.ge @!p0 [sflag:s8], $0x0  }
0x24: {  	s3 =	sadd.s32 $0x88, s3;
	s6 =	simm.s32 @!p1 $0x1082;
	[sflag:s4] =	ssyncset.s32 $0xFFFFF086  }
0x25: {  	[simem:s6], [sflag:s4] =	dma.local [hbm:s3], $0xF7A  }
0x26: {  	[smem:$0x3F92] =	sst s1;
	(tag) =	ssettag s2;
	_ =	strace s9  }
0x27: {  	s1 =	sld [smem:$0x3FA2]  }
0x28: {  	s2 =	sld [smem:$0x3FA3]  }
0x29: {  	s4 =	sld [smem:$0x3FA5]  }
0x2a: {  	p0 =	seq.s32 s5, $0x0;
	s5 =	sld [smem:$0x3FA6]  }
0x2b: {  	s6 =	sld [smem:$0x3FA7]  }
0x2c: {  	s7 =	sld [smem:$0x3FA8]  }
0x2d: {  	s3 =	simm.s32 $0x108;
	s8 =	sld [smem:$0x3FA9]  }
0x2e: {  	s3 =	simm.s32 @!p0 $0x1082;
	s9 =	sld [smem:$0x3FAA]  }
0x2f: {  	lr =	sadd.s32 s0, s3;
	s0 =	sld [smem:$0x3FA1]  }
0x30: {  	s3 =	sld [smem:$0x3FA4]  }
0x31: {  	[smem:$0x3FAD] =	sst s10  }
0x32: {  	s10 =	sld [smem:$0x3FAB];
	_ =	sdelay $0x3  }
0x33: {  	p0 =	seq.s32 s10, $0x1;
	s10 =	sld [smem:$0x3FAD];
	_ =	sdelay $0x3  }
0x34: {  	[smem:$0x3FAD] =	sst s10  }
0x35: {  	s10 =	sld [smem:$0x3FAC];
	_ =	sdelay $0x3  }
0x36: {  	p1 =	seq.s32 s10, $0x1;
	s10 =	sld [smem:$0x3FAD];
	_ =	sdelay $0x3  }
0x37: {  	[smem:$0x3FAD] =	sst s10  }
0x38: {  	s10 =	sld [smem:$0x3FAE]  }
0x39: {  	_ = 	snop;
	(pc) =	sbr.ind lr, $3  }
0x3a: {  	_ = 	snop  }
0x3b: {  	_ = 	snop  }
0x3c: {  	p2 =	seq.s32 s10, $0x1;
	s10 =	sld [smem:$0x3FAD]  }
0x3d: {  	_ =	shalt  }
0x3e: {  	_ =	shalt  }
0x3f: {  	_ =	shalt  }
0x40: {  	_ =	shalt  }
0x41: {  	_ =	shalt  }
0x42: {  	_ =	shalt  }
0x43: {  	_ =	shalt  }
0x44: {  	_ =	shalt  }
0x45: {  	_ =	shalt  }
0x46: {  	_ =	shalt  }
0x47: {  	_ =	shalt  }
0x48: {  	_ =	shalt  }
0x49: {  	_ =	shalt  }
0x4a: {  	_ =	shalt  }
0x4b: {  	_ =	shalt  }
0x4c: {  	_ =	shalt  }
0x4d: {  	_ =	shalt  }
0x4e: {  	_ =	shalt  }
0x4f: {  	_ =	shalt  }
0x50: {  	_ =	shalt  }
0x51: {  	_ =	shalt  }
0x52: {  	_ =	shalt  }
0x53: {  	_ =	shalt  }
0x54: {  	_ =	shalt  }
0x55: {  	_ =	shalt  }
0x56: {  	_ =	shalt  }
0x57: {  	_ =	shalt  }
0x58: {  	_ =	shalt  }
0x59: {  	_ =	shalt  }
0x5a: {  	_ =	shalt  }
0x5b: {  	_ =	shalt  }
0x5c: {  	_ =	shalt  }
0x5d: {  	_ =	shalt  }
0x5e: {  	_ =	shalt  }
0x5f: {  	_ =	shalt  }
0x60: {  	_ =	shalt  }
0x61: {  	_ =	shalt  }
0x62: {  	_ =	shalt  }
0x63: {  	_ =	shalt  }
0x64: {  	_ =	shalt  }
0x65: {  	_ =	shalt  }
0x66: {  	_ =	shalt  }
0x67: {  	_ =	shalt  }
0x68: {  	_ =	shalt  }
0x69: {  	_ =	shalt  }
0x6a: {  	_ =	shalt  }
0x6b: {  	_ =	shalt  }
0x6c: {  	_ =	shalt  }
0x6d: {  	_ =	shalt  }
0x6e: {  	_ =	shalt  }
0x6f: {  	_ =	shalt  }
0x70: {  	_ =	shalt  }
0x71: {  	_ =	shalt  }
0x72: {  	_ =	shalt  }
0x73: {  	_ =	shalt  }
0x74: {  	_ =	shalt  }
0x75: {  	_ =	shalt  }
0x76: {  	_ =	shalt  }
0x77: {  	_ =	shalt  }
0x78: {  	_ =	shalt  }
0x79: {  	_ =	shalt  }
0x7a: {  	_ =	shalt  }
0x7b: {  	_ =	shalt  }
0x7c: {  	_ =	shalt  }
0x7d: {  	_ =	shalt  }
0x7e: {  	_ =	shalt  }
0x7f: {  	_ =	shalt  }
0x80: {  	_ =	shalt  }
0x81: {  	_ =	shalt  }
0x82: {  	_ =	shalt  }
0x83: {  	_ =	shalt  }
0x84: {  	_ =	shalt  }
0x85: {  	_ =	shalt  }
0x86: {  	_ =	shalt  }
0x87: {  	_ =	shalt  }
.Lfunc_end0:
.L_simem_size_0:
called_computation_lowered:
.L_overlay_start_0:
0x88: {  	s2 =	sld [smem:$0x3FD9]  }
0x89: {  	s3 =	sld [smem:$0x3FFE];
	_ =	sdelay $0x1  }
0x8a: {  	s1 =	srdreg.scid  }
0x8b: {  	s0 =	sand.u32 $0x1, s1  }
0x8c: {  	s17 =	sshll.u32 s0, $0xA;
	s2 =	sadd.s32 s3, s2  }
0x8d: {  	s2 =	sadd.s32 s2, s17  }
0x8e: {  	[smem:$0x3FB9] =	sst s2  }
0x8f: {  	_ = 	snop  }
0x90: {  	s2 =	sld [smem:$0x3FD0];
	(tm) =	ssettm $0x1  }
0x91: {  	s18 =	sld [smem:$0x3FFB];
	_ =	sdelay $0x3  }
0x92: {  	_ =	strace s18  }
0x93: {  	s3 =	sld [smem:$0x3FFC];
	_ =	sdelay $0x3  }
0x94: {  	_ =	strace s3  }
0x95: {  	s3 =	sld [smem:$0x3FFD];
	_ =	sdelay $0x3  }
0x96: {  	_ =	strace s3  }
0x97: {  	_ =	strace $0x8FFFFFFF  }
0x98: {  	s19 =	sld [smem:$0x3FDB];
	_ =	sdelay $0x1  }
0x99: {  	s4 =	simm.s32 $_scs_section_size  }
0x9a: {  	s5 =	simm.s32 $_size__tile_overlayer_lowered;
	s6 =	simm.s32 $_tile_overlayer_lowered  }
0x9b: {  	s22 =	simm.s32 $0x1BFF;
	s21 =	sshll.u32 s6, $0x1;
	s3 =	sadd.s32 s4, s19  }
0x9c: {  	s7 =	simm.s32 $0x0;
	s20 =	sshll.u32 s5, $0x1;
	s5 =	sadd.s32 s21, s3  }
0x9d: {  	[timem:s7], [sflag:s22] =	dma.local [hbm:s5], s20  }
0x9e: {  	_ =	swait.ge [sflag:s22], s20  }
0x9f: {  	s4 =	ssub.s32 $0x0, s20;
	[sflag:s22] =	ssyncset.done $0x0  }
0xa0: {  	[sflag:s22] =	ssyncadd.s32 s4;
	_ =	sdelay $0x1  }
0xa1: {  	s23 =	simm.s32 $0x1B8B  }
0xa2: {  	_ =	swait.ge [sflag:s23], $0x1  }
0xa3: {  	[sflag:s23] =	ssyncset.done $0x0  }
0xa4: {  	s25 =	simm.s32 $0x1B8E;
	s24 =	sld [smem:$0x3FFE];
	[sflag:s23] =	ssyncadd.s32 $0xFFFFFFFF  }
0xa5: {  	s26 =	simm.s32 $execute0_lowered;
	[smem:$0x3FD2] =	sst s25  }
0xa6: {  	s5 =	sshll.u32 s26, $0x1;
	_ =	strace $0x80000046;
	[dreg:$0x1] =	wrdreg $0xFFFFFFFF  }
0xa7: {  	s28 =	simm.s32 $_size_execute0_lowered;
	s3 =	sadd.s32 s3, s5;
	[dreg:$0x0] =	wrdreg $0x0  }
0xa8: {  	s5 =	sshll.u32 s28, $0x1;
	[dreg:$0x2] =	wrdreg s3  }
0xa9: {  	[dreg:$0x3] =	wrdreg s5  }
0xaa: {  	[dreg:$0x4] =	wrdreg $0xC0  }
0xab: {  	_ =	task [dreg:s7], $0x5FFFF  }
0xac: {  	[dreg:$0x1] =	wrdreg $0xFFFFFFFF  }
0xad: {  	[dreg:$0x0] =	wrdreg $0x60  }
0xae: {  	[dreg:$0x2] =	wrdreg s24  }
0xaf: {  	[dreg:$0x3] =	wrdreg s2  }
0xb0: {  	[dreg:$0x4] =	wrdreg $0x147800  }
0xb1: {  	[dreg:$0x5] =	wrdreg $0x9  }
0xb2: {  	_ =	task.clear_ibuf [dreg:s7], $0x6FFFF;
	_ =	strace $0x90000046  }
0xb3: {  	s29 =	simm.s32 $0x9;
	_ =	strace $0x80000048  }
0xb4: {  	_ =	swait.ge [sflag:s29], $0x1  }
0xb5: {  	[sflag:s29] =	ssyncadd.s32 $0xFFFFFFFF  }
0xb6: {  	_ =	strace $0x90000048  }
0xb7: {  	_ =	sfence  }
0xb8: {  	s30 =	sld [smem:$0x0];
	_ =	sdelay $0x2  }
0xb9: {  	s31 =	sshll.u32 s1, $0xD;
	s1 =	sshrl.u32 s1, $0x2  }
0xba: {  	s3 =	sand.u32 $0x4000, s31;
	s1 =	sadd.s32 s1, s30  }
0xbb: {  	s0 =	sor.u32 s3, s0;
	s1 =	sshll.u32 s1, $0x11  }
0xbc: {  	s0 =	sor.u32 s1, s0  }
0xbd: {  	s0 =	sadd.s32 $0x8F2B, s0  }
0xbe: {  	[sflag:s0] =	ssyncadd.remote.s32 $0x1  }
0xbf: {  	_ =	sfence.sel $0xFFFF  }
0xc0: {  	[dreg:$0x0] =	wrdreg $0xFFFFFFFF;
	(pc) =	sbr.abs _section_cstart, $3  }
0xc1: {  	[dreg:$0x1] =	wrdreg $0xFFFFFFFF  }
0xc2: {  	_ =	task.clear_ibuf [dreg:s7], $0x2FFFF;
	_ =	strace $0x9FFFFFFF  }
0xc3: {  	(tm) =	ssettm $0x7FFFFFFF  }
tec
execute0_lowered:
.L_overlay_start_1:
0x0: {  	(tag) =	ssettag $0x1  }
0x1: {  	s0 =	rddreg [dreg:$0x0]  }
0x2: {  	s1 =	rddreg [dreg:$0x1]  }
0x3: {  	s2 =	rddreg [dreg:$0x2]  }
0x4: {  	s13 =	stileid.u32;
	s4 =	srdreg.scid  }
0x5: {  	s26 =	simm.s32 $0x0;
	s30 =	simm.s32 $0x80;
	s3 =	smul.u32 $0x5000, s13  }
0x6: {  	s31 =	simm.s32 $0xA000;
	s29 =	simm.s32 $0xC;
	s5 =	smul.u32 $0x9E00, s13  }
0x7: {  	s6 =	sand.u32 $0x1, s4;
	[smem:$0x7FF] =	sst s26;
	s11 =	smul.u32 $0x2780, s13  }
0x8: {  	s4 =	sadd.s32 $0xE400, s0;
	s12 =	sadd.s32 $0x84600, s0;
	s7 =	smul.u32 $0x9E000, s6  }
0x9: {  	s28 =	sshll.u32 s13, $0x6;
	_ =	strace $0x80000047;
	s8 =	smul.u32 $0x27800, s6  }
0xa: {  	[dreg:$0x4] =	wrdreg s12;
	s23 =	ssub.s32 $0x2, s6;
	s24 =	smul.u32 $0x140000, s6  }
0xb: {  	p0 =	sne.s32 s6, $0x0;
	s6 =	simm.s32 $0xC000;
	s9 =	sshrl.u32 s3, $0x3  }
0xc: {  	s10 =	sshrl.u32 s5, $0x4;
	s7 =	sadd.s32 s5, s7;
	s5 =	sshrl.u32 s5, $0x1  }
0xd: {  	s25 =	sshrl.u32 s23, $0x1;
	s10 =	sadd.s32 s10, s0;
	s5 =	sadd.s32 s5, s2  }
0xe: {  	s9 =	sadd.s32 s9, s0;
	s12 =	sadd.s32 $0x4600, s10;
	[dreg:$0x5] =	wrdreg s5  }
0xf: {  	s8 =	sadd.s32 s11, s8;
	s13 =	sadd.s32 $0x5C600, s9;
	[dreg:$0x6] =	wrdreg s12  }
0x10: {  	s11 =	ssub.s32 s23, s25;
	s17 =	sadd.s32 $0x66600, s9;
	[dreg:$0x9] =	wrdreg s13  }
0x11: {  	s3 =	sadd.s32 s3, s24;
	s21 =	sadd.s32 $0x70600, s9;
	[dreg:$0xd] =	wrdreg s17  }
0x12: {  	s3 =	sshrl.u32 s3, $0x3;
	s24 =	sadd.s32 $0x7A600, s9;
	[dreg:$0x11] =	wrdreg s21  }
0x13: {  	s7 =	sshrl.u32 s7, $0x4;
	s1 =	sadd.s32 s1, s3;
	[dreg:$0x15] =	wrdreg s24  }
0x14: {  	s5 =	sor.u32 $0x1C11, s28;
	s28 =	smax.u32 s11, $0x1;
	[dreg:$0x8] =	wrdreg s1  }
0x15: {  	s8 =	sshrl.u32 s8, $0x3;
	s7 =	sadd.s32 s7, s0;
	[dreg:$0x18] =	wrdreg s28  }
0x16: {  	s0 =	sadd.s32 s8, s0;
	s14 =	sadd.s32 $0x84C00, s7;
	[dreg:$0x7] =	wrdreg s5  }
0x17: {  	s9 =	simm.s32 $0x8;
	s15 =	sadd.s32 $0xD3C00, s0;
	[dreg:$0xa] =	wrdreg s14  }
0x18: {  	s3 =	simm.s32 $0x11;
	s16 =	sadd.s32 $0xA000, s1;
	[dreg:$0xb] =	wrdreg s15  }
0x19: {  	s11 =	simm.s32 $0xD000;
	s18 =	sadd.s32 $0x98800, s7;
	[dreg:$0xc] =	wrdreg s16  }
0x1a: {  	s12 =	simm.s32 $0x1;
	s19 =	sadd.s32 $0xDDA00, s0;
	[dreg:$0xe] =	wrdreg s18  }
0x1b: {  	s13 =	simm.s32 $0xE000;
	s20 =	sadd.s32 $0x14000, s1;
	[dreg:$0xf] =	wrdreg s19  }
0x1c: {  	s17 =	simm.s32 $0x10000;
	s22 =	sadd.s32 $0xAC400, s7;
	[dreg:$0x10] =	wrdreg s20  }
0x1d: {  	s21 =	simm.s32 $0x9;
	s23 =	sadd.s32 $0xE7800, s0;
	[dreg:$0x12] =	wrdreg s22  }
0x1e: {  	s24 =	simm.s32 $0x7;
	s1 =	sadd.s32 $0x1E000, s1;
	[dreg:$0x13] =	wrdreg s23  }
0x1f: {  	s8 =	simm.s32 $0x0;
	s25 =	sadd.s32 $0xC0000, s7;
	[dreg:$0x14] =	wrdreg s1  }
.Ltmp0:
0x20: {  	s0 =	sadd.s32 $0xF1600, s0;
	[dreg:$0x16] =	wrdreg s25;
	(pc) =	sbr.rel .LBB2_1-.Ltmp0, $4  }
0x21: {  	s7 =	simm.s32 $0x12000;
	[dreg:$0x17] =	wrdreg s0;
	s0 =	simm.s32 $0xB000  }
0x22: {  	s14 =	simm.s32 $0x2;
	s15 =	simm.s32 $0xF000;
	s16 =	simm.s32 $0x3  }
0x23: {  	s18 =	simm.s32 $0x4;
	s19 =	simm.s32 $0x11000;
	s20 =	simm.s32 $0x5  }
0x24: {  	s22 =	simm.s32 $0x6;
	s23 =	simm.s32 $0xA;
	s25 =	simm.s32 $0xB  }
.LBB2_13:
0x25: {  	s1 =	simm.s32 $0xD  }
0x26: {  	_ =	swait.ge [sflag:s1], $0x1000  }
0x27: {  	[sflag:s1] =	ssyncset.done $0x0  }
0x28: {  	s3 =	simm.s32 $0xE;
	[sflag:s1] =	ssyncadd.s32 $0xFFFFF000  }
0x29: {  	_ =	swait.ge [sflag:s3], $0x1000  }
0x2a: {  	[sflag:s3] =	ssyncset.done $0x0  }
0x2b: {  	s5 =	simm.s32 $0xF;
	[sflag:s3] =	ssyncadd.s32 $0xFFFFF000  }
0x2c: {  	_ =	swait.ge [sflag:s5], $0x1000  }
0x2d: {  	[sflag:s5] =	ssyncset.done $0x0  }
0x2e: {  	s7 =	simm.s32 $0x10;
	[sflag:s5] =	ssyncadd.s32 $0xFFFFF000  }
0x2f: {  	_ =	swait.ge [sflag:s7], $0x1000  }
0x30: {  	[sflag:s7] =	ssyncset.done $0x0  }
0x31: {  	[sflag:s7] =	ssyncadd.s32 $0xFFFFF000  }
0x32: {  	[bflag:$0x0] =	sbarrier.arrive $0xFFFF  }
0x33: {  	s5 =	rddreg [dreg:$0x7]  }
0x34: {  	s8 =	rddreg [dreg:$0x16]  }
0x35: {  	s3 =	rddreg [dreg:$0x1a]  }
0x36: {  	[hbm:s8], [sflag:s5] =	dma.local [spmem:s3], $0x9E0  }
0x37: {  	s3 =	simm.s32 $0x11  }
0x38: {  	_ =	swait.ge [sflag:s3], $0x9E0  }
0x39: {  	s26 =	simm.s32 $0x0;
	[sflag:s3] =	ssyncset.done $0x0  }
0x3a: {  	s7 =	simm.s32 $0x12000;
	s10 =	rddreg [dreg:$0x17];
	[sflag:s3] =	ssyncadd.s32 $0xFFFFF620  }
0x3b: {  	[hbm4b:s10+s26] =	stream.linear.scatter [tilespmem:s7], [sflag:$0x11], $0x2780, $0x38;
	[tilespmem:$0x19680] =	vst v63  }
0x3c: {  	_ =	swait.ge [sflag:s3], $0x2780  }
0x3d: {  	s8 =	rddreg [dreg:$0x19]  }
0x3e: {  	s28 =	rddreg [dreg:$0x18];
	s8 =	sadd.s32 $0x1, s8  }
0x3f: {  	p1 =	sne.s32 s8, s28  }
.Ltmp1:
0x40: {  	_ = 	snop;
	(pc) =	sbr.rel @!p1 .LBB2_14-.Ltmp1, $3  }
0x41: {  	[sflag:s3] =	ssyncset.done $0x0  }
0x42: {  	[sflag:s3] =	ssyncadd.s32 $0xFFFFD880  }
0x43: {  	[bflag:$0x0] =	sbarrier.arrive $0xFFFF;
	_ =	sdelay $0x1  }
.LBB2_1:
0x44: {  	[dreg:$0x19] =	wrdreg s8  }
0x45: {  	s1 =	rddreg [dreg:$0x5]  }
0x46: {  	s28 =	rddreg [dreg:$0x6];
	s10 =	sshrl.u32 s1, $0x3  }
0x47: {  	[dreg:$0x1a] =	wrdreg s10  }
0x48: {  	[spmem:s10], [sflag:s5] =	dma.local [hbm:s28], $0x9E0  }
0x49: {  	_ =	swait.ge [sflag:s3], $0x9E0  }
0x4a: {  	[sflag:s3] =	ssyncset.done $0x0  }
0x4b: {  	s5 =	rddreg [dreg:$0x4];
	[sflag:s3] =	ssyncadd.s32 $0xFFFFF620  }
0x4c: {  	[tilespmem:s7], [sflag:$0x11] =	stream.linear.gather [hbm4b:s5+s26], $0x2780, $0x38;
	[tilespmem:$0x19680] =	vst v63  }
0x4d: {  	_ =	swait.ge [sflag:s3], $0x2780  }
0x4e: {  	[sflag:s3] =	ssyncset.done $0x0  }
0x4f: {  	[sflag:s3] =	ssyncadd.s32 $0xFFFFD880  }
0x50: {  	[bflag:$0x0] =	sbarrier.arrive $0xFFFF  }
0x51: {  	s7 =	rddreg [dreg:$0x8]  }
0x52: {  	[tilespmem:s26], [sflag:$0x11] =	stream.linear.gather [hbm4b:s7+s26], $0x5000, $0x38;
	[tilespmem:$0x19680] =	vst v63  }
0x53: {  	_ =	swait.ge [sflag:s3], $0x5000  }
0x54: {  	[sflag:s3] =	ssyncset.done $0x0  }
0x55: {  	s10 =	simm.s32 $0x5000;
	s8 =	rddreg [dreg:$0x9];
	[sflag:s3] =	ssyncadd.s32 $0xFFFFB000  }
0x56: {  	[tilespmem:s10], [sflag:$0x11] =	stream.linear.gather [hbm4b:s8+s26], $0x5000, $0x38;
	[tilespmem:$0x19680] =	vst v63  }
0x57: {  	_ =	swait.ge [sflag:s3], $0x5000  }
0x58: {  	[sflag:s3] =	ssyncset.done $0x0  }
0x59: {  	[sflag:s3] =	ssyncadd.s32 $0xFFFFB000  }
0x5a: {  	[tilespmem:s31], [sflag:$0x1] =	stream.indirect.gather [hbm4b:s4+s30], $0x20, s26, s30, $0xb8;
	[tilespmem:$0x19680] =	vst v63  }
0x5b: {  	_ = 	snop  }
0x5c: {  	[tilespmem:s0], [sflag:$0x2] =	stream.indirect.gather [hbm4b:s4+s30], $0x20, s30, s30, $0xb8;
	[tilespmem:$0x19680] =	vst v63  }
0x5d: {  	s26 =	simm.s32 $0x100  }
0x5e: {  	[tilespmem:s6], [sflag:$0x3] =	stream.indirect.gather [hbm4b:s4+s30], $0x20, s26, s30, $0xb8;
	[tilespmem:$0x19680] =	vst v63  }
0x5f: {  	s1 =	simm.s32 $0x0;
	s28 =	simm.s32 $0x180  }
0x60: {  	[tilespmem:s11], [sflag:$0x4] =	stream.indirect.gather [hbm4b:s4+s30], $0x20, s28, s30, $0xb8;
	[tilespmem:$0x19680] =	vst v63  }
.LBB2_2:
0x61: {  	_ =	swait.ge [sflag:s12], $0x1000  }
0x62: {  	s10 =	sshra.s32 s1, $0x2;
	[sflag:s12] =	ssyncset.done $0x0  }
0x63: {  	s3 =	sadd.s32 $0x5000, s10;
	[sflag:s12] =	ssyncadd.s32 $0xFFFFF000  }
0x64: {  	[spmem:s2] =	stream.indirect.scatter.add.bf16 [tilespmem:s31], [sflag:$0x9], $0x20, s3, s30, $0xb8;
	[tilespmem:$0x19680] =	vst v63  }
0x65: {  	s3 =	sshra.s32 @!p0 s1, $0x2  }
0x66: {  	v1 =	vld @!p0 [tilespmem:s3+$0x5000];
	_ =	sdelay $0x6  }
0x67: {  	v0 =	vimm.f32 @!p0 $1.000000000e+00;
	s5 =	simm.s32 @!p0 $0x12000  }
0x68: {  	[tilespmem:v1+s5+$0x0] =	vst.idx.add.f32.msk @!p0 $0xffff, v0  }
0x69: {  	v1 =	vld @!p0 [tilespmem:s3+$0x5010];
	_ =	sdelay $0x7  }
0x6a: {  	[tilespmem:v1+s5+$0x0] =	vst.idx.add.f32.msk @!p0 $0xffff, v0  }
0x6b: {  	v1 =	vld @!p0 [tilespmem:s3+$0x5020];
	_ =	sdelay $0x7  }
0x6c: {  	[tilespmem:v1+s5+$0x0] =	vst.idx.add.f32.msk @!p0 $0xffff, v0  }
0x6d: {  	v1 =	vld @!p0 [tilespmem:s3+$0x5030];
	_ =	sdelay $0x7  }
0x6e: {  	[tilespmem:v1+s5+$0x0] =	vst.idx.add.f32.msk @!p0 $0xffff, v0  }
0x6f: {  	v1 =	vld @!p0 [tilespmem:s3+$0x5040];
	_ =	sdelay $0x7  }
0x70: {  	[tilespmem:v1+s5+$0x0] =	vst.idx.add.f32.msk @!p0 $0xffff, v0  }
0x71: {  	v1 =	vld @!p0 [tilespmem:s3+$0x5050];
	_ =	sdelay $0x7  }
0x72: {  	[tilespmem:v1+s5+$0x0] =	vst.idx.add.f32.msk @!p0 $0xffff, v0  }
0x73: {  	v1 =	vld @!p0 [tilespmem:s3+$0x5060];
	_ =	sdelay $0x7  }
0x74: {  	[tilespmem:v1+s5+$0x0] =	vst.idx.add.f32.msk @!p0 $0xffff, v0  }
0x75: {  	v1 =	vld @!p0 [tilespmem:s3+$0x5070];
	_ =	sdelay $0x6  }
0x76: {  	p1 =	seq.s32 s1, $0x0  }
0x77: {  	s7 =	simm.s32 @!p1 $0xD;
	[tilespmem:v1+s5+$0x0] =	vst.idx.add.f32.msk @!p0 $0xffff, v0  }
0x78: {  	_ =	swait.ge @!p1 [sflag:s7], $0x1000  }
0x79: {  	[sflag:s7] =	ssyncset.done @!p1 $0x0  }
0x7a: {  	s28 =	sadd.s32 $0x200, s10;
	[sflag:s7] =	ssyncadd.s32 @!p1 $0xFFFFF000  }
0x7b: {  	[tilespmem:s13], [sflag:$0x5] =	stream.indirect.gather [hbm4b:s4+s30], $0x20, s28, s30, $0xb8;
	[tilespmem:$0x19680] =	vst v63  }
0x7c: {  	_ =	swait.ge [sflag:s14], $0x1000  }
0x7d: {  	[sflag:s14] =	ssyncset.done $0x0  }
0x7e: {  	s8 =	sadd.s32 $0x5080, s10;
	[sflag:s14] =	ssyncadd.s32 $0xFFFFF000  }
0x7f: {  	[spmem:s2] =	stream.indirect.scatter.add.bf16 [tilespmem:s0], [sflag:$0xA], $0x20, s8, s30, $0xb8;
	[tilespmem:$0x19680] =	vst v63  }
0x80: {  	v1 =	vld @!p0 [tilespmem:s10+$0x5080];
	_ =	sdelay $0x7  }
0x81: {  	[tilespmem:v1+s5+$0x0] =	vst.idx.add.f32.msk @!p0 $0xffff, v0  }
0x82: {  	v1 =	vld @!p0 [tilespmem:s3+$0x5090];
	_ =	sdelay $0x7  }
0x83: {  	[tilespmem:v1+s5+$0x0] =	vst.idx.add.f32.msk @!p0 $0xffff, v0  }
0x84: {  	v1 =	vld @!p0 [tilespmem:s3+$0x50A0];
	_ =	sdelay $0x7  }
0x85: {  	[tilespmem:v1+s5+$0x0] =	vst.idx.add.f32.msk @!p0 $0xffff, v0  }
0x86: {  	v1 =	vld @!p0 [tilespmem:s3+$0x50B0];
	_ =	sdelay $0x7  }
0x87: {  	[tilespmem:v1+s5+$0x0] =	vst.idx.add.f32.msk @!p0 $0xffff, v0  }
0x88: {  	v1 =	vld @!p0 [tilespmem:s3+$0x50C0];
	_ =	sdelay $0x7  }
0x89: {  	[tilespmem:v1+s5+$0x0] =	vst.idx.add.f32.msk @!p0 $0xffff, v0  }
0x8a: {  	v1 =	vld @!p0 [tilespmem:s3+$0x50D0];
	_ =	sdelay $0x7  }
0x8b: {  	[tilespmem:v1+s5+$0x0] =	vst.idx.add.f32.msk @!p0 $0xffff, v0  }
0x8c: {  	v1 =	vld @!p0 [tilespmem:s3+$0x50E0];
	_ =	sdelay $0x7  }
0x8d: {  	[tilespmem:v1+s5+$0x0] =	vst.idx.add.f32.msk @!p0 $0xffff, v0  }
0x8e: {  	v1 =	vld @!p0 [tilespmem:s3+$0x50F0];
	_ =	sdelay $0x7  }
0x8f: {  	s7 =	simm.s32 @!p1 $0xE;
	[tilespmem:v1+s5+$0x0] =	vst.idx.add.f32.msk @!p0 $0xffff, v0  }
0x90: {  	_ =	swait.ge @!p1 [sflag:s7], $0x1000  }
0x91: {  	[sflag:s7] =	ssyncset.done @!p1 $0x0  }
0x92: {  	s26 =	sadd.s32 $0x280, s10;
	[sflag:s7] =	ssyncadd.s32 @!p1 $0xFFFFF000  }
0x93: {  	[tilespmem:s15], [sflag:$0x6] =	stream.indirect.gather [hbm4b:s4+s30], $0x20, s26, s30, $0xb8;
	[tilespmem:$0x19680] =	vst v63  }
0x94: {  	_ =	swait.ge [sflag:s16], $0x1000  }
0x95: {  	[sflag:s16] =	ssyncset.done $0x0  }
0x96: {  	s28 =	sadd.s32 $0x5100, s10;
	[sflag:s16] =	ssyncadd.s32 $0xFFFFF000  }
0x97: {  	[spmem:s2] =	stream.indirect.scatter.add.bf16 [tilespmem:s6], [sflag:$0xB], $0x20, s28, s30, $0xb8;
	[tilespmem:$0x19680] =	vst v63  }
0x98: {  	v1 =	vld @!p0 [tilespmem:s10+$0x5100];
	_ =	sdelay $0x7  }
0x99: {  	[tilespmem:v1+s5+$0x0] =	vst.idx.add.f32.msk @!p0 $0xffff, v0  }
0x9a: {  	v1 =	vld @!p0 [tilespmem:s3+$0x5110];
	_ =	sdelay $0x7  }
0x9b: {  	[tilespmem:v1+s5+$0x0] =	vst.idx.add.f32.msk @!p0 $0xffff, v0  }
0x9c: {  	v1 =	vld @!p0 [tilespmem:s3+$0x5120];
	_ =	sdelay $0x7  }
0x9d: {  	[tilespmem:v1+s5+$0x0] =	vst.idx.add.f32.msk @!p0 $0xffff, v0  }
0x9e: {  	v1 =	vld @!p0 [tilespmem:s3+$0x5130];
	_ =	sdelay $0x7  }
0x9f: {  	[tilespmem:v1+s5+$0x0] =	vst.idx.add.f32.msk @!p0 $0xffff, v0  }
0xa0: {  	v1 =	vld @!p0 [tilespmem:s3+$0x5140];
	_ =	sdelay $0x7  }
0xa1: {  	[tilespmem:v1+s5+$0x0] =	vst.idx.add.f32.msk @!p0 $0xffff, v0  }
0xa2: {  	v1 =	vld @!p0 [tilespmem:s3+$0x5150];
	_ =	sdelay $0x7  }
0xa3: {  	[tilespmem:v1+s5+$0x0] =	vst.idx.add.f32.msk @!p0 $0xffff, v0  }
0xa4: {  	v1 =	vld @!p0 [tilespmem:s3+$0x5160];
	_ =	sdelay $0x7  }
0xa5: {  	[tilespmem:v1+s5+$0x0] =	vst.idx.add.f32.msk @!p0 $0xffff, v0  }
0xa6: {  	v1 =	vld @!p0 [tilespmem:s3+$0x5170];
	_ =	sdelay $0x7  }
0xa7: {  	s7 =	simm.s32 @!p1 $0xF;
	[tilespmem:v1+s5+$0x0] =	vst.idx.add.f32.msk @!p0 $0xffff, v0  }
0xa8: {  	_ =	swait.ge @!p1 [sflag:s7], $0x1000  }
0xa9: {  	[sflag:s7] =	ssyncset.done @!p1 $0x0  }
0xaa: {  	s8 =	sadd.s32 $0x300, s10;
	[sflag:s7] =	ssyncadd.s32 @!p1 $0xFFFFF000  }
0xab: {  	[tilespmem:s17], [sflag:$0x7] =	stream.indirect.gather [hbm4b:s4+s30], $0x20, s8, s30, $0xb8;
	[tilespmem:$0x19680] =	vst v63  }
0xac: {  	_ =	swait.ge [sflag:s18], $0x1000  }
0xad: {  	[sflag:s18] =	ssyncset.done $0x0  }
0xae: {  	s26 =	sadd.s32 $0x5180, s10;
	[sflag:s18] =	ssyncadd.s32 $0xFFFFF000  }
0xaf: {  	[spmem:s2] =	stream.indirect.scatter.add.bf16 [tilespmem:s11], [sflag:$0xC], $0x20, s26, s30, $0xb8;
	[tilespmem:$0x19680] =	vst v63  }
0xb0: {  	v1 =	vld @!p0 [tilespmem:s10+$0x5180];
	_ =	sdelay $0x7  }
0xb1: {  	[tilespmem:v1+s5+$0x0] =	vst.idx.add.f32.msk @!p0 $0xffff, v0  }
0xb2: {  	v1 =	vld @!p0 [tilespmem:s3+$0x5190];
	_ =	sdelay $0x7  }
0xb3: {  	[tilespmem:v1+s5+$0x0] =	vst.idx.add.f32.msk @!p0 $0xffff, v0  }
0xb4: {  	v1 =	vld @!p0 [tilespmem:s3+$0x51A0];
	_ =	sdelay $0x7  }
0xb5: {  	[tilespmem:v1+s5+$0x0] =	vst.idx.add.f32.msk @!p0 $0xffff, v0  }
0xb6: {  	v1 =	vld @!p0 [tilespmem:s3+$0x51B0];
	_ =	sdelay $0x7  }
0xb7: {  	[tilespmem:v1+s5+$0x0] =	vst.idx.add.f32.msk @!p0 $0xffff, v0  }
0xb8: {  	v1 =	vld @!p0 [tilespmem:s3+$0x51C0];
	_ =	sdelay $0x7  }
0xb9: {  	[tilespmem:v1+s5+$0x0] =	vst.idx.add.f32.msk @!p0 $0xffff, v0  }
0xba: {  	v1 =	vld @!p0 [tilespmem:s3+$0x51D0];
	_ =	sdelay $0x7  }
0xbb: {  	[tilespmem:v1+s5+$0x0] =	vst.idx.add.f32.msk @!p0 $0xffff, v0  }
0xbc: {  	v1 =	vld @!p0 [tilespmem:s3+$0x51E0];
	_ =	sdelay $0x7  }
0xbd: {  	[tilespmem:v1+s5+$0x0] =	vst.idx.add.f32.msk @!p0 $0xffff, v0  }
0xbe: {  	v1 =	vld @!p0 [tilespmem:s3+$0x51F0];
	_ =	sdelay $0x7  }
0xbf: {  	s7 =	simm.s32 @!p1 $0x10;
	[tilespmem:v1+s5+$0x0] =	vst.idx.add.f32.msk @!p0 $0xffff, v0  }
0xc0: {  	_ =	swait.ge @!p1 [sflag:s7], $0x1000  }
0xc1: {  	[sflag:s7] =	ssyncset.done @!p1 $0x0  }
0xc2: {  	s28 =	sadd.s32 $0x380, s10;
	[sflag:s7] =	ssyncadd.s32 @!p1 $0xFFFFF000  }
0xc3: {  	[tilespmem:s19], [sflag:$0x8] =	stream.indirect.gather [hbm4b:s4+s30], $0x20, s28, s30, $0xb8;
	[tilespmem:$0x19680] =	vst v63  }
0xc4: {  	_ =	swait.ge [sflag:s20], $0x1000  }
0xc5: {  	[sflag:s20] =	ssyncset.done $0x0  }
0xc6: {  	s8 =	sadd.s32 $0x5200, s10;
	[sflag:s20] =	ssyncadd.s32 $0xFFFFF000  }
0xc7: {  	[spmem:s2] =	stream.indirect.scatter.add.bf16 [tilespmem:s13], [sflag:$0xD], $0x20, s8, s30, $0xb8;
	[tilespmem:$0x19680] =	vst v63  }
0xc8: {  	v1 =	vld @!p0 [tilespmem:s10+$0x5200];
	_ =	sdelay $0x7  }
0xc9: {  	[tilespmem:v1+s5+$0x0] =	vst.idx.add.f32.msk @!p0 $0xffff, v0  }
0xca: {  	v1 =	vld @!p0 [tilespmem:s3+$0x5210];
	_ =	sdelay $0x7  }
0xcb: {  	[tilespmem:v1+s5+$0x0] =	vst.idx.add.f32.msk @!p0 $0xffff, v0  }
0xcc: {  	v1 =	vld @!p0 [tilespmem:s3+$0x5220];
	_ =	sdelay $0x7  }
0xcd: {  	[tilespmem:v1+s5+$0x0] =	vst.idx.add.f32.msk @!p0 $0xffff, v0  }
0xce: {  	v1 =	vld @!p0 [tilespmem:s3+$0x5230];
	_ =	sdelay $0x7  }
0xcf: {  	[tilespmem:v1+s5+$0x0] =	vst.idx.add.f32.msk @!p0 $0xffff, v0  }
0xd0: {  	v1 =	vld @!p0 [tilespmem:s3+$0x5240];
	_ =	sdelay $0x7  }
0xd1: {  	[tilespmem:v1+s5+$0x0] =	vst.idx.add.f32.msk @!p0 $0xffff, v0  }
0xd2: {  	v1 =	vld @!p0 [tilespmem:s3+$0x5250];
	_ =	sdelay $0x7  }
0xd3: {  	[tilespmem:v1+s5+$0x0] =	vst.idx.add.f32.msk @!p0 $0xffff, v0  }
0xd4: {  	v1 =	vld @!p0 [tilespmem:s3+$0x5260];
	_ =	sdelay $0x7  }
0xd5: {  	[tilespmem:v1+s5+$0x0] =	vst.idx.add.f32.msk @!p0 $0xffff, v0  }
0xd6: {  	v1 =	vld @!p0 [tilespmem:s3+$0x5270];
	_ =	sdelay $0x7  }
0xd7: {  	[tilespmem:v1+s5+$0x0] =	vst.idx.add.f32.msk @!p0 $0xffff, v0  }
0xd8: {  	p1 =	seq.s32 s1, $0x13000;
	_ =	swait.ge [sflag:s21], $0x1000  }
0xd9: {  	s7 =	sshra.s32 @!p1 s1, $0x2;
	s28 =	simm.s32 @!p1 $0x80;
	[sflag:s21] =	ssyncset.done $0x0  }
0xda: {  	s26 =	simm.s32 @!p1 $0xA000;
	s8 =	sadd.s32 @!p1 $0x400, s7;
	[sflag:s21] =	ssyncadd.s32 $0xFFFFF000  }
0xdb: {  	[tilespmem:s26], [sflag:$0x1] =	stream.indirect.gather @!p1 [hbm4b:s4+s28], $0x20, s8, s28, $0xb8;
	[tilespmem:$0x19680] =	vst v63  }
0xdc: {  	_ =	swait.ge [sflag:s22], $0x1000  }
0xdd: {  	[sflag:s22] =	ssyncset.done $0x0  }
0xde: {  	s26 =	sadd.s32 $0x5280, s10;
	[sflag:s22] =	ssyncadd.s32 $0xFFFFF000  }
0xdf: {  	[spmem:s2] =	stream.indirect.scatter.add.bf16 [tilespmem:s15], [sflag:$0xE], $0x20, s26, s30, $0xb8;
	[tilespmem:$0x19680] =	vst v63  }
0xe0: {  	v1 =	vld @!p0 [tilespmem:s10+$0x5280];
	_ =	sdelay $0x7  }
0xe1: {  	[tilespmem:v1+s5+$0x0] =	vst.idx.add.f32.msk @!p0 $0xffff, v0  }
0xe2: {  	v1 =	vld @!p0 [tilespmem:s3+$0x5290];
	_ =	sdelay $0x7  }
0xe3: {  	[tilespmem:v1+s5+$0x0] =	vst.idx.add.f32.msk @!p0 $0xffff, v0  }
0xe4: {  	v1 =	vld @!p0 [tilespmem:s3+$0x52A0];
	_ =	sdelay $0x7  }
0xe5: {  	[tilespmem:v1+s5+$0x0] =	vst.idx.add.f32.msk @!p0 $0xffff, v0  }
0xe6: {  	v1 =	vld @!p0 [tilespmem:s3+$0x52B0];
	_ =	sdelay $0x7  }
0xe7: {  	[tilespmem:v1+s5+$0x0] =	vst.idx.add.f32.msk @!p0 $0xffff, v0  }
0xe8: {  	v1 =	vld @!p0 [tilespmem:s3+$0x52C0];
	_ =	sdelay $0x7  }
0xe9: {  	[tilespmem:v1+s5+$0x0] =	vst.idx.add.f32.msk @!p0 $0xffff, v0  }
0xea: {  	v1 =	vld @!p0 [tilespmem:s3+$0x52D0];
	_ =	sdelay $0x7  }
0xeb: {  	[tilespmem:v1+s5+$0x0] =	vst.idx.add.f32.msk @!p0 $0xffff, v0  }
0xec: {  	v1 =	vld @!p0 [tilespmem:s3+$0x52E0];
	_ =	sdelay $0x7  }
0xed: {  	[tilespmem:v1+s5+$0x0] =	vst.idx.add.f32.msk @!p0 $0xffff, v0  }
0xee: {  	v1 =	vld @!p0 [tilespmem:s3+$0x52F0];
	_ =	sdelay $0x7  }
0xef: {  	[tilespmem:v1+s5+$0x0] =	vst.idx.add.f32.msk @!p0 $0xffff, v0  }
0xf0: {  	_ =	swait.ge [sflag:s23], $0x1000  }
0xf1: {  	[sflag:s23] =	ssyncset.done $0x0  }
0xf2: {  	s8 =	sadd.s32 @!p1 $0x480, s7;
	s26 =	simm.s32 @!p1 $0xB000;
	[sflag:s23] =	ssyncadd.s32 $0xFFFFF000  }
0xf3: {  	[tilespmem:s26], [sflag:$0x2] =	stream.indirect.gather @!p1 [hbm4b:s4+s28], $0x20, s8, s28, $0xb8;
	[tilespmem:$0x19680] =	vst v63  }
0xf4: {  	_ =	swait.ge [sflag:s24], $0x1000  }
0xf5: {  	[sflag:s24] =	ssyncset.done $0x0  }
0xf6: {  	s26 =	sadd.s32 $0x5300, s10;
	[sflag:s24] =	ssyncadd.s32 $0xFFFFF000  }
0xf7: {  	[spmem:s2] =	stream.indirect.scatter.add.bf16 [tilespmem:s17], [sflag:$0xF], $0x20, s26, s30, $0xb8;
	[tilespmem:$0x19680] =	vst v63  }
0xf8: {  	v1 =	vld @!p0 [tilespmem:s10+$0x5300];
	_ =	sdelay $0x7  }
0xf9: {  	[tilespmem:v1+s5+$0x0] =	vst.idx.add.f32.msk @!p0 $0xffff, v0  }
0xfa: {  	v1 =	vld @!p0 [tilespmem:s3+$0x5310];
	_ =	sdelay $0x7  }
0xfb: {  	[tilespmem:v1+s5+$0x0] =	vst.idx.add.f32.msk @!p0 $0xffff, v0  }
0xfc: {  	v1 =	vld @!p0 [tilespmem:s3+$0x5320];
	_ =	sdelay $0x7  }
0xfd: {  	[tilespmem:v1+s5+$0x0] =	vst.idx.add.f32.msk @!p0 $0xffff, v0  }
0xfe: {  	v1 =	vld @!p0 [tilespmem:s3+$0x5330];
	_ =	sdelay $0x7  }
0xff: {  	[tilespmem:v1+s5+$0x0] =	vst.idx.add.f32.msk @!p0 $0xffff, v0  }
0x100: {  	v1 =	vld @!p0 [tilespmem:s3+$0x5340];
	_ =	sdelay $0x7  }
0x101: {  	[tilespmem:v1+s5+$0x0] =	vst.idx.add.f32.msk @!p0 $0xffff, v0  }
0x102: {  	v1 =	vld @!p0 [tilespmem:s3+$0x5350];
	_ =	sdelay $0x7  }
0x103: {  	[tilespmem:v1+s5+$0x0] =	vst.idx.add.f32.msk @!p0 $0xffff, v0  }
0x104: {  	v1 =	vld @!p0 [tilespmem:s3+$0x5360];
	_ =	sdelay $0x7  }
0x105: {  	[tilespmem:v1+s5+$0x0] =	vst.idx.add.f32.msk @!p0 $0xffff, v0  }
0x106: {  	v1 =	vld @!p0 [tilespmem:s3+$0x5370];
	_ =	sdelay $0x7  }
0x107: {  	[tilespmem:v1+s5+$0x0] =	vst.idx.add.f32.msk @!p0 $0xffff, v0  }
0x108: {  	_ =	swait.ge [sflag:s25], $0x1000  }
0x109: {  	[sflag:s25] =	ssyncset.done $0x0  }
0x10a: {  	s7 =	sadd.s32 @!p1 $0x500, s7;
	s8 =	simm.s32 @!p1 $0xC000;
	[sflag:s25] =	ssyncadd.s32 $0xFFFFF000  }
0x10b: {  	[tilespmem:s8], [sflag:$0x3] =	stream.indirect.gather @!p1 [hbm4b:s4+s28], $0x20, s7, s28, $0xb8;
	[tilespmem:$0x19680] =	vst v63  }
0x10c: {  	_ =	swait.ge [sflag:s9], $0x1000  }
0x10d: {  	[sflag:s9] =	ssyncset.done $0x0  }
0x10e: {  	s28 =	sadd.s32 $0x5380, s10;
	[sflag:s9] =	ssyncadd.s32 $0xFFFFF000  }
0x10f: {  	[spmem:s2] =	stream.indirect.scatter.add.bf16 [tilespmem:s19], [sflag:$0x10], $0x20, s28, s30, $0xb8;
	[tilespmem:$0x19680] =	vst v63  }
0x110: {  	v1 =	vld @!p0 [tilespmem:s10+$0x5380];
	_ =	sdelay $0x7  }
0x111: {  	[tilespmem:v1+s5+$0x0] =	vst.idx.add.f32.msk @!p0 $0xffff, v0  }
0x112: {  	v1 =	vld @!p0 [tilespmem:s3+$0x5390];
	_ =	sdelay $0x7  }
0x113: {  	[tilespmem:v1+s5+$0x0] =	vst.idx.add.f32.msk @!p0 $0xffff, v0  }
0x114: {  	v1 =	vld @!p0 [tilespmem:s3+$0x53A0];
	_ =	sdelay $0x7  }
0x115: {  	[tilespmem:v1+s5+$0x0] =	vst.idx.add.f32.msk @!p0 $0xffff, v0  }
0x116: {  	v1 =	vld @!p0 [tilespmem:s3+$0x53B0];
	_ =	sdelay $0x7  }
0x117: {  	[tilespmem:v1+s5+$0x0] =	vst.idx.add.f32.msk @!p0 $0xffff, v0  }
0x118: {  	v1 =	vld @!p0 [tilespmem:s3+$0x53C0];
	_ =	sdelay $0x7  }
0x119: {  	[tilespmem:v1+s5+$0x0] =	vst.idx.add.f32.msk @!p0 $0xffff, v0  }
0x11a: {  	v1 =	vld @!p0 [tilespmem:s3+$0x53D0];
	_ =	sdelay $0x7  }
0x11b: {  	[tilespmem:v1+s5+$0x0] =	vst.idx.add.f32.msk @!p0 $0xffff, v0  }
0x11c: {  	v1 =	vld @!p0 [tilespmem:s3+$0x53E0];
	_ =	sdelay $0x7  }
0x11d: {  	[tilespmem:v1+s5+$0x0] =	vst.idx.add.f32.msk @!p0 $0xffff, v0  }
0x11e: {  	v1 =	vld @!p0 [tilespmem:s3+$0x53F0];
	_ =	sdelay $0x6  }
.Ltmp2:
0x11f: {  	_ = 	snop;
	(pc) =	sbr.rel @p1 .LBB2_4-.Ltmp2, $4  }
0x120: {  	[tilespmem:v1+s5+$0x0] =	vst.idx.add.f32.msk @!p0 $0xffff, v0  }
0x121: {  	_ =	swait.ge [sflag:s29], $0x1000  }
0x122: {  	[sflag:s29] =	ssyncset.done $0x0  }
0x123: {  	[sflag:s29] =	ssyncadd.s32 $0xFFFFF000  }
.Ltmp3:
0x124: {  	(pc) =	sbr.rel .LBB2_2-.Ltmp3, $3  }
0x125: {  	_ =	sdelay $0x1  }
0x126: {  	s3 =	sadd.s32 $0x580, s10;
	s1 =	sadd.s32 $0x1000, s1  }
0x127: {  	[tilespmem:s11], [sflag:$0x4] =	stream.indirect.gather [hbm4b:s4+s30], $0x20, s3, s30, $0xb8;
	[tilespmem:$0x19680] =	vst v63  }
.LBB2_4:
0x128: {  	s1 =	simm.s32 $0xD  }
0x129: {  	_ =	swait.ge [sflag:s1], $0x1000  }
0x12a: {  	[sflag:s1] =	ssyncset.done $0x0  }
0x12b: {  	s3 =	simm.s32 $0xE;
	[sflag:s1] =	ssyncadd.s32 $0xFFFFF000  }
0x12c: {  	_ =	swait.ge [sflag:s3], $0x1000  }
0x12d: {  	[sflag:s3] =	ssyncset.done $0x0  }
0x12e: {  	s5 =	simm.s32 $0xF;
	[sflag:s3] =	ssyncadd.s32 $0xFFFFF000  }
0x12f: {  	_ =	swait.ge [sflag:s5], $0x1000  }
0x130: {  	[sflag:s5] =	ssyncset.done $0x0  }
0x131: {  	s7 =	simm.s32 $0x10;
	[sflag:s5] =	ssyncadd.s32 $0xFFFFF000  }
0x132: {  	_ =	swait.ge [sflag:s7], $0x1000  }
0x133: {  	[sflag:s7] =	ssyncset.done $0x0  }
0x134: {  	[sflag:s7] =	ssyncadd.s32 $0xFFFFF000  }
0x135: {  	[bflag:$0x0] =	sbarrier.arrive $0xFFFF  }
0x136: {  	s5 =	rddreg [dreg:$0x7]  }
0x137: {  	s8 =	rddreg [dreg:$0xa]  }
0x138: {  	s7 =	simm.s32 $0x11;
	s10 =	rddreg [dreg:$0x1a]  }
0x139: {  	[hbm:s8], [sflag:s5] =	dma.local [spmem:s10], $0x9E0  }
0x13a: {  	_ =	swait.ge [sflag:s7], $0x9E0  }
0x13b: {  	s1 =	simm.s32 $0x0;
	[sflag:s7] =	ssyncset.done $0x0  }
0x13c: {  	s8 =	simm.s32 $0x12000;
	s3 =	rddreg [dreg:$0xb];
	[sflag:s7] =	ssyncadd.s32 $0xFFFFF620  }
0x13d: {  	[hbm4b:s3+s1] =	stream.linear.scatter [tilespmem:s8], [sflag:$0x11], $0x2780, $0x38;
	[tilespmem:$0x19680] =	vst v63  }
0x13e: {  	_ =	swait.ge [sflag:s7], $0x2780  }
0x13f: {  	[sflag:s7] =	ssyncset.done $0x0  }
0x140: {  	[sflag:s7] =	ssyncadd.s32 $0xFFFFD880  }
0x141: {  	[bflag:$0x0] =	sbarrier.arrive $0xFFFF  }
0x142: {  	s26 =	rddreg [dreg:$0x6]  }
0x143: {  	[spmem:s10], [sflag:s5] =	dma.local [hbm:s26], $0x9E0  }
0x144: {  	_ =	swait.ge [sflag:s7], $0x9E0  }
0x145: {  	[sflag:s7] =	ssyncset.done $0x0  }
0x146: {  	s28 =	rddreg [dreg:$0x4];
	[sflag:s7] =	ssyncadd.s32 $0xFFFFF620  }
0x147: {  	[tilespmem:s8], [sflag:$0x11] =	stream.linear.gather [hbm4b:s28+s1], $0x2780, $0x38;
	[tilespmem:$0x19680] =	vst v63  }
0x148: {  	_ =	swait.ge [sflag:s7], $0x2780  }
0x149: {  	[sflag:s7] =	ssyncset.done $0x0  }
0x14a: {  	[sflag:s7] =	ssyncadd.s32 $0xFFFFD880  }
0x14b: {  	[bflag:$0x0] =	sbarrier.arrive $0xFFFF  }
0x14c: {  	s5 =	rddreg [dreg:$0xc]  }
0x14d: {  	[tilespmem:s1], [sflag:$0x11] =	stream.linear.gather [hbm4b:s5+s1], $0x5000, $0x38;
	[tilespmem:$0x19680] =	vst v63  }
0x14e: {  	_ =	swait.ge [sflag:s7], $0x5000  }
0x14f: {  	[sflag:s7] =	ssyncset.done $0x0  }
0x150: {  	s10 =	simm.s32 $0x5000;
	s8 =	rddreg [dreg:$0xd];
	[sflag:s7] =	ssyncadd.s32 $0xFFFFB000  }
0x151: {  	[tilespmem:s10], [sflag:$0x11] =	stream.linear.gather [hbm4b:s8+s1], $0x5000, $0x38;
	[tilespmem:$0x19680] =	vst v63  }
0x152: {  	_ =	swait.ge [sflag:s7], $0x5000  }
0x153: {  	[sflag:s7] =	ssyncset.done $0x0  }
0x154: {  	[sflag:s7] =	ssyncadd.s32 $0xFFFFB000  }
0x155: {  	[tilespmem:s31], [sflag:$0x1] =	stream.indirect.gather [hbm4b:s4+s30], $0x20, s1, s30, $0xb8;
	[tilespmem:$0x19680] =	vst v63  }
0x156: {  	_ = 	snop  }
0x157: {  	[tilespmem:s0], [sflag:$0x2] =	stream.indirect.gather [hbm4b:s4+s30], $0x20, s30, s30, $0xb8;
	[tilespmem:$0x19680] =	vst v63  }
0x158: {  	s26 =	simm.s32 $0x100  }
0x159: {  	[tilespmem:s6], [sflag:$0x3] =	stream.indirect.gather [hbm4b:s4+s30], $0x20, s26, s30, $0xb8;
	[tilespmem:$0x19680] =	vst v63  }
0x15a: {  	s28 =	simm.s32 $0x180  }
0x15b: {  	[tilespmem:s11], [sflag:$0x4] =	stream.indirect.gather [hbm4b:s4+s30], $0x20, s28, s30, $0xb8;
	[tilespmem:$0x19680] =	vst v63  }
.LBB2_5:
0x15c: {  	_ =	swait.ge [sflag:s12], $0x1000  }
0x15d: {  	s10 =	sshra.s32 s1, $0x2;
	[sflag:s12] =	ssyncset.done $0x0  }
0x15e: {  	s3 =	sadd.s32 $0x5000, s10;
	[sflag:s12] =	ssyncadd.s32 $0xFFFFF000  }
0x15f: {  	[spmem:s2] =	stream.indirect.scatter.add.bf16 [tilespmem:s31], [sflag:$0x9], $0x20, s3, s30, $0xb8;
	[tilespmem:$0x19680] =	vst v63  }
0x160: {  	s3 =	sshra.s32 @!p0 s1, $0x2  }
0x161: {  	v1 =	vld @!p0 [tilespmem:s3+$0x5000];
	_ =	sdelay $0x6  }
0x162: {  	v0 =	vimm.f32 @!p0 $1.000000000e+00;
	s5 =	simm.s32 @!p0 $0x12000  }
0x163: {  	[tilespmem:v1+s5+$0x0] =	vst.idx.add.f32.msk @!p0 $0xffff, v0  }
0x164: {  	v1 =	vld @!p0 [tilespmem:s3+$0x5010];
	_ =	sdelay $0x7  }
0x165: {  	[tilespmem:v1+s5+$0x0] =	vst.idx.add.f32.msk @!p0 $0xffff, v0  }
0x166: {  	v1 =	vld @!p0 [tilespmem:s3+$0x5020];
	_ =	sdelay $0x7  }
0x167: {  	[tilespmem:v1+s5+$0x0] =	vst.idx.add.f32.msk @!p0 $0xffff, v0  }
0x168: {  	v1 =	vld @!p0 [tilespmem:s3+$0x5030];
	_ =	sdelay $0x7  }
0x169: {  	[tilespmem:v1+s5+$0x0] =	vst.idx.add.f32.msk @!p0 $0xffff, v0  }
0x16a: {  	v1 =	vld @!p0 [tilespmem:s3+$0x5040];
	_ =	sdelay $0x7  }
0x16b: {  	[tilespmem:v1+s5+$0x0] =	vst.idx.add.f32.msk @!p0 $0xffff, v0  }
0x16c: {  	v1 =	vld @!p0 [tilespmem:s3+$0x5050];
	_ =	sdelay $0x7  }
0x16d: {  	[tilespmem:v1+s5+$0x0] =	vst.idx.add.f32.msk @!p0 $0xffff, v0  }
0x16e: {  	v1 =	vld @!p0 [tilespmem:s3+$0x5060];
	_ =	sdelay $0x7  }
0x16f: {  	[tilespmem:v1+s5+$0x0] =	vst.idx.add.f32.msk @!p0 $0xffff, v0  }
0x170: {  	v1 =	vld @!p0 [tilespmem:s3+$0x5070];
	_ =	sdelay $0x6  }
0x171: {  	p1 =	seq.s32 s1, $0x0  }
0x172: {  	s7 =	simm.s32 @!p1 $0xD;
	[tilespmem:v1+s5+$0x0] =	vst.idx.add.f32.msk @!p0 $0xffff, v0  }
0x173: {  	_ =	swait.ge @!p1 [sflag:s7], $0x1000  }
0x174: {  	[sflag:s7] =	ssyncset.done @!p1 $0x0  }
0x175: {  	s8 =	sadd.s32 $0x200, s10;
	[sflag:s7] =	ssyncadd.s32 @!p1 $0xFFFFF000  }
0x176: {  	[tilespmem:s13], [sflag:$0x5] =	stream.indirect.gather [hbm4b:s4+s30], $0x20, s8, s30, $0xb8;
	[tilespmem:$0x19680] =	vst v63  }
0x177: {  	_ =	swait.ge [sflag:s14], $0x1000  }
0x178: {  	[sflag:s14] =	ssyncset.done $0x0  }
0x179: {  	s26 =	sadd.s32 $0x5080, s10;
	[sflag:s14] =	ssyncadd.s32 $0xFFFFF000  }
0x17a: {  	[spmem:s2] =	stream.indirect.scatter.add.bf16 [tilespmem:s0], [sflag:$0xA], $0x20, s26, s30, $0xb8;
	[tilespmem:$0x19680] =	vst v63  }
0x17b: {  	v1 =	vld @!p0 [tilespmem:s10+$0x5080];
	_ =	sdelay $0x7  }
0x17c: {  	[tilespmem:v1+s5+$0x0] =	vst.idx.add.f32.msk @!p0 $0xffff, v0  }
0x17d: {  	v1 =	vld @!p0 [tilespmem:s3+$0x5090];
	_ =	sdelay $0x7  }
0x17e: {  	[tilespmem:v1+s5+$0x0] =	vst.idx.add.f32.msk @!p0 $0xffff, v0  }
0x17f: {  	v1 =	vld @!p0 [tilespmem:s3+$0x50A0];
	_ =	sdelay $0x7  }
0x180: {  	[tilespmem:v1+s5+$0x0] =	vst.idx.add.f32.msk @!p0 $0xffff, v0  }
0x181: {  	v1 =	vld @!p0 [tilespmem:s3+$0x50B0];
	_ =	sdelay $0x7  }
0x182: {  	[tilespmem:v1+s5+$0x0] =	vst.idx.add.f32.msk @!p0 $0xffff, v0  }
0x183: {  	v1 =	vld @!p0 [tilespmem:s3+$0x50C0];
	_ =	sdelay $0x7  }
0x184: {  	[tilespmem:v1+s5+$0x0] =	vst.idx.add.f32.msk @!p0 $0xffff, v0  }
0x185: {  	v1 =	vld @!p0 [tilespmem:s3+$0x50D0];
	_ =	sdelay $0x7  }
0x186: {  	[tilespmem:v1+s5+$0x0] =	vst.idx.add.f32.msk @!p0 $0xffff, v0  }
0x187: {  	v1 =	vld @!p0 [tilespmem:s3+$0x50E0];
	_ =	sdelay $0x7  }
0x188: {  	[tilespmem:v1+s5+$0x0] =	vst.idx.add.f32.msk @!p0 $0xffff, v0  }
0x189: {  	v1 =	vld @!p0 [tilespmem:s3+$0x50F0];
	_ =	sdelay $0x7  }
0x18a: {  	s7 =	simm.s32 @!p1 $0xE;
	[tilespmem:v1+s5+$0x0] =	vst.idx.add.f32.msk @!p0 $0xffff, v0  }
0x18b: {  	_ =	swait.ge @!p1 [sflag:s7], $0x1000  }
0x18c: {  	[sflag:s7] =	ssyncset.done @!p1 $0x0  }
0x18d: {  	s28 =	sadd.s32 $0x280, s10;
	[sflag:s7] =	ssyncadd.s32 @!p1 $0xFFFFF000  }
0x18e: {  	[tilespmem:s15], [sflag:$0x6] =	stream.indirect.gather [hbm4b:s4+s30], $0x20, s28, s30, $0xb8;
	[tilespmem:$0x19680] =	vst v63  }
0x18f: {  	_ =	swait.ge [sflag:s16], $0x1000  }
0x190: {  	[sflag:s16] =	ssyncset.done $0x0  }
0x191: {  	s8 =	sadd.s32 $0x5100, s10;
	[sflag:s16] =	ssyncadd.s32 $0xFFFFF000  }
0x192: {  	[spmem:s2] =	stream.indirect.scatter.add.bf16 [tilespmem:s6], [sflag:$0xB], $0x20, s8, s30, $0xb8;
	[tilespmem:$0x19680] =	vst v63  }
0x193: {  	v1 =	vld @!p0 [tilespmem:s10+$0x5100];
	_ =	sdelay $0x7  }
0x194: {  	[tilespmem:v1+s5+$0x0] =	vst.idx.add.f32.msk @!p0 $0xffff, v0  }
0x195: {  	v1 =	vld @!p0 [tilespmem:s3+$0x5110];
	_ =	sdelay $0x7  }
0x196: {  	[tilespmem:v1+s5+$0x0] =	vst.idx.add.f32.msk @!p0 $0xffff, v0  }
0x197: {  	v1 =	vld @!p0 [tilespmem:s3+$0x5120];
	_ =	sdelay $0x7  }
0x198: {  	[tilespmem:v1+s5+$0x0] =	vst.idx.add.f32.msk @!p0 $0xffff, v0  }
0x199: {  	v1 =	vld @!p0 [tilespmem:s3+$0x5130];
	_ =	sdelay $0x7  }
0x19a: {  	[tilespmem:v1+s5+$0x0] =	vst.idx.add.f32.msk @!p0 $0xffff, v0  }
0x19b: {  	v1 =	vld @!p0 [tilespmem:s3+$0x5140];
	_ =	sdelay $0x7  }
0x19c: {  	[tilespmem:v1+s5+$0x0] =	vst.idx.add.f32.msk @!p0 $0xffff, v0  }
0x19d: {  	v1 =	vld @!p0 [tilespmem:s3+$0x5150];
	_ =	sdelay $0x7  }
0x19e: {  	[tilespmem:v1+s5+$0x0] =	vst.idx.add.f32.msk @!p0 $0xffff, v0  }
0x19f: {  	v1 =	vld @!p0 [tilespmem:s3+$0x5160];
	_ =	sdelay $0x7  }
0x1a0: {  	[tilespmem:v1+s5+$0x0] =	vst.idx.add.f32.msk @!p0 $0xffff, v0  }
0x1a1: {  	v1 =	vld @!p0 [tilespmem:s3+$0x5170];
	_ =	sdelay $0x7  }
0x1a2: {  	s7 =	simm.s32 @!p1 $0xF;
	[tilespmem:v1+s5+$0x0] =	vst.idx.add.f32.msk @!p0 $0xffff, v0  }
0x1a3: {  	_ =	swait.ge @!p1 [sflag:s7], $0x1000  }
0x1a4: {  	[sflag:s7] =	ssyncset.done @!p1 $0x0  }
0x1a5: {  	s26 =	sadd.s32 $0x300, s10;
	[sflag:s7] =	ssyncadd.s32 @!p1 $0xFFFFF000  }
0x1a6: {  	[tilespmem:s17], [sflag:$0x7] =	stream.indirect.gather [hbm4b:s4+s30], $0x20, s26, s30, $0xb8;
	[tilespmem:$0x19680] =	vst v63  }
0x1a7: {  	_ =	swait.ge [sflag:s18], $0x1000  }
0x1a8: {  	[sflag:s18] =	ssyncset.done $0x0  }
0x1a9: {  	s28 =	sadd.s32 $0x5180, s10;
	[sflag:s18] =	ssyncadd.s32 $0xFFFFF000  }
0x1aa: {  	[spmem:s2] =	stream.indirect.scatter.add.bf16 [tilespmem:s11], [sflag:$0xC], $0x20, s28, s30, $0xb8;
	[tilespmem:$0x19680] =	vst v63  }
0x1ab: {  	v1 =	vld @!p0 [tilespmem:s10+$0x5180];
	_ =	sdelay $0x7  }
0x1ac: {  	[tilespmem:v1+s5+$0x0] =	vst.idx.add.f32.msk @!p0 $0xffff, v0  }
0x1ad: {  	v1 =	vld @!p0 [tilespmem:s3+$0x5190];
	_ =	sdelay $0x7  }
0x1ae: {  	[tilespmem:v1+s5+$0x0] =	vst.idx.add.f32.msk @!p0 $0xffff, v0  }
0x1af: {  	v1 =	vld @!p0 [tilespmem:s3+$0x51A0];
	_ =	sdelay $0x7  }
0x1b0: {  	[tilespmem:v1+s5+$0x0] =	vst.idx.add.f32.msk @!p0 $0xffff, v0  }
0x1b1: {  	v1 =	vld @!p0 [tilespmem:s3+$0x51B0];
	_ =	sdelay $0x7  }
0x1b2: {  	[tilespmem:v1+s5+$0x0] =	vst.idx.add.f32.msk @!p0 $0xffff, v0  }
0x1b3: {  	v1 =	vld @!p0 [tilespmem:s3+$0x51C0];
	_ =	sdelay $0x7  }
0x1b4: {  	[tilespmem:v1+s5+$0x0] =	vst.idx.add.f32.msk @!p0 $0xffff, v0  }
0x1b5: {  	v1 =	vld @!p0 [tilespmem:s3+$0x51D0];
	_ =	sdelay $0x7  }
0x1b6: {  	[tilespmem:v1+s5+$0x0] =	vst.idx.add.f32.msk @!p0 $0xffff, v0  }
0x1b7: {  	v1 =	vld @!p0 [tilespmem:s3+$0x51E0];
	_ =	sdelay $0x7  }
0x1b8: {  	[tilespmem:v1+s5+$0x0] =	vst.idx.add.f32.msk @!p0 $0xffff, v0  }
0x1b9: {  	v1 =	vld @!p0 [tilespmem:s3+$0x51F0];
	_ =	sdelay $0x7  }
0x1ba: {  	s7 =	simm.s32 @!p1 $0x10;
	[tilespmem:v1+s5+$0x0] =	vst.idx.add.f32.msk @!p0 $0xffff, v0  }
0x1bb: {  	_ =	swait.ge @!p1 [sflag:s7], $0x1000  }
0x1bc: {  	[sflag:s7] =	ssyncset.done @!p1 $0x0  }
0x1bd: {  	s8 =	sadd.s32 $0x380, s10;
	[sflag:s7] =	ssyncadd.s32 @!p1 $0xFFFFF000  }
0x1be: {  	[tilespmem:s19], [sflag:$0x8] =	stream.indirect.gather [hbm4b:s4+s30], $0x20, s8, s30, $0xb8;
	[tilespmem:$0x19680] =	vst v63  }
0x1bf: {  	_ =	swait.ge [sflag:s20], $0x1000  }
0x1c0: {  	[sflag:s20] =	ssyncset.done $0x0  }
0x1c1: {  	s26 =	sadd.s32 $0x5200, s10;
	[sflag:s20] =	ssyncadd.s32 $0xFFFFF000  }
0x1c2: {  	[spmem:s2] =	stream.indirect.scatter.add.bf16 [tilespmem:s13], [sflag:$0xD], $0x20, s26, s30, $0xb8;
	[tilespmem:$0x19680] =	vst v63  }
0x1c3: {  	v1 =	vld @!p0 [tilespmem:s10+$0x5200];
	_ =	sdelay $0x7  }
0x1c4: {  	[tilespmem:v1+s5+$0x0] =	vst.idx.add.f32.msk @!p0 $0xffff, v0  }
0x1c5: {  	v1 =	vld @!p0 [tilespmem:s3+$0x5210];
	_ =	sdelay $0x7  }
0x1c6: {  	[tilespmem:v1+s5+$0x0] =	vst.idx.add.f32.msk @!p0 $0xffff, v0  }
0x1c7: {  	v1 =	vld @!p0 [tilespmem:s3+$0x5220];
	_ =	sdelay $0x7  }
0x1c8: {  	[tilespmem:v1+s5+$0x0] =	vst.idx.add.f32.msk @!p0 $0xffff, v0  }
0x1c9: {  	v1 =	vld @!p0 [tilespmem:s3+$0x5230];
	_ =	sdelay $0x7  }
0x1ca: {  	[tilespmem:v1+s5+$0x0] =	vst.idx.add.f32.msk @!p0 $0xffff, v0  }
0x1cb: {  	v1 =	vld @!p0 [tilespmem:s3+$0x5240];
	_ =	sdelay $0x7  }
0x1cc: {  	[tilespmem:v1+s5+$0x0] =	vst.idx.add.f32.msk @!p0 $0xffff, v0  }
0x1cd: {  	v1 =	vld @!p0 [tilespmem:s3+$0x5250];
	_ =	sdelay $0x7  }
0x1ce: {  	[tilespmem:v1+s5+$0x0] =	vst.idx.add.f32.msk @!p0 $0xffff, v0  }
0x1cf: {  	v1 =	vld @!p0 [tilespmem:s3+$0x5260];
	_ =	sdelay $0x7  }
0x1d0: {  	[tilespmem:v1+s5+$0x0] =	vst.idx.add.f32.msk @!p0 $0xffff, v0  }
0x1d1: {  	v1 =	vld @!p0 [tilespmem:s3+$0x5270];
	_ =	sdelay $0x7  }
0x1d2: {  	[tilespmem:v1+s5+$0x0] =	vst.idx.add.f32.msk @!p0 $0xffff, v0  }
0x1d3: {  	p1 =	seq.s32 s1, $0x13000;
	_ =	swait.ge [sflag:s21], $0x1000  }
0x1d4: {  	s7 =	sshra.s32 @!p1 s1, $0x2;
	s28 =	simm.s32 @!p1 $0xA000;
	[sflag:s21] =	ssyncset.done $0x0  }
0x1d5: {  	s8 =	sadd.s32 @!p1 $0x400, s7;
	s26 =	simm.s32 @!p1 $0x80;
	[sflag:s21] =	ssyncadd.s32 $0xFFFFF000  }
0x1d6: {  	[tilespmem:s28], [sflag:$0x1] =	stream.indirect.gather @!p1 [hbm4b:s4+s26], $0x20, s8, s26, $0xb8;
	[tilespmem:$0x19680] =	vst v63  }
0x1d7: {  	_ =	swait.ge [sflag:s22], $0x1000  }
0x1d8: {  	[sflag:s22] =	ssyncset.done $0x0  }
0x1d9: {  	s28 =	sadd.s32 $0x5280, s10;
	[sflag:s22] =	ssyncadd.s32 $0xFFFFF000  }
0x1da: {  	[spmem:s2] =	stream.indirect.scatter.add.bf16 [tilespmem:s15], [sflag:$0xE], $0x20, s28, s30, $0xb8;
	[tilespmem:$0x19680] =	vst v63  }
0x1db: {  	v1 =	vld @!p0 [tilespmem:s10+$0x5280];
	_ =	sdelay $0x7  }
0x1dc: {  	[tilespmem:v1+s5+$0x0] =	vst.idx.add.f32.msk @!p0 $0xffff, v0  }
0x1dd: {  	v1 =	vld @!p0 [tilespmem:s3+$0x5290];
	_ =	sdelay $0x7  }
0x1de: {  	[tilespmem:v1+s5+$0x0] =	vst.idx.add.f32.msk @!p0 $0xffff, v0  }
0x1df: {  	v1 =	vld @!p0 [tilespmem:s3+$0x52A0];
	_ =	sdelay $0x7  }
0x1e0: {  	[tilespmem:v1+s5+$0x0] =	vst.idx.add.f32.msk @!p0 $0xffff, v0  }
0x1e1: {  	v1 =	vld @!p0 [tilespmem:s3+$0x52B0];
	_ =	sdelay $0x7  }
0x1e2: {  	[tilespmem:v1+s5+$0x0] =	vst.idx.add.f32.msk @!p0 $0xffff, v0  }
0x1e3: {  	v1 =	vld @!p0 [tilespmem:s3+$0x52C0];
	_ =	sdelay $0x7  }
0x1e4: {  	[tilespmem:v1+s5+$0x0] =	vst.idx.add.f32.msk @!p0 $0xffff, v0  }
0x1e5: {  	v1 =	vld @!p0 [tilespmem:s3+$0x52D0];
	_ =	sdelay $0x7  }
0x1e6: {  	[tilespmem:v1+s5+$0x0] =	vst.idx.add.f32.msk @!p0 $0xffff, v0  }
0x1e7: {  	v1 =	vld @!p0 [tilespmem:s3+$0x52E0];
	_ =	sdelay $0x7  }
0x1e8: {  	[tilespmem:v1+s5+$0x0] =	vst.idx.add.f32.msk @!p0 $0xffff, v0  }
0x1e9: {  	v1 =	vld @!p0 [tilespmem:s3+$0x52F0];
	_ =	sdelay $0x7  }
0x1ea: {  	[tilespmem:v1+s5+$0x0] =	vst.idx.add.f32.msk @!p0 $0xffff, v0  }
0x1eb: {  	_ =	swait.ge [sflag:s23], $0x1000  }
0x1ec: {  	[sflag:s23] =	ssyncset.done $0x0  }
0x1ed: {  	s8 =	sadd.s32 @!p1 $0x480, s7;
	s28 =	simm.s32 @!p1 $0xB000;
	[sflag:s23] =	ssyncadd.s32 $0xFFFFF000  }
0x1ee: {  	[tilespmem:s28], [sflag:$0x2] =	stream.indirect.gather @!p1 [hbm4b:s4+s26], $0x20, s8, s26, $0xb8;
	[tilespmem:$0x19680] =	vst v63  }
0x1ef: {  	_ =	swait.ge [sflag:s24], $0x1000  }
0x1f0: {  	[sflag:s24] =	ssyncset.done $0x0  }
0x1f1: {  	s28 =	sadd.s32 $0x5300, s10;
	[sflag:s24] =	ssyncadd.s32 $0xFFFFF000  }
0x1f2: {  	[spmem:s2] =	stream.indirect.scatter.add.bf16 [tilespmem:s17], [sflag:$0xF], $0x20, s28, s30, $0xb8;
	[tilespmem:$0x19680] =	vst v63  }
0x1f3: {  	v1 =	vld @!p0 [tilespmem:s10+$0x5300];
	_ =	sdelay $0x7  }
0x1f4: {  	[tilespmem:v1+s5+$0x0] =	vst.idx.add.f32.msk @!p0 $0xffff, v0  }
0x1f5: {  	v1 =	vld @!p0 [tilespmem:s3+$0x5310];
	_ =	sdelay $0x7  }
0x1f6: {  	[tilespmem:v1+s5+$0x0] =	vst.idx.add.f32.msk @!p0 $0xffff, v0  }
0x1f7: {  	v1 =	vld @!p0 [tilespmem:s3+$0x5320];
	_ =	sdelay $0x7  }
0x1f8: {  	[tilespmem:v1+s5+$0x0] =	vst.idx.add.f32.msk @!p0 $0xffff, v0  }
0x1f9: {  	v1 =	vld @!p0 [tilespmem:s3+$0x5330];
	_ =	sdelay $0x7  }
0x1fa: {  	[tilespmem:v1+s5+$0x0] =	vst.idx.add.f32.msk @!p0 $0xffff, v0  }
0x1fb: {  	v1 =	vld @!p0 [tilespmem:s3+$0x5340];
	_ =	sdelay $0x7  }
0x1fc: {  	[tilespmem:v1+s5+$0x0] =	vst.idx.add.f32.msk @!p0 $0xffff, v0  }
0x1fd: {  	v1 =	vld @!p0 [tilespmem:s3+$0x5350];
	_ =	sdelay $0x7  }
0x1fe: {  	[tilespmem:v1+s5+$0x0] =	vst.idx.add.f32.msk @!p0 $0xffff, v0  }
0x1ff: {  	v1 =	vld @!p0 [tilespmem:s3+$0x5360];
	_ =	sdelay $0x7  }
0x200: {  	[tilespmem:v1+s5+$0x0] =	vst.idx.add.f32.msk @!p0 $0xffff, v0  }
0x201: {  	v1 =	vld @!p0 [tilespmem:s3+$0x5370];
	_ =	sdelay $0x7  }
0x202: {  	[tilespmem:v1+s5+$0x0] =	vst.idx.add.f32.msk @!p0 $0xffff, v0  }
0x203: {  	_ =	swait.ge [sflag:s25], $0x1000  }
0x204: {  	[sflag:s25] =	ssyncset.done $0x0  }
0x205: {  	s7 =	sadd.s32 @!p1 $0x500, s7;
	s8 =	simm.s32 @!p1 $0xC000;
	[sflag:s25] =	ssyncadd.s32 $0xFFFFF000  }
0x206: {  	[tilespmem:s8], [sflag:$0x3] =	stream.indirect.gather @!p1 [hbm4b:s4+s26], $0x20, s7, s26, $0xb8;
	[tilespmem:$0x19680] =	vst v63  }
0x207: {  	_ =	swait.ge [sflag:s9], $0x1000  }
0x208: {  	[sflag:s9] =	ssyncset.done $0x0  }
0x209: {  	s28 =	sadd.s32 $0x5380, s10;
	[sflag:s9] =	ssyncadd.s32 $0xFFFFF000  }
0x20a: {  	[spmem:s2] =	stream.indirect.scatter.add.bf16 [tilespmem:s19], [sflag:$0x10], $0x20, s28, s30, $0xb8;
	[tilespmem:$0x19680] =	vst v63  }
0x20b: {  	v1 =	vld @!p0 [tilespmem:s10+$0x5380];
	_ =	sdelay $0x7  }
0x20c: {  	[tilespmem:v1+s5+$0x0] =	vst.idx.add.f32.msk @!p0 $0xffff, v0  }
0x20d: {  	v1 =	vld @!p0 [tilespmem:s3+$0x5390];
	_ =	sdelay $0x7  }
0x20e: {  	[tilespmem:v1+s5+$0x0] =	vst.idx.add.f32.msk @!p0 $0xffff, v0  }
0x20f: {  	v1 =	vld @!p0 [tilespmem:s3+$0x53A0];
	_ =	sdelay $0x7  }
0x210: {  	[tilespmem:v1+s5+$0x0] =	vst.idx.add.f32.msk @!p0 $0xffff, v0  }
0x211: {  	v1 =	vld @!p0 [tilespmem:s3+$0x53B0];
	_ =	sdelay $0x7  }
0x212: {  	[tilespmem:v1+s5+$0x0] =	vst.idx.add.f32.msk @!p0 $0xffff, v0  }
0x213: {  	v1 =	vld @!p0 [tilespmem:s3+$0x53C0];
	_ =	sdelay $0x7  }
0x214: {  	[tilespmem:v1+s5+$0x0] =	vst.idx.add.f32.msk @!p0 $0xffff, v0  }
0x215: {  	v1 =	vld @!p0 [tilespmem:s3+$0x53D0];
	_ =	sdelay $0x7  }
0x216: {  	[tilespmem:v1+s5+$0x0] =	vst.idx.add.f32.msk @!p0 $0xffff, v0  }
0x217: {  	v1 =	vld @!p0 [tilespmem:s3+$0x53E0];
	_ =	sdelay $0x7  }
0x218: {  	[tilespmem:v1+s5+$0x0] =	vst.idx.add.f32.msk @!p0 $0xffff, v0  }
0x219: {  	v1 =	vld @!p0 [tilespmem:s3+$0x53F0];
	_ =	sdelay $0x6  }
.Ltmp4:
0x21a: {  	_ = 	snop;
	(pc) =	sbr.rel @p1 .LBB2_7-.Ltmp4, $4  }
0x21b: {  	[tilespmem:v1+s5+$0x0] =	vst.idx.add.f32.msk @!p0 $0xffff, v0  }
0x21c: {  	_ =	swait.ge [sflag:s29], $0x1000  }
0x21d: {  	[sflag:s29] =	ssyncset.done $0x0  }
0x21e: {  	[sflag:s29] =	ssyncadd.s32 $0xFFFFF000  }
.Ltmp5:
0x21f: {  	(pc) =	sbr.rel .LBB2_5-.Ltmp5, $3  }
0x220: {  	_ =	sdelay $0x1  }
0x221: {  	s3 =	sadd.s32 $0x580, s10;
	s1 =	sadd.s32 $0x1000, s1  }
0x222: {  	[tilespmem:s11], [sflag:$0x4] =	stream.indirect.gather [hbm4b:s4+s30], $0x20, s3, s30, $0xb8;
	[tilespmem:$0x19680] =	vst v63  }
.LBB2_7:
0x223: {  	s1 =	simm.s32 $0xD  }
0x224: {  	_ =	swait.ge [sflag:s1], $0x1000  }
0x225: {  	[sflag:s1] =	ssyncset.done $0x0  }
0x226: {  	s3 =	simm.s32 $0xE;
	[sflag:s1] =	ssyncadd.s32 $0xFFFFF000  }
0x227: {  	_ =	swait.ge [sflag:s3], $0x1000  }
0x228: {  	[sflag:s3] =	ssyncset.done $0x0  }
0x229: {  	s5 =	simm.s32 $0xF;
	[sflag:s3] =	ssyncadd.s32 $0xFFFFF000  }
0x22a: {  	_ =	swait.ge [sflag:s5], $0x1000  }
0x22b: {  	[sflag:s5] =	ssyncset.done $0x0  }
0x22c: {  	s7 =	simm.s32 $0x10;
	[sflag:s5] =	ssyncadd.s32 $0xFFFFF000  }
0x22d: {  	_ =	swait.ge [sflag:s7], $0x1000  }
0x22e: {  	[sflag:s7] =	ssyncset.done $0x0  }
0x22f: {  	[sflag:s7] =	ssyncadd.s32 $0xFFFFF000  }
0x230: {  	[bflag:$0x0] =	sbarrier.arrive $0xFFFF  }
0x231: {  	s5 =	rddreg [dreg:$0x7]  }
0x232: {  	s8 =	rddreg [dreg:$0xe]  }
0x233: {  	s7 =	simm.s32 $0x11;
	s10 =	rddreg [dreg:$0x1a]  }
0x234: {  	[hbm:s8], [sflag:s5] =	dma.local [spmem:s10], $0x9E0  }
0x235: {  	_ =	swait.ge [sflag:s7], $0x9E0  }
0x236: {  	s1 =	simm.s32 $0x0;
	[sflag:s7] =	ssyncset.done $0x0  }
0x237: {  	s8 =	simm.s32 $0x12000;
	s3 =	rddreg [dreg:$0xf];
	[sflag:s7] =	ssyncadd.s32 $0xFFFFF620  }
0x238: {  	[hbm4b:s3+s1] =	stream.linear.scatter [tilespmem:s8], [sflag:$0x11], $0x2780, $0x38;
	[tilespmem:$0x19680] =	vst v63  }
0x239: {  	_ =	swait.ge [sflag:s7], $0x2780  }
0x23a: {  	[sflag:s7] =	ssyncset.done $0x0  }
0x23b: {  	[sflag:s7] =	ssyncadd.s32 $0xFFFFD880  }
0x23c: {  	[bflag:$0x0] =	sbarrier.arrive $0xFFFF  }
0x23d: {  	s26 =	rddreg [dreg:$0x6]  }
0x23e: {  	[spmem:s10], [sflag:s5] =	dma.local [hbm:s26], $0x9E0  }
0x23f: {  	_ =	swait.ge [sflag:s7], $0x9E0  }
0x240: {  	[sflag:s7] =	ssyncset.done $0x0  }
0x241: {  	s28 =	rddreg [dreg:$0x4];
	[sflag:s7] =	ssyncadd.s32 $0xFFFFF620  }
0x242: {  	[tilespmem:s8], [sflag:$0x11] =	stream.linear.gather [hbm4b:s28+s1], $0x2780, $0x38;
	[tilespmem:$0x19680] =	vst v63  }
0x243: {  	_ =	swait.ge [sflag:s7], $0x2780  }
0x244: {  	[sflag:s7] =	ssyncset.done $0x0  }
0x245: {  	[sflag:s7] =	ssyncadd.s32 $0xFFFFD880  }
0x246: {  	[bflag:$0x0] =	sbarrier.arrive $0xFFFF  }
0x247: {  	s5 =	rddreg [dreg:$0x10]  }
0x248: {  	[tilespmem:s1], [sflag:$0x11] =	stream.linear.gather [hbm4b:s5+s1], $0x5000, $0x38;
	[tilespmem:$0x19680] =	vst v63  }
0x249: {  	_ =	swait.ge [sflag:s7], $0x5000  }
0x24a: {  	[sflag:s7] =	ssyncset.done $0x0  }
0x24b: {  	s10 =	simm.s32 $0x5000;
	s8 =	rddreg [dreg:$0x11];
	[sflag:s7] =	ssyncadd.s32 $0xFFFFB000  }
0x24c: {  	[tilespmem:s10], [sflag:$0x11] =	stream.linear.gather [hbm4b:s8+s1], $0x5000, $0x38;
	[tilespmem:$0x19680] =	vst v63  }
0x24d: {  	_ =	swait.ge [sflag:s7], $0x5000  }
0x24e: {  	[sflag:s7] =	ssyncset.done $0x0  }
0x24f: {  	[sflag:s7] =	ssyncadd.s32 $0xFFFFB000  }
0x250: {  	[tilespmem:s31], [sflag:$0x1] =	stream.indirect.gather [hbm4b:s4+s30], $0x20, s1, s30, $0xb8;
	[tilespmem:$0x19680] =	vst v63  }
0x251: {  	_ = 	snop  }
0x252: {  	[tilespmem:s0], [sflag:$0x2] =	stream.indirect.gather [hbm4b:s4+s30], $0x20, s30, s30, $0xb8;
	[tilespmem:$0x19680] =	vst v63  }
0x253: {  	s26 =	simm.s32 $0x100  }
0x254: {  	[tilespmem:s6], [sflag:$0x3] =	stream.indirect.gather [hbm4b:s4+s30], $0x20, s26, s30, $0xb8;
	[tilespmem:$0x19680] =	vst v63  }
0x255: {  	s28 =	simm.s32 $0x180  }
0x256: {  	[tilespmem:s11], [sflag:$0x4] =	stream.indirect.gather [hbm4b:s4+s30], $0x20, s28, s30, $0xb8;
	[tilespmem:$0x19680] =	vst v63  }
.LBB2_8:
0x257: {  	_ =	swait.ge [sflag:s12], $0x1000  }
0x258: {  	s10 =	sshra.s32 s1, $0x2;
	[sflag:s12] =	ssyncset.done $0x0  }
0x259: {  	s3 =	sadd.s32 $0x5000, s10;
	[sflag:s12] =	ssyncadd.s32 $0xFFFFF000  }
0x25a: {  	[spmem:s2] =	stream.indirect.scatter.add.bf16 [tilespmem:s31], [sflag:$0x9], $0x20, s3, s30, $0xb8;
	[tilespmem:$0x19680] =	vst v63  }
0x25b: {  	s3 =	sshra.s32 @!p0 s1, $0x2  }
0x25c: {  	v1 =	vld @!p0 [tilespmem:s3+$0x5000];
	_ =	sdelay $0x6  }
0x25d: {  	v0 =	vimm.f32 @!p0 $1.000000000e+00;
	s5 =	simm.s32 @!p0 $0x12000  }
0x25e: {  	[tilespmem:v1+s5+$0x0] =	vst.idx.add.f32.msk @!p0 $0xffff, v0  }
0x25f: {  	v1 =	vld @!p0 [tilespmem:s3+$0x5010];
	_ =	sdelay $0x7  }
0x260: {  	[tilespmem:v1+s5+$0x0] =	vst.idx.add.f32.msk @!p0 $0xffff, v0  }
0x261: {  	v1 =	vld @!p0 [tilespmem:s3+$0x5020];
	_ =	sdelay $0x7  }
0x262: {  	[tilespmem:v1+s5+$0x0] =	vst.idx.add.f32.msk @!p0 $0xffff, v0  }
0x263: {  	v1 =	vld @!p0 [tilespmem:s3+$0x5030];
	_ =	sdelay $0x7  }
0x264: {  	[tilespmem:v1+s5+$0x0] =	vst.idx.add.f32.msk @!p0 $0xffff, v0  }
0x265: {  	v1 =	vld @!p0 [tilespmem:s3+$0x5040];
	_ =	sdelay $0x7  }
0x266: {  	[tilespmem:v1+s5+$0x0] =	vst.idx.add.f32.msk @!p0 $0xffff, v0  }
0x267: {  	v1 =	vld @!p0 [tilespmem:s3+$0x5050];
	_ =	sdelay $0x7  }
0x268: {  	[tilespmem:v1+s5+$0x0] =	vst.idx.add.f32.msk @!p0 $0xffff, v0  }
0x269: {  	v1 =	vld @!p0 [tilespmem:s3+$0x5060];
	_ =	sdelay $0x7  }
0x26a: {  	[tilespmem:v1+s5+$0x0] =	vst.idx.add.f32.msk @!p0 $0xffff, v0  }
0x26b: {  	v1 =	vld @!p0 [tilespmem:s3+$0x5070];
	_ =	sdelay $0x6  }
0x26c: {  	p1 =	seq.s32 s1, $0x0  }
0x26d: {  	s7 =	simm.s32 @!p1 $0xD;
	[tilespmem:v1+s5+$0x0] =	vst.idx.add.f32.msk @!p0 $0xffff, v0  }
0x26e: {  	_ =	swait.ge @!p1 [sflag:s7], $0x1000  }
0x26f: {  	[sflag:s7] =	ssyncset.done @!p1 $0x0  }
0x270: {  	s8 =	sadd.s32 $0x200, s10;
	[sflag:s7] =	ssyncadd.s32 @!p1 $0xFFFFF000  }
0x271: {  	[tilespmem:s13], [sflag:$0x5] =	stream.indirect.gather [hbm4b:s4+s30], $0x20, s8, s30, $0xb8;
	[tilespmem:$0x19680] =	vst v63  }
0x272: {  	_ =	swait.ge [sflag:s14], $0x1000  }
0x273: {  	[sflag:s14] =	ssyncset.done $0x0  }
0x274: {  	s26 =	sadd.s32 $0x5080, s10;
	[sflag:s14] =	ssyncadd.s32 $0xFFFFF000  }
0x275: {  	[spmem:s2] =	stream.indirect.scatter.add.bf16 [tilespmem:s0], [sflag:$0xA], $0x20, s26, s30, $0xb8;
	[tilespmem:$0x19680] =	vst v63  }
0x276: {  	v1 =	vld @!p0 [tilespmem:s10+$0x5080];
	_ =	sdelay $0x7  }
0x277: {  	[tilespmem:v1+s5+$0x0] =	vst.idx.add.f32.msk @!p0 $0xffff, v0  }
0x278: {  	v1 =	vld @!p0 [tilespmem:s3+$0x5090];
	_ =	sdelay $0x7  }
0x279: {  	[tilespmem:v1+s5+$0x0] =	vst.idx.add.f32.msk @!p0 $0xffff, v0  }
0x27a: {  	v1 =	vld @!p0 [tilespmem:s3+$0x50A0];
	_ =	sdelay $0x7  }
0x27b: {  	[tilespmem:v1+s5+$0x0] =	vst.idx.add.f32.msk @!p0 $0xffff, v0  }
0x27c: {  	v1 =	vld @!p0 [tilespmem:s3+$0x50B0];
	_ =	sdelay $0x7  }
0x27d: {  	[tilespmem:v1+s5+$0x0] =	vst.idx.add.f32.msk @!p0 $0xffff, v0  }
0x27e: {  	v1 =	vld @!p0 [tilespmem:s3+$0x50C0];
	_ =	sdelay $0x7  }
0x27f: {  	[tilespmem:v1+s5+$0x0] =	vst.idx.add.f32.msk @!p0 $0xffff, v0  }
0x280: {  	v1 =	vld @!p0 [tilespmem:s3+$0x50D0];
	_ =	sdelay $0x7  }
0x281: {  	[tilespmem:v1+s5+$0x0] =	vst.idx.add.f32.msk @!p0 $0xffff, v0  }
0x282: {  	v1 =	vld @!p0 [tilespmem:s3+$0x50E0];
	_ =	sdelay $0x7  }
0x283: {  	[tilespmem:v1+s5+$0x0] =	vst.idx.add.f32.msk @!p0 $0xffff, v0  }
0x284: {  	v1 =	vld @!p0 [tilespmem:s3+$0x50F0];
	_ =	sdelay $0x7  }
0x285: {  	s7 =	simm.s32 @!p1 $0xE;
	[tilespmem:v1+s5+$0x0] =	vst.idx.add.f32.msk @!p0 $0xffff, v0  }
0x286: {  	_ =	swait.ge @!p1 [sflag:s7], $0x1000  }
0x287: {  	[sflag:s7] =	ssyncset.done @!p1 $0x0  }
0x288: {  	s28 =	sadd.s32 $0x280, s10;
	[sflag:s7] =	ssyncadd.s32 @!p1 $0xFFFFF000  }
0x289: {  	[tilespmem:s15], [sflag:$0x6] =	stream.indirect.gather [hbm4b:s4+s30], $0x20, s28, s30, $0xb8;
	[tilespmem:$0x19680] =	vst v63  }
0x28a: {  	_ =	swait.ge [sflag:s16], $0x1000  }
0x28b: {  	[sflag:s16] =	ssyncset.done $0x0  }
0x28c: {  	s8 =	sadd.s32 $0x5100, s10;
	[sflag:s16] =	ssyncadd.s32 $0xFFFFF000  }
0x28d: {  	[spmem:s2] =	stream.indirect.scatter.add.bf16 [tilespmem:s6], [sflag:$0xB], $0x20, s8, s30, $0xb8;
	[tilespmem:$0x19680] =	vst v63  }
0x28e: {  	v1 =	vld @!p0 [tilespmem:s10+$0x5100];
	_ =	sdelay $0x7  }
0x28f: {  	[tilespmem:v1+s5+$0x0] =	vst.idx.add.f32.msk @!p0 $0xffff, v0  }
0x290: {  	v1 =	vld @!p0 [tilespmem:s3+$0x5110];
	_ =	sdelay $0x7  }
0x291: {  	[tilespmem:v1+s5+$0x0] =	vst.idx.add.f32.msk @!p0 $0xffff, v0  }
0x292: {  	v1 =	vld @!p0 [tilespmem:s3+$0x5120];
	_ =	sdelay $0x7  }
0x293: {  	[tilespmem:v1+s5+$0x0] =	vst.idx.add.f32.msk @!p0 $0xffff, v0  }
0x294: {  	v1 =	vld @!p0 [tilespmem:s3+$0x5130];
	_ =	sdelay $0x7  }
0x295: {  	[tilespmem:v1+s5+$0x0] =	vst.idx.add.f32.msk @!p0 $0xffff, v0  }
0x296: {  	v1 =	vld @!p0 [tilespmem:s3+$0x5140];
	_ =	sdelay $0x7  }
0x297: {  	[tilespmem:v1+s5+$0x0] =	vst.idx.add.f32.msk @!p0 $0xffff, v0  }
0x298: {  	v1 =	vld @!p0 [tilespmem:s3+$0x5150];
	_ =	sdelay $0x7  }
0x299: {  	[tilespmem:v1+s5+$0x0] =	vst.idx.add.f32.msk @!p0 $0xffff, v0  }
0x29a: {  	v1 =	vld @!p0 [tilespmem:s3+$0x5160];
	_ =	sdelay $0x7  }
0x29b: {  	[tilespmem:v1+s5+$0x0] =	vst.idx.add.f32.msk @!p0 $0xffff, v0  }
0x29c: {  	v1 =	vld @!p0 [tilespmem:s3+$0x5170];
	_ =	sdelay $0x7  }
0x29d: {  	s7 =	simm.s32 @!p1 $0xF;
	[tilespmem:v1+s5+$0x0] =	vst.idx.add.f32.msk @!p0 $0xffff, v0  }
0x29e: {  	_ =	swait.ge @!p1 [sflag:s7], $0x1000  }
0x29f: {  	[sflag:s7] =	ssyncset.done @!p1 $0x0  }
0x2a0: {  	s26 =	sadd.s32 $0x300, s10;
	[sflag:s7] =	ssyncadd.s32 @!p1 $0xFFFFF000  }
0x2a1: {  	[tilespmem:s17], [sflag:$0x7] =	stream.indirect.gather [hbm4b:s4+s30], $0x20, s26, s30, $0xb8;
	[tilespmem:$0x19680] =	vst v63  }
0x2a2: {  	_ =	swait.ge [sflag:s18], $0x1000  }
0x2a3: {  	[sflag:s18] =	ssyncset.done $0x0  }
0x2a4: {  	s28 =	sadd.s32 $0x5180, s10;
	[sflag:s18] =	ssyncadd.s32 $0xFFFFF000  }
0x2a5: {  	[spmem:s2] =	stream.indirect.scatter.add.bf16 [tilespmem:s11], [sflag:$0xC], $0x20, s28, s30, $0xb8;
	[tilespmem:$0x19680] =	vst v63  }
0x2a6: {  	v1 =	vld @!p0 [tilespmem:s10+$0x5180];
	_ =	sdelay $0x7  }
0x2a7: {  	[tilespmem:v1+s5+$0x0] =	vst.idx.add.f32.msk @!p0 $0xffff, v0  }
0x2a8: {  	v1 =	vld @!p0 [tilespmem:s3+$0x5190];
	_ =	sdelay $0x7  }
0x2a9: {  	[tilespmem:v1+s5+$0x0] =	vst.idx.add.f32.msk @!p0 $0xffff, v0  }
0x2aa: {  	v1 =	vld @!p0 [tilespmem:s3+$0x51A0];
	_ =	sdelay $0x7  }
0x2ab: {  	[tilespmem:v1+s5+$0x0] =	vst.idx.add.f32.msk @!p0 $0xffff, v0  }
0x2ac: {  	v1 =	vld @!p0 [tilespmem:s3+$0x51B0];
	_ =	sdelay $0x7  }
0x2ad: {  	[tilespmem:v1+s5+$0x0] =	vst.idx.add.f32.msk @!p0 $0xffff, v0  }
0x2ae: {  	v1 =	vld @!p0 [tilespmem:s3+$0x51C0];
	_ =	sdelay $0x7  }
0x2af: {  	[tilespmem:v1+s5+$0x0] =	vst.idx.add.f32.msk @!p0 $0xffff, v0  }
0x2b0: {  	v1 =	vld @!p0 [tilespmem:s3+$0x51D0];
	_ =	sdelay $0x7  }
0x2b1: {  	[tilespmem:v1+s5+$0x0] =	vst.idx.add.f32.msk @!p0 $0xffff, v0  }
0x2b2: {  	v1 =	vld @!p0 [tilespmem:s3+$0x51E0];
	_ =	sdelay $0x7  }
0x2b3: {  	[tilespmem:v1+s5+$0x0] =	vst.idx.add.f32.msk @!p0 $0xffff, v0  }
0x2b4: {  	v1 =	vld @!p0 [tilespmem:s3+$0x51F0];
	_ =	sdelay $0x7  }
0x2b5: {  	s7 =	simm.s32 @!p1 $0x10;
	[tilespmem:v1+s5+$0x0] =	vst.idx.add.f32.msk @!p0 $0xffff, v0  }
0x2b6: {  	_ =	swait.ge @!p1 [sflag:s7], $0x1000  }
0x2b7: {  	[sflag:s7] =	ssyncset.done @!p1 $0x0  }
0x2b8: {  	s8 =	sadd.s32 $0x380, s10;
	[sflag:s7] =	ssyncadd.s32 @!p1 $0xFFFFF000  }
0x2b9: {  	[tilespmem:s19], [sflag:$0x8] =	stream.indirect.gather [hbm4b:s4+s30], $0x20, s8, s30, $0xb8;
	[tilespmem:$0x19680] =	vst v63  }
0x2ba: {  	_ =	swait.ge [sflag:s20], $0x1000  }
0x2bb: {  	[sflag:s20] =	ssyncset.done $0x0  }
0x2bc: {  	s26 =	sadd.s32 $0x5200, s10;
	[sflag:s20] =	ssyncadd.s32 $0xFFFFF000  }
0x2bd: {  	[spmem:s2] =	stream.indirect.scatter.add.bf16 [tilespmem:s13], [sflag:$0xD], $0x20, s26, s30, $0xb8;
	[tilespmem:$0x19680] =	vst v63  }
0x2be: {  	v1 =	vld @!p0 [tilespmem:s10+$0x5200];
	_ =	sdelay $0x7  }
0x2bf: {  	[tilespmem:v1+s5+$0x0] =	vst.idx.add.f32.msk @!p0 $0xffff, v0  }
0x2c0: {  	v1 =	vld @!p0 [tilespmem:s3+$0x5210];
	_ =	sdelay $0x7  }
0x2c1: {  	[tilespmem:v1+s5+$0x0] =	vst.idx.add.f32.msk @!p0 $0xffff, v0  }
0x2c2: {  	v1 =	vld @!p0 [tilespmem:s3+$0x5220];
	_ =	sdelay $0x7  }
0x2c3: {  	[tilespmem:v1+s5+$0x0] =	vst.idx.add.f32.msk @!p0 $0xffff, v0  }
0x2c4: {  	v1 =	vld @!p0 [tilespmem:s3+$0x5230];
	_ =	sdelay $0x7  }
0x2c5: {  	[tilespmem:v1+s5+$0x0] =	vst.idx.add.f32.msk @!p0 $0xffff, v0  }
0x2c6: {  	v1 =	vld @!p0 [tilespmem:s3+$0x5240];
	_ =	sdelay $0x7  }
0x2c7: {  	[tilespmem:v1+s5+$0x0] =	vst.idx.add.f32.msk @!p0 $0xffff, v0  }
0x2c8: {  	v1 =	vld @!p0 [tilespmem:s3+$0x5250];
	_ =	sdelay $0x7  }
0x2c9: {  	[tilespmem:v1+s5+$0x0] =	vst.idx.add.f32.msk @!p0 $0xffff, v0  }
0x2ca: {  	v1 =	vld @!p0 [tilespmem:s3+$0x5260];
	_ =	sdelay $0x7  }
0x2cb: {  	[tilespmem:v1+s5+$0x0] =	vst.idx.add.f32.msk @!p0 $0xffff, v0  }
0x2cc: {  	v1 =	vld @!p0 [tilespmem:s3+$0x5270];
	_ =	sdelay $0x7  }
0x2cd: {  	[tilespmem:v1+s5+$0x0] =	vst.idx.add.f32.msk @!p0 $0xffff, v0  }
0x2ce: {  	p1 =	seq.s32 s1, $0x13000;
	_ =	swait.ge [sflag:s21], $0x1000  }
0x2cf: {  	s7 =	sshra.s32 @!p1 s1, $0x2;
	s28 =	simm.s32 @!p1 $0xA000;
	[sflag:s21] =	ssyncset.done $0x0  }
0x2d0: {  	s8 =	sadd.s32 @!p1 $0x400, s7;
	s26 =	simm.s32 @!p1 $0x80;
	[sflag:s21] =	ssyncadd.s32 $0xFFFFF000  }
0x2d1: {  	[tilespmem:s28], [sflag:$0x1] =	stream.indirect.gather @!p1 [hbm4b:s4+s26], $0x20, s8, s26, $0xb8;
	[tilespmem:$0x19680] =	vst v63  }
0x2d2: {  	_ =	swait.ge [sflag:s22], $0x1000  }
0x2d3: {  	[sflag:s22] =	ssyncset.done $0x0  }
0x2d4: {  	s28 =	sadd.s32 $0x5280, s10;
	[sflag:s22] =	ssyncadd.s32 $0xFFFFF000  }
0x2d5: {  	[spmem:s2] =	stream.indirect.scatter.add.bf16 [tilespmem:s15], [sflag:$0xE], $0x20, s28, s30, $0xb8;
	[tilespmem:$0x19680] =	vst v63  }
0x2d6: {  	v1 =	vld @!p0 [tilespmem:s10+$0x5280];
	_ =	sdelay $0x7  }
0x2d7: {  	[tilespmem:v1+s5+$0x0] =	vst.idx.add.f32.msk @!p0 $0xffff, v0  }
0x2d8: {  	v1 =	vld @!p0 [tilespmem:s3+$0x5290];
	_ =	sdelay $0x7  }
0x2d9: {  	[tilespmem:v1+s5+$0x0] =	vst.idx.add.f32.msk @!p0 $0xffff, v0  }
0x2da: {  	v1 =	vld @!p0 [tilespmem:s3+$0x52A0];
	_ =	sdelay $0x7  }
0x2db: {  	[tilespmem:v1+s5+$0x0] =	vst.idx.add.f32.msk @!p0 $0xffff, v0  }
0x2dc: {  	v1 =	vld @!p0 [tilespmem:s3+$0x52B0];
	_ =	sdelay $0x7  }
0x2dd: {  	[tilespmem:v1+s5+$0x0] =	vst.idx.add.f32.msk @!p0 $0xffff, v0  }
0x2de: {  	v1 =	vld @!p0 [tilespmem:s3+$0x52C0];
	_ =	sdelay $0x7  }
0x2df: {  	[tilespmem:v1+s5+$0x0] =	vst.idx.add.f32.msk @!p0 $0xffff, v0  }
0x2e0: {  	v1 =	vld @!p0 [tilespmem:s3+$0x52D0];
	_ =	sdelay $0x7  }
0x2e1: {  	[tilespmem:v1+s5+$0x0] =	vst.idx.add.f32.msk @!p0 $0xffff, v0  }
0x2e2: {  	v1 =	vld @!p0 [tilespmem:s3+$0x52E0];
	_ =	sdelay $0x7  }
0x2e3: {  	[tilespmem:v1+s5+$0x0] =	vst.idx.add.f32.msk @!p0 $0xffff, v0  }
0x2e4: {  	v1 =	vld @!p0 [tilespmem:s3+$0x52F0];
	_ =	sdelay $0x7  }
0x2e5: {  	[tilespmem:v1+s5+$0x0] =	vst.idx.add.f32.msk @!p0 $0xffff, v0  }
0x2e6: {  	_ =	swait.ge [sflag:s23], $0x1000  }
0x2e7: {  	[sflag:s23] =	ssyncset.done $0x0  }
0x2e8: {  	s8 =	sadd.s32 @!p1 $0x480, s7;
	s28 =	simm.s32 @!p1 $0xB000;
	[sflag:s23] =	ssyncadd.s32 $0xFFFFF000  }
0x2e9: {  	[tilespmem:s28], [sflag:$0x2] =	stream.indirect.gather @!p1 [hbm4b:s4+s26], $0x20, s8, s26, $0xb8;
	[tilespmem:$0x19680] =	vst v63  }
0x2ea: {  	_ =	swait.ge [sflag:s24], $0x1000  }
0x2eb: {  	[sflag:s24] =	ssyncset.done $0x0  }
0x2ec: {  	s28 =	sadd.s32 $0x5300, s10;
	[sflag:s24] =	ssyncadd.s32 $0xFFFFF000  }
0x2ed: {  	[spmem:s2] =	stream.indirect.scatter.add.bf16 [tilespmem:s17], [sflag:$0xF], $0x20, s28, s30, $0xb8;
	[tilespmem:$0x19680] =	vst v63  }
0x2ee: {  	v1 =	vld @!p0 [tilespmem:s10+$0x5300];
	_ =	sdelay $0x7  }
0x2ef: {  	[tilespmem:v1+s5+$0x0] =	vst.idx.add.f32.msk @!p0 $0xffff, v0  }
0x2f0: {  	v1 =	vld @!p0 [tilespmem:s3+$0x5310];
	_ =	sdelay $0x7  }
0x2f1: {  	[tilespmem:v1+s5+$0x0] =	vst.idx.add.f32.msk @!p0 $0xffff, v0  }
0x2f2: {  	v1 =	vld @!p0 [tilespmem:s3+$0x5320];
	_ =	sdelay $0x7  }
0x2f3: {  	[tilespmem:v1+s5+$0x0] =	vst.idx.add.f32.msk @!p0 $0xffff, v0  }
0x2f4: {  	v1 =	vld @!p0 [tilespmem:s3+$0x5330];
	_ =	sdelay $0x7  }
0x2f5: {  	[tilespmem:v1+s5+$0x0] =	vst.idx.add.f32.msk @!p0 $0xffff, v0  }
0x2f6: {  	v1 =	vld @!p0 [tilespmem:s3+$0x5340];
	_ =	sdelay $0x7  }
0x2f7: {  	[tilespmem:v1+s5+$0x0] =	vst.idx.add.f32.msk @!p0 $0xffff, v0  }
0x2f8: {  	v1 =	vld @!p0 [tilespmem:s3+$0x5350];
	_ =	sdelay $0x7  }
0x2f9: {  	[tilespmem:v1+s5+$0x0] =	vst.idx.add.f32.msk @!p0 $0xffff, v0  }
0x2fa: {  	v1 =	vld @!p0 [tilespmem:s3+$0x5360];
	_ =	sdelay $0x7  }
0x2fb: {  	[tilespmem:v1+s5+$0x0] =	vst.idx.add.f32.msk @!p0 $0xffff, v0  }
0x2fc: {  	v1 =	vld @!p0 [tilespmem:s3+$0x5370];
	_ =	sdelay $0x7  }
0x2fd: {  	[tilespmem:v1+s5+$0x0] =	vst.idx.add.f32.msk @!p0 $0xffff, v0  }
0x2fe: {  	_ =	swait.ge [sflag:s25], $0x1000  }
0x2ff: {  	[sflag:s25] =	ssyncset.done $0x0  }
0x300: {  	s7 =	sadd.s32 @!p1 $0x500, s7;
	s8 =	simm.s32 @!p1 $0xC000;
	[sflag:s25] =	ssyncadd.s32 $0xFFFFF000  }
0x301: {  	[tilespmem:s8], [sflag:$0x3] =	stream.indirect.gather @!p1 [hbm4b:s4+s26], $0x20, s7, s26, $0xb8;
	[tilespmem:$0x19680] =	vst v63  }
0x302: {  	_ =	swait.ge [sflag:s9], $0x1000  }
0x303: {  	[sflag:s9] =	ssyncset.done $0x0  }
0x304: {  	s28 =	sadd.s32 $0x5380, s10;
	[sflag:s9] =	ssyncadd.s32 $0xFFFFF000  }
0x305: {  	[spmem:s2] =	stream.indirect.scatter.add.bf16 [tilespmem:s19], [sflag:$0x10], $0x20, s28, s30, $0xb8;
	[tilespmem:$0x19680] =	vst v63  }
0x306: {  	v1 =	vld @!p0 [tilespmem:s10+$0x5380];
	_ =	sdelay $0x7  }
0x307: {  	[tilespmem:v1+s5+$0x0] =	vst.idx.add.f32.msk @!p0 $0xffff, v0  }
0x308: {  	v1 =	vld @!p0 [tilespmem:s3+$0x5390];
	_ =	sdelay $0x7  }
0x309: {  	[tilespmem:v1+s5+$0x0] =	vst.idx.add.f32.msk @!p0 $0xffff, v0  }
0x30a: {  	v1 =	vld @!p0 [tilespmem:s3+$0x53A0];
	_ =	sdelay $0x7  }
0x30b: {  	[tilespmem:v1+s5+$0x0] =	vst.idx.add.f32.msk @!p0 $0xffff, v0  }
0x30c: {  	v1 =	vld @!p0 [tilespmem:s3+$0x53B0];
	_ =	sdelay $0x7  }
0x30d: {  	[tilespmem:v1+s5+$0x0] =	vst.idx.add.f32.msk @!p0 $0xffff, v0  }
0x30e: {  	v1 =	vld @!p0 [tilespmem:s3+$0x53C0];
	_ =	sdelay $0x7  }
0x30f: {  	[tilespmem:v1+s5+$0x0] =	vst.idx.add.f32.msk @!p0 $0xffff, v0  }
0x310: {  	v1 =	vld @!p0 [tilespmem:s3+$0x53D0];
	_ =	sdelay $0x7  }
0x311: {  	[tilespmem:v1+s5+$0x0] =	vst.idx.add.f32.msk @!p0 $0xffff, v0  }
0x312: {  	v1 =	vld @!p0 [tilespmem:s3+$0x53E0];
	_ =	sdelay $0x7  }
0x313: {  	[tilespmem:v1+s5+$0x0] =	vst.idx.add.f32.msk @!p0 $0xffff, v0  }
0x314: {  	v1 =	vld @!p0 [tilespmem:s3+$0x53F0];
	_ =	sdelay $0x6  }
.Ltmp6:
0x315: {  	_ = 	snop;
	(pc) =	sbr.rel @p1 .LBB2_10-.Ltmp6, $4  }
0x316: {  	[tilespmem:v1+s5+$0x0] =	vst.idx.add.f32.msk @!p0 $0xffff, v0  }
0x317: {  	_ =	swait.ge [sflag:s29], $0x1000  }
0x318: {  	[sflag:s29] =	ssyncset.done $0x0  }
0x319: {  	[sflag:s29] =	ssyncadd.s32 $0xFFFFF000  }
.Ltmp7:
0x31a: {  	(pc) =	sbr.rel .LBB2_8-.Ltmp7, $3  }
0x31b: {  	_ =	sdelay $0x1  }
0x31c: {  	s3 =	sadd.s32 $0x580, s10;
	s1 =	sadd.s32 $0x1000, s1  }
0x31d: {  	[tilespmem:s11], [sflag:$0x4] =	stream.indirect.gather [hbm4b:s4+s30], $0x20, s3, s30, $0xb8;
	[tilespmem:$0x19680] =	vst v63  }
.LBB2_10:
0x31e: {  	s1 =	simm.s32 $0xD  }
0x31f: {  	_ =	swait.ge [sflag:s1], $0x1000  }
0x320: {  	[sflag:s1] =	ssyncset.done $0x0  }
0x321: {  	s3 =	simm.s32 $0xE;
	[sflag:s1] =	ssyncadd.s32 $0xFFFFF000  }
0x322: {  	_ =	swait.ge [sflag:s3], $0x1000  }
0x323: {  	[sflag:s3] =	ssyncset.done $0x0  }
0x324: {  	s5 =	simm.s32 $0xF;
	[sflag:s3] =	ssyncadd.s32 $0xFFFFF000  }
0x325: {  	_ =	swait.ge [sflag:s5], $0x1000  }
0x326: {  	[sflag:s5] =	ssyncset.done $0x0  }
0x327: {  	s7 =	simm.s32 $0x10;
	[sflag:s5] =	ssyncadd.s32 $0xFFFFF000  }
0x328: {  	_ =	swait.ge [sflag:s7], $0x1000  }
0x329: {  	[sflag:s7] =	ssyncset.done $0x0  }
0x32a: {  	[sflag:s7] =	ssyncadd.s32 $0xFFFFF000  }
0x32b: {  	[bflag:$0x0] =	sbarrier.arrive $0xFFFF  }
0x32c: {  	s5 =	rddreg [dreg:$0x7]  }
0x32d: {  	s8 =	rddreg [dreg:$0x12]  }
0x32e: {  	s7 =	simm.s32 $0x11;
	s10 =	rddreg [dreg:$0x1a]  }
0x32f: {  	[hbm:s8], [sflag:s5] =	dma.local [spmem:s10], $0x9E0  }
0x330: {  	_ =	swait.ge [sflag:s7], $0x9E0  }
0x331: {  	s1 =	simm.s32 $0x0;
	[sflag:s7] =	ssyncset.done $0x0  }
0x332: {  	s8 =	simm.s32 $0x12000;
	s3 =	rddreg [dreg:$0x13];
	[sflag:s7] =	ssyncadd.s32 $0xFFFFF620  }
0x333: {  	[hbm4b:s3+s1] =	stream.linear.scatter [tilespmem:s8], [sflag:$0x11], $0x2780, $0x38;
	[tilespmem:$0x19680] =	vst v63  }
0x334: {  	_ =	swait.ge [sflag:s7], $0x2780  }
0x335: {  	[sflag:s7] =	ssyncset.done $0x0  }
0x336: {  	[sflag:s7] =	ssyncadd.s32 $0xFFFFD880  }
0x337: {  	[bflag:$0x0] =	sbarrier.arrive $0xFFFF  }
0x338: {  	s26 =	rddreg [dreg:$0x6]  }
0x339: {  	[spmem:s10], [sflag:s5] =	dma.local [hbm:s26], $0x9E0  }
0x33a: {  	_ =	swait.ge [sflag:s7], $0x9E0  }
0x33b: {  	[sflag:s7] =	ssyncset.done $0x0  }
0x33c: {  	s28 =	rddreg [dreg:$0x4];
	[sflag:s7] =	ssyncadd.s32 $0xFFFFF620  }
0x33d: {  	[tilespmem:s8], [sflag:$0x11] =	stream.linear.gather [hbm4b:s28+s1], $0x2780, $0x38;
	[tilespmem:$0x19680] =	vst v63  }
0x33e: {  	_ =	swait.ge [sflag:s7], $0x2780  }
0x33f: {  	[sflag:s7] =	ssyncset.done $0x0  }
0x340: {  	[sflag:s7] =	ssyncadd.s32 $0xFFFFD880  }
0x341: {  	[bflag:$0x0] =	sbarrier.arrive $0xFFFF  }
0x342: {  	s5 =	rddreg [dreg:$0x14]  }
0x343: {  	[tilespmem:s1], [sflag:$0x11] =	stream.linear.gather [hbm4b:s5+s1], $0x5000, $0x38;
	[tilespmem:$0x19680] =	vst v63  }
0x344: {  	_ =	swait.ge [sflag:s7], $0x5000  }
0x345: {  	[sflag:s7] =	ssyncset.done $0x0  }
0x346: {  	s10 =	simm.s32 $0x5000;
	s8 =	rddreg [dreg:$0x15];
	[sflag:s7] =	ssyncadd.s32 $0xFFFFB000  }
0x347: {  	[tilespmem:s10], [sflag:$0x11] =	stream.linear.gather [hbm4b:s8+s1], $0x5000, $0x38;
	[tilespmem:$0x19680] =	vst v63  }
0x348: {  	_ =	swait.ge [sflag:s7], $0x5000  }
0x349: {  	[sflag:s7] =	ssyncset.done $0x0  }
0x34a: {  	[sflag:s7] =	ssyncadd.s32 $0xFFFFB000  }
0x34b: {  	[tilespmem:s31], [sflag:$0x1] =	stream.indirect.gather [hbm4b:s4+s30], $0x20, s1, s30, $0xb8;
	[tilespmem:$0x19680] =	vst v63  }
0x34c: {  	_ = 	snop  }
0x34d: {  	[tilespmem:s0], [sflag:$0x2] =	stream.indirect.gather [hbm4b:s4+s30], $0x20, s30, s30, $0xb8;
	[tilespmem:$0x19680] =	vst v63  }
0x34e: {  	s26 =	simm.s32 $0x100  }
0x34f: {  	[tilespmem:s6], [sflag:$0x3] =	stream.indirect.gather [hbm4b:s4+s30], $0x20, s26, s30, $0xb8;
	[tilespmem:$0x19680] =	vst v63  }
0x350: {  	s28 =	simm.s32 $0x180  }
0x351: {  	[tilespmem:s11], [sflag:$0x4] =	stream.indirect.gather [hbm4b:s4+s30], $0x20, s28, s30, $0xb8;
	[tilespmem:$0x19680] =	vst v63  }
.LBB2_11:
0x352: {  	_ =	swait.ge [sflag:s12], $0x1000  }
0x353: {  	s10 =	sshra.s32 s1, $0x2;
	[sflag:s12] =	ssyncset.done $0x0  }
0x354: {  	s3 =	sadd.s32 $0x5000, s10;
	[sflag:s12] =	ssyncadd.s32 $0xFFFFF000  }
0x355: {  	[spmem:s2] =	stream.indirect.scatter.add.bf16 [tilespmem:s31], [sflag:$0x9], $0x20, s3, s30, $0xb8;
	[tilespmem:$0x19680] =	vst v63  }
0x356: {  	s3 =	sshra.s32 @!p0 s1, $0x2  }
0x357: {  	v1 =	vld @!p0 [tilespmem:s3+$0x5000];
	_ =	sdelay $0x6  }
0x358: {  	v0 =	vimm.f32 @!p0 $1.000000000e+00;
	s5 =	simm.s32 @!p0 $0x12000  }
0x359: {  	[tilespmem:v1+s5+$0x0] =	vst.idx.add.f32.msk @!p0 $0xffff, v0  }
0x35a: {  	v1 =	vld @!p0 [tilespmem:s3+$0x5010];
	_ =	sdelay $0x7  }
0x35b: {  	[tilespmem:v1+s5+$0x0] =	vst.idx.add.f32.msk @!p0 $0xffff, v0  }
0x35c: {  	v1 =	vld @!p0 [tilespmem:s3+$0x5020];
	_ =	sdelay $0x7  }
0x35d: {  	[tilespmem:v1+s5+$0x0] =	vst.idx.add.f32.msk @!p0 $0xffff, v0  }
0x35e: {  	v1 =	vld @!p0 [tilespmem:s3+$0x5030];
	_ =	sdelay $0x7  }
0x35f: {  	[tilespmem:v1+s5+$0x0] =	vst.idx.add.f32.msk @!p0 $0xffff, v0  }
0x360: {  	v1 =	vld @!p0 [tilespmem:s3+$0x5040];
	_ =	sdelay $0x7  }
0x361: {  	[tilespmem:v1+s5+$0x0] =	vst.idx.add.f32.msk @!p0 $0xffff, v0  }
0x362: {  	v1 =	vld @!p0 [tilespmem:s3+$0x5050];
	_ =	sdelay $0x7  }
0x363: {  	[tilespmem:v1+s5+$0x0] =	vst.idx.add.f32.msk @!p0 $0xffff, v0  }
0x364: {  	v1 =	vld @!p0 [tilespmem:s3+$0x5060];
	_ =	sdelay $0x7  }
0x365: {  	[tilespmem:v1+s5+$0x0] =	vst.idx.add.f32.msk @!p0 $0xffff, v0  }
0x366: {  	v1 =	vld @!p0 [tilespmem:s3+$0x5070];
	_ =	sdelay $0x6  }
0x367: {  	p1 =	seq.s32 s1, $0x0  }
0x368: {  	s7 =	simm.s32 @!p1 $0xD;
	[tilespmem:v1+s5+$0x0] =	vst.idx.add.f32.msk @!p0 $0xffff, v0  }
0x369: {  	_ =	swait.ge @!p1 [sflag:s7], $0x1000  }
0x36a: {  	[sflag:s7] =	ssyncset.done @!p1 $0x0  }
0x36b: {  	s8 =	sadd.s32 $0x200, s10;
	[sflag:s7] =	ssyncadd.s32 @!p1 $0xFFFFF000  }
0x36c: {  	[tilespmem:s13], [sflag:$0x5] =	stream.indirect.gather [hbm4b:s4+s30], $0x20, s8, s30, $0xb8;
	[tilespmem:$0x19680] =	vst v63  }
0x36d: {  	_ =	swait.ge [sflag:s14], $0x1000  }
0x36e: {  	[sflag:s14] =	ssyncset.done $0x0  }
0x36f: {  	s26 =	sadd.s32 $0x5080, s10;
	[sflag:s14] =	ssyncadd.s32 $0xFFFFF000  }
0x370: {  	[spmem:s2] =	stream.indirect.scatter.add.bf16 [tilespmem:s0], [sflag:$0xA], $0x20, s26, s30, $0xb8;
	[tilespmem:$0x19680] =	vst v63  }
0x371: {  	v1 =	vld @!p0 [tilespmem:s10+$0x5080];
	_ =	sdelay $0x7  }
0x372: {  	[tilespmem:v1+s5+$0x0] =	vst.idx.add.f32.msk @!p0 $0xffff, v0  }
0x373: {  	v1 =	vld @!p0 [tilespmem:s3+$0x5090];
	_ =	sdelay $0x7  }
0x374: {  	[tilespmem:v1+s5+$0x0] =	vst.idx.add.f32.msk @!p0 $0xffff, v0  }
0x375: {  	v1 =	vld @!p0 [tilespmem:s3+$0x50A0];
	_ =	sdelay $0x7  }
0x376: {  	[tilespmem:v1+s5+$0x0] =	vst.idx.add.f32.msk @!p0 $0xffff, v0  }
0x377: {  	v1 =	vld @!p0 [tilespmem:s3+$0x50B0];
	_ =	sdelay $0x7  }
0x378: {  	[tilespmem:v1+s5+$0x0] =	vst.idx.add.f32.msk @!p0 $0xffff, v0  }
0x379: {  	v1 =	vld @!p0 [tilespmem:s3+$0x50C0];
	_ =	sdelay $0x7  }
0x37a: {  	[tilespmem:v1+s5+$0x0] =	vst.idx.add.f32.msk @!p0 $0xffff, v0  }
0x37b: {  	v1 =	vld @!p0 [tilespmem:s3+$0x50D0];
	_ =	sdelay $0x7  }
0x37c: {  	[tilespmem:v1+s5+$0x0] =	vst.idx.add.f32.msk @!p0 $0xffff, v0  }
0x37d: {  	v1 =	vld @!p0 [tilespmem:s3+$0x50E0];
	_ =	sdelay $0x7  }
0x37e: {  	[tilespmem:v1+s5+$0x0] =	vst.idx.add.f32.msk @!p0 $0xffff, v0  }
0x37f: {  	v1 =	vld @!p0 [tilespmem:s3+$0x50F0];
	_ =	sdelay $0x7  }
0x380: {  	s7 =	simm.s32 @!p1 $0xE;
	[tilespmem:v1+s5+$0x0] =	vst.idx.add.f32.msk @!p0 $0xffff, v0  }
0x381: {  	_ =	swait.ge @!p1 [sflag:s7], $0x1000  }
0x382: {  	[sflag:s7] =	ssyncset.done @!p1 $0x0  }
0x383: {  	s28 =	sadd.s32 $0x280, s10;
	[sflag:s7] =	ssyncadd.s32 @!p1 $0xFFFFF000  }
0x384: {  	[tilespmem:s15], [sflag:$0x6] =	stream.indirect.gather [hbm4b:s4+s30], $0x20, s28, s30, $0xb8;
	[tilespmem:$0x19680] =	vst v63  }
0x385: {  	_ =	swait.ge [sflag:s16], $0x1000  }
0x386: {  	[sflag:s16] =	ssyncset.done $0x0  }
0x387: {  	s8 =	sadd.s32 $0x5100, s10;
	[sflag:s16] =	ssyncadd.s32 $0xFFFFF000  }
0x388: {  	[spmem:s2] =	stream.indirect.scatter.add.bf16 [tilespmem:s6], [sflag:$0xB], $0x20, s8, s30, $0xb8;
	[tilespmem:$0x19680] =	vst v63  }
0x389: {  	v1 =	vld @!p0 [tilespmem:s10+$0x5100];
	_ =	sdelay $0x7  }
0x38a: {  	[tilespmem:v1+s5+$0x0] =	vst.idx.add.f32.msk @!p0 $0xffff, v0  }
0x38b: {  	v1 =	vld @!p0 [tilespmem:s3+$0x5110];
	_ =	sdelay $0x7  }
0x38c: {  	[tilespmem:v1+s5+$0x0] =	vst.idx.add.f32.msk @!p0 $0xffff, v0  }
0x38d: {  	v1 =	vld @!p0 [tilespmem:s3+$0x5120];
	_ =	sdelay $0x7  }
0x38e: {  	[tilespmem:v1+s5+$0x0] =	vst.idx.add.f32.msk @!p0 $0xffff, v0  }
0x38f: {  	v1 =	vld @!p0 [tilespmem:s3+$0x5130];
	_ =	sdelay $0x7  }
0x390: {  	[tilespmem:v1+s5+$0x0] =	vst.idx.add.f32.msk @!p0 $0xffff, v0  }
0x391: {  	v1 =	vld @!p0 [tilespmem:s3+$0x5140];
	_ =	sdelay $0x7  }
0x392: {  	[tilespmem:v1+s5+$0x0] =	vst.idx.add.f32.msk @!p0 $0xffff, v0  }
0x393: {  	v1 =	vld @!p0 [tilespmem:s3+$0x5150];
	_ =	sdelay $0x7  }
0x394: {  	[tilespmem:v1+s5+$0x0] =	vst.idx.add.f32.msk @!p0 $0xffff, v0  }
0x395: {  	v1 =	vld @!p0 [tilespmem:s3+$0x5160];
	_ =	sdelay $0x7  }
0x396: {  	[tilespmem:v1+s5+$0x0] =	vst.idx.add.f32.msk @!p0 $0xffff, v0  }
0x397: {  	v1 =	vld @!p0 [tilespmem:s3+$0x5170];
	_ =	sdelay $0x7  }
0x398: {  	s7 =	simm.s32 @!p1 $0xF;
	[tilespmem:v1+s5+$0x0] =	vst.idx.add.f32.msk @!p0 $0xffff, v0  }
0x399: {  	_ =	swait.ge @!p1 [sflag:s7], $0x1000  }
0x39a: {  	[sflag:s7] =	ssyncset.done @!p1 $0x0  }
0x39b: {  	s26 =	sadd.s32 $0x300, s10;
	[sflag:s7] =	ssyncadd.s32 @!p1 $0xFFFFF000  }
0x39c: {  	[tilespmem:s17], [sflag:$0x7] =	stream.indirect.gather [hbm4b:s4+s30], $0x20, s26, s30, $0xb8;
	[tilespmem:$0x19680] =	vst v63  }
0x39d: {  	_ =	swait.ge [sflag:s18], $0x1000  }
0x39e: {  	[sflag:s18] =	ssyncset.done $0x0  }
0x39f: {  	s28 =	sadd.s32 $0x5180, s10;
	[sflag:s18] =	ssyncadd.s32 $0xFFFFF000  }
0x3a0: {  	[spmem:s2] =	stream.indirect.scatter.add.bf16 [tilespmem:s11], [sflag:$0xC], $0x20, s28, s30, $0xb8;
	[tilespmem:$0x19680] =	vst v63  }
0x3a1: {  	v1 =	vld @!p0 [tilespmem:s10+$0x5180];
	_ =	sdelay $0x7  }
0x3a2: {  	[tilespmem:v1+s5+$0x0] =	vst.idx.add.f32.msk @!p0 $0xffff, v0  }
0x3a3: {  	v1 =	vld @!p0 [tilespmem:s3+$0x5190];
	_ =	sdelay $0x7  }
0x3a4: {  	[tilespmem:v1+s5+$0x0] =	vst.idx.add.f32.msk @!p0 $0xffff, v0  }
0x3a5: {  	v1 =	vld @!p0 [tilespmem:s3+$0x51A0];
	_ =	sdelay $0x7  }
0x3a6: {  	[tilespmem:v1+s5+$0x0] =	vst.idx.add.f32.msk @!p0 $0xffff, v0  }
0x3a7: {  	v1 =	vld @!p0 [tilespmem:s3+$0x51B0];
	_ =	sdelay $0x7  }
0x3a8: {  	[tilespmem:v1+s5+$0x0] =	vst.idx.add.f32.msk @!p0 $0xffff, v0  }
0x3a9: {  	v1 =	vld @!p0 [tilespmem:s3+$0x51C0];
	_ =	sdelay $0x7  }
0x3aa: {  	[tilespmem:v1+s5+$0x0] =	vst.idx.add.f32.msk @!p0 $0xffff, v0  }
0x3ab: {  	v1 =	vld @!p0 [tilespmem:s3+$0x51D0];
	_ =	sdelay $0x7  }
0x3ac: {  	[tilespmem:v1+s5+$0x0] =	vst.idx.add.f32.msk @!p0 $0xffff, v0  }
0x3ad: {  	v1 =	vld @!p0 [tilespmem:s3+$0x51E0];
	_ =	sdelay $0x7  }
0x3ae: {  	[tilespmem:v1+s5+$0x0] =	vst.idx.add.f32.msk @!p0 $0xffff, v0  }
0x3af: {  	v1 =	vld @!p0 [tilespmem:s3+$0x51F0];
	_ =	sdelay $0x7  }
0x3b0: {  	s7 =	simm.s32 @!p1 $0x10;
	[tilespmem:v1+s5+$0x0] =	vst.idx.add.f32.msk @!p0 $0xffff, v0  }
0x3b1: {  	_ =	swait.ge @!p1 [sflag:s7], $0x1000  }
0x3b2: {  	[sflag:s7] =	ssyncset.done @!p1 $0x0  }
0x3b3: {  	s8 =	sadd.s32 $0x380, s10;
	[sflag:s7] =	ssyncadd.s32 @!p1 $0xFFFFF000  }
0x3b4: {  	[tilespmem:s19], [sflag:$0x8] =	stream.indirect.gather [hbm4b:s4+s30], $0x20, s8, s30, $0xb8;
	[tilespmem:$0x19680] =	vst v63  }
0x3b5: {  	_ =	swait.ge [sflag:s20], $0x1000  }
0x3b6: {  	[sflag:s20] =	ssyncset.done $0x0  }
0x3b7: {  	s26 =	sadd.s32 $0x5200, s10;
	[sflag:s20] =	ssyncadd.s32 $0xFFFFF000  }
0x3b8: {  	[spmem:s2] =	stream.indirect.scatter.add.bf16 [tilespmem:s13], [sflag:$0xD], $0x20, s26, s30, $0xb8;
	[tilespmem:$0x19680] =	vst v63  }
0x3b9: {  	v1 =	vld @!p0 [tilespmem:s10+$0x5200];
	_ =	sdelay $0x7  }
0x3ba: {  	[tilespmem:v1+s5+$0x0] =	vst.idx.add.f32.msk @!p0 $0xffff, v0  }
0x3bb: {  	v1 =	vld @!p0 [tilespmem:s3+$0x5210];
	_ =	sdelay $0x7  }
0x3bc: {  	[tilespmem:v1+s5+$0x0] =	vst.idx.add.f32.msk @!p0 $0xffff, v0  }
0x3bd: {  	v1 =	vld @!p0 [tilespmem:s3+$0x5220];
	_ =	sdelay $0x7  }
0x3be: {  	[tilespmem:v1+s5+$0x0] =	vst.idx.add.f32.msk @!p0 $0xffff, v0  }
0x3bf: {  	v1 =	vld @!p0 [tilespmem:s3+$0x5230];
	_ =	sdelay $0x7  }
0x3c0: {  	[tilespmem:v1+s5+$0x0] =	vst.idx.add.f32.msk @!p0 $0xffff, v0  }
0x3c1: {  	v1 =	vld @!p0 [tilespmem:s3+$0x5240];
	_ =	sdelay $0x7  }
0x3c2: {  	[tilespmem:v1+s5+$0x0] =	vst.idx.add.f32.msk @!p0 $0xffff, v0  }
0x3c3: {  	v1 =	vld @!p0 [tilespmem:s3+$0x5250];
	_ =	sdelay $0x7  }
0x3c4: {  	[tilespmem:v1+s5+$0x0] =	vst.idx.add.f32.msk @!p0 $0xffff, v0  }
0x3c5: {  	v1 =	vld @!p0 [tilespmem:s3+$0x5260];
	_ =	sdelay $0x7  }
0x3c6: {  	[tilespmem:v1+s5+$0x0] =	vst.idx.add.f32.msk @!p0 $0xffff, v0  }
0x3c7: {  	v1 =	vld @!p0 [tilespmem:s3+$0x5270];
	_ =	sdelay $0x7  }
0x3c8: {  	[tilespmem:v1+s5+$0x0] =	vst.idx.add.f32.msk @!p0 $0xffff, v0  }
0x3c9: {  	p1 =	seq.s32 s1, $0x13000;
	_ =	swait.ge [sflag:s21], $0x1000  }
0x3ca: {  	s7 =	sshra.s32 @!p1 s1, $0x2;
	s28 =	simm.s32 @!p1 $0xA000;
	[sflag:s21] =	ssyncset.done $0x0  }
0x3cb: {  	s8 =	sadd.s32 @!p1 $0x400, s7;
	s26 =	simm.s32 @!p1 $0x80;
	[sflag:s21] =	ssyncadd.s32 $0xFFFFF000  }
0x3cc: {  	[tilespmem:s28], [sflag:$0x1] =	stream.indirect.gather @!p1 [hbm4b:s4+s26], $0x20, s8, s26, $0xb8;
	[tilespmem:$0x19680] =	vst v63  }
0x3cd: {  	_ =	swait.ge [sflag:s22], $0x1000  }
0x3ce: {  	[sflag:s22] =	ssyncset.done $0x0  }
0x3cf: {  	s28 =	sadd.s32 $0x5280, s10;
	[sflag:s22] =	ssyncadd.s32 $0xFFFFF000  }
0x3d0: {  	[spmem:s2] =	stream.indirect.scatter.add.bf16 [tilespmem:s15], [sflag:$0xE], $0x20, s28, s30, $0xb8;
	[tilespmem:$0x19680] =	vst v63  }
0x3d1: {  	v1 =	vld @!p0 [tilespmem:s10+$0x5280];
	_ =	sdelay $0x7  }
0x3d2: {  	[tilespmem:v1+s5+$0x0] =	vst.idx.add.f32.msk @!p0 $0xffff, v0  }
0x3d3: {  	v1 =	vld @!p0 [tilespmem:s3+$0x5290];
	_ =	sdelay $0x7  }
0x3d4: {  	[tilespmem:v1+s5+$0x0] =	vst.idx.add.f32.msk @!p0 $0xffff, v0  }
0x3d5: {  	v1 =	vld @!p0 [tilespmem:s3+$0x52A0];
	_ =	sdelay $0x7  }
0x3d6: {  	[tilespmem:v1+s5+$0x0] =	vst.idx.add.f32.msk @!p0 $0xffff, v0  }
0x3d7: {  	v1 =	vld @!p0 [tilespmem:s3+$0x52B0];
	_ =	sdelay $0x7  }
0x3d8: {  	[tilespmem:v1+s5+$0x0] =	vst.idx.add.f32.msk @!p0 $0xffff, v0  }
0x3d9: {  	v1 =	vld @!p0 [tilespmem:s3+$0x52C0];
	_ =	sdelay $0x7  }
0x3da: {  	[tilespmem:v1+s5+$0x0] =	vst.idx.add.f32.msk @!p0 $0xffff, v0  }
0x3db: {  	v1 =	vld @!p0 [tilespmem:s3+$0x52D0];
	_ =	sdelay $0x7  }
0x3dc: {  	[tilespmem:v1+s5+$0x0] =	vst.idx.add.f32.msk @!p0 $0xffff, v0  }
0x3dd: {  	v1 =	vld @!p0 [tilespmem:s3+$0x52E0];
	_ =	sdelay $0x7  }
0x3de: {  	[tilespmem:v1+s5+$0x0] =	vst.idx.add.f32.msk @!p0 $0xffff, v0  }
0x3df: {  	v1 =	vld @!p0 [tilespmem:s3+$0x52F0];
	_ =	sdelay $0x7  }
0x3e0: {  	[tilespmem:v1+s5+$0x0] =	vst.idx.add.f32.msk @!p0 $0xffff, v0  }
0x3e1: {  	_ =	swait.ge [sflag:s23], $0x1000  }
0x3e2: {  	[sflag:s23] =	ssyncset.done $0x0  }
0x3e3: {  	s8 =	sadd.s32 @!p1 $0x480, s7;
	s28 =	simm.s32 @!p1 $0xB000;
	[sflag:s23] =	ssyncadd.s32 $0xFFFFF000  }
0x3e4: {  	[tilespmem:s28], [sflag:$0x2] =	stream.indirect.gather @!p1 [hbm4b:s4+s26], $0x20, s8, s26, $0xb8;
	[tilespmem:$0x19680] =	vst v63  }
0x3e5: {  	_ =	swait.ge [sflag:s24], $0x1000  }
0x3e6: {  	[sflag:s24] =	ssyncset.done $0x0  }
0x3e7: {  	s28 =	sadd.s32 $0x5300, s10;
	[sflag:s24] =	ssyncadd.s32 $0xFFFFF000  }
0x3e8: {  	[spmem:s2] =	stream.indirect.scatter.add.bf16 [tilespmem:s17], [sflag:$0xF], $0x20, s28, s30, $0xb8;
	[tilespmem:$0x19680] =	vst v63  }
0x3e9: {  	v1 =	vld @!p0 [tilespmem:s10+$0x5300];
	_ =	sdelay $0x7  }
0x3ea: {  	[tilespmem:v1+s5+$0x0] =	vst.idx.add.f32.msk @!p0 $0xffff, v0  }
0x3eb: {  	v1 =	vld @!p0 [tilespmem:s3+$0x5310];
	_ =	sdelay $0x7  }
0x3ec: {  	[tilespmem:v1+s5+$0x0] =	vst.idx.add.f32.msk @!p0 $0xffff, v0  }
0x3ed: {  	v1 =	vld @!p0 [tilespmem:s3+$0x5320];
	_ =	sdelay $0x7  }
0x3ee: {  	[tilespmem:v1+s5+$0x0] =	vst.idx.add.f32.msk @!p0 $0xffff, v0  }
0x3ef: {  	v1 =	vld @!p0 [tilespmem:s3+$0x5330];
	_ =	sdelay $0x7  }
0x3f0: {  	[tilespmem:v1+s5+$0x0] =	vst.idx.add.f32.msk @!p0 $0xffff, v0  }
0x3f1: {  	v1 =	vld @!p0 [tilespmem:s3+$0x5340];
	_ =	sdelay $0x7  }
0x3f2: {  	[tilespmem:v1+s5+$0x0] =	vst.idx.add.f32.msk @!p0 $0xffff, v0  }
0x3f3: {  	v1 =	vld @!p0 [tilespmem:s3+$0x5350];
	_ =	sdelay $0x7  }
0x3f4: {  	[tilespmem:v1+s5+$0x0] =	vst.idx.add.f32.msk @!p0 $0xffff, v0  }
0x3f5: {  	v1 =	vld @!p0 [tilespmem:s3+$0x5360];
	_ =	sdelay $0x7  }
0x3f6: {  	[tilespmem:v1+s5+$0x0] =	vst.idx.add.f32.msk @!p0 $0xffff, v0  }
0x3f7: {  	v1 =	vld @!p0 [tilespmem:s3+$0x5370];
	_ =	sdelay $0x7  }
0x3f8: {  	[tilespmem:v1+s5+$0x0] =	vst.idx.add.f32.msk @!p0 $0xffff, v0  }
0x3f9: {  	_ =	swait.ge [sflag:s25], $0x1000  }
0x3fa: {  	[sflag:s25] =	ssyncset.done $0x0  }
0x3fb: {  	s7 =	sadd.s32 @!p1 $0x500, s7;
	s8 =	simm.s32 @!p1 $0xC000;
	[sflag:s25] =	ssyncadd.s32 $0xFFFFF000  }
0x3fc: {  	[tilespmem:s8], [sflag:$0x3] =	stream.indirect.gather @!p1 [hbm4b:s4+s26], $0x20, s7, s26, $0xb8;
	[tilespmem:$0x19680] =	vst v63  }
0x3fd: {  	_ =	swait.ge [sflag:s9], $0x1000  }
0x3fe: {  	[sflag:s9] =	ssyncset.done $0x0  }
0x3ff: {  	s28 =	sadd.s32 $0x5380, s10;
	[sflag:s9] =	ssyncadd.s32 $0xFFFFF000  }
0x400: {  	[spmem:s2] =	stream.indirect.scatter.add.bf16 [tilespmem:s19], [sflag:$0x10], $0x20, s28, s30, $0xb8;
	[tilespmem:$0x19680] =	vst v63  }
0x401: {  	v1 =	vld @!p0 [tilespmem:s10+$0x5380];
	_ =	sdelay $0x7  }
0x402: {  	[tilespmem:v1+s5+$0x0] =	vst.idx.add.f32.msk @!p0 $0xffff, v0  }
0x403: {  	v1 =	vld @!p0 [tilespmem:s3+$0x5390];
	_ =	sdelay $0x7  }
0x404: {  	[tilespmem:v1+s5+$0x0] =	vst.idx.add.f32.msk @!p0 $0xffff, v0  }
0x405: {  	v1 =	vld @!p0 [tilespmem:s3+$0x53A0];
	_ =	sdelay $0x7  }
0x406: {  	[tilespmem:v1+s5+$0x0] =	vst.idx.add.f32.msk @!p0 $0xffff, v0  }
0x407: {  	v1 =	vld @!p0 [tilespmem:s3+$0x53B0];
	_ =	sdelay $0x7  }
0x408: {  	[tilespmem:v1+s5+$0x0] =	vst.idx.add.f32.msk @!p0 $0xffff, v0  }
0x409: {  	v1 =	vld @!p0 [tilespmem:s3+$0x53C0];
	_ =	sdelay $0x7  }
0x40a: {  	[tilespmem:v1+s5+$0x0] =	vst.idx.add.f32.msk @!p0 $0xffff, v0  }
0x40b: {  	v1 =	vld @!p0 [tilespmem:s3+$0x53D0];
	_ =	sdelay $0x7  }
0x40c: {  	[tilespmem:v1+s5+$0x0] =	vst.idx.add.f32.msk @!p0 $0xffff, v0  }
0x40d: {  	v1 =	vld @!p0 [tilespmem:s3+$0x53E0];
	_ =	sdelay $0x7  }
0x40e: {  	[tilespmem:v1+s5+$0x0] =	vst.idx.add.f32.msk @!p0 $0xffff, v0  }
0x40f: {  	v1 =	vld @!p0 [tilespmem:s3+$0x53F0];
	_ =	sdelay $0x6  }
.Ltmp8:
0x410: {  	_ = 	snop;
	(pc) =	sbr.rel @p1 .LBB2_13-.Ltmp8, $4  }
0x411: {  	[tilespmem:v1+s5+$0x0] =	vst.idx.add.f32.msk @!p0 $0xffff, v0  }
0x412: {  	_ =	swait.ge [sflag:s29], $0x1000  }
0x413: {  	[sflag:s29] =	ssyncset.done $0x0  }
0x414: {  	[sflag:s29] =	ssyncadd.s32 $0xFFFFF000  }
.Ltmp9:
0x415: {  	(pc) =	sbr.rel .LBB2_11-.Ltmp9, $3  }
0x416: {  	_ =	sdelay $0x1  }
0x417: {  	s3 =	sadd.s32 $0x580, s10;
	s1 =	sadd.s32 $0x1000, s1  }
0x418: {  	[tilespmem:s11], [sflag:$0x4] =	stream.indirect.gather [hbm4b:s4+s30], $0x20, s3, s30, $0xb8;
	[tilespmem:$0x19680] =	vst v63  }
.LBB2_14:
0x419: {  	_ =	sfence.sel $0x180000  }
0x41a: {  	[bflag:$0x0] =	sbarrier.arrive $0xFFFF  }
0x41b: {  	_ =	strace $0x90000047  }
0x41c: {  	s0 =	stileid.u32;
	[bflag:$0x2] =	sbarrier.arrive $0xFFFF  }
0x41d: {  	p0 =	sne.s32 s0, $0x0;
	s0 =	rddreg [dreg:$0x3]  }
0x41e: {  	s0 =	sadd.s32 @!p0 $0x100000, s0  }
0x41f: {  	[sflag:s0] =	ssyncadd.tile.s32 @!p0 $0x1;
	_ =	shalt  }
.Lfunc_end2:
_tile_overlayer_lowered:
.L_overlay_start_2:
0x420: {  	(tag) =	ssettag $0x2  }
0x421: {  	s0 =	rddreg [dreg:$0x0];
	s2 =	stileid.u32  }
0x422: {  	s1 =	rddreg [dreg:$0x1];
	p0 =	sne.s32 s2, $0x0  }
0x423: {  	s3 =	rddreg [dreg:$0x2];
	[bflag:$0x3] =	sbarrier.arrive $0xFFFF;
	s2 =	simm.s32 @!p0 $0x1C11  }
0x424: {  	[timem:s3], [sflag:s2] =	dma.local @!p0 [hbm:s0], s1  }
0x425: {  	s0 =	simm.s32 @!p0 $0x11  }
0x426: {  	_ =	swait.ge @!p0 [sflag:s0], s1  }
0x427: {  	s1 =	ssub.s32 @!p0 $0x0, s1;
	[sflag:s0] =	ssyncset.done @!p0 $0x0  }
0x428: {  	[sflag:s0] =	ssyncadd.s32 @!p0 s1  }
0x429: {  	[bflag:$0x3] =	sbarrier.arrive $0xFFFF  }
0x42a: {  	_ =	shalt  }

</sc_bundles>
